<compile_context>
chip_gen: v7x
topology: tpu7x:2x2x1
jax: 0.10.2.dev20260603
libtpu: 0.0.44.dev20260713+nightly
codegen_flags: <defaults>
</compile_context>

<pallas_src>
import functools

import jax
import jax.numpy as jnp
from jax import lax
from jax.experimental import pallas as pl
from jax.experimental.pallas import tpu as pltpu
from jax.experimental.pallas import tpu_sc as plsc

_SIZE = 256
_N = _SIZE * _SIZE
_T = 128
_TW = 512
_PW = _TW + 2
_ROWS = _PW * _PW
_BLK = 64
_GRID = _SIZE // _BLK
_NW = 32
_PER = _N // _NW
_CHUNK = 128
_NCH = _PER // _CHUNK
_NCONST = 20
_TEXP = 8192
_TEXNP = 7
_TEXPAD = 16 * _TEXNP * _TEXP


def _raster_body(zmin_ref, consts_ref, ids_ref, cnt_ref, px_ref, py_ref,
                 rowidx_ref, wts_ref, alpha_ref):
    px = jnp.broadcast_to(px_ref[...], (_BLK, _SIZE))
    py = jnp.broadcast_to(py_ref[...], (_BLK, _SIZE))
    zmin = zmin_ref[0, 0]
    b = pl.program_id(0)
    nb = cnt_ref[b, 0]

    def body(i, carry):
        t = ids_ref[b, i]
        best_z, best_u, best_v, covered = carry
        ax = consts_ref[0, t]
        ay = consts_ref[1, t]
        az = consts_ref[2, t]
        bx = consts_ref[3, t]
        by = consts_ref[4, t]
        bz = consts_ref[5, t]
        cx = consts_ref[6, t]
        cy = consts_ref[7, t]
        cz = consts_ref[8, t]
        inv_w = consts_ref[9, t]
        u0 = consts_ref[10, t]
        v0 = consts_ref[11, t]
        u1 = consts_ref[12, t]
        v1 = consts_ref[13, t]
        u2 = consts_ref[14, t]
        v2 = consts_ref[15, t]

        e1 = (px - bx) * (ay - by) - (py - by) * (ax - bx)
        e2 = (px - cx) * (by - cy) - (py - cy) * (bx - cx)
        e3 = (px - ax) * (cy - ay) - (py - ay) * (cx - ax)
        inside = (jnp.maximum(e1, 0.0) * jnp.maximum(e2, 0.0)
                  * jnp.maximum(e3, 0.0)) > 0.0
        w1 = e2 * inv_w
        w2 = e3 * inv_w
        w3 = 1.0 - w1 - w2
        z = w1 * az + w2 * bz + w3 * cz
        m = inside & (z >= best_z)
        u = w1 * u0 + w2 * u1 + w3 * u2
        v = w1 * v0 + w2 * v1 + w3 * v2
        best_z = jnp.where(m, z, best_z)
        best_u = jnp.where(m, u, best_u)
        best_v = jnp.where(m, v, best_v)
        covered = jnp.where(m, 1.0, covered)
        return best_z, best_u, best_v, covered

    shape = (_BLK, _SIZE)
    init = (jnp.full(shape, zmin, jnp.float32),
            jnp.zeros(shape, jnp.float32),
            jnp.zeros(shape, jnp.float32),
            jnp.zeros(shape, jnp.float32))
    best_z, best_u, best_v, covf = lax.fori_loop(0, nb, body, init)
    covered = covf > 0.0

    ix = ((best_u + 1.0) * _TW - 1.0) / 2.0
    iy = ((best_v + 1.0) * _TW - 1.0) / 2.0
    ix0 = jnp.floor(ix)
    iy0 = jnp.floor(iy)
    wx1 = ix - ix0
    wx0 = 1.0 - wx1
    wy1 = iy - iy0
    wy0 = 1.0 - wy1
    row = (iy0 + 1.0) * _PW + (ix0 + 1.0)
    row = jnp.clip(row, 0.0,
                   float((_PW - 2) * _PW + (_PW - 2))).astype(jnp.int32)
    rowidx_ref[...] = jnp.where(covered, row, 0)
    zero = jnp.zeros(shape, jnp.float32)
    wts_ref[0, :, :] = jnp.where(covered, wy0 * wx0, zero)
    wts_ref[1, :, :] = jnp.where(covered, wy0 * wx1, zero)
    wts_ref[2, :, :] = jnp.where(covered, wy1 * wx0, zero)
    wts_ref[3, :, :] = jnp.where(covered, wy1 * wx1, zero)
    alpha_ref[...] = covered.astype(jnp.float32)


def _raster(zmin, consts, ids, cnt, px, py, interpret=False):
    return pl.pallas_call(
        _raster_body,
        grid=(_GRID,),
        in_specs=[
            pl.BlockSpec(memory_space=pltpu.SMEM),
            pl.BlockSpec(memory_space=pltpu.SMEM),
            pl.BlockSpec(memory_space=pltpu.SMEM),
            pl.BlockSpec(memory_space=pltpu.SMEM),
            pl.BlockSpec((1, _SIZE), lambda b: (0, 0)),
            pl.BlockSpec((_BLK, 1), lambda b: (b, 0)),
        ],
        out_specs=[
            pl.BlockSpec((_BLK, _SIZE), lambda b: (b, 0)),
            pl.BlockSpec((4, _BLK, _SIZE), lambda b: (0, b, 0)),
            pl.BlockSpec((_BLK, _SIZE), lambda b: (b, 0)),
        ],
        out_shape=[
            jax.ShapeDtypeStruct((_SIZE, _SIZE), jnp.int32),
            jax.ShapeDtypeStruct((4, _SIZE, _SIZE), jnp.float32),
            jax.ShapeDtypeStruct((_SIZE, _SIZE), jnp.float32),
        ],
        interpret=interpret,
    )(zmin, consts, ids, cnt, px, py)


def _sample_body(tex_hbm, rowidx_hbm, wts_hbm, out_hbm, base_v, idx_v, land_v,
                 w_v, acc_v, tex_sp, sem, sem_a, sem_w, sem_h, sem_s):
    sid = lax.axis_index("s")
    wid = sid * 2 + lax.axis_index("c")
    hb = pltpu.async_copy(rowidx_hbm.at[pl.ds(wid * _PER, _PER)], base_v,
                          sem_a)
    hw = [pltpu.async_copy(wts_hbm.at[pl.ds(c * _N + wid * _PER, _PER)],
                           w_v.at[pl.ds(c * _PER, _PER)], sem_w)
          for c in range(4)]

    def _hoff(k):
        return (sid * _TEXNP + k) * _TEXP

    def _reg(k):
        return (k % 2) * _TEXP

    hh = [None] * _TEXNP
    hs = [None] * _TEXNP
    hh[0] = pltpu.async_copy(tex_hbm.at[pl.ds(_hoff(0), _TEXP)],
                             land_v.at[pl.ds(_reg(0), _TEXP)], sem_h)
    hb.wait()

    offs = [c * _ROWS + dy * _PW + dx
            for c in range(3) for dy in (0, 1) for dx in (0, 1)]

    def build(g, _):
        j = g // 8
        r = g - j * 8
        base = base_v[pl.ds(g * 16, 16)]
        for k in range(12):
            dst = (j * 12 + k) * _CHUNK + r * 16
            idx_v[pl.ds(dst, 16)] = base + offs[k]
        return 0

    lax.fori_loop(0, _PER // 16, build, 0)

    for k in range(_TEXNP):
        hh[k].wait()
        hs[k] = pltpu.async_copy(land_v.at[pl.ds(_reg(k), _TEXP)],
                                 tex_sp.at[pl.ds(_hoff(k), _TEXP)], sem_s)
        if k + 1 < _TEXNP:
            if k >= 1:
                hs[k - 1].wait()
            hh[k + 1] = pltpu.async_copy(
                tex_hbm.at[pl.ds(_hoff(k + 1), _TEXP)],
                land_v.at[pl.ds(_reg(k + 1), _TEXP)], sem_h)
    hs[_TEXNP - 2].wait()
    hs[_TEXNP - 1].wait()
    plsc.subcore_barrier()

    _WV = 48

    def fire(w):
        for k in range(_WV):
            off = (w * _WV + k) * _CHUNK
            pltpu.async_copy(tex_sp.at[idx_v.at[pl.ds(off, _CHUNK)]],
                             land_v.at[pl.ds(off, _CHUNK)], sem)

    def drain(w):
        pltpu.make_async_copy(tex_hbm.at[pl.ds(0, _WV * _CHUNK)],
                              land_v.at[pl.ds(w * _WV * _CHUNK, _WV * _CHUNK)],
                              sem).wait()

    nwaves = (12 * _PER) // (_WV * _CHUNK)
    for w in range(nwaves):
        fire(w)
        if w > 0:
            drain(w - 1)
    drain(nwaves - 1)
    for h in hw:
        h.wait()

    def blend(g, _):
        j = g // 8
        r = g - j * 8
        for c in range(3):
            acc = jnp.zeros((16,), jnp.float32)
            for t in range(4):
                wt = w_v[pl.ds(t * _PER + g * 16, 16)]
                src = (j * 12 + c * 4 + t) * _CHUNK + r * 16
                acc = acc + land_v[pl.ds(src, 16)] * wt
            acc_v[pl.ds(c * _PER + g * 16, 16)] = acc
        return 0

    lax.fori_loop(0, _PER // 16, blend, 0)
    for c in range(3):
        pltpu.sync_copy(acc_v.at[pl.ds(c * _PER, _PER)],
                        out_hbm.at[pl.ds(c * _N + wid * _PER, _PER)])


@functools.cache
def _sample():
    return pl.kernel(
        _sample_body,
        out_type=jax.ShapeDtypeStruct((3 * _N,), jnp.float32),
        mesh=plsc.VectorSubcoreMesh(core_axis_name="c", subcore_axis_name="s"),
        scratch_types=[
            pltpu.VMEM((_PER,), jnp.int32),
            pltpu.VMEM((12 * _PER,), jnp.int32),
            pltpu.VMEM((12 * _PER,), jnp.float32),
            pltpu.VMEM((4 * _PER,), jnp.float32),
            pltpu.VMEM((3 * _PER,), jnp.float32),
            pltpu.VMEM_SHARED((_TEXPAD,), jnp.float32),
            pltpu.SemaphoreType.DMA,
            pltpu.SemaphoreType.DMA,
            pltpu.SemaphoreType.DMA,
            pltpu.SemaphoreType.DMA,
            pltpu.SemaphoreType.DMA,
        ],
    )


def _tri_consts(tris, uvs):
    uvs_t = uvs * 2.0 - 1.0
    A, B, C = tris[:, 0, :], tris[:, 1, :], tris[:, 2, :]
    w = ((B[:, 0] - A[:, 0]) * (C[:, 1] - A[:, 1])
         - (B[:, 1] - A[:, 1]) * (C[:, 0] - A[:, 0]))
    valid = w >= 1e-9
    inv_w = 1.0 / jnp.where(valid, w, 1.0)
    t2 = tris[:, :, :2]
    bbmin = t2.min(axis=1)
    bbmax = t2.max(axis=1)
    bbminx = jnp.where(valid, bbmin[:, 0], 2.0)
    bbminy = jnp.where(valid, bbmin[:, 1], 2.0)
    bbmaxx = jnp.where(valid, bbmax[:, 0], -2.0)
    bbmaxy = jnp.where(valid, bbmax[:, 1], -2.0)
    return jnp.stack([
        A[:, 0], A[:, 1], A[:, 2], B[:, 0], B[:, 1], B[:, 2],
        C[:, 0], C[:, 1], C[:, 2], inv_w,
        uvs_t[:, 0, 0], uvs_t[:, 0, 1], uvs_t[:, 1, 0], uvs_t[:, 1, 1],
        uvs_t[:, 2, 0], uvs_t[:, 2, 1],
        bbminx, bbminy, bbmaxx, bbmaxy,
    ], axis=0)


def _padded_planes(uvmap):
    flat = jnp.pad(uvmap, ((0, 0), (1, 1), (1, 1))).reshape(3 * _ROWS)
    return jnp.pad(flat, (0, _TEXPAD - 3 * _ROWS))


def kernel(tris, uvs, uvmap):
    lin = jnp.linspace(-1.0, 1.0, _SIZE, dtype=jnp.float32)
    px = lin.reshape(1, _SIZE)
    py = lin[::-1].reshape(_SIZE, 1)
    zmin = tris.reshape(-1, 3).min(axis=0)[2].reshape(1, 1)
    consts = _tri_consts(tris, uvs)
    yrows = lin[::-1].reshape(_GRID, _BLK)
    ylo = yrows.min(axis=1)[:, None]
    yhi = yrows.max(axis=1)[:, None]
    hit = (consts[19][None, :] >= ylo) & (consts[17][None, :] <= yhi)
    ids = jnp.argsort(~hit, axis=1, stable=True).astype(jnp.int32)
    cnt = hit.sum(axis=1, dtype=jnp.int32).reshape(_GRID, 1)
    rowidx, wts, alpha = _raster(zmin, consts, ids, cnt, px, py)
    tex = _padded_planes(uvmap)
    rgb = _sample()(tex, rowidx.reshape(_N), wts.reshape(4 * _N))
    return jnp.concatenate([rgb.reshape(3, _N), alpha.reshape(1, _N)],
                           axis=0).reshape(4, _SIZE, _SIZE)

# --- scband reference (transcript-rebuilt; emitter-appended) ---
"""Pipeline reference for scband-render-12807592477417 (READ-ONLY COPY).

The authoritative reference and input builder live on the scoring server;
editing this copy changes nothing except your own understanding.
"""

import jax, jax.numpy as jnp
import numpy as np

SIZE = 256
T = 128

def lookup_table(size):
    lin = jnp.linspace(-1.0, 1.0, size, dtype=jnp.float32)
    xx, yy = jnp.meshgrid(lin, lin, indexing='ij')
    t = jnp.stack([xx, yy], axis=-1)
    return jnp.rot90(t, 1, axes=(0, 1))

def area2d(a, b, c):
    return (b[..., 0] - a[..., 0]) * (c[..., 1] - a[..., 1]) - (b[..., 1] - a[..., 1]) * (c[..., 0] - a[..., 0])

def grid_sample_bilinear(img, grid):
    # img [C,H,W], grid [N,2] with (x,y) in [-1,1]; align_corners=False, zeros padding
    C, H, W = img.shape
    x = grid[:, 0]
    y = grid[:, 1]
    ix = ((x + 1.0) * W - 1.0) / 2.0
    iy = ((y + 1.0) * H - 1.0) / 2.0
    ix0 = jnp.floor(ix)
    iy0 = jnp.floor(iy)
    ix1 = ix0 + 1.0
    iy1 = iy0 + 1.0
    wx1 = ix - ix0
    wx0 = 1.0 - wx1
    wy1 = iy - iy0
    wy0 = 1.0 - wy1
    def gather(iX, iY):
        valid = (iX >= 0) & (iX <= W - 1) & (iY >= 0) & (iY <= H - 1)
        iXc = jnp.clip(iX, 0, W - 1).astype(jnp.int32)
        iYc = jnp.clip(iY, 0, H - 1).astype(jnp.int32)
        v = img[:, iYc, iXc]
        return v * valid.astype(img.dtype)[None, :]
    return (gather(ix0, iy0) * (wx0 * wy0)[None, :]
            + gather(ix1, iy0) * (wx1 * wy0)[None, :]
            + gather(ix0, iy1) * (wx0 * wy1)[None, :]
            + gather(ix1, iy1) * (wx1 * wy1)[None, :])

def _forward(tris, uvs, uvmap):
    size = SIZE
    n = size * size
    uvs_t = uvs * 2.0 - 1.0
    pts = lookup_table(size).reshape(n, 2)
    result = jnp.zeros((4, n), dtype=jnp.float32)
    zmin = tris.reshape(-1, 3).min(axis=0)[2]
    zbuf = jnp.zeros((n,), dtype=jnp.float32) + zmin
    for i in range(tris.shape[0]):
        tri = tris[i]
        uv = uvs_t[i]
        tri2d = tri[:, :2]
        w = area2d(tri2d[0], tri2d[1], tri2d[2])
        valid_tri = w >= 1e-09
        w_safe = jnp.where(valid_tri, w, 1.0)
        bb_min = tri2d.min(axis=0)
        bb_max = tri2d.max(axis=0)
        bb = (pts[:, 0] >= bb_min[0]) & (pts[:, 1] >= bb_min[1]) & (pts[:, 0] <= bb_max[0]) & (pts[:, 1] <= bb_max[1])
        pAB = area2d(tri2d[1], pts, tri2d[0])
        pCB = area2d(tri2d[2], pts, tri2d[1])
        pCA = area2d(tri2d[0], pts, tri2d[2])
        inside = (jnp.maximum(pAB, 0.0) * jnp.maximum(pCB, 0.0) * jnp.maximum(pCA, 0.0)) > 0
        w1 = pCB / w_safe
        w2 = pCA / w_safe
        w3 = 1.0 - w1 - w2
        pts3d = w1[:, None] * tri[0] + w2[:, None] * tri[1] + w3[:, None] * tri[2]
        zpass = pts3d[:, 2] >= zbuf
        m = bb & inside & zpass & valid_tri
        ptsUV = w1[:, None] * uv[0] + w2[:, None] * uv[1] + w3[:, None] * uv[2]
        rgb = grid_sample_bilinear(uvmap, ptsUV)
        zbuf = jnp.where(m, pts3d[:, 2], zbuf)
        result = result.at[:3, :].set(jnp.where(m[None, :], rgb, result[:3, :]))
        result = result.at[3, :].set(jnp.where(m, 1.0, result[3, :]))
    return result.reshape(4, size, size)

def setup_inputs(seed: int = 0):
    key = jax.random.key(seed)
    k1, k2, k3 = jax.random.split(key, 3)
    tris = jax.random.uniform(k1, (T, 3, 3), dtype=jnp.float32)
    uvs = jax.random.uniform(k2, (T, 3, 2), dtype=jnp.float32)
    uvmap = jax.random.uniform(k3, (3, 512, 512), dtype=jnp.float32)
    return {"tris": tris, "uvs": uvs, "uvmap": uvmap}

def reference(tris, uvs, uvmap):
    return _forward(tris, uvs, uvmap)

if __name__ == "__main__":
    import jax
    _d = setup_inputs()
    print(jax.jit(kernel)(*tuple(_d.values())))

</pallas_src>

<mosaic_0001>
#map = affine_map<(d0, d1) -> (0)>
module attributes {stable_mosaic.version = 14 : i64} {
  func.func @_sample_body(%arg0: i32, %arg1: i32, %arg2: memref<917504xf32, #tpu.memory_space<hbm>>, %arg3: memref<65536xi32, #tpu.memory_space<hbm>>, %arg4: memref<262144xf32, #tpu.memory_space<hbm>>, %arg5: memref<196608xf32, #tpu.memory_space<hbm>>, %arg6: memref<2048xi32, #tpu.memory_space<vmem>>, %arg7: memref<24576xi32, #tpu.memory_space<vmem>>, %arg8: memref<24576xf32, #tpu.memory_space<vmem>>, %arg9: memref<8192xf32, #tpu.memory_space<vmem>>, %arg10: memref<6144xf32, #tpu.memory_space<vmem>>, %arg11: memref<917504xf32, #tpu.memory_space<vmem_shared>>, %arg12: memref<!tpu.dma_semaphore, #tpu.memory_space<semaphore_mem>>, %arg13: memref<!tpu.dma_semaphore, #tpu.memory_space<semaphore_mem>>, %arg14: memref<!tpu.dma_semaphore, #tpu.memory_space<semaphore_mem>>, %arg15: memref<!tpu.dma_semaphore, #tpu.memory_space<semaphore_mem>>, %arg16: memref<!tpu.dma_semaphore, #tpu.memory_space<semaphore_mem>>) attributes {dimension_semantics = [#tpu.dimension_semantics<core_parallel>, #tpu.dimension_semantics<subcore_parallel>], iteration_bounds = array<i64: 2, 16>, scalar_prefetch = 0 : i64, scratch_operands = 11 : i64, tpu.core_type = #tpu.core_type<sc_vector_subcore>, window_params = [{transform_indices = #map}, {transform_indices = #map}, {transform_indices = #map}, {transform_indices = #map}]} {
    %mul3A = arith.constant 2 : i32
    %mul3A_0 = arith.muli %arg1, %mul3A : i32
    %add3A = arith.addi %mul3A_0, %arg0 : i32
    %mul3A_1 = arith.constant 2048 : i32
    %mul3A_2 = arith.muli %add3A, %mul3A_1 : i32
    %dma_start3A = tpu.memref_slice %arg3[%mul3A_2] : memref<65536xi32, #tpu.memory_space<hbm>> -> memref<2048xi32, #tpu.memory_space<hbm>>
    %dma_start3A_3 = tpu.memref_slice %arg3[%mul3A_2] : memref<65536xi32, #tpu.memory_space<hbm>> -> memref<2048xi32, #tpu.memory_space<hbm>>
    tpu.enqueue_dma source(%dma_start3A_3 : memref<2048xi32, #tpu.memory_space<hbm>>) target(%arg6 : memref<2048xi32, #tpu.memory_space<vmem>>) target_semaphore(%arg13 : memref<!tpu.dma_semaphore, #tpu.memory_space<semaphore_mem>>)
    %mul3A_4 = arith.constant 2048 : i32
    %mul3A_5 = arith.muli %add3A, %mul3A_4 : i32
    %add3A_6 = arith.constant 0 : i32
    %add3A_7 = arith.addi %add3A_6, %mul3A_5 : i32
    %dma_start3A_8 = arith.constant 0 : i32
    %dma_start3A_9 = tpu.memref_slice %arg9[%dma_start3A_8] : memref<8192xf32, #tpu.memory_space<vmem>> -> memref<2048xf32, #tpu.memory_space<vmem>>
    %dma_start3A_10 = tpu.memref_slice %arg4[%add3A_7] : memref<262144xf32, #tpu.memory_space<hbm>> -> memref<2048xf32, #tpu.memory_space<hbm>>
    %dma_start3A_11 = arith.constant 0 : i32
    %dma_start3A_12 = tpu.memref_slice %arg9[%dma_start3A_11] : memref<8192xf32, #tpu.memory_space<vmem>> -> memref<2048xf32, #tpu.memory_space<vmem>>
    %dma_start3A_13 = tpu.memref_slice %arg4[%add3A_7] : memref<262144xf32, #tpu.memory_space<hbm>> -> memref<2048xf32, #tpu.memory_space<hbm>>
    tpu.enqueue_dma source(%dma_start3A_13 : memref<2048xf32, #tpu.memory_space<hbm>>) target(%dma_start3A_12 : memref<2048xf32, #tpu.memory_space<vmem>>) target_semaphore(%arg14 : memref<!tpu.dma_semaphore, #tpu.memory_space<semaphore_mem>>)
    %mul3A_14 = arith.constant 2048 : i32
    %mul3A_15 = arith.muli %add3A, %mul3A_14 : i32
    %add3A_16 = arith.constant 65536 : i32
    %add3A_17 = arith.addi %add3A_16, %mul3A_15 : i32
    %dma_start3A_18 = arith.constant 2048 : i32
    %dma_start3A_19 = tpu.memref_slice %arg9[%dma_start3A_18] : memref<8192xf32, #tpu.memory_space<vmem>> -> memref<2048xf32, #tpu.memory_space<vmem>>
    %dma_start3A_20 = tpu.memref_slice %arg4[%add3A_17] : memref<262144xf32, #tpu.memory_space<hbm>> -> memref<2048xf32, #tpu.memory_space<hbm>>
    %dma_start3A_21 = arith.constant 2048 : i32
    %dma_start3A_22 = tpu.memref_slice %arg9[%dma_start3A_21] : memref<8192xf32, #tpu.memory_space<vmem>> -> memref<2048xf32, #tpu.memory_space<vmem>>
    %dma_start3A_23 = tpu.memref_slice %arg4[%add3A_17] : memref<262144xf32, #tpu.memory_space<hbm>> -> memref<2048xf32, #tpu.memory_space<hbm>>
    tpu.enqueue_dma source(%dma_start3A_23 : memref<2048xf32, #tpu.memory_space<hbm>>) target(%dma_start3A_22 : memref<2048xf32, #tpu.memory_space<vmem>>) target_semaphore(%arg14 : memref<!tpu.dma_semaphore, #tpu.memory_space<semaphore_mem>>)
    %mul3A_24 = arith.constant 2048 : i32
    %mul3A_25 = arith.muli %add3A, %mul3A_24 : i32
    %add3A_26 = arith.constant 131072 : i32
    %add3A_27 = arith.addi %add3A_26, %mul3A_25 : i32
    %dma_start3A_28 = arith.constant 4096 : i32
    %dma_start3A_29 = tpu.memref_slice %arg9[%dma_start3A_28] : memref<8192xf32, #tpu.memory_space<vmem>> -> memref<2048xf32, #tpu.memory_space<vmem>>
    %dma_start3A_30 = tpu.memref_slice %arg4[%add3A_27] : memref<262144xf32, #tpu.memory_space<hbm>> -> memref<2048xf32, #tpu.memory_space<hbm>>
    %dma_start3A_31 = arith.constant 4096 : i32
    %dma_start3A_32 = tpu.memref_slice %arg9[%dma_start3A_31] : memref<8192xf32, #tpu.memory_space<vmem>> -> memref<2048xf32, #tpu.memory_space<vmem>>
    %dma_start3A_33 = tpu.memref_slice %arg4[%add3A_27] : memref<262144xf32, #tpu.memory_space<hbm>> -> memref<2048xf32, #tpu.memory_space<hbm>>
    tpu.enqueue_dma source(%dma_start3A_33 : memref<2048xf32, #tpu.memory_space<hbm>>) target(%dma_start3A_32 : memref<2048xf32, #tpu.memory_space<vmem>>) target_semaphore(%arg14 : memref<!tpu.dma_semaphore, #tpu.memory_space<semaphore_mem>>)
    %mul3A_34 = arith.constant 2048 : i32
    %mul3A_35 = arith.muli %add3A, %mul3A_34 : i32
    %add3A_36 = arith.constant 196608 : i32
    %add3A_37 = arith.addi %add3A_36, %mul3A_35 : i32
    %dma_start3A_38 = arith.constant 6144 : i32
    %dma_start3A_39 = tpu.memref_slice %arg9[%dma_start3A_38] : memref<8192xf32, #tpu.memory_space<vmem>> -> memref<2048xf32, #tpu.memory_space<vmem>>
    %dma_start3A_40 = tpu.memref_slice %arg4[%add3A_37] : memref<262144xf32, #tpu.memory_space<hbm>> -> memref<2048xf32, #tpu.memory_space<hbm>>
    %dma_start3A_41 = arith.constant 6144 : i32
    %dma_start3A_42 = tpu.memref_slice %arg9[%dma_start3A_41] : memref<8192xf32, #tpu.memory_space<vmem>> -> memref<2048xf32, #tpu.memory_space<vmem>>
    %dma_start3A_43 = tpu.memref_slice %arg4[%add3A_37] : memref<262144xf32, #tpu.memory_space<hbm>> -> memref<2048xf32, #tpu.memory_space<hbm>>
    tpu.enqueue_dma source(%dma_start3A_43 : memref<2048xf32, #tpu.memory_space<hbm>>) target(%dma_start3A_42 : memref<2048xf32, #tpu.memory_space<vmem>>) target_semaphore(%arg14 : memref<!tpu.dma_semaphore, #tpu.memory_space<semaphore_mem>>)
    %mul3A_44 = arith.constant 7 : i32
    %mul3A_45 = arith.muli %arg1, %mul3A_44 : i32
    %add3A_46 = arith.constant 0 : i32
    %add3A_47 = arith.addi %mul3A_45, %add3A_46 : i32
    %mul3A_48 = arith.constant 8192 : i32
    %mul3A_49 = arith.muli %add3A_47, %mul3A_48 : i32
    %dma_start3A_50 = arith.constant 0 : i32
    %dma_start3A_51 = tpu.memref_slice %arg8[%dma_start3A_50] : memref<24576xf32, #tpu.memory_space<vmem>> -> memref<8192xf32, #tpu.memory_space<vmem>>
    %dma_start3A_52 = tpu.memref_slice %arg2[%mul3A_49] : memref<917504xf32, #tpu.memory_space<hbm>> -> memref<8192xf32, #tpu.memory_space<hbm>>
    %dma_start3A_53 = arith.constant 0 : i32
    %dma_start3A_54 = tpu.memref_slice %arg8[%dma_start3A_53] : memref<24576xf32, #tpu.memory_space<vmem>> -> memref<8192xf32, #tpu.memory_space<vmem>>
    %dma_start3A_55 = tpu.memref_slice %arg2[%mul3A_49] : memref<917504xf32, #tpu.memory_space<hbm>> -> memref<8192xf32, #tpu.memory_space<hbm>>
    tpu.enqueue_dma source(%dma_start3A_55 : memref<8192xf32, #tpu.memory_space<hbm>>) target(%dma_start3A_54 : memref<8192xf32, #tpu.memory_space<vmem>>) target_semaphore(%arg15 : memref<!tpu.dma_semaphore, #tpu.memory_space<semaphore_mem>>)
    %dma_wait3A = tpu.memref_slice %arg3[%mul3A_2] : memref<65536xi32, #tpu.memory_space<hbm>> -> memref<2048xi32, #tpu.memory_space<hbm>>
    %dma_wait3A_56 = tpu.memref_slice %arg3[%mul3A_2] : memref<65536xi32, #tpu.memory_space<hbm>> -> memref<2048xi32, #tpu.memory_space<hbm>>
    tpu.wait_dma2 semaphore(%arg13 : memref<!tpu.dma_semaphore, #tpu.memory_space<semaphore_mem>>) src(%dma_wait3A_56 : memref<2048xi32, #tpu.memory_space<hbm>>) dst(%arg6 : memref<2048xi32, #tpu.memory_space<vmem>>)
    %scan3A = arith.constant 0 : i32
    %scan3A_57 = arith.constant 0 : i32
    %scan3A_58 = arith.constant 128 : i32
    %scan3A_59 = arith.addi %scan3A_57, %scan3A_58 : i32
    %scan3A_60 = arith.constant 1 : i32
    %scan3A_61 = scf.for %scan3A_1530 = %scan3A_57 to %scan3A_59 step %scan3A_60 iter_args(%scan3A_1531 = %scan3A) -> (i32)  : i32 {
      %jit3A = arith.constant 8 : i32
      %div3A = arith.divsi %scan3A_1530, %jit3A : i32
      %sign3A = arith.constant 0 : i32
      %sign3A_1532 = arith.cmpi sgt, %scan3A_1530, %sign3A : i32
      %sign3A_1533 = arith.extui %sign3A_1532 : i1 to i32
      %sign3A_1534 = arith.constant 0 : i32
      %sign3A_1535 = arith.cmpi slt, %scan3A_1530, %sign3A_1534 : i32
      %sign3A_1536 = arith.extui %sign3A_1535 : i1 to i32
      %sign3A_1537 = arith.subi %sign3A_1533, %sign3A_1536 : i32
      %sign3A_1538 = arith.constant 0 : i32
      %sign3A_1539 = arith.cmpi sgt, %jit3A, %sign3A_1538 : i32
      %sign3A_1540 = arith.extui %sign3A_1539 : i1 to i32
      %sign3A_1541 = arith.constant 0 : i32
      %sign3A_1542 = arith.cmpi slt, %jit3A, %sign3A_1541 : i32
      %sign3A_1543 = arith.extui %sign3A_1542 : i1 to i32
      %sign3A_1544 = arith.subi %sign3A_1540, %sign3A_1543 : i32
      %ne3A = arith.cmpi ne, %sign3A_1537, %sign3A_1544 : i32
      %rem3A = arith.remsi %scan3A_1530, %jit3A : i32
      %ne3A_1545 = arith.constant 0 : i32
      %ne3A_1546 = arith.cmpi ne, %rem3A, %ne3A_1545 : i32
      %and3A = arith.andi %ne3A, %ne3A_1546 : i1
      %sub3A = arith.constant 1 : i32
      %sub3A_1547 = arith.subi %div3A, %sub3A : i32
      %select_n3A = arith.select %and3A, %sub3A_1547, %div3A : i32
      %mul3A_1548 = arith.constant 8 : i32
      %mul3A_1549 = arith.muli %select_n3A, %mul3A_1548 : i32
      %sub3A_1550 = arith.subi %scan3A_1530, %mul3A_1549 : i32
      %mul3A_1551 = arith.constant 16 : i32
      %mul3A_1552 = arith.muli %scan3A_1530, %mul3A_1551 : i32
      %get3A = arith.index_cast %mul3A_1552 : i32 to index
      %get3A_1553 = tpu.vector_load %arg6[%get3A] {strides = array<i32>} : memref<2048xi32, #tpu.memory_space<vmem>>, vector<16xi32>,
      %get3A_1554 = vector.shape_cast %get3A_1553 : vector<16xi32> to vector<16xi32>
      %mul3A_1555 = arith.constant 12 : i32
      %mul3A_1556 = arith.muli %select_n3A, %mul3A_1555 : i32
      %add3A_1557 = arith.constant 0 : i32
      %add3A_1558 = arith.addi %mul3A_1556, %add3A_1557 : i32
      %mul3A_1559 = arith.constant 128 : i32
      %mul3A_1560 = arith.muli %add3A_1558, %mul3A_1559 : i32
      %mul3A_1561 = arith.constant 16 : i32
      %mul3A_1562 = arith.muli %sub3A_1550, %mul3A_1561 : i32
      %add3A_1563 = arith.addi %mul3A_1560, %mul3A_1562 : i32
      %add3A_1564 = arith.constant 0 : i32
      %add3A_1565 = vector.broadcast %add3A_1564 : i32 to vector<16xi32>
      %add3A_1566 = arith.addi %get3A_1554, %add3A_1565 : vector<16xi32>
      %swap3A = arith.index_cast %add3A_1563 : i32 to index
      %swap3A_1567 = tpu.vector_load %arg7[%swap3A] {strides = array<i32>} : memref<24576xi32, #tpu.memory_space<vmem>>, vector<16xi32>,
      %swap3A_1568 = vector.shape_cast %swap3A_1567 : vector<16xi32> to vector<16xi32>
      %swap3A_1569 = vector.shape_cast %add3A_1566 : vector<16xi32> to vector<16xi32>
      tpu.vector_store %arg7[%swap3A], %swap3A_1569 {strides = array<i32>} : memref<24576xi32, #tpu.memory_space<vmem>>, vector<16xi32>,
      %mul3A_1570 = arith.constant 12 : i32
      %mul3A_1571 = arith.muli %select_n3A, %mul3A_1570 : i32
      %add3A_1572 = arith.constant 1 : i32
      %add3A_1573 = arith.addi %mul3A_1571, %add3A_1572 : i32
      %mul3A_1574 = arith.constant 128 : i32
      %mul3A_1575 = arith.muli %add3A_1573, %mul3A_1574 : i32
      %mul3A_1576 = arith.constant 16 : i32
      %mul3A_1577 = arith.muli %sub3A_1550, %mul3A_1576 : i32
      %add3A_1578 = arith.addi %mul3A_1575, %mul3A_1577 : i32
      %add3A_1579 = arith.constant 1 : i32
      %add3A_1580 = vector.broadcast %add3A_1579 : i32 to vector<16xi32>
      %add3A_1581 = arith.addi %get3A_1554, %add3A_1580 : vector<16xi32>
      %swap3A_1582 = arith.index_cast %add3A_1578 : i32 to index
      %swap3A_1583 = tpu.vector_load %arg7[%swap3A_1582] {strides = array<i32>} : memref<24576xi32, #tpu.memory_space<vmem>>, vector<16xi32>,
      %swap3A_1584 = vector.shape_cast %swap3A_1583 : vector<16xi32> to vector<16xi32>
      %swap3A_1585 = vector.shape_cast %add3A_1581 : vector<16xi32> to vector<16xi32>
      tpu.vector_store %arg7[%swap3A_1582], %swap3A_1585 {strides = array<i32>} : memref<24576xi32, #tpu.memory_space<vmem>>, vector<16xi32>,
      %mul3A_1586 = arith.constant 12 : i32
      %mul3A_1587 = arith.muli %select_n3A, %mul3A_1586 : i32
      %add3A_1588 = arith.constant 2 : i32
      %add3A_1589 = arith.addi %mul3A_1587, %add3A_1588 : i32
      %mul3A_1590 = arith.constant 128 : i32
      %mul3A_1591 = arith.muli %add3A_1589, %mul3A_1590 : i32
      %mul3A_1592 = arith.constant 16 : i32
      %mul3A_1593 = arith.muli %sub3A_1550, %mul3A_1592 : i32
      %add3A_1594 = arith.addi %mul3A_1591, %mul3A_1593 : i32
      %add3A_1595 = arith.constant 514 : i32
      %add3A_1596 = vector.broadcast %add3A_1595 : i32 to vector<16xi32>
      %add3A_1597 = arith.addi %get3A_1554, %add3A_1596 : vector<16xi32>
      %swap3A_1598 = arith.index_cast %add3A_1594 : i32 to index
      %swap3A_1599 = tpu.vector_load %arg7[%swap3A_1598] {strides = array<i32>} : memref<24576xi32, #tpu.memory_space<vmem>>, vector<16xi32>,
      %swap3A_1600 = vector.shape_cast %swap3A_1599 : vector<16xi32> to vector<16xi32>
      %swap3A_1601 = vector.shape_cast %add3A_1597 : vector<16xi32> to vector<16xi32>
      tpu.vector_store %arg7[%swap3A_1598], %swap3A_1601 {strides = array<i32>} : memref<24576xi32, #tpu.memory_space<vmem>>, vector<16xi32>,
      %mul3A_1602 = arith.constant 12 : i32
      %mul3A_1603 = arith.muli %select_n3A, %mul3A_1602 : i32
      %add3A_1604 = arith.constant 3 : i32
      %add3A_1605 = arith.addi %mul3A_1603, %add3A_1604 : i32
      %mul3A_1606 = arith.constant 128 : i32
      %mul3A_1607 = arith.muli %add3A_1605, %mul3A_1606 : i32
      %mul3A_1608 = arith.constant 16 : i32
      %mul3A_1609 = arith.muli %sub3A_1550, %mul3A_1608 : i32
      %add3A_1610 = arith.addi %mul3A_1607, %mul3A_1609 : i32
      %add3A_1611 = arith.constant 515 : i32
      %add3A_1612 = vector.broadcast %add3A_1611 : i32 to vector<16xi32>
      %add3A_1613 = arith.addi %get3A_1554, %add3A_1612 : vector<16xi32>
      %swap3A_1614 = arith.index_cast %add3A_1610 : i32 to index
      %swap3A_1615 = tpu.vector_load %arg7[%swap3A_1614] {strides = array<i32>} : memref<24576xi32, #tpu.memory_space<vmem>>, vector<16xi32>,
      %swap3A_1616 = vector.shape_cast %swap3A_1615 : vector<16xi32> to vector<16xi32>
      %swap3A_1617 = vector.shape_cast %add3A_1613 : vector<16xi32> to vector<16xi32>
      tpu.vector_store %arg7[%swap3A_1614], %swap3A_1617 {strides = array<i32>} : memref<24576xi32, #tpu.memory_space<vmem>>, vector<16xi32>,
      %mul3A_1618 = arith.constant 12 : i32
      %mul3A_1619 = arith.muli %select_n3A, %mul3A_1618 : i32
      %add3A_1620 = arith.constant 4 : i32
      %add3A_1621 = arith.addi %mul3A_1619, %add3A_1620 : i32
      %mul3A_1622 = arith.constant 128 : i32
      %mul3A_1623 = arith.muli %add3A_1621, %mul3A_1622 : i32
      %mul3A_1624 = arith.constant 16 : i32
      %mul3A_1625 = arith.muli %sub3A_1550, %mul3A_1624 : i32
      %add3A_1626 = arith.addi %mul3A_1623, %mul3A_1625 : i32
      %add3A_1627 = arith.constant 264196 : i32
      %add3A_1628 = vector.broadcast %add3A_1627 : i32 to vector<16xi32>
      %add3A_1629 = arith.addi %get3A_1554, %add3A_1628 : vector<16xi32>
      %swap3A_1630 = arith.index_cast %add3A_1626 : i32 to index
      %swap3A_1631 = tpu.vector_load %arg7[%swap3A_1630] {strides = array<i32>} : memref<24576xi32, #tpu.memory_space<vmem>>, vector<16xi32>,
      %swap3A_1632 = vector.shape_cast %swap3A_1631 : vector<16xi32> to vector<16xi32>
      %swap3A_1633 = vector.shape_cast %add3A_1629 : vector<16xi32> to vector<16xi32>
      tpu.vector_store %arg7[%swap3A_1630], %swap3A_1633 {strides = array<i32>} : memref<24576xi32, #tpu.memory_space<vmem>>, vector<16xi32>,
      %mul3A_1634 = arith.constant 12 : i32
      %mul3A_1635 = arith.muli %select_n3A, %mul3A_1634 : i32
      %add3A_1636 = arith.constant 5 : i32
      %add3A_1637 = arith.addi %mul3A_1635, %add3A_1636 : i32
      %mul3A_1638 = arith.constant 128 : i32
      %mul3A_1639 = arith.muli %add3A_1637, %mul3A_1638 : i32
      %mul3A_1640 = arith.constant 16 : i32
      %mul3A_1641 = arith.muli %sub3A_1550, %mul3A_1640 : i32
      %add3A_1642 = arith.addi %mul3A_1639, %mul3A_1641 : i32
      %add3A_1643 = arith.constant 264197 : i32
      %add3A_1644 = vector.broadcast %add3A_1643 : i32 to vector<16xi32>
      %add3A_1645 = arith.addi %get3A_1554, %add3A_1644 : vector<16xi32>
      %swap3A_1646 = arith.index_cast %add3A_1642 : i32 to index
      %swap3A_1647 = tpu.vector_load %arg7[%swap3A_1646] {strides = array<i32>} : memref<24576xi32, #tpu.memory_space<vmem>>, vector<16xi32>,
      %swap3A_1648 = vector.shape_cast %swap3A_1647 : vector<16xi32> to vector<16xi32>
      %swap3A_1649 = vector.shape_cast %add3A_1645 : vector<16xi32> to vector<16xi32>
      tpu.vector_store %arg7[%swap3A_1646], %swap3A_1649 {strides = array<i32>} : memref<24576xi32, #tpu.memory_space<vmem>>, vector<16xi32>,
      %mul3A_1650 = arith.constant 12 : i32
      %mul3A_1651 = arith.muli %select_n3A, %mul3A_1650 : i32
      %add3A_1652 = arith.constant 6 : i32
      %add3A_1653 = arith.addi %mul3A_1651, %add3A_1652 : i32
      %mul3A_1654 = arith.constant 128 : i32
      %mul3A_1655 = arith.muli %add3A_1653, %mul3A_1654 : i32
      %mul3A_1656 = arith.constant 16 : i32
      %mul3A_1657 = arith.muli %sub3A_1550, %mul3A_1656 : i32
      %add3A_1658 = arith.addi %mul3A_1655, %mul3A_1657 : i32
      %add3A_1659 = arith.constant 264710 : i32
      %add3A_1660 = vector.broadcast %add3A_1659 : i32 to vector<16xi32>
      %add3A_1661 = arith.addi %get3A_1554, %add3A_1660 : vector<16xi32>
      %swap3A_1662 = arith.index_cast %add3A_1658 : i32 to index
      %swap3A_1663 = tpu.vector_load %arg7[%swap3A_1662] {strides = array<i32>} : memref<24576xi32, #tpu.memory_space<vmem>>, vector<16xi32>,
      %swap3A_1664 = vector.shape_cast %swap3A_1663 : vector<16xi32> to vector<16xi32>
      %swap3A_1665 = vector.shape_cast %add3A_1661 : vector<16xi32> to vector<16xi32>
      tpu.vector_store %arg7[%swap3A_1662], %swap3A_1665 {strides = array<i32>} : memref<24576xi32, #tpu.memory_space<vmem>>, vector<16xi32>,
      %mul3A_1666 = arith.constant 12 : i32
      %mul3A_1667 = arith.muli %select_n3A, %mul3A_1666 : i32
      %add3A_1668 = arith.constant 7 : i32
      %add3A_1669 = arith.addi %mul3A_1667, %add3A_1668 : i32
      %mul3A_1670 = arith.constant 128 : i32
      %mul3A_1671 = arith.muli %add3A_1669, %mul3A_1670 : i32
      %mul3A_1672 = arith.constant 16 : i32
      %mul3A_1673 = arith.muli %sub3A_1550, %mul3A_1672 : i32
      %add3A_1674 = arith.addi %mul3A_1671, %mul3A_1673 : i32
      %add3A_1675 = arith.constant 264711 : i32
      %add3A_1676 = vector.broadcast %add3A_1675 : i32 to vector<16xi32>
      %add3A_1677 = arith.addi %get3A_1554, %add3A_1676 : vector<16xi32>
      %swap3A_1678 = arith.index_cast %add3A_1674 : i32 to index
      %swap3A_1679 = tpu.vector_load %arg7[%swap3A_1678] {strides = array<i32>} : memref<24576xi32, #tpu.memory_space<vmem>>, vector<16xi32>,
      %swap3A_1680 = vector.shape_cast %swap3A_1679 : vector<16xi32> to vector<16xi32>
      %swap3A_1681 = vector.shape_cast %add3A_1677 : vector<16xi32> to vector<16xi32>
      tpu.vector_store %arg7[%swap3A_1678], %swap3A_1681 {strides = array<i32>} : memref<24576xi32, #tpu.memory_space<vmem>>, vector<16xi32>,
      %mul3A_1682 = arith.constant 12 : i32
      %mul3A_1683 = arith.muli %select_n3A, %mul3A_1682 : i32
      %add3A_1684 = arith.constant 8 : i32
      %add3A_1685 = arith.addi %mul3A_1683, %add3A_1684 : i32
      %mul3A_1686 = arith.constant 128 : i32
      %mul3A_1687 = arith.muli %add3A_1685, %mul3A_1686 : i32
      %mul3A_1688 = arith.constant 16 : i32
      %mul3A_1689 = arith.muli %sub3A_1550, %mul3A_1688 : i32
      %add3A_1690 = arith.addi %mul3A_1687, %mul3A_1689 : i32
      %add3A_1691 = arith.constant 528392 : i32
      %add3A_1692 = vector.broadcast %add3A_1691 : i32 to vector<16xi32>
      %add3A_1693 = arith.addi %get3A_1554, %add3A_1692 : vector<16xi32>
      %swap3A_1694 = arith.index_cast %add3A_1690 : i32 to index
      %swap3A_1695 = tpu.vector_load %arg7[%swap3A_1694] {strides = array<i32>} : memref<24576xi32, #tpu.memory_space<vmem>>, vector<16xi32>,
      %swap3A_1696 = vector.shape_cast %swap3A_1695 : vector<16xi32> to vector<16xi32>
      %swap3A_1697 = vector.shape_cast %add3A_1693 : vector<16xi32> to vector<16xi32>
      tpu.vector_store %arg7[%swap3A_1694], %swap3A_1697 {strides = array<i32>} : memref<24576xi32, #tpu.memory_space<vmem>>, vector<16xi32>,
      %mul3A_1698 = arith.constant 12 : i32
      %mul3A_1699 = arith.muli %select_n3A, %mul3A_1698 : i32
      %add3A_1700 = arith.constant 9 : i32
      %add3A_1701 = arith.addi %mul3A_1699, %add3A_1700 : i32
      %mul3A_1702 = arith.constant 128 : i32
      %mul3A_1703 = arith.muli %add3A_1701, %mul3A_1702 : i32
      %mul3A_1704 = arith.constant 16 : i32
      %mul3A_1705 = arith.muli %sub3A_1550, %mul3A_1704 : i32
      %add3A_1706 = arith.addi %mul3A_1703, %mul3A_1705 : i32
      %add3A_1707 = arith.constant 528393 : i32
      %add3A_1708 = vector.broadcast %add3A_1707 : i32 to vector<16xi32>
      %add3A_1709 = arith.addi %get3A_1554, %add3A_1708 : vector<16xi32>
      %swap3A_1710 = arith.index_cast %add3A_1706 : i32 to index
      %swap3A_1711 = tpu.vector_load %arg7[%swap3A_1710] {strides = array<i32>} : memref<24576xi32, #tpu.memory_space<vmem>>, vector<16xi32>,
      %swap3A_1712 = vector.shape_cast %swap3A_1711 : vector<16xi32> to vector<16xi32>
      %swap3A_1713 = vector.shape_cast %add3A_1709 : vector<16xi32> to vector<16xi32>
      tpu.vector_store %arg7[%swap3A_1710], %swap3A_1713 {strides = array<i32>} : memref<24576xi32, #tpu.memory_space<vmem>>, vector<16xi32>,
      %mul3A_1714 = arith.constant 12 : i32
      %mul3A_1715 = arith.muli %select_n3A, %mul3A_1714 : i32
      %add3A_1716 = arith.constant 10 : i32
      %add3A_1717 = arith.addi %mul3A_1715, %add3A_1716 : i32
      %mul3A_1718 = arith.constant 128 : i32
      %mul3A_1719 = arith.muli %add3A_1717, %mul3A_1718 : i32
      %mul3A_1720 = arith.constant 16 : i32
      %mul3A_1721 = arith.muli %sub3A_1550, %mul3A_1720 : i32
      %add3A_1722 = arith.addi %mul3A_1719, %mul3A_1721 : i32
      %add3A_1723 = arith.constant 528906 : i32
      %add3A_1724 = vector.broadcast %add3A_1723 : i32 to vector<16xi32>
      %add3A_1725 = arith.addi %get3A_1554, %add3A_1724 : vector<16xi32>
      %swap3A_1726 = arith.index_cast %add3A_1722 : i32 to index
      %swap3A_1727 = tpu.vector_load %arg7[%swap3A_1726] {strides = array<i32>} : memref<24576xi32, #tpu.memory_space<vmem>>, vector<16xi32>,
      %swap3A_1728 = vector.shape_cast %swap3A_1727 : vector<16xi32> to vector<16xi32>
      %swap3A_1729 = vector.shape_cast %add3A_1725 : vector<16xi32> to vector<16xi32>
      tpu.vector_store %arg7[%swap3A_1726], %swap3A_1729 {strides = array<i32>} : memref<24576xi32, #tpu.memory_space<vmem>>, vector<16xi32>,
      %mul3A_1730 = arith.constant 12 : i32
      %mul3A_1731 = arith.muli %select_n3A, %mul3A_1730 : i32
      %add3A_1732 = arith.constant 11 : i32
      %add3A_1733 = arith.addi %mul3A_1731, %add3A_1732 : i32
      %mul3A_1734 = arith.constant 128 : i32
      %mul3A_1735 = arith.muli %add3A_1733, %mul3A_1734 : i32
      %mul3A_1736 = arith.constant 16 : i32
      %mul3A_1737 = arith.muli %sub3A_1550, %mul3A_1736 : i32
      %add3A_1738 = arith.addi %mul3A_1735, %mul3A_1737 : i32
      %add3A_1739 = arith.constant 528907 : i32
      %add3A_1740 = vector.broadcast %add3A_1739 : i32 to vector<16xi32>
      %add3A_1741 = arith.addi %get3A_1554, %add3A_1740 : vector<16xi32>
      %swap3A_1742 = arith.index_cast %add3A_1738 : i32 to index
      %swap3A_1743 = tpu.vector_load %arg7[%swap3A_1742] {strides = array<i32>} : memref<24576xi32, #tpu.memory_space<vmem>>, vector<16xi32>,
      %swap3A_1744 = vector.shape_cast %swap3A_1743 : vector<16xi32> to vector<16xi32>
      %swap3A_1745 = vector.shape_cast %add3A_1741 : vector<16xi32> to vector<16xi32>
      tpu.vector_store %arg7[%swap3A_1742], %swap3A_1745 {strides = array<i32>} : memref<24576xi32, #tpu.memory_space<vmem>>, vector<16xi32>,
      %scan3A_1746 = arith.constant 0 : i32
      scf.yield %scan3A_1746 : i32
    }
    %scan3A_62 = arith.constant 128 : i32
    %dma_wait3A_63 = arith.constant 0 : i32
    %dma_wait3A_64 = tpu.memref_slice %arg8[%dma_wait3A_63] : memref<24576xf32, #tpu.memory_space<vmem>> -> memref<8192xf32, #tpu.memory_space<vmem>>
    %dma_wait3A_65 = tpu.memref_slice %arg2[%mul3A_49] : memref<917504xf32, #tpu.memory_space<hbm>> -> memref<8192xf32, #tpu.memory_space<hbm>>
    %dma_wait3A_66 = arith.constant 0 : i32
    %dma_wait3A_67 = tpu.memref_slice %arg8[%dma_wait3A_66] : memref<24576xf32, #tpu.memory_space<vmem>> -> memref<8192xf32, #tpu.memory_space<vmem>>
    %dma_wait3A_68 = tpu.memref_slice %arg2[%mul3A_49] : memref<917504xf32, #tpu.memory_space<hbm>> -> memref<8192xf32, #tpu.memory_space<hbm>>
    tpu.wait_dma2 semaphore(%arg15 : memref<!tpu.dma_semaphore, #tpu.memory_space<semaphore_mem>>) src(%dma_wait3A_68 : memref<8192xf32, #tpu.memory_space<hbm>>) dst(%dma_wait3A_67 : memref<8192xf32, #tpu.memory_space<vmem>>)
    %mul3A_69 = arith.constant 7 : i32
    %mul3A_70 = arith.muli %arg1, %mul3A_69 : i32
    %add3A_71 = arith.constant 0 : i32
    %add3A_72 = arith.addi %mul3A_70, %add3A_71 : i32
    %mul3A_73 = arith.constant 8192 : i32
    %mul3A_74 = arith.muli %add3A_72, %mul3A_73 : i32
    %dma_start3A_75 = arith.constant 0 : i32
    %dma_start3A_76 = tpu.memref_slice %arg8[%dma_start3A_75] : memref<24576xf32, #tpu.memory_space<vmem>> -> memref<8192xf32, #tpu.memory_space<vmem>>
    %dma_start3A_77 = tpu.memref_slice %arg11[%mul3A_74] : memref<917504xf32, #tpu.memory_space<vmem_shared>> -> memref<8192xf32, #tpu.memory_space<vmem_shared>>
    %dma_start3A_78 = tpu.memref_slice %arg11[%mul3A_74] : memref<917504xf32, #tpu.memory_space<vmem_shared>> -> memref<8192xf32, #tpu.memory_space<vmem_shared>>
    %dma_start3A_79 = arith.constant 0 : i32
    %dma_start3A_80 = tpu.memref_slice %arg8[%dma_start3A_79] : memref<24576xf32, #tpu.memory_space<vmem>> -> memref<8192xf32, #tpu.memory_space<vmem>>
    tpu.enqueue_dma source(%dma_start3A_80 : memref<8192xf32, #tpu.memory_space<vmem>>) target(%dma_start3A_78 : memref<8192xf32, #tpu.memory_space<vmem_shared>>) target_semaphore(%arg16 : memref<!tpu.dma_semaphore, #tpu.memory_space<semaphore_mem>>)
    %mul3A_81 = arith.constant 7 : i32
    %mul3A_82 = arith.muli %arg1, %mul3A_81 : i32
    %add3A_83 = arith.constant 1 : i32
    %add3A_84 = arith.addi %mul3A_82, %add3A_83 : i32
    %mul3A_85 = arith.constant 8192 : i32
    %mul3A_86 = arith.muli %add3A_84, %mul3A_85 : i32
    %dma_start3A_87 = arith.constant 8192 : i32
    %dma_start3A_88 = tpu.memref_slice %arg8[%dma_start3A_87] : memref<24576xf32, #tpu.memory_space<vmem>> -> memref<8192xf32, #tpu.memory_space<vmem>>
    %dma_start3A_89 = tpu.memref_slice %arg2[%mul3A_86] : memref<917504xf32, #tpu.memory_space<hbm>> -> memref<8192xf32, #tpu.memory_space<hbm>>
    %dma_start3A_90 = arith.constant 8192 : i32
    %dma_start3A_91 = tpu.memref_slice %arg8[%dma_start3A_90] : memref<24576xf32, #tpu.memory_space<vmem>> -> memref<8192xf32, #tpu.memory_space<vmem>>
    %dma_start3A_92 = tpu.memref_slice %arg2[%mul3A_86] : memref<917504xf32, #tpu.memory_space<hbm>> -> memref<8192xf32, #tpu.memory_space<hbm>>
    tpu.enqueue_dma source(%dma_start3A_92 : memref<8192xf32, #tpu.memory_space<hbm>>) target(%dma_start3A_91 : memref<8192xf32, #tpu.memory_space<vmem>>) target_semaphore(%arg15 : memref<!tpu.dma_semaphore, #tpu.memory_space<semaphore_mem>>)
    %dma_wait3A_93 = arith.constant 8192 : i32
    %dma_wait3A_94 = tpu.memref_slice %arg8[%dma_wait3A_93] : memref<24576xf32, #tpu.memory_space<vmem>> -> memref<8192xf32, #tpu.memory_space<vmem>>
    %dma_wait3A_95 = tpu.memref_slice %arg2[%mul3A_86] : memref<917504xf32, #tpu.memory_space<hbm>> -> memref<8192xf32, #tpu.memory_space<hbm>>
    %dma_wait3A_96 = arith.constant 8192 : i32
    %dma_wait3A_97 = tpu.memref_slice %arg8[%dma_wait3A_96] : memref<24576xf32, #tpu.memory_space<vmem>> -> memref<8192xf32, #tpu.memory_space<vmem>>
    %dma_wait3A_98 = tpu.memref_slice %arg2[%mul3A_86] : memref<917504xf32, #tpu.memory_space<hbm>> -> memref<8192xf32, #tpu.memory_space<hbm>>
    tpu.wait_dma2 semaphore(%arg15 : memref<!tpu.dma_semaphore, #tpu.memory_space<semaphore_mem>>) src(%dma_wait3A_98 : memref<8192xf32, #tpu.memory_space<hbm>>) dst(%dma_wait3A_97 : memref<8192xf32, #tpu.memory_space<vmem>>)
    %mul3A_99 = arith.constant 7 : i32
    %mul3A_100 = arith.muli %arg1, %mul3A_99 : i32
    %add3A_101 = arith.constant 1 : i32
    %add3A_102 = arith.addi %mul3A_100, %add3A_101 : i32
    %mul3A_103 = arith.constant 8192 : i32
    %mul3A_104 = arith.muli %add3A_102, %mul3A_103 : i32
    %dma_start3A_105 = arith.constant 8192 : i32
    %dma_start3A_106 = tpu.memref_slice %arg8[%dma_start3A_105] : memref<24576xf32, #tpu.memory_space<vmem>> -> memref<8192xf32, #tpu.memory_space<vmem>>
    %dma_start3A_107 = tpu.memref_slice %arg11[%mul3A_104] : memref<917504xf32, #tpu.memory_space<vmem_shared>> -> memref<8192xf32, #tpu.memory_space<vmem_shared>>
    %dma_start3A_108 = tpu.memref_slice %arg11[%mul3A_104] : memref<917504xf32, #tpu.memory_space<vmem_shared>> -> memref<8192xf32, #tpu.memory_space<vmem_shared>>
    %dma_start3A_109 = arith.constant 8192 : i32
    %dma_start3A_110 = tpu.memref_slice %arg8[%dma_start3A_109] : memref<24576xf32, #tpu.memory_space<vmem>> -> memref<8192xf32, #tpu.memory_space<vmem>>
    tpu.enqueue_dma source(%dma_start3A_110 : memref<8192xf32, #tpu.memory_space<vmem>>) target(%dma_start3A_108 : memref<8192xf32, #tpu.memory_space<vmem_shared>>) target_semaphore(%arg16 : memref<!tpu.dma_semaphore, #tpu.memory_space<semaphore_mem>>)
    %dma_wait3A_111 = arith.constant 0 : i32
    %dma_wait3A_112 = tpu.memref_slice %arg8[%dma_wait3A_111] : memref<24576xf32, #tpu.memory_space<vmem>> -> memref<8192xf32, #tpu.memory_space<vmem>>
    %dma_wait3A_113 = tpu.memref_slice %arg11[%mul3A_74] : memref<917504xf32, #tpu.memory_space<vmem_shared>> -> memref<8192xf32, #tpu.memory_space<vmem_shared>>
    %dma_wait3A_114 = tpu.memref_slice %arg11[%mul3A_74] : memref<917504xf32, #tpu.memory_space<vmem_shared>> -> memref<8192xf32, #tpu.memory_space<vmem_shared>>
    %dma_wait3A_115 = arith.constant 0 : i32
    %dma_wait3A_116 = tpu.memref_slice %arg8[%dma_wait3A_115] : memref<24576xf32, #tpu.memory_space<vmem>> -> memref<8192xf32, #tpu.memory_space<vmem>>
    tpu.wait_dma2 semaphore(%arg16 : memref<!tpu.dma_semaphore, #tpu.memory_space<semaphore_mem>>) src(%dma_wait3A_116 : memref<8192xf32, #tpu.memory_space<vmem>>) dst(%dma_wait3A_114 : memref<8192xf32, #tpu.memory_space<vmem_shared>>)
    %mul3A_117 = arith.constant 7 : i32
    %mul3A_118 = arith.muli %arg1, %mul3A_117 : i32
    %add3A_119 = arith.constant 2 : i32
    %add3A_120 = arith.addi %mul3A_118, %add3A_119 : i32
    %mul3A_121 = arith.constant 8192 : i32
    %mul3A_122 = arith.muli %add3A_120, %mul3A_121 : i32
    %dma_start3A_123 = arith.constant 0 : i32
    %dma_start3A_124 = tpu.memref_slice %arg8[%dma_start3A_123] : memref<24576xf32, #tpu.memory_space<vmem>> -> memref<8192xf32, #tpu.memory_space<vmem>>
    %dma_start3A_125 = tpu.memref_slice %arg2[%mul3A_122] : memref<917504xf32, #tpu.memory_space<hbm>> -> memref<8192xf32, #tpu.memory_space<hbm>>
    %dma_start3A_126 = arith.constant 0 : i32
    %dma_start3A_127 = tpu.memref_slice %arg8[%dma_start3A_126] : memref<24576xf32, #tpu.memory_space<vmem>> -> memref<8192xf32, #tpu.memory_space<vmem>>
    %dma_start3A_128 = tpu.memref_slice %arg2[%mul3A_122] : memref<917504xf32, #tpu.memory_space<hbm>> -> memref<8192xf32, #tpu.memory_space<hbm>>
    tpu.enqueue_dma source(%dma_start3A_128 : memref<8192xf32, #tpu.memory_space<hbm>>) target(%dma_start3A_127 : memref<8192xf32, #tpu.memory_space<vmem>>) target_semaphore(%arg15 : memref<!tpu.dma_semaphore, #tpu.memory_space<semaphore_mem>>)
    %dma_wait3A_129 = arith.constant 0 : i32
    %dma_wait3A_130 = tpu.memref_slice %arg8[%dma_wait3A_129] : memref<24576xf32, #tpu.memory_space<vmem>> -> memref<8192xf32, #tpu.memory_space<vmem>>
    %dma_wait3A_131 = tpu.memref_slice %arg2[%mul3A_122] : memref<917504xf32, #tpu.memory_space<hbm>> -> memref<8192xf32, #tpu.memory_space<hbm>>
    %dma_wait3A_132 = arith.constant 0 : i32
    %dma_wait3A_133 = tpu.memref_slice %arg8[%dma_wait3A_132] : memref<24576xf32, #tpu.memory_space<vmem>> -> memref<8192xf32, #tpu.memory_space<vmem>>
    %dma_wait3A_134 = tpu.memref_slice %arg2[%mul3A_122] : memref<917504xf32, #tpu.memory_space<hbm>> -> memref<8192xf32, #tpu.memory_space<hbm>>
    tpu.wait_dma2 semaphore(%arg15 : memref<!tpu.dma_semaphore, #tpu.memory_space<semaphore_mem>>) src(%dma_wait3A_134 : memref<8192xf32, #tpu.memory_space<hbm>>) dst(%dma_wait3A_133 : memref<8192xf32, #tpu.memory_space<vmem>>)
    %mul3A_135 = arith.constant 7 : i32
    %mul3A_136 = arith.muli %arg1, %mul3A_135 : i32
    %add3A_137 = arith.constant 2 : i32
    %add3A_138 = arith.addi %mul3A_136, %add3A_137 : i32
    %mul3A_139 = arith.constant 8192 : i32
    %mul3A_140 = arith.muli %add3A_138, %mul3A_139 : i32
    %dma_start3A_141 = arith.constant 0 : i32
    %dma_start3A_142 = tpu.memref_slice %arg8[%dma_start3A_141] : memref<24576xf32, #tpu.memory_space<vmem>> -> memref<8192xf32, #tpu.memory_space<vmem>>
    %dma_start3A_143 = tpu.memref_slice %arg11[%mul3A_140] : memref<917504xf32, #tpu.memory_space<vmem_shared>> -> memref<8192xf32, #tpu.memory_space<vmem_shared>>
    %dma_start3A_144 = tpu.memref_slice %arg11[%mul3A_140] : memref<917504xf32, #tpu.memory_space<vmem_shared>> -> memref<8192xf32, #tpu.memory_space<vmem_shared>>
    %dma_start3A_145 = arith.constant 0 : i32
    %dma_start3A_146 = tpu.memref_slice %arg8[%dma_start3A_145] : memref<24576xf32, #tpu.memory_space<vmem>> -> memref<8192xf32, #tpu.memory_space<vmem>>
    tpu.enqueue_dma source(%dma_start3A_146 : memref<8192xf32, #tpu.memory_space<vmem>>) target(%dma_start3A_144 : memref<8192xf32, #tpu.memory_space<vmem_shared>>) target_semaphore(%arg16 : memref<!tpu.dma_semaphore, #tpu.memory_space<semaphore_mem>>)
    %dma_wait3A_147 = arith.constant 8192 : i32
    %dma_wait3A_148 = tpu.memref_slice %arg8[%dma_wait3A_147] : memref<24576xf32, #tpu.memory_space<vmem>> -> memref<8192xf32, #tpu.memory_space<vmem>>
    %dma_wait3A_149 = tpu.memref_slice %arg11[%mul3A_104] : memref<917504xf32, #tpu.memory_space<vmem_shared>> -> memref<8192xf32, #tpu.memory_space<vmem_shared>>
    %dma_wait3A_150 = tpu.memref_slice %arg11[%mul3A_104] : memref<917504xf32, #tpu.memory_space<vmem_shared>> -> memref<8192xf32, #tpu.memory_space<vmem_shared>>
    %dma_wait3A_151 = arith.constant 8192 : i32
    %dma_wait3A_152 = tpu.memref_slice %arg8[%dma_wait3A_151] : memref<24576xf32, #tpu.memory_space<vmem>> -> memref<8192xf32, #tpu.memory_space<vmem>>
    tpu.wait_dma2 semaphore(%arg16 : memref<!tpu.dma_semaphore, #tpu.memory_space<semaphore_mem>>) src(%dma_wait3A_152 : memref<8192xf32, #tpu.memory_space<vmem>>) dst(%dma_wait3A_150 : memref<8192xf32, #tpu.memory_space<vmem_shared>>)
    %mul3A_153 = arith.constant 7 : i32
    %mul3A_154 = arith.muli %arg1, %mul3A_153 : i32
    %add3A_155 = arith.constant 3 : i32
    %add3A_156 = arith.addi %mul3A_154, %add3A_155 : i32
    %mul3A_157 = arith.constant 8192 : i32
    %mul3A_158 = arith.muli %add3A_156, %mul3A_157 : i32
    %dma_start3A_159 = arith.constant 8192 : i32
    %dma_start3A_160 = tpu.memref_slice %arg8[%dma_start3A_159] : memref<24576xf32, #tpu.memory_space<vmem>> -> memref<8192xf32, #tpu.memory_space<vmem>>
    %dma_start3A_161 = tpu.memref_slice %arg2[%mul3A_158] : memref<917504xf32, #tpu.memory_space<hbm>> -> memref<8192xf32, #tpu.memory_space<hbm>>
    %dma_start3A_162 = arith.constant 8192 : i32
    %dma_start3A_163 = tpu.memref_slice %arg8[%dma_start3A_162] : memref<24576xf32, #tpu.memory_space<vmem>> -> memref<8192xf32, #tpu.memory_space<vmem>>
    %dma_start3A_164 = tpu.memref_slice %arg2[%mul3A_158] : memref<917504xf32, #tpu.memory_space<hbm>> -> memref<8192xf32, #tpu.memory_space<hbm>>
    tpu.enqueue_dma source(%dma_start3A_164 : memref<8192xf32, #tpu.memory_space<hbm>>) target(%dma_start3A_163 : memref<8192xf32, #tpu.memory_space<vmem>>) target_semaphore(%arg15 : memref<!tpu.dma_semaphore, #tpu.memory_space<semaphore_mem>>)
    %dma_wait3A_165 = arith.constant 8192 : i32
    %dma_wait3A_166 = tpu.memref_slice %arg8[%dma_wait3A_165] : memref<24576xf32, #tpu.memory_space<vmem>> -> memref<8192xf32, #tpu.memory_space<vmem>>
    %dma_wait3A_167 = tpu.memref_slice %arg2[%mul3A_158] : memref<917504xf32, #tpu.memory_space<hbm>> -> memref<8192xf32, #tpu.memory_space<hbm>>
    %dma_wait3A_168 = arith.constant 8192 : i32
    %dma_wait3A_169 = tpu.memref_slice %arg8[%dma_wait3A_168] : memref<24576xf32, #tpu.memory_space<vmem>> -> memref<8192xf32, #tpu.memory_space<vmem>>
    %dma_wait3A_170 = tpu.memref_slice %arg2[%mul3A_158] : memref<917504xf32, #tpu.memory_space<hbm>> -> memref<8192xf32, #tpu.memory_space<hbm>>
    tpu.wait_dma2 semaphore(%arg15 : memref<!tpu.dma_semaphore, #tpu.memory_space<semaphore_mem>>) src(%dma_wait3A_170 : memref<8192xf32, #tpu.memory_space<hbm>>) dst(%dma_wait3A_169 : memref<8192xf32, #tpu.memory_space<vmem>>)
    %mul3A_171 = arith.constant 7 : i32
    %mul3A_172 = arith.muli %arg1, %mul3A_171 : i32
    %add3A_173 = arith.constant 3 : i32
    %add3A_174 = arith.addi %mul3A_172, %add3A_173 : i32
    %mul3A_175 = arith.constant 8192 : i32
    %mul3A_176 = arith.muli %add3A_174, %mul3A_175 : i32
    %dma_start3A_177 = arith.constant 8192 : i32
    %dma_start3A_178 = tpu.memref_slice %arg8[%dma_start3A_177] : memref<24576xf32, #tpu.memory_space<vmem>> -> memref<8192xf32, #tpu.memory_space<vmem>>
    %dma_start3A_179 = tpu.memref_slice %arg11[%mul3A_176] : memref<917504xf32, #tpu.memory_space<vmem_shared>> -> memref<8192xf32, #tpu.memory_space<vmem_shared>>
    %dma_start3A_180 = tpu.memref_slice %arg11[%mul3A_176] : memref<917504xf32, #tpu.memory_space<vmem_shared>> -> memref<8192xf32, #tpu.memory_space<vmem_shared>>
    %dma_start3A_181 = arith.constant 8192 : i32
    %dma_start3A_182 = tpu.memref_slice %arg8[%dma_start3A_181] : memref<24576xf32, #tpu.memory_space<vmem>> -> memref<8192xf32, #tpu.memory_space<vmem>>
    tpu.enqueue_dma source(%dma_start3A_182 : memref<8192xf32, #tpu.memory_space<vmem>>) target(%dma_start3A_180 : memref<8192xf32, #tpu.memory_space<vmem_shared>>) target_semaphore(%arg16 : memref<!tpu.dma_semaphore, #tpu.memory_space<semaphore_mem>>)
    %dma_wait3A_183 = arith.constant 0 : i32
    %dma_wait3A_184 = tpu.memref_slice %arg8[%dma_wait3A_183] : memref<24576xf32, #tpu.memory_space<vmem>> -> memref<8192xf32, #tpu.memory_space<vmem>>
    %dma_wait3A_185 = tpu.memref_slice %arg11[%mul3A_140] : memref<917504xf32, #tpu.memory_space<vmem_shared>> -> memref<8192xf32, #tpu.memory_space<vmem_shared>>
    %dma_wait3A_186 = tpu.memref_slice %arg11[%mul3A_140] : memref<917504xf32, #tpu.memory_space<vmem_shared>> -> memref<8192xf32, #tpu.memory_space<vmem_shared>>
    %dma_wait3A_187 = arith.constant 0 : i32
    %dma_wait3A_188 = tpu.memref_slice %arg8[%dma_wait3A_187] : memref<24576xf32, #tpu.memory_space<vmem>> -> memref<8192xf32, #tpu.memory_space<vmem>>
    tpu.wait_dma2 semaphore(%arg16 : memref<!tpu.dma_semaphore, #tpu.memory_space<semaphore_mem>>) src(%dma_wait3A_188 : memref<8192xf32, #tpu.memory_space<vmem>>) dst(%dma_wait3A_186 : memref<8192xf32, #tpu.memory_space<vmem_shared>>)
    %mul3A_189 = arith.constant 7 : i32
    %mul3A_190 = arith.muli %arg1, %mul3A_189 : i32
    %add3A_191 = arith.constant 4 : i32
    %add3A_192 = arith.addi %mul3A_190, %add3A_191 : i32
    %mul3A_193 = arith.constant 8192 : i32
    %mul3A_194 = arith.muli %add3A_192, %mul3A_193 : i32
    %dma_start3A_195 = arith.constant 0 : i32
    %dma_start3A_196 = tpu.memref_slice %arg8[%dma_start3A_195] : memref<24576xf32, #tpu.memory_space<vmem>> -> memref<8192xf32, #tpu.memory_space<vmem>>
    %dma_start3A_197 = tpu.memref_slice %arg2[%mul3A_194] : memref<917504xf32, #tpu.memory_space<hbm>> -> memref<8192xf32, #tpu.memory_space<hbm>>
    %dma_start3A_198 = arith.constant 0 : i32
    %dma_start3A_199 = tpu.memref_slice %arg8[%dma_start3A_198] : memref<24576xf32, #tpu.memory_space<vmem>> -> memref<8192xf32, #tpu.memory_space<vmem>>
    %dma_start3A_200 = tpu.memref_slice %arg2[%mul3A_194] : memref<917504xf32, #tpu.memory_space<hbm>> -> memref<8192xf32, #tpu.memory_space<hbm>>
    tpu.enqueue_dma source(%dma_start3A_200 : memref<8192xf32, #tpu.memory_space<hbm>>) target(%dma_start3A_199 : memref<8192xf32, #tpu.memory_space<vmem>>) target_semaphore(%arg15 : memref<!tpu.dma_semaphore, #tpu.memory_space<semaphore_mem>>)
    %dma_wait3A_201 = arith.constant 0 : i32
    %dma_wait3A_202 = tpu.memref_slice %arg8[%dma_wait3A_201] : memref<24576xf32, #tpu.memory_space<vmem>> -> memref<8192xf32, #tpu.memory_space<vmem>>
    %dma_wait3A_203 = tpu.memref_slice %arg2[%mul3A_194] : memref<917504xf32, #tpu.memory_space<hbm>> -> memref<8192xf32, #tpu.memory_space<hbm>>
    %dma_wait3A_204 = arith.constant 0 : i32
    %dma_wait3A_205 = tpu.memref_slice %arg8[%dma_wait3A_204] : memref<24576xf32, #tpu.memory_space<vmem>> -> memref<8192xf32, #tpu.memory_space<vmem>>
    %dma_wait3A_206 = tpu.memref_slice %arg2[%mul3A_194] : memref<917504xf32, #tpu.memory_space<hbm>> -> memref<8192xf32, #tpu.memory_space<hbm>>
    tpu.wait_dma2 semaphore(%arg15 : memref<!tpu.dma_semaphore, #tpu.memory_space<semaphore_mem>>) src(%dma_wait3A_206 : memref<8192xf32, #tpu.memory_space<hbm>>) dst(%dma_wait3A_205 : memref<8192xf32, #tpu.memory_space<vmem>>)
    %mul3A_207 = arith.constant 7 : i32
    %mul3A_208 = arith.muli %arg1, %mul3A_207 : i32
    %add3A_209 = arith.constant 4 : i32
    %add3A_210 = arith.addi %mul3A_208, %add3A_209 : i32
    %mul3A_211 = arith.constant 8192 : i32
    %mul3A_212 = arith.muli %add3A_210, %mul3A_211 : i32
    %dma_start3A_213 = arith.constant 0 : i32
    %dma_start3A_214 = tpu.memref_slice %arg8[%dma_start3A_213] : memref<24576xf32, #tpu.memory_space<vmem>> -> memref<8192xf32, #tpu.memory_space<vmem>>
    %dma_start3A_215 = tpu.memref_slice %arg11[%mul3A_212] : memref<917504xf32, #tpu.memory_space<vmem_shared>> -> memref<8192xf32, #tpu.memory_space<vmem_shared>>
    %dma_start3A_216 = tpu.memref_slice %arg11[%mul3A_212] : memref<917504xf32, #tpu.memory_space<vmem_shared>> -> memref<8192xf32, #tpu.memory_space<vmem_shared>>
    %dma_start3A_217 = arith.constant 0 : i32
    %dma_start3A_218 = tpu.memref_slice %arg8[%dma_start3A_217] : memref<24576xf32, #tpu.memory_space<vmem>> -> memref<8192xf32, #tpu.memory_space<vmem>>
    tpu.enqueue_dma source(%dma_start3A_218 : memref<8192xf32, #tpu.memory_space<vmem>>) target(%dma_start3A_216 : memref<8192xf32, #tpu.memory_space<vmem_shared>>) target_semaphore(%arg16 : memref<!tpu.dma_semaphore, #tpu.memory_space<semaphore_mem>>)
    %dma_wait3A_219 = arith.constant 8192 : i32
    %dma_wait3A_220 = tpu.memref_slice %arg8[%dma_wait3A_219] : memref<24576xf32, #tpu.memory_space<vmem>> -> memref<8192xf32, #tpu.memory_space<vmem>>
    %dma_wait3A_221 = tpu.memref_slice %arg11[%mul3A_176] : memref<917504xf32, #tpu.memory_space<vmem_shared>> -> memref<8192xf32, #tpu.memory_space<vmem_shared>>
    %dma_wait3A_222 = tpu.memref_slice %arg11[%mul3A_176] : memref<917504xf32, #tpu.memory_space<vmem_shared>> -> memref<8192xf32, #tpu.memory_space<vmem_shared>>
    %dma_wait3A_223 = arith.constant 8192 : i32
    %dma_wait3A_224 = tpu.memref_slice %arg8[%dma_wait3A_223] : memref<24576xf32, #tpu.memory_space<vmem>> -> memref<8192xf32, #tpu.memory_space<vmem>>
    tpu.wait_dma2 semaphore(%arg16 : memref<!tpu.dma_semaphore, #tpu.memory_space<semaphore_mem>>) src(%dma_wait3A_224 : memref<8192xf32, #tpu.memory_space<vmem>>) dst(%dma_wait3A_222 : memref<8192xf32, #tpu.memory_space<vmem_shared>>)
    %mul3A_225 = arith.constant 7 : i32
    %mul3A_226 = arith.muli %arg1, %mul3A_225 : i32
    %add3A_227 = arith.constant 5 : i32
    %add3A_228 = arith.addi %mul3A_226, %add3A_227 : i32
    %mul3A_229 = arith.constant 8192 : i32
    %mul3A_230 = arith.muli %add3A_228, %mul3A_229 : i32
    %dma_start3A_231 = arith.constant 8192 : i32
    %dma_start3A_232 = tpu.memref_slice %arg8[%dma_start3A_231] : memref<24576xf32, #tpu.memory_space<vmem>> -> memref<8192xf32, #tpu.memory_space<vmem>>
    %dma_start3A_233 = tpu.memref_slice %arg2[%mul3A_230] : memref<917504xf32, #tpu.memory_space<hbm>> -> memref<8192xf32, #tpu.memory_space<hbm>>
    %dma_start3A_234 = arith.constant 8192 : i32
    %dma_start3A_235 = tpu.memref_slice %arg8[%dma_start3A_234] : memref<24576xf32, #tpu.memory_space<vmem>> -> memref<8192xf32, #tpu.memory_space<vmem>>
    %dma_start3A_236 = tpu.memref_slice %arg2[%mul3A_230] : memref<917504xf32, #tpu.memory_space<hbm>> -> memref<8192xf32, #tpu.memory_space<hbm>>
    tpu.enqueue_dma source(%dma_start3A_236 : memref<8192xf32, #tpu.memory_space<hbm>>) target(%dma_start3A_235 : memref<8192xf32, #tpu.memory_space<vmem>>) target_semaphore(%arg15 : memref<!tpu.dma_semaphore, #tpu.memory_space<semaphore_mem>>)
    %dma_wait3A_237 = arith.constant 8192 : i32
    %dma_wait3A_238 = tpu.memref_slice %arg8[%dma_wait3A_237] : memref<24576xf32, #tpu.memory_space<vmem>> -> memref<8192xf32, #tpu.memory_space<vmem>>
    %dma_wait3A_239 = tpu.memref_slice %arg2[%mul3A_230] : memref<917504xf32, #tpu.memory_space<hbm>> -> memref<8192xf32, #tpu.memory_space<hbm>>
    %dma_wait3A_240 = arith.constant 8192 : i32
    %dma_wait3A_241 = tpu.memref_slice %arg8[%dma_wait3A_240] : memref<24576xf32, #tpu.memory_space<vmem>> -> memref<8192xf32, #tpu.memory_space<vmem>>
    %dma_wait3A_242 = tpu.memref_slice %arg2[%mul3A_230] : memref<917504xf32, #tpu.memory_space<hbm>> -> memref<8192xf32, #tpu.memory_space<hbm>>
    tpu.wait_dma2 semaphore(%arg15 : memref<!tpu.dma_semaphore, #tpu.memory_space<semaphore_mem>>) src(%dma_wait3A_242 : memref<8192xf32, #tpu.memory_space<hbm>>) dst(%dma_wait3A_241 : memref<8192xf32, #tpu.memory_space<vmem>>)
    %mul3A_243 = arith.constant 7 : i32
    %mul3A_244 = arith.muli %arg1, %mul3A_243 : i32
    %add3A_245 = arith.constant 5 : i32
    %add3A_246 = arith.addi %mul3A_244, %add3A_245 : i32
    %mul3A_247 = arith.constant 8192 : i32
    %mul3A_248 = arith.muli %add3A_246, %mul3A_247 : i32
    %dma_start3A_249 = arith.constant 8192 : i32
    %dma_start3A_250 = tpu.memref_slice %arg8[%dma_start3A_249] : memref<24576xf32, #tpu.memory_space<vmem>> -> memref<8192xf32, #tpu.memory_space<vmem>>
    %dma_start3A_251 = tpu.memref_slice %arg11[%mul3A_248] : memref<917504xf32, #tpu.memory_space<vmem_shared>> -> memref<8192xf32, #tpu.memory_space<vmem_shared>>
    %dma_start3A_252 = tpu.memref_slice %arg11[%mul3A_248] : memref<917504xf32, #tpu.memory_space<vmem_shared>> -> memref<8192xf32, #tpu.memory_space<vmem_shared>>
    %dma_start3A_253 = arith.constant 8192 : i32
    %dma_start3A_254 = tpu.memref_slice %arg8[%dma_start3A_253] : memref<24576xf32, #tpu.memory_space<vmem>> -> memref<8192xf32, #tpu.memory_space<vmem>>
    tpu.enqueue_dma source(%dma_start3A_254 : memref<8192xf32, #tpu.memory_space<vmem>>) target(%dma_start3A_252 : memref<8192xf32, #tpu.memory_space<vmem_shared>>) target_semaphore(%arg16 : memref<!tpu.dma_semaphore, #tpu.memory_space<semaphore_mem>>)
    %dma_wait3A_255 = arith.constant 0 : i32
    %dma_wait3A_256 = tpu.memref_slice %arg8[%dma_wait3A_255] : memref<24576xf32, #tpu.memory_space<vmem>> -> memref<8192xf32, #tpu.memory_space<vmem>>
    %dma_wait3A_257 = tpu.memref_slice %arg11[%mul3A_212] : memref<917504xf32, #tpu.memory_space<vmem_shared>> -> memref<8192xf32, #tpu.memory_space<vmem_shared>>
    %dma_wait3A_258 = tpu.memref_slice %arg11[%mul3A_212] : memref<917504xf32, #tpu.memory_space<vmem_shared>> -> memref<8192xf32, #tpu.memory_space<vmem_shared>>
    %dma_wait3A_259 = arith.constant 0 : i32
    %dma_wait3A_260 = tpu.memref_slice %arg8[%dma_wait3A_259] : memref<24576xf32, #tpu.memory_space<vmem>> -> memref<8192xf32, #tpu.memory_space<vmem>>
    tpu.wait_dma2 semaphore(%arg16 : memref<!tpu.dma_semaphore, #tpu.memory_space<semaphore_mem>>) src(%dma_wait3A_260 : memref<8192xf32, #tpu.memory_space<vmem>>) dst(%dma_wait3A_258 : memref<8192xf32, #tpu.memory_space<vmem_shared>>)
    %mul3A_261 = arith.constant 7 : i32
    %mul3A_262 = arith.muli %arg1, %mul3A_261 : i32
    %add3A_263 = arith.constant 6 : i32
    %add3A_264 = arith.addi %mul3A_262, %add3A_263 : i32
    %mul3A_265 = arith.constant 8192 : i32
    %mul3A_266 = arith.muli %add3A_264, %mul3A_265 : i32
    %dma_start3A_267 = arith.constant 0 : i32
    %dma_start3A_268 = tpu.memref_slice %arg8[%dma_start3A_267] : memref<24576xf32, #tpu.memory_space<vmem>> -> memref<8192xf32, #tpu.memory_space<vmem>>
    %dma_start3A_269 = tpu.memref_slice %arg2[%mul3A_266] : memref<917504xf32, #tpu.memory_space<hbm>> -> memref<8192xf32, #tpu.memory_space<hbm>>
    %dma_start3A_270 = arith.constant 0 : i32
    %dma_start3A_271 = tpu.memref_slice %arg8[%dma_start3A_270] : memref<24576xf32, #tpu.memory_space<vmem>> -> memref<8192xf32, #tpu.memory_space<vmem>>
    %dma_start3A_272 = tpu.memref_slice %arg2[%mul3A_266] : memref<917504xf32, #tpu.memory_space<hbm>> -> memref<8192xf32, #tpu.memory_space<hbm>>
    tpu.enqueue_dma source(%dma_start3A_272 : memref<8192xf32, #tpu.memory_space<hbm>>) target(%dma_start3A_271 : memref<8192xf32, #tpu.memory_space<vmem>>) target_semaphore(%arg15 : memref<!tpu.dma_semaphore, #tpu.memory_space<semaphore_mem>>)
    %dma_wait3A_273 = arith.constant 0 : i32
    %dma_wait3A_274 = tpu.memref_slice %arg8[%dma_wait3A_273] : memref<24576xf32, #tpu.memory_space<vmem>> -> memref<8192xf32, #tpu.memory_space<vmem>>
    %dma_wait3A_275 = tpu.memref_slice %arg2[%mul3A_266] : memref<917504xf32, #tpu.memory_space<hbm>> -> memref<8192xf32, #tpu.memory_space<hbm>>
    %dma_wait3A_276 = arith.constant 0 : i32
    %dma_wait3A_277 = tpu.memref_slice %arg8[%dma_wait3A_276] : memref<24576xf32, #tpu.memory_space<vmem>> -> memref<8192xf32, #tpu.memory_space<vmem>>
    %dma_wait3A_278 = tpu.memref_slice %arg2[%mul3A_266] : memref<917504xf32, #tpu.memory_space<hbm>> -> memref<8192xf32, #tpu.memory_space<hbm>>
    tpu.wait_dma2 semaphore(%arg15 : memref<!tpu.dma_semaphore, #tpu.memory_space<semaphore_mem>>) src(%dma_wait3A_278 : memref<8192xf32, #tpu.memory_space<hbm>>) dst(%dma_wait3A_277 : memref<8192xf32, #tpu.memory_space<vmem>>)
    %mul3A_279 = arith.constant 7 : i32
    %mul3A_280 = arith.muli %arg1, %mul3A_279 : i32
    %add3A_281 = arith.constant 6 : i32
    %add3A_282 = arith.addi %mul3A_280, %add3A_281 : i32
    %mul3A_283 = arith.constant 8192 : i32
    %mul3A_284 = arith.muli %add3A_282, %mul3A_283 : i32
    %dma_start3A_285 = arith.constant 0 : i32
    %dma_start3A_286 = tpu.memref_slice %arg8[%dma_start3A_285] : memref<24576xf32, #tpu.memory_space<vmem>> -> memref<8192xf32, #tpu.memory_space<vmem>>
    %dma_start3A_287 = tpu.memref_slice %arg11[%mul3A_284] : memref<917504xf32, #tpu.memory_space<vmem_shared>> -> memref<8192xf32, #tpu.memory_space<vmem_shared>>
    %dma_start3A_288 = tpu.memref_slice %arg11[%mul3A_284] : memref<917504xf32, #tpu.memory_space<vmem_shared>> -> memref<8192xf32, #tpu.memory_space<vmem_shared>>
    %dma_start3A_289 = arith.constant 0 : i32
    %dma_start3A_290 = tpu.memref_slice %arg8[%dma_start3A_289] : memref<24576xf32, #tpu.memory_space<vmem>> -> memref<8192xf32, #tpu.memory_space<vmem>>
    tpu.enqueue_dma source(%dma_start3A_290 : memref<8192xf32, #tpu.memory_space<vmem>>) target(%dma_start3A_288 : memref<8192xf32, #tpu.memory_space<vmem_shared>>) target_semaphore(%arg16 : memref<!tpu.dma_semaphore, #tpu.memory_space<semaphore_mem>>)
    %dma_wait3A_291 = arith.constant 8192 : i32
    %dma_wait3A_292 = tpu.memref_slice %arg8[%dma_wait3A_291] : memref<24576xf32, #tpu.memory_space<vmem>> -> memref<8192xf32, #tpu.memory_space<vmem>>
    %dma_wait3A_293 = tpu.memref_slice %arg11[%mul3A_248] : memref<917504xf32, #tpu.memory_space<vmem_shared>> -> memref<8192xf32, #tpu.memory_space<vmem_shared>>
    %dma_wait3A_294 = tpu.memref_slice %arg11[%mul3A_248] : memref<917504xf32, #tpu.memory_space<vmem_shared>> -> memref<8192xf32, #tpu.memory_space<vmem_shared>>
    %dma_wait3A_295 = arith.constant 8192 : i32
    %dma_wait3A_296 = tpu.memref_slice %arg8[%dma_wait3A_295] : memref<24576xf32, #tpu.memory_space<vmem>> -> memref<8192xf32, #tpu.memory_space<vmem>>
    tpu.wait_dma2 semaphore(%arg16 : memref<!tpu.dma_semaphore, #tpu.memory_space<semaphore_mem>>) src(%dma_wait3A_296 : memref<8192xf32, #tpu.memory_space<vmem>>) dst(%dma_wait3A_294 : memref<8192xf32, #tpu.memory_space<vmem_shared>>)
    %dma_wait3A_297 = arith.constant 0 : i32
    %dma_wait3A_298 = tpu.memref_slice %arg8[%dma_wait3A_297] : memref<24576xf32, #tpu.memory_space<vmem>> -> memref<8192xf32, #tpu.memory_space<vmem>>
    %dma_wait3A_299 = tpu.memref_slice %arg11[%mul3A_284] : memref<917504xf32, #tpu.memory_space<vmem_shared>> -> memref<8192xf32, #tpu.memory_space<vmem_shared>>
    %dma_wait3A_300 = tpu.memref_slice %arg11[%mul3A_284] : memref<917504xf32, #tpu.memory_space<vmem_shared>> -> memref<8192xf32, #tpu.memory_space<vmem_shared>>
    %dma_wait3A_301 = arith.constant 0 : i32
    %dma_wait3A_302 = tpu.memref_slice %arg8[%dma_wait3A_301] : memref<24576xf32, #tpu.memory_space<vmem>> -> memref<8192xf32, #tpu.memory_space<vmem>>
    tpu.wait_dma2 semaphore(%arg16 : memref<!tpu.dma_semaphore, #tpu.memory_space<semaphore_mem>>) src(%dma_wait3A_302 : memref<8192xf32, #tpu.memory_space<vmem>>) dst(%dma_wait3A_300 : memref<8192xf32, #tpu.memory_space<vmem_shared>>)
    %barrier3A = arith.constant 0 : index
    tpu.barrier barrier_id(%barrier3A)
    %dma_start3A_303 = arith.constant 0 : i32
    %dma_start3A_304 = tpu.memref_slice %arg8[%dma_start3A_303] : memref<24576xf32, #tpu.memory_space<vmem>> -> memref<128xf32, #tpu.memory_space<vmem>>
    %dma_start3A_305 = arith.constant 0 : i32
    %dma_start3A_306 = tpu.memref_slice %arg7[%dma_start3A_305] : memref<24576xi32, #tpu.memory_space<vmem>> -> memref<128xi32, #tpu.memory_space<vmem>>
    %dma_start3A_307 = arith.constant 0 : i32
    %dma_start3A_308 = tpu.memref_slice %arg11[%dma_start3A_307] : memref<917504xf32, #tpu.memory_space<vmem_shared>> -> memref<917504xf32, #tpu.memory_space<vmem_shared>>
    tpu.enqueue_indirect_dma source(%dma_start3A_308 : memref<917504xf32, #tpu.memory_space<vmem_shared>>) target(%dma_start3A_304 : memref<128xf32, #tpu.memory_space<vmem>>) offsets(%dma_start3A_306 : memref<128xi32, #tpu.memory_space<vmem>>) semaphore(%arg12 : memref<!tpu.dma_semaphore, #tpu.memory_space<semaphore_mem>>)
    %dma_start3A_309 = arith.constant 128 : i32
    %dma_start3A_310 = tpu.memref_slice %arg8[%dma_start3A_309] : memref<24576xf32, #tpu.memory_space<vmem>> -> memref<128xf32, #tpu.memory_space<vmem>>
    %dma_start3A_311 = arith.constant 128 : i32
    %dma_start3A_312 = tpu.memref_slice %arg7[%dma_start3A_311] : memref<24576xi32, #tpu.memory_space<vmem>> -> memref<128xi32, #tpu.memory_space<vmem>>
    %dma_start3A_313 = arith.constant 0 : i32
    %dma_start3A_314 = tpu.memref_slice %arg11[%dma_start3A_313] : memref<917504xf32, #tpu.memory_space<vmem_shared>> -> memref<917504xf32, #tpu.memory_space<vmem_shared>>
    tpu.enqueue_indirect_dma source(%dma_start3A_314 : memref<917504xf32, #tpu.memory_space<vmem_shared>>) target(%dma_start3A_310 : memref<128xf32, #tpu.memory_space<vmem>>) offsets(%dma_start3A_312 : memref<128xi32, #tpu.memory_space<vmem>>) semaphore(%arg12 : memref<!tpu.dma_semaphore, #tpu.memory_space<semaphore_mem>>)
    %dma_start3A_315 = arith.constant 256 : i32
    %dma_start3A_316 = tpu.memref_slice %arg8[%dma_start3A_315] : memref<24576xf32, #tpu.memory_space<vmem>> -> memref<128xf32, #tpu.memory_space<vmem>>
    %dma_start3A_317 = arith.constant 256 : i32
    %dma_start3A_318 = tpu.memref_slice %arg7[%dma_start3A_317] : memref<24576xi32, #tpu.memory_space<vmem>> -> memref<128xi32, #tpu.memory_space<vmem>>
    %dma_start3A_319 = arith.constant 0 : i32
    %dma_start3A_320 = tpu.memref_slice %arg11[%dma_start3A_319] : memref<917504xf32, #tpu.memory_space<vmem_shared>> -> memref<917504xf32, #tpu.memory_space<vmem_shared>>
    tpu.enqueue_indirect_dma source(%dma_start3A_320 : memref<917504xf32, #tpu.memory_space<vmem_shared>>) target(%dma_start3A_316 : memref<128xf32, #tpu.memory_space<vmem>>) offsets(%dma_start3A_318 : memref<128xi32, #tpu.memory_space<vmem>>) semaphore(%arg12 : memref<!tpu.dma_semaphore, #tpu.memory_space<semaphore_mem>>)
    %dma_start3A_321 = arith.constant 384 : i32
    %dma_start3A_322 = tpu.memref_slice %arg8[%dma_start3A_321] : memref<24576xf32, #tpu.memory_space<vmem>> -> memref<128xf32, #tpu.memory_space<vmem>>
    %dma_start3A_323 = arith.constant 384 : i32
    %dma_start3A_324 = tpu.memref_slice %arg7[%dma_start3A_323] : memref<24576xi32, #tpu.memory_space<vmem>> -> memref<128xi32, #tpu.memory_space<vmem>>
    %dma_start3A_325 = arith.constant 0 : i32
    %dma_start3A_326 = tpu.memref_slice %arg11[%dma_start3A_325] : memref<917504xf32, #tpu.memory_space<vmem_shared>> -> memref<917504xf32, #tpu.memory_space<vmem_shared>>
    tpu.enqueue_indirect_dma source(%dma_start3A_326 : memref<917504xf32, #tpu.memory_space<vmem_shared>>) target(%dma_start3A_322 : memref<128xf32, #tpu.memory_space<vmem>>) offsets(%dma_start3A_324 : memref<128xi32, #tpu.memory_space<vmem>>) semaphore(%arg12 : memref<!tpu.dma_semaphore, #tpu.memory_space<semaphore_mem>>)
    %dma_start3A_327 = arith.constant 512 : i32
    %dma_start3A_328 = tpu.memref_slice %arg8[%dma_start3A_327] : memref<24576xf32, #tpu.memory_space<vmem>> -> memref<128xf32, #tpu.memory_space<vmem>>
    %dma_start3A_329 = arith.constant 512 : i32
    %dma_start3A_330 = tpu.memref_slice %arg7[%dma_start3A_329] : memref<24576xi32, #tpu.memory_space<vmem>> -> memref<128xi32, #tpu.memory_space<vmem>>
    %dma_start3A_331 = arith.constant 0 : i32
    %dma_start3A_332 = tpu.memref_slice %arg11[%dma_start3A_331] : memref<917504xf32, #tpu.memory_space<vmem_shared>> -> memref<917504xf32, #tpu.memory_space<vmem_shared>>
    tpu.enqueue_indirect_dma source(%dma_start3A_332 : memref<917504xf32, #tpu.memory_space<vmem_shared>>) target(%dma_start3A_328 : memref<128xf32, #tpu.memory_space<vmem>>) offsets(%dma_start3A_330 : memref<128xi32, #tpu.memory_space<vmem>>) semaphore(%arg12 : memref<!tpu.dma_semaphore, #tpu.memory_space<semaphore_mem>>)
    %dma_start3A_333 = arith.constant 640 : i32
    %dma_start3A_334 = tpu.memref_slice %arg8[%dma_start3A_333] : memref<24576xf32, #tpu.memory_space<vmem>> -> memref<128xf32, #tpu.memory_space<vmem>>
    %dma_start3A_335 = arith.constant 640 : i32
    %dma_start3A_336 = tpu.memref_slice %arg7[%dma_start3A_335] : memref<24576xi32, #tpu.memory_space<vmem>> -> memref<128xi32, #tpu.memory_space<vmem>>
    %dma_start3A_337 = arith.constant 0 : i32
    %dma_start3A_338 = tpu.memref_slice %arg11[%dma_start3A_337] : memref<917504xf32, #tpu.memory_space<vmem_shared>> -> memref<917504xf32, #tpu.memory_space<vmem_shared>>
    tpu.enqueue_indirect_dma source(%dma_start3A_338 : memref<917504xf32, #tpu.memory_space<vmem_shared>>) target(%dma_start3A_334 : memref<128xf32, #tpu.memory_space<vmem>>) offsets(%dma_start3A_336 : memref<128xi32, #tpu.memory_space<vmem>>) semaphore(%arg12 : memref<!tpu.dma_semaphore, #tpu.memory_space<semaphore_mem>>)
    %dma_start3A_339 = arith.constant 768 : i32
    %dma_start3A_340 = tpu.memref_slice %arg8[%dma_start3A_339] : memref<24576xf32, #tpu.memory_space<vmem>> -> memref<128xf32, #tpu.memory_space<vmem>>
    %dma_start3A_341 = arith.constant 768 : i32
    %dma_start3A_342 = tpu.memref_slice %arg7[%dma_start3A_341] : memref<24576xi32, #tpu.memory_space<vmem>> -> memref<128xi32, #tpu.memory_space<vmem>>
    %dma_start3A_343 = arith.constant 0 : i32
    %dma_start3A_344 = tpu.memref_slice %arg11[%dma_start3A_343] : memref<917504xf32, #tpu.memory_space<vmem_shared>> -> memref<917504xf32, #tpu.memory_space<vmem_shared>>
    tpu.enqueue_indirect_dma source(%dma_start3A_344 : memref<917504xf32, #tpu.memory_space<vmem_shared>>) target(%dma_start3A_340 : memref<128xf32, #tpu.memory_space<vmem>>) offsets(%dma_start3A_342 : memref<128xi32, #tpu.memory_space<vmem>>) semaphore(%arg12 : memref<!tpu.dma_semaphore, #tpu.memory_space<semaphore_mem>>)
    %dma_start3A_345 = arith.constant 896 : i32
    %dma_start3A_346 = tpu.memref_slice %arg8[%dma_start3A_345] : memref<24576xf32, #tpu.memory_space<vmem>> -> memref<128xf32, #tpu.memory_space<vmem>>
    %dma_start3A_347 = arith.constant 896 : i32
    %dma_start3A_348 = tpu.memref_slice %arg7[%dma_start3A_347] : memref<24576xi32, #tpu.memory_space<vmem>> -> memref<128xi32, #tpu.memory_space<vmem>>
    %dma_start3A_349 = arith.constant 0 : i32
    %dma_start3A_350 = tpu.memref_slice %arg11[%dma_start3A_349] : memref<917504xf32, #tpu.memory_space<vmem_shared>> -> memref<917504xf32, #tpu.memory_space<vmem_shared>>
    tpu.enqueue_indirect_dma source(%dma_start3A_350 : memref<917504xf32, #tpu.memory_space<vmem_shared>>) target(%dma_start3A_346 : memref<128xf32, #tpu.memory_space<vmem>>) offsets(%dma_start3A_348 : memref<128xi32, #tpu.memory_space<vmem>>) semaphore(%arg12 : memref<!tpu.dma_semaphore, #tpu.memory_space<semaphore_mem>>)
    %dma_start3A_351 = arith.constant 1024 : i32
    %dma_start3A_352 = tpu.memref_slice %arg8[%dma_start3A_351] : memref<24576xf32, #tpu.memory_space<vmem>> -> memref<128xf32, #tpu.memory_space<vmem>>
    %dma_start3A_353 = arith.constant 1024 : i32
    %dma_start3A_354 = tpu.memref_slice %arg7[%dma_start3A_353] : memref<24576xi32, #tpu.memory_space<vmem>> -> memref<128xi32, #tpu.memory_space<vmem>>
    %dma_start3A_355 = arith.constant 0 : i32
    %dma_start3A_356 = tpu.memref_slice %arg11[%dma_start3A_355] : memref<917504xf32, #tpu.memory_space<vmem_shared>> -> memref<917504xf32, #tpu.memory_space<vmem_shared>>
    tpu.enqueue_indirect_dma source(%dma_start3A_356 : memref<917504xf32, #tpu.memory_space<vmem_shared>>) target(%dma_start3A_352 : memref<128xf32, #tpu.memory_space<vmem>>) offsets(%dma_start3A_354 : memref<128xi32, #tpu.memory_space<vmem>>) semaphore(%arg12 : memref<!tpu.dma_semaphore, #tpu.memory_space<semaphore_mem>>)
    %dma_start3A_357 = arith.constant 1152 : i32
    %dma_start3A_358 = tpu.memref_slice %arg8[%dma_start3A_357] : memref<24576xf32, #tpu.memory_space<vmem>> -> memref<128xf32, #tpu.memory_space<vmem>>
    %dma_start3A_359 = arith.constant 1152 : i32
    %dma_start3A_360 = tpu.memref_slice %arg7[%dma_start3A_359] : memref<24576xi32, #tpu.memory_space<vmem>> -> memref<128xi32, #tpu.memory_space<vmem>>
    %dma_start3A_361 = arith.constant 0 : i32
    %dma_start3A_362 = tpu.memref_slice %arg11[%dma_start3A_361] : memref<917504xf32, #tpu.memory_space<vmem_shared>> -> memref<917504xf32, #tpu.memory_space<vmem_shared>>
    tpu.enqueue_indirect_dma source(%dma_start3A_362 : memref<917504xf32, #tpu.memory_space<vmem_shared>>) target(%dma_start3A_358 : memref<128xf32, #tpu.memory_space<vmem>>) offsets(%dma_start3A_360 : memref<128xi32, #tpu.memory_space<vmem>>) semaphore(%arg12 : memref<!tpu.dma_semaphore, #tpu.memory_space<semaphore_mem>>)
    %dma_start3A_363 = arith.constant 1280 : i32
    %dma_start3A_364 = tpu.memref_slice %arg8[%dma_start3A_363] : memref<24576xf32, #tpu.memory_space<vmem>> -> memref<128xf32, #tpu.memory_space<vmem>>
    %dma_start3A_365 = arith.constant 1280 : i32
    %dma_start3A_366 = tpu.memref_slice %arg7[%dma_start3A_365] : memref<24576xi32, #tpu.memory_space<vmem>> -> memref<128xi32, #tpu.memory_space<vmem>>
    %dma_start3A_367 = arith.constant 0 : i32
    %dma_start3A_368 = tpu.memref_slice %arg11[%dma_start3A_367] : memref<917504xf32, #tpu.memory_space<vmem_shared>> -> memref<917504xf32, #tpu.memory_space<vmem_shared>>
    tpu.enqueue_indirect_dma source(%dma_start3A_368 : memref<917504xf32, #tpu.memory_space<vmem_shared>>) target(%dma_start3A_364 : memref<128xf32, #tpu.memory_space<vmem>>) offsets(%dma_start3A_366 : memref<128xi32, #tpu.memory_space<vmem>>) semaphore(%arg12 : memref<!tpu.dma_semaphore, #tpu.memory_space<semaphore_mem>>)
    %dma_start3A_369 = arith.constant 1408 : i32
    %dma_start3A_370 = tpu.memref_slice %arg8[%dma_start3A_369] : memref<24576xf32, #tpu.memory_space<vmem>> -> memref<128xf32, #tpu.memory_space<vmem>>
    %dma_start3A_371 = arith.constant 1408 : i32
    %dma_start3A_372 = tpu.memref_slice %arg7[%dma_start3A_371] : memref<24576xi32, #tpu.memory_space<vmem>> -> memref<128xi32, #tpu.memory_space<vmem>>
    %dma_start3A_373 = arith.constant 0 : i32
    %dma_start3A_374 = tpu.memref_slice %arg11[%dma_start3A_373] : memref<917504xf32, #tpu.memory_space<vmem_shared>> -> memref<917504xf32, #tpu.memory_space<vmem_shared>>
    tpu.enqueue_indirect_dma source(%dma_start3A_374 : memref<917504xf32, #tpu.memory_space<vmem_shared>>) target(%dma_start3A_370 : memref<128xf32, #tpu.memory_space<vmem>>) offsets(%dma_start3A_372 : memref<128xi32, #tpu.memory_space<vmem>>) semaphore(%arg12 : memref<!tpu.dma_semaphore, #tpu.memory_space<semaphore_mem>>)
    %dma_start3A_375 = arith.constant 1536 : i32
    %dma_start3A_376 = tpu.memref_slice %arg8[%dma_start3A_375] : memref<24576xf32, #tpu.memory_space<vmem>> -> memref<128xf32, #tpu.memory_space<vmem>>
    %dma_start3A_377 = arith.constant 1536 : i32
    %dma_start3A_378 = tpu.memref_slice %arg7[%dma_start3A_377] : memref<24576xi32, #tpu.memory_space<vmem>> -> memref<128xi32, #tpu.memory_space<vmem>>
    %dma_start3A_379 = arith.constant 0 : i32
    %dma_start3A_380 = tpu.memref_slice %arg11[%dma_start3A_379] : memref<917504xf32, #tpu.memory_space<vmem_shared>> -> memref<917504xf32, #tpu.memory_space<vmem_shared>>
    tpu.enqueue_indirect_dma source(%dma_start3A_380 : memref<917504xf32, #tpu.memory_space<vmem_shared>>) target(%dma_start3A_376 : memref<128xf32, #tpu.memory_space<vmem>>) offsets(%dma_start3A_378 : memref<128xi32, #tpu.memory_space<vmem>>) semaphore(%arg12 : memref<!tpu.dma_semaphore, #tpu.memory_space<semaphore_mem>>)
    %dma_start3A_381 = arith.constant 1664 : i32
    %dma_start3A_382 = tpu.memref_slice %arg8[%dma_start3A_381] : memref<24576xf32, #tpu.memory_space<vmem>> -> memref<128xf32, #tpu.memory_space<vmem>>
    %dma_start3A_383 = arith.constant 1664 : i32
    %dma_start3A_384 = tpu.memref_slice %arg7[%dma_start3A_383] : memref<24576xi32, #tpu.memory_space<vmem>> -> memref<128xi32, #tpu.memory_space<vmem>>
    %dma_start3A_385 = arith.constant 0 : i32
    %dma_start3A_386 = tpu.memref_slice %arg11[%dma_start3A_385] : memref<917504xf32, #tpu.memory_space<vmem_shared>> -> memref<917504xf32, #tpu.memory_space<vmem_shared>>
    tpu.enqueue_indirect_dma source(%dma_start3A_386 : memref<917504xf32, #tpu.memory_space<vmem_shared>>) target(%dma_start3A_382 : memref<128xf32, #tpu.memory_space<vmem>>) offsets(%dma_start3A_384 : memref<128xi32, #tpu.memory_space<vmem>>) semaphore(%arg12 : memref<!tpu.dma_semaphore, #tpu.memory_space<semaphore_mem>>)
    %dma_start3A_387 = arith.constant 1792 : i32
    %dma_start3A_388 = tpu.memref_slice %arg8[%dma_start3A_387] : memref<24576xf32, #tpu.memory_space<vmem>> -> memref<128xf32, #tpu.memory_space<vmem>>
    %dma_start3A_389 = arith.constant 1792 : i32
    %dma_start3A_390 = tpu.memref_slice %arg7[%dma_start3A_389] : memref<24576xi32, #tpu.memory_space<vmem>> -> memref<128xi32, #tpu.memory_space<vmem>>
    %dma_start3A_391 = arith.constant 0 : i32
    %dma_start3A_392 = tpu.memref_slice %arg11[%dma_start3A_391] : memref<917504xf32, #tpu.memory_space<vmem_shared>> -> memref<917504xf32, #tpu.memory_space<vmem_shared>>
    tpu.enqueue_indirect_dma source(%dma_start3A_392 : memref<917504xf32, #tpu.memory_space<vmem_shared>>) target(%dma_start3A_388 : memref<128xf32, #tpu.memory_space<vmem>>) offsets(%dma_start3A_390 : memref<128xi32, #tpu.memory_space<vmem>>) semaphore(%arg12 : memref<!tpu.dma_semaphore, #tpu.memory_space<semaphore_mem>>)
    %dma_start3A_393 = arith.constant 1920 : i32
    %dma_start3A_394 = tpu.memref_slice %arg8[%dma_start3A_393] : memref<24576xf32, #tpu.memory_space<vmem>> -> memref<128xf32, #tpu.memory_space<vmem>>
    %dma_start3A_395 = arith.constant 1920 : i32
    %dma_start3A_396 = tpu.memref_slice %arg7[%dma_start3A_395] : memref<24576xi32, #tpu.memory_space<vmem>> -> memref<128xi32, #tpu.memory_space<vmem>>
    %dma_start3A_397 = arith.constant 0 : i32
    %dma_start3A_398 = tpu.memref_slice %arg11[%dma_start3A_397] : memref<917504xf32, #tpu.memory_space<vmem_shared>> -> memref<917504xf32, #tpu.memory_space<vmem_shared>>
    tpu.enqueue_indirect_dma source(%dma_start3A_398 : memref<917504xf32, #tpu.memory_space<vmem_shared>>) target(%dma_start3A_394 : memref<128xf32, #tpu.memory_space<vmem>>) offsets(%dma_start3A_396 : memref<128xi32, #tpu.memory_space<vmem>>) semaphore(%arg12 : memref<!tpu.dma_semaphore, #tpu.memory_space<semaphore_mem>>)
    %dma_start3A_399 = arith.constant 2048 : i32
    %dma_start3A_400 = tpu.memref_slice %arg8[%dma_start3A_399] : memref<24576xf32, #tpu.memory_space<vmem>> -> memref<128xf32, #tpu.memory_space<vmem>>
    %dma_start3A_401 = arith.constant 2048 : i32
    %dma_start3A_402 = tpu.memref_slice %arg7[%dma_start3A_401] : memref<24576xi32, #tpu.memory_space<vmem>> -> memref<128xi32, #tpu.memory_space<vmem>>
    %dma_start3A_403 = arith.constant 0 : i32
    %dma_start3A_404 = tpu.memref_slice %arg11[%dma_start3A_403] : memref<917504xf32, #tpu.memory_space<vmem_shared>> -> memref<917504xf32, #tpu.memory_space<vmem_shared>>
    tpu.enqueue_indirect_dma source(%dma_start3A_404 : memref<917504xf32, #tpu.memory_space<vmem_shared>>) target(%dma_start3A_400 : memref<128xf32, #tpu.memory_space<vmem>>) offsets(%dma_start3A_402 : memref<128xi32, #tpu.memory_space<vmem>>) semaphore(%arg12 : memref<!tpu.dma_semaphore, #tpu.memory_space<semaphore_mem>>)
    %dma_start3A_405 = arith.constant 2176 : i32
    %dma_start3A_406 = tpu.memref_slice %arg8[%dma_start3A_405] : memref<24576xf32, #tpu.memory_space<vmem>> -> memref<128xf32, #tpu.memory_space<vmem>>
    %dma_start3A_407 = arith.constant 2176 : i32
    %dma_start3A_408 = tpu.memref_slice %arg7[%dma_start3A_407] : memref<24576xi32, #tpu.memory_space<vmem>> -> memref<128xi32, #tpu.memory_space<vmem>>
    %dma_start3A_409 = arith.constant 0 : i32
    %dma_start3A_410 = tpu.memref_slice %arg11[%dma_start3A_409] : memref<917504xf32, #tpu.memory_space<vmem_shared>> -> memref<917504xf32, #tpu.memory_space<vmem_shared>>
    tpu.enqueue_indirect_dma source(%dma_start3A_410 : memref<917504xf32, #tpu.memory_space<vmem_shared>>) target(%dma_start3A_406 : memref<128xf32, #tpu.memory_space<vmem>>) offsets(%dma_start3A_408 : memref<128xi32, #tpu.memory_space<vmem>>) semaphore(%arg12 : memref<!tpu.dma_semaphore, #tpu.memory_space<semaphore_mem>>)
    %dma_start3A_411 = arith.constant 2304 : i32
    %dma_start3A_412 = tpu.memref_slice %arg8[%dma_start3A_411] : memref<24576xf32, #tpu.memory_space<vmem>> -> memref<128xf32, #tpu.memory_space<vmem>>
    %dma_start3A_413 = arith.constant 2304 : i32
    %dma_start3A_414 = tpu.memref_slice %arg7[%dma_start3A_413] : memref<24576xi32, #tpu.memory_space<vmem>> -> memref<128xi32, #tpu.memory_space<vmem>>
    %dma_start3A_415 = arith.constant 0 : i32
    %dma_start3A_416 = tpu.memref_slice %arg11[%dma_start3A_415] : memref<917504xf32, #tpu.memory_space<vmem_shared>> -> memref<917504xf32, #tpu.memory_space<vmem_shared>>
    tpu.enqueue_indirect_dma source(%dma_start3A_416 : memref<917504xf32, #tpu.memory_space<vmem_shared>>) target(%dma_start3A_412 : memref<128xf32, #tpu.memory_space<vmem>>) offsets(%dma_start3A_414 : memref<128xi32, #tpu.memory_space<vmem>>) semaphore(%arg12 : memref<!tpu.dma_semaphore, #tpu.memory_space<semaphore_mem>>)
    %dma_start3A_417 = arith.constant 2432 : i32
    %dma_start3A_418 = tpu.memref_slice %arg8[%dma_start3A_417] : memref<24576xf32, #tpu.memory_space<vmem>> -> memref<128xf32, #tpu.memory_space<vmem>>
    %dma_start3A_419 = arith.constant 2432 : i32
    %dma_start3A_420 = tpu.memref_slice %arg7[%dma_start3A_419] : memref<24576xi32, #tpu.memory_space<vmem>> -> memref<128xi32, #tpu.memory_space<vmem>>
    %dma_start3A_421 = arith.constant 0 : i32
    %dma_start3A_422 = tpu.memref_slice %arg11[%dma_start3A_421] : memref<917504xf32, #tpu.memory_space<vmem_shared>> -> memref<917504xf32, #tpu.memory_space<vmem_shared>>
    tpu.enqueue_indirect_dma source(%dma_start3A_422 : memref<917504xf32, #tpu.memory_space<vmem_shared>>) target(%dma_start3A_418 : memref<128xf32, #tpu.memory_space<vmem>>) offsets(%dma_start3A_420 : memref<128xi32, #tpu.memory_space<vmem>>) semaphore(%arg12 : memref<!tpu.dma_semaphore, #tpu.memory_space<semaphore_mem>>)
    %dma_start3A_423 = arith.constant 2560 : i32
    %dma_start3A_424 = tpu.memref_slice %arg8[%dma_start3A_423] : memref<24576xf32, #tpu.memory_space<vmem>> -> memref<128xf32, #tpu.memory_space<vmem>>
    %dma_start3A_425 = arith.constant 2560 : i32
    %dma_start3A_426 = tpu.memref_slice %arg7[%dma_start3A_425] : memref<24576xi32, #tpu.memory_space<vmem>> -> memref<128xi32, #tpu.memory_space<vmem>>
    %dma_start3A_427 = arith.constant 0 : i32
    %dma_start3A_428 = tpu.memref_slice %arg11[%dma_start3A_427] : memref<917504xf32, #tpu.memory_space<vmem_shared>> -> memref<917504xf32, #tpu.memory_space<vmem_shared>>
    tpu.enqueue_indirect_dma source(%dma_start3A_428 : memref<917504xf32, #tpu.memory_space<vmem_shared>>) target(%dma_start3A_424 : memref<128xf32, #tpu.memory_space<vmem>>) offsets(%dma_start3A_426 : memref<128xi32, #tpu.memory_space<vmem>>) semaphore(%arg12 : memref<!tpu.dma_semaphore, #tpu.memory_space<semaphore_mem>>)
    %dma_start3A_429 = arith.constant 2688 : i32
    %dma_start3A_430 = tpu.memref_slice %arg8[%dma_start3A_429] : memref<24576xf32, #tpu.memory_space<vmem>> -> memref<128xf32, #tpu.memory_space<vmem>>
    %dma_start3A_431 = arith.constant 2688 : i32
    %dma_start3A_432 = tpu.memref_slice %arg7[%dma_start3A_431] : memref<24576xi32, #tpu.memory_space<vmem>> -> memref<128xi32, #tpu.memory_space<vmem>>
    %dma_start3A_433 = arith.constant 0 : i32
    %dma_start3A_434 = tpu.memref_slice %arg11[%dma_start3A_433] : memref<917504xf32, #tpu.memory_space<vmem_shared>> -> memref<917504xf32, #tpu.memory_space<vmem_shared>>
    tpu.enqueue_indirect_dma source(%dma_start3A_434 : memref<917504xf32, #tpu.memory_space<vmem_shared>>) target(%dma_start3A_430 : memref<128xf32, #tpu.memory_space<vmem>>) offsets(%dma_start3A_432 : memref<128xi32, #tpu.memory_space<vmem>>) semaphore(%arg12 : memref<!tpu.dma_semaphore, #tpu.memory_space<semaphore_mem>>)
    %dma_start3A_435 = arith.constant 2816 : i32
    %dma_start3A_436 = tpu.memref_slice %arg8[%dma_start3A_435] : memref<24576xf32, #tpu.memory_space<vmem>> -> memref<128xf32, #tpu.memory_space<vmem>>
    %dma_start3A_437 = arith.constant 2816 : i32
    %dma_start3A_438 = tpu.memref_slice %arg7[%dma_start3A_437] : memref<24576xi32, #tpu.memory_space<vmem>> -> memref<128xi32, #tpu.memory_space<vmem>>
    %dma_start3A_439 = arith.constant 0 : i32
    %dma_start3A_440 = tpu.memref_slice %arg11[%dma_start3A_439] : memref<917504xf32, #tpu.memory_space<vmem_shared>> -> memref<917504xf32, #tpu.memory_space<vmem_shared>>
    tpu.enqueue_indirect_dma source(%dma_start3A_440 : memref<917504xf32, #tpu.memory_space<vmem_shared>>) target(%dma_start3A_436 : memref<128xf32, #tpu.memory_space<vmem>>) offsets(%dma_start3A_438 : memref<128xi32, #tpu.memory_space<vmem>>) semaphore(%arg12 : memref<!tpu.dma_semaphore, #tpu.memory_space<semaphore_mem>>)
    %dma_start3A_441 = arith.constant 2944 : i32
    %dma_start3A_442 = tpu.memref_slice %arg8[%dma_start3A_441] : memref<24576xf32, #tpu.memory_space<vmem>> -> memref<128xf32, #tpu.memory_space<vmem>>
    %dma_start3A_443 = arith.constant 2944 : i32
    %dma_start3A_444 = tpu.memref_slice %arg7[%dma_start3A_443] : memref<24576xi32, #tpu.memory_space<vmem>> -> memref<128xi32, #tpu.memory_space<vmem>>
    %dma_start3A_445 = arith.constant 0 : i32
    %dma_start3A_446 = tpu.memref_slice %arg11[%dma_start3A_445] : memref<917504xf32, #tpu.memory_space<vmem_shared>> -> memref<917504xf32, #tpu.memory_space<vmem_shared>>
    tpu.enqueue_indirect_dma source(%dma_start3A_446 : memref<917504xf32, #tpu.memory_space<vmem_shared>>) target(%dma_start3A_442 : memref<128xf32, #tpu.memory_space<vmem>>) offsets(%dma_start3A_444 : memref<128xi32, #tpu.memory_space<vmem>>) semaphore(%arg12 : memref<!tpu.dma_semaphore, #tpu.memory_space<semaphore_mem>>)
    %dma_start3A_447 = arith.constant 3072 : i32
    %dma_start3A_448 = tpu.memref_slice %arg8[%dma_start3A_447] : memref<24576xf32, #tpu.memory_space<vmem>> -> memref<128xf32, #tpu.memory_space<vmem>>
    %dma_start3A_449 = arith.constant 3072 : i32
    %dma_start3A_450 = tpu.memref_slice %arg7[%dma_start3A_449] : memref<24576xi32, #tpu.memory_space<vmem>> -> memref<128xi32, #tpu.memory_space<vmem>>
    %dma_start3A_451 = arith.constant 0 : i32
    %dma_start3A_452 = tpu.memref_slice %arg11[%dma_start3A_451] : memref<917504xf32, #tpu.memory_space<vmem_shared>> -> memref<917504xf32, #tpu.memory_space<vmem_shared>>
    tpu.enqueue_indirect_dma source(%dma_start3A_452 : memref<917504xf32, #tpu.memory_space<vmem_shared>>) target(%dma_start3A_448 : memref<128xf32, #tpu.memory_space<vmem>>) offsets(%dma_start3A_450 : memref<128xi32, #tpu.memory_space<vmem>>) semaphore(%arg12 : memref<!tpu.dma_semaphore, #tpu.memory_space<semaphore_mem>>)
    %dma_start3A_453 = arith.constant 3200 : i32
    %dma_start3A_454 = tpu.memref_slice %arg8[%dma_start3A_453] : memref<24576xf32, #tpu.memory_space<vmem>> -> memref<128xf32, #tpu.memory_space<vmem>>
    %dma_start3A_455 = arith.constant 3200 : i32
    %dma_start3A_456 = tpu.memref_slice %arg7[%dma_start3A_455] : memref<24576xi32, #tpu.memory_space<vmem>> -> memref<128xi32, #tpu.memory_space<vmem>>
    %dma_start3A_457 = arith.constant 0 : i32
    %dma_start3A_458 = tpu.memref_slice %arg11[%dma_start3A_457] : memref<917504xf32, #tpu.memory_space<vmem_shared>> -> memref<917504xf32, #tpu.memory_space<vmem_shared>>
    tpu.enqueue_indirect_dma source(%dma_start3A_458 : memref<917504xf32, #tpu.memory_space<vmem_shared>>) target(%dma_start3A_454 : memref<128xf32, #tpu.memory_space<vmem>>) offsets(%dma_start3A_456 : memref<128xi32, #tpu.memory_space<vmem>>) semaphore(%arg12 : memref<!tpu.dma_semaphore, #tpu.memory_space<semaphore_mem>>)
    %dma_start3A_459 = arith.constant 3328 : i32
    %dma_start3A_460 = tpu.memref_slice %arg8[%dma_start3A_459] : memref<24576xf32, #tpu.memory_space<vmem>> -> memref<128xf32, #tpu.memory_space<vmem>>
    %dma_start3A_461 = arith.constant 3328 : i32
    %dma_start3A_462 = tpu.memref_slice %arg7[%dma_start3A_461] : memref<24576xi32, #tpu.memory_space<vmem>> -> memref<128xi32, #tpu.memory_space<vmem>>
    %dma_start3A_463 = arith.constant 0 : i32
    %dma_start3A_464 = tpu.memref_slice %arg11[%dma_start3A_463] : memref<917504xf32, #tpu.memory_space<vmem_shared>> -> memref<917504xf32, #tpu.memory_space<vmem_shared>>
    tpu.enqueue_indirect_dma source(%dma_start3A_464 : memref<917504xf32, #tpu.memory_space<vmem_shared>>) target(%dma_start3A_460 : memref<128xf32, #tpu.memory_space<vmem>>) offsets(%dma_start3A_462 : memref<128xi32, #tpu.memory_space<vmem>>) semaphore(%arg12 : memref<!tpu.dma_semaphore, #tpu.memory_space<semaphore_mem>>)
    %dma_start3A_465 = arith.constant 3456 : i32
    %dma_start3A_466 = tpu.memref_slice %arg8[%dma_start3A_465] : memref<24576xf32, #tpu.memory_space<vmem>> -> memref<128xf32, #tpu.memory_space<vmem>>
    %dma_start3A_467 = arith.constant 3456 : i32
    %dma_start3A_468 = tpu.memref_slice %arg7[%dma_start3A_467] : memref<24576xi32, #tpu.memory_space<vmem>> -> memref<128xi32, #tpu.memory_space<vmem>>
    %dma_start3A_469 = arith.constant 0 : i32
    %dma_start3A_470 = tpu.memref_slice %arg11[%dma_start3A_469] : memref<917504xf32, #tpu.memory_space<vmem_shared>> -> memref<917504xf32, #tpu.memory_space<vmem_shared>>
    tpu.enqueue_indirect_dma source(%dma_start3A_470 : memref<917504xf32, #tpu.memory_space<vmem_shared>>) target(%dma_start3A_466 : memref<128xf32, #tpu.memory_space<vmem>>) offsets(%dma_start3A_468 : memref<128xi32, #tpu.memory_space<vmem>>) semaphore(%arg12 : memref<!tpu.dma_semaphore, #tpu.memory_space<semaphore_mem>>)
    %dma_start3A_471 = arith.constant 3584 : i32
    %dma_start3A_472 = tpu.memref_slice %arg8[%dma_start3A_471] : memref<24576xf32, #tpu.memory_space<vmem>> -> memref<128xf32, #tpu.memory_space<vmem>>
    %dma_start3A_473 = arith.constant 3584 : i32
    %dma_start3A_474 = tpu.memref_slice %arg7[%dma_start3A_473] : memref<24576xi32, #tpu.memory_space<vmem>> -> memref<128xi32, #tpu.memory_space<vmem>>
    %dma_start3A_475 = arith.constant 0 : i32
    %dma_start3A_476 = tpu.memref_slice %arg11[%dma_start3A_475] : memref<917504xf32, #tpu.memory_space<vmem_shared>> -> memref<917504xf32, #tpu.memory_space<vmem_shared>>
    tpu.enqueue_indirect_dma source(%dma_start3A_476 : memref<917504xf32, #tpu.memory_space<vmem_shared>>) target(%dma_start3A_472 : memref<128xf32, #tpu.memory_space<vmem>>) offsets(%dma_start3A_474 : memref<128xi32, #tpu.memory_space<vmem>>) semaphore(%arg12 : memref<!tpu.dma_semaphore, #tpu.memory_space<semaphore_mem>>)
    %dma_start3A_477 = arith.constant 3712 : i32
    %dma_start3A_478 = tpu.memref_slice %arg8[%dma_start3A_477] : memref<24576xf32, #tpu.memory_space<vmem>> -> memref<128xf32, #tpu.memory_space<vmem>>
    %dma_start3A_479 = arith.constant 3712 : i32
    %dma_start3A_480 = tpu.memref_slice %arg7[%dma_start3A_479] : memref<24576xi32, #tpu.memory_space<vmem>> -> memref<128xi32, #tpu.memory_space<vmem>>
    %dma_start3A_481 = arith.constant 0 : i32
    %dma_start3A_482 = tpu.memref_slice %arg11[%dma_start3A_481] : memref<917504xf32, #tpu.memory_space<vmem_shared>> -> memref<917504xf32, #tpu.memory_space<vmem_shared>>
    tpu.enqueue_indirect_dma source(%dma_start3A_482 : memref<917504xf32, #tpu.memory_space<vmem_shared>>) target(%dma_start3A_478 : memref<128xf32, #tpu.memory_space<vmem>>) offsets(%dma_start3A_480 : memref<128xi32, #tpu.memory_space<vmem>>) semaphore(%arg12 : memref<!tpu.dma_semaphore, #tpu.memory_space<semaphore_mem>>)
    %dma_start3A_483 = arith.constant 3840 : i32
    %dma_start3A_484 = tpu.memref_slice %arg8[%dma_start3A_483] : memref<24576xf32, #tpu.memory_space<vmem>> -> memref<128xf32, #tpu.memory_space<vmem>>
    %dma_start3A_485 = arith.constant 3840 : i32
    %dma_start3A_486 = tpu.memref_slice %arg7[%dma_start3A_485] : memref<24576xi32, #tpu.memory_space<vmem>> -> memref<128xi32, #tpu.memory_space<vmem>>
    %dma_start3A_487 = arith.constant 0 : i32
    %dma_start3A_488 = tpu.memref_slice %arg11[%dma_start3A_487] : memref<917504xf32, #tpu.memory_space<vmem_shared>> -> memref<917504xf32, #tpu.memory_space<vmem_shared>>
    tpu.enqueue_indirect_dma source(%dma_start3A_488 : memref<917504xf32, #tpu.memory_space<vmem_shared>>) target(%dma_start3A_484 : memref<128xf32, #tpu.memory_space<vmem>>) offsets(%dma_start3A_486 : memref<128xi32, #tpu.memory_space<vmem>>) semaphore(%arg12 : memref<!tpu.dma_semaphore, #tpu.memory_space<semaphore_mem>>)
    %dma_start3A_489 = arith.constant 3968 : i32
    %dma_start3A_490 = tpu.memref_slice %arg8[%dma_start3A_489] : memref<24576xf32, #tpu.memory_space<vmem>> -> memref<128xf32, #tpu.memory_space<vmem>>
    %dma_start3A_491 = arith.constant 3968 : i32
    %dma_start3A_492 = tpu.memref_slice %arg7[%dma_start3A_491] : memref<24576xi32, #tpu.memory_space<vmem>> -> memref<128xi32, #tpu.memory_space<vmem>>
    %dma_start3A_493 = arith.constant 0 : i32
    %dma_start3A_494 = tpu.memref_slice %arg11[%dma_start3A_493] : memref<917504xf32, #tpu.memory_space<vmem_shared>> -> memref<917504xf32, #tpu.memory_space<vmem_shared>>
    tpu.enqueue_indirect_dma source(%dma_start3A_494 : memref<917504xf32, #tpu.memory_space<vmem_shared>>) target(%dma_start3A_490 : memref<128xf32, #tpu.memory_space<vmem>>) offsets(%dma_start3A_492 : memref<128xi32, #tpu.memory_space<vmem>>) semaphore(%arg12 : memref<!tpu.dma_semaphore, #tpu.memory_space<semaphore_mem>>)
    %dma_start3A_495 = arith.constant 4096 : i32
    %dma_start3A_496 = tpu.memref_slice %arg8[%dma_start3A_495] : memref<24576xf32, #tpu.memory_space<vmem>> -> memref<128xf32, #tpu.memory_space<vmem>>
    %dma_start3A_497 = arith.constant 4096 : i32
    %dma_start3A_498 = tpu.memref_slice %arg7[%dma_start3A_497] : memref<24576xi32, #tpu.memory_space<vmem>> -> memref<128xi32, #tpu.memory_space<vmem>>
    %dma_start3A_499 = arith.constant 0 : i32
    %dma_start3A_500 = tpu.memref_slice %arg11[%dma_start3A_499] : memref<917504xf32, #tpu.memory_space<vmem_shared>> -> memref<917504xf32, #tpu.memory_space<vmem_shared>>
    tpu.enqueue_indirect_dma source(%dma_start3A_500 : memref<917504xf32, #tpu.memory_space<vmem_shared>>) target(%dma_start3A_496 : memref<128xf32, #tpu.memory_space<vmem>>) offsets(%dma_start3A_498 : memref<128xi32, #tpu.memory_space<vmem>>) semaphore(%arg12 : memref<!tpu.dma_semaphore, #tpu.memory_space<semaphore_mem>>)
    %dma_start3A_501 = arith.constant 4224 : i32
    %dma_start3A_502 = tpu.memref_slice %arg8[%dma_start3A_501] : memref<24576xf32, #tpu.memory_space<vmem>> -> memref<128xf32, #tpu.memory_space<vmem>>
    %dma_start3A_503 = arith.constant 4224 : i32
    %dma_start3A_504 = tpu.memref_slice %arg7[%dma_start3A_503] : memref<24576xi32, #tpu.memory_space<vmem>> -> memref<128xi32, #tpu.memory_space<vmem>>
    %dma_start3A_505 = arith.constant 0 : i32
    %dma_start3A_506 = tpu.memref_slice %arg11[%dma_start3A_505] : memref<917504xf32, #tpu.memory_space<vmem_shared>> -> memref<917504xf32, #tpu.memory_space<vmem_shared>>
    tpu.enqueue_indirect_dma source(%dma_start3A_506 : memref<917504xf32, #tpu.memory_space<vmem_shared>>) target(%dma_start3A_502 : memref<128xf32, #tpu.memory_space<vmem>>) offsets(%dma_start3A_504 : memref<128xi32, #tpu.memory_space<vmem>>) semaphore(%arg12 : memref<!tpu.dma_semaphore, #tpu.memory_space<semaphore_mem>>)
    %dma_start3A_507 = arith.constant 4352 : i32
    %dma_start3A_508 = tpu.memref_slice %arg8[%dma_start3A_507] : memref<24576xf32, #tpu.memory_space<vmem>> -> memref<128xf32, #tpu.memory_space<vmem>>
    %dma_start3A_509 = arith.constant 4352 : i32
    %dma_start3A_510 = tpu.memref_slice %arg7[%dma_start3A_509] : memref<24576xi32, #tpu.memory_space<vmem>> -> memref<128xi32, #tpu.memory_space<vmem>>
    %dma_start3A_511 = arith.constant 0 : i32
    %dma_start3A_512 = tpu.memref_slice %arg11[%dma_start3A_511] : memref<917504xf32, #tpu.memory_space<vmem_shared>> -> memref<917504xf32, #tpu.memory_space<vmem_shared>>
    tpu.enqueue_indirect_dma source(%dma_start3A_512 : memref<917504xf32, #tpu.memory_space<vmem_shared>>) target(%dma_start3A_508 : memref<128xf32, #tpu.memory_space<vmem>>) offsets(%dma_start3A_510 : memref<128xi32, #tpu.memory_space<vmem>>) semaphore(%arg12 : memref<!tpu.dma_semaphore, #tpu.memory_space<semaphore_mem>>)
    %dma_start3A_513 = arith.constant 4480 : i32
    %dma_start3A_514 = tpu.memref_slice %arg8[%dma_start3A_513] : memref<24576xf32, #tpu.memory_space<vmem>> -> memref<128xf32, #tpu.memory_space<vmem>>
    %dma_start3A_515 = arith.constant 4480 : i32
    %dma_start3A_516 = tpu.memref_slice %arg7[%dma_start3A_515] : memref<24576xi32, #tpu.memory_space<vmem>> -> memref<128xi32, #tpu.memory_space<vmem>>
    %dma_start3A_517 = arith.constant 0 : i32
    %dma_start3A_518 = tpu.memref_slice %arg11[%dma_start3A_517] : memref<917504xf32, #tpu.memory_space<vmem_shared>> -> memref<917504xf32, #tpu.memory_space<vmem_shared>>
    tpu.enqueue_indirect_dma source(%dma_start3A_518 : memref<917504xf32, #tpu.memory_space<vmem_shared>>) target(%dma_start3A_514 : memref<128xf32, #tpu.memory_space<vmem>>) offsets(%dma_start3A_516 : memref<128xi32, #tpu.memory_space<vmem>>) semaphore(%arg12 : memref<!tpu.dma_semaphore, #tpu.memory_space<semaphore_mem>>)
    %dma_start3A_519 = arith.constant 4608 : i32
    %dma_start3A_520 = tpu.memref_slice %arg8[%dma_start3A_519] : memref<24576xf32, #tpu.memory_space<vmem>> -> memref<128xf32, #tpu.memory_space<vmem>>
    %dma_start3A_521 = arith.constant 4608 : i32
    %dma_start3A_522 = tpu.memref_slice %arg7[%dma_start3A_521] : memref<24576xi32, #tpu.memory_space<vmem>> -> memref<128xi32, #tpu.memory_space<vmem>>
    %dma_start3A_523 = arith.constant 0 : i32
    %dma_start3A_524 = tpu.memref_slice %arg11[%dma_start3A_523] : memref<917504xf32, #tpu.memory_space<vmem_shared>> -> memref<917504xf32, #tpu.memory_space<vmem_shared>>
    tpu.enqueue_indirect_dma source(%dma_start3A_524 : memref<917504xf32, #tpu.memory_space<vmem_shared>>) target(%dma_start3A_520 : memref<128xf32, #tpu.memory_space<vmem>>) offsets(%dma_start3A_522 : memref<128xi32, #tpu.memory_space<vmem>>) semaphore(%arg12 : memref<!tpu.dma_semaphore, #tpu.memory_space<semaphore_mem>>)
    %dma_start3A_525 = arith.constant 4736 : i32
    %dma_start3A_526 = tpu.memref_slice %arg8[%dma_start3A_525] : memref<24576xf32, #tpu.memory_space<vmem>> -> memref<128xf32, #tpu.memory_space<vmem>>
    %dma_start3A_527 = arith.constant 4736 : i32
    %dma_start3A_528 = tpu.memref_slice %arg7[%dma_start3A_527] : memref<24576xi32, #tpu.memory_space<vmem>> -> memref<128xi32, #tpu.memory_space<vmem>>
    %dma_start3A_529 = arith.constant 0 : i32
    %dma_start3A_530 = tpu.memref_slice %arg11[%dma_start3A_529] : memref<917504xf32, #tpu.memory_space<vmem_shared>> -> memref<917504xf32, #tpu.memory_space<vmem_shared>>
    tpu.enqueue_indirect_dma source(%dma_start3A_530 : memref<917504xf32, #tpu.memory_space<vmem_shared>>) target(%dma_start3A_526 : memref<128xf32, #tpu.memory_space<vmem>>) offsets(%dma_start3A_528 : memref<128xi32, #tpu.memory_space<vmem>>) semaphore(%arg12 : memref<!tpu.dma_semaphore, #tpu.memory_space<semaphore_mem>>)
    %dma_start3A_531 = arith.constant 4864 : i32
    %dma_start3A_532 = tpu.memref_slice %arg8[%dma_start3A_531] : memref<24576xf32, #tpu.memory_space<vmem>> -> memref<128xf32, #tpu.memory_space<vmem>>
    %dma_start3A_533 = arith.constant 4864 : i32
    %dma_start3A_534 = tpu.memref_slice %arg7[%dma_start3A_533] : memref<24576xi32, #tpu.memory_space<vmem>> -> memref<128xi32, #tpu.memory_space<vmem>>
    %dma_start3A_535 = arith.constant 0 : i32
    %dma_start3A_536 = tpu.memref_slice %arg11[%dma_start3A_535] : memref<917504xf32, #tpu.memory_space<vmem_shared>> -> memref<917504xf32, #tpu.memory_space<vmem_shared>>
    tpu.enqueue_indirect_dma source(%dma_start3A_536 : memref<917504xf32, #tpu.memory_space<vmem_shared>>) target(%dma_start3A_532 : memref<128xf32, #tpu.memory_space<vmem>>) offsets(%dma_start3A_534 : memref<128xi32, #tpu.memory_space<vmem>>) semaphore(%arg12 : memref<!tpu.dma_semaphore, #tpu.memory_space<semaphore_mem>>)
    %dma_start3A_537 = arith.constant 4992 : i32
    %dma_start3A_538 = tpu.memref_slice %arg8[%dma_start3A_537] : memref<24576xf32, #tpu.memory_space<vmem>> -> memref<128xf32, #tpu.memory_space<vmem>>
    %dma_start3A_539 = arith.constant 4992 : i32
    %dma_start3A_540 = tpu.memref_slice %arg7[%dma_start3A_539] : memref<24576xi32, #tpu.memory_space<vmem>> -> memref<128xi32, #tpu.memory_space<vmem>>
    %dma_start3A_541 = arith.constant 0 : i32
    %dma_start3A_542 = tpu.memref_slice %arg11[%dma_start3A_541] : memref<917504xf32, #tpu.memory_space<vmem_shared>> -> memref<917504xf32, #tpu.memory_space<vmem_shared>>
    tpu.enqueue_indirect_dma source(%dma_start3A_542 : memref<917504xf32, #tpu.memory_space<vmem_shared>>) target(%dma_start3A_538 : memref<128xf32, #tpu.memory_space<vmem>>) offsets(%dma_start3A_540 : memref<128xi32, #tpu.memory_space<vmem>>) semaphore(%arg12 : memref<!tpu.dma_semaphore, #tpu.memory_space<semaphore_mem>>)
    %dma_start3A_543 = arith.constant 5120 : i32
    %dma_start3A_544 = tpu.memref_slice %arg8[%dma_start3A_543] : memref<24576xf32, #tpu.memory_space<vmem>> -> memref<128xf32, #tpu.memory_space<vmem>>
    %dma_start3A_545 = arith.constant 5120 : i32
    %dma_start3A_546 = tpu.memref_slice %arg7[%dma_start3A_545] : memref<24576xi32, #tpu.memory_space<vmem>> -> memref<128xi32, #tpu.memory_space<vmem>>
    %dma_start3A_547 = arith.constant 0 : i32
    %dma_start3A_548 = tpu.memref_slice %arg11[%dma_start3A_547] : memref<917504xf32, #tpu.memory_space<vmem_shared>> -> memref<917504xf32, #tpu.memory_space<vmem_shared>>
    tpu.enqueue_indirect_dma source(%dma_start3A_548 : memref<917504xf32, #tpu.memory_space<vmem_shared>>) target(%dma_start3A_544 : memref<128xf32, #tpu.memory_space<vmem>>) offsets(%dma_start3A_546 : memref<128xi32, #tpu.memory_space<vmem>>) semaphore(%arg12 : memref<!tpu.dma_semaphore, #tpu.memory_space<semaphore_mem>>)
    %dma_start3A_549 = arith.constant 5248 : i32
    %dma_start3A_550 = tpu.memref_slice %arg8[%dma_start3A_549] : memref<24576xf32, #tpu.memory_space<vmem>> -> memref<128xf32, #tpu.memory_space<vmem>>
    %dma_start3A_551 = arith.constant 5248 : i32
    %dma_start3A_552 = tpu.memref_slice %arg7[%dma_start3A_551] : memref<24576xi32, #tpu.memory_space<vmem>> -> memref<128xi32, #tpu.memory_space<vmem>>
    %dma_start3A_553 = arith.constant 0 : i32
    %dma_start3A_554 = tpu.memref_slice %arg11[%dma_start3A_553] : memref<917504xf32, #tpu.memory_space<vmem_shared>> -> memref<917504xf32, #tpu.memory_space<vmem_shared>>
    tpu.enqueue_indirect_dma source(%dma_start3A_554 : memref<917504xf32, #tpu.memory_space<vmem_shared>>) target(%dma_start3A_550 : memref<128xf32, #tpu.memory_space<vmem>>) offsets(%dma_start3A_552 : memref<128xi32, #tpu.memory_space<vmem>>) semaphore(%arg12 : memref<!tpu.dma_semaphore, #tpu.memory_space<semaphore_mem>>)
    %dma_start3A_555 = arith.constant 5376 : i32
    %dma_start3A_556 = tpu.memref_slice %arg8[%dma_start3A_555] : memref<24576xf32, #tpu.memory_space<vmem>> -> memref<128xf32, #tpu.memory_space<vmem>>
    %dma_start3A_557 = arith.constant 5376 : i32
    %dma_start3A_558 = tpu.memref_slice %arg7[%dma_start3A_557] : memref<24576xi32, #tpu.memory_space<vmem>> -> memref<128xi32, #tpu.memory_space<vmem>>
    %dma_start3A_559 = arith.constant 0 : i32
    %dma_start3A_560 = tpu.memref_slice %arg11[%dma_start3A_559] : memref<917504xf32, #tpu.memory_space<vmem_shared>> -> memref<917504xf32, #tpu.memory_space<vmem_shared>>
    tpu.enqueue_indirect_dma source(%dma_start3A_560 : memref<917504xf32, #tpu.memory_space<vmem_shared>>) target(%dma_start3A_556 : memref<128xf32, #tpu.memory_space<vmem>>) offsets(%dma_start3A_558 : memref<128xi32, #tpu.memory_space<vmem>>) semaphore(%arg12 : memref<!tpu.dma_semaphore, #tpu.memory_space<semaphore_mem>>)
    %dma_start3A_561 = arith.constant 5504 : i32
    %dma_start3A_562 = tpu.memref_slice %arg8[%dma_start3A_561] : memref<24576xf32, #tpu.memory_space<vmem>> -> memref<128xf32, #tpu.memory_space<vmem>>
    %dma_start3A_563 = arith.constant 5504 : i32
    %dma_start3A_564 = tpu.memref_slice %arg7[%dma_start3A_563] : memref<24576xi32, #tpu.memory_space<vmem>> -> memref<128xi32, #tpu.memory_space<vmem>>
    %dma_start3A_565 = arith.constant 0 : i32
    %dma_start3A_566 = tpu.memref_slice %arg11[%dma_start3A_565] : memref<917504xf32, #tpu.memory_space<vmem_shared>> -> memref<917504xf32, #tpu.memory_space<vmem_shared>>
    tpu.enqueue_indirect_dma source(%dma_start3A_566 : memref<917504xf32, #tpu.memory_space<vmem_shared>>) target(%dma_start3A_562 : memref<128xf32, #tpu.memory_space<vmem>>) offsets(%dma_start3A_564 : memref<128xi32, #tpu.memory_space<vmem>>) semaphore(%arg12 : memref<!tpu.dma_semaphore, #tpu.memory_space<semaphore_mem>>)
    %dma_start3A_567 = arith.constant 5632 : i32
    %dma_start3A_568 = tpu.memref_slice %arg8[%dma_start3A_567] : memref<24576xf32, #tpu.memory_space<vmem>> -> memref<128xf32, #tpu.memory_space<vmem>>
    %dma_start3A_569 = arith.constant 5632 : i32
    %dma_start3A_570 = tpu.memref_slice %arg7[%dma_start3A_569] : memref<24576xi32, #tpu.memory_space<vmem>> -> memref<128xi32, #tpu.memory_space<vmem>>
    %dma_start3A_571 = arith.constant 0 : i32
    %dma_start3A_572 = tpu.memref_slice %arg11[%dma_start3A_571] : memref<917504xf32, #tpu.memory_space<vmem_shared>> -> memref<917504xf32, #tpu.memory_space<vmem_shared>>
    tpu.enqueue_indirect_dma source(%dma_start3A_572 : memref<917504xf32, #tpu.memory_space<vmem_shared>>) target(%dma_start3A_568 : memref<128xf32, #tpu.memory_space<vmem>>) offsets(%dma_start3A_570 : memref<128xi32, #tpu.memory_space<vmem>>) semaphore(%arg12 : memref<!tpu.dma_semaphore, #tpu.memory_space<semaphore_mem>>)
    %dma_start3A_573 = arith.constant 5760 : i32
    %dma_start3A_574 = tpu.memref_slice %arg8[%dma_start3A_573] : memref<24576xf32, #tpu.memory_space<vmem>> -> memref<128xf32, #tpu.memory_space<vmem>>
    %dma_start3A_575 = arith.constant 5760 : i32
    %dma_start3A_576 = tpu.memref_slice %arg7[%dma_start3A_575] : memref<24576xi32, #tpu.memory_space<vmem>> -> memref<128xi32, #tpu.memory_space<vmem>>
    %dma_start3A_577 = arith.constant 0 : i32
    %dma_start3A_578 = tpu.memref_slice %arg11[%dma_start3A_577] : memref<917504xf32, #tpu.memory_space<vmem_shared>> -> memref<917504xf32, #tpu.memory_space<vmem_shared>>
    tpu.enqueue_indirect_dma source(%dma_start3A_578 : memref<917504xf32, #tpu.memory_space<vmem_shared>>) target(%dma_start3A_574 : memref<128xf32, #tpu.memory_space<vmem>>) offsets(%dma_start3A_576 : memref<128xi32, #tpu.memory_space<vmem>>) semaphore(%arg12 : memref<!tpu.dma_semaphore, #tpu.memory_space<semaphore_mem>>)
    %dma_start3A_579 = arith.constant 5888 : i32
    %dma_start3A_580 = tpu.memref_slice %arg8[%dma_start3A_579] : memref<24576xf32, #tpu.memory_space<vmem>> -> memref<128xf32, #tpu.memory_space<vmem>>
    %dma_start3A_581 = arith.constant 5888 : i32
    %dma_start3A_582 = tpu.memref_slice %arg7[%dma_start3A_581] : memref<24576xi32, #tpu.memory_space<vmem>> -> memref<128xi32, #tpu.memory_space<vmem>>
    %dma_start3A_583 = arith.constant 0 : i32
    %dma_start3A_584 = tpu.memref_slice %arg11[%dma_start3A_583] : memref<917504xf32, #tpu.memory_space<vmem_shared>> -> memref<917504xf32, #tpu.memory_space<vmem_shared>>
    tpu.enqueue_indirect_dma source(%dma_start3A_584 : memref<917504xf32, #tpu.memory_space<vmem_shared>>) target(%dma_start3A_580 : memref<128xf32, #tpu.memory_space<vmem>>) offsets(%dma_start3A_582 : memref<128xi32, #tpu.memory_space<vmem>>) semaphore(%arg12 : memref<!tpu.dma_semaphore, #tpu.memory_space<semaphore_mem>>)
    %dma_start3A_585 = arith.constant 6016 : i32
    %dma_start3A_586 = tpu.memref_slice %arg8[%dma_start3A_585] : memref<24576xf32, #tpu.memory_space<vmem>> -> memref<128xf32, #tpu.memory_space<vmem>>
    %dma_start3A_587 = arith.constant 6016 : i32
    %dma_start3A_588 = tpu.memref_slice %arg7[%dma_start3A_587] : memref<24576xi32, #tpu.memory_space<vmem>> -> memref<128xi32, #tpu.memory_space<vmem>>
    %dma_start3A_589 = arith.constant 0 : i32
    %dma_start3A_590 = tpu.memref_slice %arg11[%dma_start3A_589] : memref<917504xf32, #tpu.memory_space<vmem_shared>> -> memref<917504xf32, #tpu.memory_space<vmem_shared>>
    tpu.enqueue_indirect_dma source(%dma_start3A_590 : memref<917504xf32, #tpu.memory_space<vmem_shared>>) target(%dma_start3A_586 : memref<128xf32, #tpu.memory_space<vmem>>) offsets(%dma_start3A_588 : memref<128xi32, #tpu.memory_space<vmem>>) semaphore(%arg12 : memref<!tpu.dma_semaphore, #tpu.memory_space<semaphore_mem>>)
    %dma_start3A_591 = arith.constant 6144 : i32
    %dma_start3A_592 = tpu.memref_slice %arg8[%dma_start3A_591] : memref<24576xf32, #tpu.memory_space<vmem>> -> memref<128xf32, #tpu.memory_space<vmem>>
    %dma_start3A_593 = arith.constant 6144 : i32
    %dma_start3A_594 = tpu.memref_slice %arg7[%dma_start3A_593] : memref<24576xi32, #tpu.memory_space<vmem>> -> memref<128xi32, #tpu.memory_space<vmem>>
    %dma_start3A_595 = arith.constant 0 : i32
    %dma_start3A_596 = tpu.memref_slice %arg11[%dma_start3A_595] : memref<917504xf32, #tpu.memory_space<vmem_shared>> -> memref<917504xf32, #tpu.memory_space<vmem_shared>>
    tpu.enqueue_indirect_dma source(%dma_start3A_596 : memref<917504xf32, #tpu.memory_space<vmem_shared>>) target(%dma_start3A_592 : memref<128xf32, #tpu.memory_space<vmem>>) offsets(%dma_start3A_594 : memref<128xi32, #tpu.memory_space<vmem>>) semaphore(%arg12 : memref<!tpu.dma_semaphore, #tpu.memory_space<semaphore_mem>>)
    %dma_start3A_597 = arith.constant 6272 : i32
    %dma_start3A_598 = tpu.memref_slice %arg8[%dma_start3A_597] : memref<24576xf32, #tpu.memory_space<vmem>> -> memref<128xf32, #tpu.memory_space<vmem>>
    %dma_start3A_599 = arith.constant 6272 : i32
    %dma_start3A_600 = tpu.memref_slice %arg7[%dma_start3A_599] : memref<24576xi32, #tpu.memory_space<vmem>> -> memref<128xi32, #tpu.memory_space<vmem>>
    %dma_start3A_601 = arith.constant 0 : i32
    %dma_start3A_602 = tpu.memref_slice %arg11[%dma_start3A_601] : memref<917504xf32, #tpu.memory_space<vmem_shared>> -> memref<917504xf32, #tpu.memory_space<vmem_shared>>
    tpu.enqueue_indirect_dma source(%dma_start3A_602 : memref<917504xf32, #tpu.memory_space<vmem_shared>>) target(%dma_start3A_598 : memref<128xf32, #tpu.memory_space<vmem>>) offsets(%dma_start3A_600 : memref<128xi32, #tpu.memory_space<vmem>>) semaphore(%arg12 : memref<!tpu.dma_semaphore, #tpu.memory_space<semaphore_mem>>)
    %dma_start3A_603 = arith.constant 6400 : i32
    %dma_start3A_604 = tpu.memref_slice %arg8[%dma_start3A_603] : memref<24576xf32, #tpu.memory_space<vmem>> -> memref<128xf32, #tpu.memory_space<vmem>>
    %dma_start3A_605 = arith.constant 6400 : i32
    %dma_start3A_606 = tpu.memref_slice %arg7[%dma_start3A_605] : memref<24576xi32, #tpu.memory_space<vmem>> -> memref<128xi32, #tpu.memory_space<vmem>>
    %dma_start3A_607 = arith.constant 0 : i32
    %dma_start3A_608 = tpu.memref_slice %arg11[%dma_start3A_607] : memref<917504xf32, #tpu.memory_space<vmem_shared>> -> memref<917504xf32, #tpu.memory_space<vmem_shared>>
    tpu.enqueue_indirect_dma source(%dma_start3A_608 : memref<917504xf32, #tpu.memory_space<vmem_shared>>) target(%dma_start3A_604 : memref<128xf32, #tpu.memory_space<vmem>>) offsets(%dma_start3A_606 : memref<128xi32, #tpu.memory_space<vmem>>) semaphore(%arg12 : memref<!tpu.dma_semaphore, #tpu.memory_space<semaphore_mem>>)
    %dma_start3A_609 = arith.constant 6528 : i32
    %dma_start3A_610 = tpu.memref_slice %arg8[%dma_start3A_609] : memref<24576xf32, #tpu.memory_space<vmem>> -> memref<128xf32, #tpu.memory_space<vmem>>
    %dma_start3A_611 = arith.constant 6528 : i32
    %dma_start3A_612 = tpu.memref_slice %arg7[%dma_start3A_611] : memref<24576xi32, #tpu.memory_space<vmem>> -> memref<128xi32, #tpu.memory_space<vmem>>
    %dma_start3A_613 = arith.constant 0 : i32
    %dma_start3A_614 = tpu.memref_slice %arg11[%dma_start3A_613] : memref<917504xf32, #tpu.memory_space<vmem_shared>> -> memref<917504xf32, #tpu.memory_space<vmem_shared>>
    tpu.enqueue_indirect_dma source(%dma_start3A_614 : memref<917504xf32, #tpu.memory_space<vmem_shared>>) target(%dma_start3A_610 : memref<128xf32, #tpu.memory_space<vmem>>) offsets(%dma_start3A_612 : memref<128xi32, #tpu.memory_space<vmem>>) semaphore(%arg12 : memref<!tpu.dma_semaphore, #tpu.memory_space<semaphore_mem>>)
    %dma_start3A_615 = arith.constant 6656 : i32
    %dma_start3A_616 = tpu.memref_slice %arg8[%dma_start3A_615] : memref<24576xf32, #tpu.memory_space<vmem>> -> memref<128xf32, #tpu.memory_space<vmem>>
    %dma_start3A_617 = arith.constant 6656 : i32
    %dma_start3A_618 = tpu.memref_slice %arg7[%dma_start3A_617] : memref<24576xi32, #tpu.memory_space<vmem>> -> memref<128xi32, #tpu.memory_space<vmem>>
    %dma_start3A_619 = arith.constant 0 : i32
    %dma_start3A_620 = tpu.memref_slice %arg11[%dma_start3A_619] : memref<917504xf32, #tpu.memory_space<vmem_shared>> -> memref<917504xf32, #tpu.memory_space<vmem_shared>>
    tpu.enqueue_indirect_dma source(%dma_start3A_620 : memref<917504xf32, #tpu.memory_space<vmem_shared>>) target(%dma_start3A_616 : memref<128xf32, #tpu.memory_space<vmem>>) offsets(%dma_start3A_618 : memref<128xi32, #tpu.memory_space<vmem>>) semaphore(%arg12 : memref<!tpu.dma_semaphore, #tpu.memory_space<semaphore_mem>>)
    %dma_start3A_621 = arith.constant 6784 : i32
    %dma_start3A_622 = tpu.memref_slice %arg8[%dma_start3A_621] : memref<24576xf32, #tpu.memory_space<vmem>> -> memref<128xf32, #tpu.memory_space<vmem>>
    %dma_start3A_623 = arith.constant 6784 : i32
    %dma_start3A_624 = tpu.memref_slice %arg7[%dma_start3A_623] : memref<24576xi32, #tpu.memory_space<vmem>> -> memref<128xi32, #tpu.memory_space<vmem>>
    %dma_start3A_625 = arith.constant 0 : i32
    %dma_start3A_626 = tpu.memref_slice %arg11[%dma_start3A_625] : memref<917504xf32, #tpu.memory_space<vmem_shared>> -> memref<917504xf32, #tpu.memory_space<vmem_shared>>
    tpu.enqueue_indirect_dma source(%dma_start3A_626 : memref<917504xf32, #tpu.memory_space<vmem_shared>>) target(%dma_start3A_622 : memref<128xf32, #tpu.memory_space<vmem>>) offsets(%dma_start3A_624 : memref<128xi32, #tpu.memory_space<vmem>>) semaphore(%arg12 : memref<!tpu.dma_semaphore, #tpu.memory_space<semaphore_mem>>)
    %dma_start3A_627 = arith.constant 6912 : i32
    %dma_start3A_628 = tpu.memref_slice %arg8[%dma_start3A_627] : memref<24576xf32, #tpu.memory_space<vmem>> -> memref<128xf32, #tpu.memory_space<vmem>>
    %dma_start3A_629 = arith.constant 6912 : i32
    %dma_start3A_630 = tpu.memref_slice %arg7[%dma_start3A_629] : memref<24576xi32, #tpu.memory_space<vmem>> -> memref<128xi32, #tpu.memory_space<vmem>>
    %dma_start3A_631 = arith.constant 0 : i32
    %dma_start3A_632 = tpu.memref_slice %arg11[%dma_start3A_631] : memref<917504xf32, #tpu.memory_space<vmem_shared>> -> memref<917504xf32, #tpu.memory_space<vmem_shared>>
    tpu.enqueue_indirect_dma source(%dma_start3A_632 : memref<917504xf32, #tpu.memory_space<vmem_shared>>) target(%dma_start3A_628 : memref<128xf32, #tpu.memory_space<vmem>>) offsets(%dma_start3A_630 : memref<128xi32, #tpu.memory_space<vmem>>) semaphore(%arg12 : memref<!tpu.dma_semaphore, #tpu.memory_space<semaphore_mem>>)
    %dma_start3A_633 = arith.constant 7040 : i32
    %dma_start3A_634 = tpu.memref_slice %arg8[%dma_start3A_633] : memref<24576xf32, #tpu.memory_space<vmem>> -> memref<128xf32, #tpu.memory_space<vmem>>
    %dma_start3A_635 = arith.constant 7040 : i32
    %dma_start3A_636 = tpu.memref_slice %arg7[%dma_start3A_635] : memref<24576xi32, #tpu.memory_space<vmem>> -> memref<128xi32, #tpu.memory_space<vmem>>
    %dma_start3A_637 = arith.constant 0 : i32
    %dma_start3A_638 = tpu.memref_slice %arg11[%dma_start3A_637] : memref<917504xf32, #tpu.memory_space<vmem_shared>> -> memref<917504xf32, #tpu.memory_space<vmem_shared>>
    tpu.enqueue_indirect_dma source(%dma_start3A_638 : memref<917504xf32, #tpu.memory_space<vmem_shared>>) target(%dma_start3A_634 : memref<128xf32, #tpu.memory_space<vmem>>) offsets(%dma_start3A_636 : memref<128xi32, #tpu.memory_space<vmem>>) semaphore(%arg12 : memref<!tpu.dma_semaphore, #tpu.memory_space<semaphore_mem>>)
    %dma_start3A_639 = arith.constant 7168 : i32
    %dma_start3A_640 = tpu.memref_slice %arg8[%dma_start3A_639] : memref<24576xf32, #tpu.memory_space<vmem>> -> memref<128xf32, #tpu.memory_space<vmem>>
    %dma_start3A_641 = arith.constant 7168 : i32
    %dma_start3A_642 = tpu.memref_slice %arg7[%dma_start3A_641] : memref<24576xi32, #tpu.memory_space<vmem>> -> memref<128xi32, #tpu.memory_space<vmem>>
    %dma_start3A_643 = arith.constant 0 : i32
    %dma_start3A_644 = tpu.memref_slice %arg11[%dma_start3A_643] : memref<917504xf32, #tpu.memory_space<vmem_shared>> -> memref<917504xf32, #tpu.memory_space<vmem_shared>>
    tpu.enqueue_indirect_dma source(%dma_start3A_644 : memref<917504xf32, #tpu.memory_space<vmem_shared>>) target(%dma_start3A_640 : memref<128xf32, #tpu.memory_space<vmem>>) offsets(%dma_start3A_642 : memref<128xi32, #tpu.memory_space<vmem>>) semaphore(%arg12 : memref<!tpu.dma_semaphore, #tpu.memory_space<semaphore_mem>>)
    %dma_start3A_645 = arith.constant 7296 : i32
    %dma_start3A_646 = tpu.memref_slice %arg8[%dma_start3A_645] : memref<24576xf32, #tpu.memory_space<vmem>> -> memref<128xf32, #tpu.memory_space<vmem>>
    %dma_start3A_647 = arith.constant 7296 : i32
    %dma_start3A_648 = tpu.memref_slice %arg7[%dma_start3A_647] : memref<24576xi32, #tpu.memory_space<vmem>> -> memref<128xi32, #tpu.memory_space<vmem>>
    %dma_start3A_649 = arith.constant 0 : i32
    %dma_start3A_650 = tpu.memref_slice %arg11[%dma_start3A_649] : memref<917504xf32, #tpu.memory_space<vmem_shared>> -> memref<917504xf32, #tpu.memory_space<vmem_shared>>
    tpu.enqueue_indirect_dma source(%dma_start3A_650 : memref<917504xf32, #tpu.memory_space<vmem_shared>>) target(%dma_start3A_646 : memref<128xf32, #tpu.memory_space<vmem>>) offsets(%dma_start3A_648 : memref<128xi32, #tpu.memory_space<vmem>>) semaphore(%arg12 : memref<!tpu.dma_semaphore, #tpu.memory_space<semaphore_mem>>)
    %dma_start3A_651 = arith.constant 7424 : i32
    %dma_start3A_652 = tpu.memref_slice %arg8[%dma_start3A_651] : memref<24576xf32, #tpu.memory_space<vmem>> -> memref<128xf32, #tpu.memory_space<vmem>>
    %dma_start3A_653 = arith.constant 7424 : i32
    %dma_start3A_654 = tpu.memref_slice %arg7[%dma_start3A_653] : memref<24576xi32, #tpu.memory_space<vmem>> -> memref<128xi32, #tpu.memory_space<vmem>>
    %dma_start3A_655 = arith.constant 0 : i32
    %dma_start3A_656 = tpu.memref_slice %arg11[%dma_start3A_655] : memref<917504xf32, #tpu.memory_space<vmem_shared>> -> memref<917504xf32, #tpu.memory_space<vmem_shared>>
    tpu.enqueue_indirect_dma source(%dma_start3A_656 : memref<917504xf32, #tpu.memory_space<vmem_shared>>) target(%dma_start3A_652 : memref<128xf32, #tpu.memory_space<vmem>>) offsets(%dma_start3A_654 : memref<128xi32, #tpu.memory_space<vmem>>) semaphore(%arg12 : memref<!tpu.dma_semaphore, #tpu.memory_space<semaphore_mem>>)
    %dma_start3A_657 = arith.constant 7552 : i32
    %dma_start3A_658 = tpu.memref_slice %arg8[%dma_start3A_657] : memref<24576xf32, #tpu.memory_space<vmem>> -> memref<128xf32, #tpu.memory_space<vmem>>
    %dma_start3A_659 = arith.constant 7552 : i32
    %dma_start3A_660 = tpu.memref_slice %arg7[%dma_start3A_659] : memref<24576xi32, #tpu.memory_space<vmem>> -> memref<128xi32, #tpu.memory_space<vmem>>
    %dma_start3A_661 = arith.constant 0 : i32
    %dma_start3A_662 = tpu.memref_slice %arg11[%dma_start3A_661] : memref<917504xf32, #tpu.memory_space<vmem_shared>> -> memref<917504xf32, #tpu.memory_space<vmem_shared>>
    tpu.enqueue_indirect_dma source(%dma_start3A_662 : memref<917504xf32, #tpu.memory_space<vmem_shared>>) target(%dma_start3A_658 : memref<128xf32, #tpu.memory_space<vmem>>) offsets(%dma_start3A_660 : memref<128xi32, #tpu.memory_space<vmem>>) semaphore(%arg12 : memref<!tpu.dma_semaphore, #tpu.memory_space<semaphore_mem>>)
    %dma_start3A_663 = arith.constant 7680 : i32
    %dma_start3A_664 = tpu.memref_slice %arg8[%dma_start3A_663] : memref<24576xf32, #tpu.memory_space<vmem>> -> memref<128xf32, #tpu.memory_space<vmem>>
    %dma_start3A_665 = arith.constant 7680 : i32
    %dma_start3A_666 = tpu.memref_slice %arg7[%dma_start3A_665] : memref<24576xi32, #tpu.memory_space<vmem>> -> memref<128xi32, #tpu.memory_space<vmem>>
    %dma_start3A_667 = arith.constant 0 : i32
    %dma_start3A_668 = tpu.memref_slice %arg11[%dma_start3A_667] : memref<917504xf32, #tpu.memory_space<vmem_shared>> -> memref<917504xf32, #tpu.memory_space<vmem_shared>>
    tpu.enqueue_indirect_dma source(%dma_start3A_668 : memref<917504xf32, #tpu.memory_space<vmem_shared>>) target(%dma_start3A_664 : memref<128xf32, #tpu.memory_space<vmem>>) offsets(%dma_start3A_666 : memref<128xi32, #tpu.memory_space<vmem>>) semaphore(%arg12 : memref<!tpu.dma_semaphore, #tpu.memory_space<semaphore_mem>>)
    %dma_start3A_669 = arith.constant 7808 : i32
    %dma_start3A_670 = tpu.memref_slice %arg8[%dma_start3A_669] : memref<24576xf32, #tpu.memory_space<vmem>> -> memref<128xf32, #tpu.memory_space<vmem>>
    %dma_start3A_671 = arith.constant 7808 : i32
    %dma_start3A_672 = tpu.memref_slice %arg7[%dma_start3A_671] : memref<24576xi32, #tpu.memory_space<vmem>> -> memref<128xi32, #tpu.memory_space<vmem>>
    %dma_start3A_673 = arith.constant 0 : i32
    %dma_start3A_674 = tpu.memref_slice %arg11[%dma_start3A_673] : memref<917504xf32, #tpu.memory_space<vmem_shared>> -> memref<917504xf32, #tpu.memory_space<vmem_shared>>
    tpu.enqueue_indirect_dma source(%dma_start3A_674 : memref<917504xf32, #tpu.memory_space<vmem_shared>>) target(%dma_start3A_670 : memref<128xf32, #tpu.memory_space<vmem>>) offsets(%dma_start3A_672 : memref<128xi32, #tpu.memory_space<vmem>>) semaphore(%arg12 : memref<!tpu.dma_semaphore, #tpu.memory_space<semaphore_mem>>)
    %dma_start3A_675 = arith.constant 7936 : i32
    %dma_start3A_676 = tpu.memref_slice %arg8[%dma_start3A_675] : memref<24576xf32, #tpu.memory_space<vmem>> -> memref<128xf32, #tpu.memory_space<vmem>>
    %dma_start3A_677 = arith.constant 7936 : i32
    %dma_start3A_678 = tpu.memref_slice %arg7[%dma_start3A_677] : memref<24576xi32, #tpu.memory_space<vmem>> -> memref<128xi32, #tpu.memory_space<vmem>>
    %dma_start3A_679 = arith.constant 0 : i32
    %dma_start3A_680 = tpu.memref_slice %arg11[%dma_start3A_679] : memref<917504xf32, #tpu.memory_space<vmem_shared>> -> memref<917504xf32, #tpu.memory_space<vmem_shared>>
    tpu.enqueue_indirect_dma source(%dma_start3A_680 : memref<917504xf32, #tpu.memory_space<vmem_shared>>) target(%dma_start3A_676 : memref<128xf32, #tpu.memory_space<vmem>>) offsets(%dma_start3A_678 : memref<128xi32, #tpu.memory_space<vmem>>) semaphore(%arg12 : memref<!tpu.dma_semaphore, #tpu.memory_space<semaphore_mem>>)
    %dma_start3A_681 = arith.constant 8064 : i32
    %dma_start3A_682 = tpu.memref_slice %arg8[%dma_start3A_681] : memref<24576xf32, #tpu.memory_space<vmem>> -> memref<128xf32, #tpu.memory_space<vmem>>
    %dma_start3A_683 = arith.constant 8064 : i32
    %dma_start3A_684 = tpu.memref_slice %arg7[%dma_start3A_683] : memref<24576xi32, #tpu.memory_space<vmem>> -> memref<128xi32, #tpu.memory_space<vmem>>
    %dma_start3A_685 = arith.constant 0 : i32
    %dma_start3A_686 = tpu.memref_slice %arg11[%dma_start3A_685] : memref<917504xf32, #tpu.memory_space<vmem_shared>> -> memref<917504xf32, #tpu.memory_space<vmem_shared>>
    tpu.enqueue_indirect_dma source(%dma_start3A_686 : memref<917504xf32, #tpu.memory_space<vmem_shared>>) target(%dma_start3A_682 : memref<128xf32, #tpu.memory_space<vmem>>) offsets(%dma_start3A_684 : memref<128xi32, #tpu.memory_space<vmem>>) semaphore(%arg12 : memref<!tpu.dma_semaphore, #tpu.memory_space<semaphore_mem>>)
    %dma_start3A_687 = arith.constant 8192 : i32
    %dma_start3A_688 = tpu.memref_slice %arg8[%dma_start3A_687] : memref<24576xf32, #tpu.memory_space<vmem>> -> memref<128xf32, #tpu.memory_space<vmem>>
    %dma_start3A_689 = arith.constant 8192 : i32
    %dma_start3A_690 = tpu.memref_slice %arg7[%dma_start3A_689] : memref<24576xi32, #tpu.memory_space<vmem>> -> memref<128xi32, #tpu.memory_space<vmem>>
    %dma_start3A_691 = arith.constant 0 : i32
    %dma_start3A_692 = tpu.memref_slice %arg11[%dma_start3A_691] : memref<917504xf32, #tpu.memory_space<vmem_shared>> -> memref<917504xf32, #tpu.memory_space<vmem_shared>>
    tpu.enqueue_indirect_dma source(%dma_start3A_692 : memref<917504xf32, #tpu.memory_space<vmem_shared>>) target(%dma_start3A_688 : memref<128xf32, #tpu.memory_space<vmem>>) offsets(%dma_start3A_690 : memref<128xi32, #tpu.memory_space<vmem>>) semaphore(%arg12 : memref<!tpu.dma_semaphore, #tpu.memory_space<semaphore_mem>>)
    %dma_start3A_693 = arith.constant 8320 : i32
    %dma_start3A_694 = tpu.memref_slice %arg8[%dma_start3A_693] : memref<24576xf32, #tpu.memory_space<vmem>> -> memref<128xf32, #tpu.memory_space<vmem>>
    %dma_start3A_695 = arith.constant 8320 : i32
    %dma_start3A_696 = tpu.memref_slice %arg7[%dma_start3A_695] : memref<24576xi32, #tpu.memory_space<vmem>> -> memref<128xi32, #tpu.memory_space<vmem>>
    %dma_start3A_697 = arith.constant 0 : i32
    %dma_start3A_698 = tpu.memref_slice %arg11[%dma_start3A_697] : memref<917504xf32, #tpu.memory_space<vmem_shared>> -> memref<917504xf32, #tpu.memory_space<vmem_shared>>
    tpu.enqueue_indirect_dma source(%dma_start3A_698 : memref<917504xf32, #tpu.memory_space<vmem_shared>>) target(%dma_start3A_694 : memref<128xf32, #tpu.memory_space<vmem>>) offsets(%dma_start3A_696 : memref<128xi32, #tpu.memory_space<vmem>>) semaphore(%arg12 : memref<!tpu.dma_semaphore, #tpu.memory_space<semaphore_mem>>)
    %dma_start3A_699 = arith.constant 8448 : i32
    %dma_start3A_700 = tpu.memref_slice %arg8[%dma_start3A_699] : memref<24576xf32, #tpu.memory_space<vmem>> -> memref<128xf32, #tpu.memory_space<vmem>>
    %dma_start3A_701 = arith.constant 8448 : i32
    %dma_start3A_702 = tpu.memref_slice %arg7[%dma_start3A_701] : memref<24576xi32, #tpu.memory_space<vmem>> -> memref<128xi32, #tpu.memory_space<vmem>>
    %dma_start3A_703 = arith.constant 0 : i32
    %dma_start3A_704 = tpu.memref_slice %arg11[%dma_start3A_703] : memref<917504xf32, #tpu.memory_space<vmem_shared>> -> memref<917504xf32, #tpu.memory_space<vmem_shared>>
    tpu.enqueue_indirect_dma source(%dma_start3A_704 : memref<917504xf32, #tpu.memory_space<vmem_shared>>) target(%dma_start3A_700 : memref<128xf32, #tpu.memory_space<vmem>>) offsets(%dma_start3A_702 : memref<128xi32, #tpu.memory_space<vmem>>) semaphore(%arg12 : memref<!tpu.dma_semaphore, #tpu.memory_space<semaphore_mem>>)
    %dma_start3A_705 = arith.constant 8576 : i32
    %dma_start3A_706 = tpu.memref_slice %arg8[%dma_start3A_705] : memref<24576xf32, #tpu.memory_space<vmem>> -> memref<128xf32, #tpu.memory_space<vmem>>
    %dma_start3A_707 = arith.constant 8576 : i32
    %dma_start3A_708 = tpu.memref_slice %arg7[%dma_start3A_707] : memref<24576xi32, #tpu.memory_space<vmem>> -> memref<128xi32, #tpu.memory_space<vmem>>
    %dma_start3A_709 = arith.constant 0 : i32
    %dma_start3A_710 = tpu.memref_slice %arg11[%dma_start3A_709] : memref<917504xf32, #tpu.memory_space<vmem_shared>> -> memref<917504xf32, #tpu.memory_space<vmem_shared>>
    tpu.enqueue_indirect_dma source(%dma_start3A_710 : memref<917504xf32, #tpu.memory_space<vmem_shared>>) target(%dma_start3A_706 : memref<128xf32, #tpu.memory_space<vmem>>) offsets(%dma_start3A_708 : memref<128xi32, #tpu.memory_space<vmem>>) semaphore(%arg12 : memref<!tpu.dma_semaphore, #tpu.memory_space<semaphore_mem>>)
    %dma_start3A_711 = arith.constant 8704 : i32
    %dma_start3A_712 = tpu.memref_slice %arg8[%dma_start3A_711] : memref<24576xf32, #tpu.memory_space<vmem>> -> memref<128xf32, #tpu.memory_space<vmem>>
    %dma_start3A_713 = arith.constant 8704 : i32
    %dma_start3A_714 = tpu.memref_slice %arg7[%dma_start3A_713] : memref<24576xi32, #tpu.memory_space<vmem>> -> memref<128xi32, #tpu.memory_space<vmem>>
    %dma_start3A_715 = arith.constant 0 : i32
    %dma_start3A_716 = tpu.memref_slice %arg11[%dma_start3A_715] : memref<917504xf32, #tpu.memory_space<vmem_shared>> -> memref<917504xf32, #tpu.memory_space<vmem_shared>>
    tpu.enqueue_indirect_dma source(%dma_start3A_716 : memref<917504xf32, #tpu.memory_space<vmem_shared>>) target(%dma_start3A_712 : memref<128xf32, #tpu.memory_space<vmem>>) offsets(%dma_start3A_714 : memref<128xi32, #tpu.memory_space<vmem>>) semaphore(%arg12 : memref<!tpu.dma_semaphore, #tpu.memory_space<semaphore_mem>>)
    %dma_start3A_717 = arith.constant 8832 : i32
    %dma_start3A_718 = tpu.memref_slice %arg8[%dma_start3A_717] : memref<24576xf32, #tpu.memory_space<vmem>> -> memref<128xf32, #tpu.memory_space<vmem>>
    %dma_start3A_719 = arith.constant 8832 : i32
    %dma_start3A_720 = tpu.memref_slice %arg7[%dma_start3A_719] : memref<24576xi32, #tpu.memory_space<vmem>> -> memref<128xi32, #tpu.memory_space<vmem>>
    %dma_start3A_721 = arith.constant 0 : i32
    %dma_start3A_722 = tpu.memref_slice %arg11[%dma_start3A_721] : memref<917504xf32, #tpu.memory_space<vmem_shared>> -> memref<917504xf32, #tpu.memory_space<vmem_shared>>
    tpu.enqueue_indirect_dma source(%dma_start3A_722 : memref<917504xf32, #tpu.memory_space<vmem_shared>>) target(%dma_start3A_718 : memref<128xf32, #tpu.memory_space<vmem>>) offsets(%dma_start3A_720 : memref<128xi32, #tpu.memory_space<vmem>>) semaphore(%arg12 : memref<!tpu.dma_semaphore, #tpu.memory_space<semaphore_mem>>)
    %dma_start3A_723 = arith.constant 8960 : i32
    %dma_start3A_724 = tpu.memref_slice %arg8[%dma_start3A_723] : memref<24576xf32, #tpu.memory_space<vmem>> -> memref<128xf32, #tpu.memory_space<vmem>>
    %dma_start3A_725 = arith.constant 8960 : i32
    %dma_start3A_726 = tpu.memref_slice %arg7[%dma_start3A_725] : memref<24576xi32, #tpu.memory_space<vmem>> -> memref<128xi32, #tpu.memory_space<vmem>>
    %dma_start3A_727 = arith.constant 0 : i32
    %dma_start3A_728 = tpu.memref_slice %arg11[%dma_start3A_727] : memref<917504xf32, #tpu.memory_space<vmem_shared>> -> memref<917504xf32, #tpu.memory_space<vmem_shared>>
    tpu.enqueue_indirect_dma source(%dma_start3A_728 : memref<917504xf32, #tpu.memory_space<vmem_shared>>) target(%dma_start3A_724 : memref<128xf32, #tpu.memory_space<vmem>>) offsets(%dma_start3A_726 : memref<128xi32, #tpu.memory_space<vmem>>) semaphore(%arg12 : memref<!tpu.dma_semaphore, #tpu.memory_space<semaphore_mem>>)
    %dma_start3A_729 = arith.constant 9088 : i32
    %dma_start3A_730 = tpu.memref_slice %arg8[%dma_start3A_729] : memref<24576xf32, #tpu.memory_space<vmem>> -> memref<128xf32, #tpu.memory_space<vmem>>
    %dma_start3A_731 = arith.constant 9088 : i32
    %dma_start3A_732 = tpu.memref_slice %arg7[%dma_start3A_731] : memref<24576xi32, #tpu.memory_space<vmem>> -> memref<128xi32, #tpu.memory_space<vmem>>
    %dma_start3A_733 = arith.constant 0 : i32
    %dma_start3A_734 = tpu.memref_slice %arg11[%dma_start3A_733] : memref<917504xf32, #tpu.memory_space<vmem_shared>> -> memref<917504xf32, #tpu.memory_space<vmem_shared>>
    tpu.enqueue_indirect_dma source(%dma_start3A_734 : memref<917504xf32, #tpu.memory_space<vmem_shared>>) target(%dma_start3A_730 : memref<128xf32, #tpu.memory_space<vmem>>) offsets(%dma_start3A_732 : memref<128xi32, #tpu.memory_space<vmem>>) semaphore(%arg12 : memref<!tpu.dma_semaphore, #tpu.memory_space<semaphore_mem>>)
    %dma_start3A_735 = arith.constant 9216 : i32
    %dma_start3A_736 = tpu.memref_slice %arg8[%dma_start3A_735] : memref<24576xf32, #tpu.memory_space<vmem>> -> memref<128xf32, #tpu.memory_space<vmem>>
    %dma_start3A_737 = arith.constant 9216 : i32
    %dma_start3A_738 = tpu.memref_slice %arg7[%dma_start3A_737] : memref<24576xi32, #tpu.memory_space<vmem>> -> memref<128xi32, #tpu.memory_space<vmem>>
    %dma_start3A_739 = arith.constant 0 : i32
    %dma_start3A_740 = tpu.memref_slice %arg11[%dma_start3A_739] : memref<917504xf32, #tpu.memory_space<vmem_shared>> -> memref<917504xf32, #tpu.memory_space<vmem_shared>>
    tpu.enqueue_indirect_dma source(%dma_start3A_740 : memref<917504xf32, #tpu.memory_space<vmem_shared>>) target(%dma_start3A_736 : memref<128xf32, #tpu.memory_space<vmem>>) offsets(%dma_start3A_738 : memref<128xi32, #tpu.memory_space<vmem>>) semaphore(%arg12 : memref<!tpu.dma_semaphore, #tpu.memory_space<semaphore_mem>>)
    %dma_start3A_741 = arith.constant 9344 : i32
    %dma_start3A_742 = tpu.memref_slice %arg8[%dma_start3A_741] : memref<24576xf32, #tpu.memory_space<vmem>> -> memref<128xf32, #tpu.memory_space<vmem>>
    %dma_start3A_743 = arith.constant 9344 : i32
    %dma_start3A_744 = tpu.memref_slice %arg7[%dma_start3A_743] : memref<24576xi32, #tpu.memory_space<vmem>> -> memref<128xi32, #tpu.memory_space<vmem>>
    %dma_start3A_745 = arith.constant 0 : i32
    %dma_start3A_746 = tpu.memref_slice %arg11[%dma_start3A_745] : memref<917504xf32, #tpu.memory_space<vmem_shared>> -> memref<917504xf32, #tpu.memory_space<vmem_shared>>
    tpu.enqueue_indirect_dma source(%dma_start3A_746 : memref<917504xf32, #tpu.memory_space<vmem_shared>>) target(%dma_start3A_742 : memref<128xf32, #tpu.memory_space<vmem>>) offsets(%dma_start3A_744 : memref<128xi32, #tpu.memory_space<vmem>>) semaphore(%arg12 : memref<!tpu.dma_semaphore, #tpu.memory_space<semaphore_mem>>)
    %dma_start3A_747 = arith.constant 9472 : i32
    %dma_start3A_748 = tpu.memref_slice %arg8[%dma_start3A_747] : memref<24576xf32, #tpu.memory_space<vmem>> -> memref<128xf32, #tpu.memory_space<vmem>>
    %dma_start3A_749 = arith.constant 9472 : i32
    %dma_start3A_750 = tpu.memref_slice %arg7[%dma_start3A_749] : memref<24576xi32, #tpu.memory_space<vmem>> -> memref<128xi32, #tpu.memory_space<vmem>>
    %dma_start3A_751 = arith.constant 0 : i32
    %dma_start3A_752 = tpu.memref_slice %arg11[%dma_start3A_751] : memref<917504xf32, #tpu.memory_space<vmem_shared>> -> memref<917504xf32, #tpu.memory_space<vmem_shared>>
    tpu.enqueue_indirect_dma source(%dma_start3A_752 : memref<917504xf32, #tpu.memory_space<vmem_shared>>) target(%dma_start3A_748 : memref<128xf32, #tpu.memory_space<vmem>>) offsets(%dma_start3A_750 : memref<128xi32, #tpu.memory_space<vmem>>) semaphore(%arg12 : memref<!tpu.dma_semaphore, #tpu.memory_space<semaphore_mem>>)
    %dma_start3A_753 = arith.constant 9600 : i32
    %dma_start3A_754 = tpu.memref_slice %arg8[%dma_start3A_753] : memref<24576xf32, #tpu.memory_space<vmem>> -> memref<128xf32, #tpu.memory_space<vmem>>
    %dma_start3A_755 = arith.constant 9600 : i32
    %dma_start3A_756 = tpu.memref_slice %arg7[%dma_start3A_755] : memref<24576xi32, #tpu.memory_space<vmem>> -> memref<128xi32, #tpu.memory_space<vmem>>
    %dma_start3A_757 = arith.constant 0 : i32
    %dma_start3A_758 = tpu.memref_slice %arg11[%dma_start3A_757] : memref<917504xf32, #tpu.memory_space<vmem_shared>> -> memref<917504xf32, #tpu.memory_space<vmem_shared>>
    tpu.enqueue_indirect_dma source(%dma_start3A_758 : memref<917504xf32, #tpu.memory_space<vmem_shared>>) target(%dma_start3A_754 : memref<128xf32, #tpu.memory_space<vmem>>) offsets(%dma_start3A_756 : memref<128xi32, #tpu.memory_space<vmem>>) semaphore(%arg12 : memref<!tpu.dma_semaphore, #tpu.memory_space<semaphore_mem>>)
    %dma_start3A_759 = arith.constant 9728 : i32
    %dma_start3A_760 = tpu.memref_slice %arg8[%dma_start3A_759] : memref<24576xf32, #tpu.memory_space<vmem>> -> memref<128xf32, #tpu.memory_space<vmem>>
    %dma_start3A_761 = arith.constant 9728 : i32
    %dma_start3A_762 = tpu.memref_slice %arg7[%dma_start3A_761] : memref<24576xi32, #tpu.memory_space<vmem>> -> memref<128xi32, #tpu.memory_space<vmem>>
    %dma_start3A_763 = arith.constant 0 : i32
    %dma_start3A_764 = tpu.memref_slice %arg11[%dma_start3A_763] : memref<917504xf32, #tpu.memory_space<vmem_shared>> -> memref<917504xf32, #tpu.memory_space<vmem_shared>>
    tpu.enqueue_indirect_dma source(%dma_start3A_764 : memref<917504xf32, #tpu.memory_space<vmem_shared>>) target(%dma_start3A_760 : memref<128xf32, #tpu.memory_space<vmem>>) offsets(%dma_start3A_762 : memref<128xi32, #tpu.memory_space<vmem>>) semaphore(%arg12 : memref<!tpu.dma_semaphore, #tpu.memory_space<semaphore_mem>>)
    %dma_start3A_765 = arith.constant 9856 : i32
    %dma_start3A_766 = tpu.memref_slice %arg8[%dma_start3A_765] : memref<24576xf32, #tpu.memory_space<vmem>> -> memref<128xf32, #tpu.memory_space<vmem>>
    %dma_start3A_767 = arith.constant 9856 : i32
    %dma_start3A_768 = tpu.memref_slice %arg7[%dma_start3A_767] : memref<24576xi32, #tpu.memory_space<vmem>> -> memref<128xi32, #tpu.memory_space<vmem>>
    %dma_start3A_769 = arith.constant 0 : i32
    %dma_start3A_770 = tpu.memref_slice %arg11[%dma_start3A_769] : memref<917504xf32, #tpu.memory_space<vmem_shared>> -> memref<917504xf32, #tpu.memory_space<vmem_shared>>
    tpu.enqueue_indirect_dma source(%dma_start3A_770 : memref<917504xf32, #tpu.memory_space<vmem_shared>>) target(%dma_start3A_766 : memref<128xf32, #tpu.memory_space<vmem>>) offsets(%dma_start3A_768 : memref<128xi32, #tpu.memory_space<vmem>>) semaphore(%arg12 : memref<!tpu.dma_semaphore, #tpu.memory_space<semaphore_mem>>)
    %dma_start3A_771 = arith.constant 9984 : i32
    %dma_start3A_772 = tpu.memref_slice %arg8[%dma_start3A_771] : memref<24576xf32, #tpu.memory_space<vmem>> -> memref<128xf32, #tpu.memory_space<vmem>>
    %dma_start3A_773 = arith.constant 9984 : i32
    %dma_start3A_774 = tpu.memref_slice %arg7[%dma_start3A_773] : memref<24576xi32, #tpu.memory_space<vmem>> -> memref<128xi32, #tpu.memory_space<vmem>>
    %dma_start3A_775 = arith.constant 0 : i32
    %dma_start3A_776 = tpu.memref_slice %arg11[%dma_start3A_775] : memref<917504xf32, #tpu.memory_space<vmem_shared>> -> memref<917504xf32, #tpu.memory_space<vmem_shared>>
    tpu.enqueue_indirect_dma source(%dma_start3A_776 : memref<917504xf32, #tpu.memory_space<vmem_shared>>) target(%dma_start3A_772 : memref<128xf32, #tpu.memory_space<vmem>>) offsets(%dma_start3A_774 : memref<128xi32, #tpu.memory_space<vmem>>) semaphore(%arg12 : memref<!tpu.dma_semaphore, #tpu.memory_space<semaphore_mem>>)
    %dma_start3A_777 = arith.constant 10112 : i32
    %dma_start3A_778 = tpu.memref_slice %arg8[%dma_start3A_777] : memref<24576xf32, #tpu.memory_space<vmem>> -> memref<128xf32, #tpu.memory_space<vmem>>
    %dma_start3A_779 = arith.constant 10112 : i32
    %dma_start3A_780 = tpu.memref_slice %arg7[%dma_start3A_779] : memref<24576xi32, #tpu.memory_space<vmem>> -> memref<128xi32, #tpu.memory_space<vmem>>
    %dma_start3A_781 = arith.constant 0 : i32
    %dma_start3A_782 = tpu.memref_slice %arg11[%dma_start3A_781] : memref<917504xf32, #tpu.memory_space<vmem_shared>> -> memref<917504xf32, #tpu.memory_space<vmem_shared>>
    tpu.enqueue_indirect_dma source(%dma_start3A_782 : memref<917504xf32, #tpu.memory_space<vmem_shared>>) target(%dma_start3A_778 : memref<128xf32, #tpu.memory_space<vmem>>) offsets(%dma_start3A_780 : memref<128xi32, #tpu.memory_space<vmem>>) semaphore(%arg12 : memref<!tpu.dma_semaphore, #tpu.memory_space<semaphore_mem>>)
    %dma_start3A_783 = arith.constant 10240 : i32
    %dma_start3A_784 = tpu.memref_slice %arg8[%dma_start3A_783] : memref<24576xf32, #tpu.memory_space<vmem>> -> memref<128xf32, #tpu.memory_space<vmem>>
    %dma_start3A_785 = arith.constant 10240 : i32
    %dma_start3A_786 = tpu.memref_slice %arg7[%dma_start3A_785] : memref<24576xi32, #tpu.memory_space<vmem>> -> memref<128xi32, #tpu.memory_space<vmem>>
    %dma_start3A_787 = arith.constant 0 : i32
    %dma_start3A_788 = tpu.memref_slice %arg11[%dma_start3A_787] : memref<917504xf32, #tpu.memory_space<vmem_shared>> -> memref<917504xf32, #tpu.memory_space<vmem_shared>>
    tpu.enqueue_indirect_dma source(%dma_start3A_788 : memref<917504xf32, #tpu.memory_space<vmem_shared>>) target(%dma_start3A_784 : memref<128xf32, #tpu.memory_space<vmem>>) offsets(%dma_start3A_786 : memref<128xi32, #tpu.memory_space<vmem>>) semaphore(%arg12 : memref<!tpu.dma_semaphore, #tpu.memory_space<semaphore_mem>>)
    %dma_start3A_789 = arith.constant 10368 : i32
    %dma_start3A_790 = tpu.memref_slice %arg8[%dma_start3A_789] : memref<24576xf32, #tpu.memory_space<vmem>> -> memref<128xf32, #tpu.memory_space<vmem>>
    %dma_start3A_791 = arith.constant 10368 : i32
    %dma_start3A_792 = tpu.memref_slice %arg7[%dma_start3A_791] : memref<24576xi32, #tpu.memory_space<vmem>> -> memref<128xi32, #tpu.memory_space<vmem>>
    %dma_start3A_793 = arith.constant 0 : i32
    %dma_start3A_794 = tpu.memref_slice %arg11[%dma_start3A_793] : memref<917504xf32, #tpu.memory_space<vmem_shared>> -> memref<917504xf32, #tpu.memory_space<vmem_shared>>
    tpu.enqueue_indirect_dma source(%dma_start3A_794 : memref<917504xf32, #tpu.memory_space<vmem_shared>>) target(%dma_start3A_790 : memref<128xf32, #tpu.memory_space<vmem>>) offsets(%dma_start3A_792 : memref<128xi32, #tpu.memory_space<vmem>>) semaphore(%arg12 : memref<!tpu.dma_semaphore, #tpu.memory_space<semaphore_mem>>)
    %dma_start3A_795 = arith.constant 10496 : i32
    %dma_start3A_796 = tpu.memref_slice %arg8[%dma_start3A_795] : memref<24576xf32, #tpu.memory_space<vmem>> -> memref<128xf32, #tpu.memory_space<vmem>>
    %dma_start3A_797 = arith.constant 10496 : i32
    %dma_start3A_798 = tpu.memref_slice %arg7[%dma_start3A_797] : memref<24576xi32, #tpu.memory_space<vmem>> -> memref<128xi32, #tpu.memory_space<vmem>>
    %dma_start3A_799 = arith.constant 0 : i32
    %dma_start3A_800 = tpu.memref_slice %arg11[%dma_start3A_799] : memref<917504xf32, #tpu.memory_space<vmem_shared>> -> memref<917504xf32, #tpu.memory_space<vmem_shared>>
    tpu.enqueue_indirect_dma source(%dma_start3A_800 : memref<917504xf32, #tpu.memory_space<vmem_shared>>) target(%dma_start3A_796 : memref<128xf32, #tpu.memory_space<vmem>>) offsets(%dma_start3A_798 : memref<128xi32, #tpu.memory_space<vmem>>) semaphore(%arg12 : memref<!tpu.dma_semaphore, #tpu.memory_space<semaphore_mem>>)
    %dma_start3A_801 = arith.constant 10624 : i32
    %dma_start3A_802 = tpu.memref_slice %arg8[%dma_start3A_801] : memref<24576xf32, #tpu.memory_space<vmem>> -> memref<128xf32, #tpu.memory_space<vmem>>
    %dma_start3A_803 = arith.constant 10624 : i32
    %dma_start3A_804 = tpu.memref_slice %arg7[%dma_start3A_803] : memref<24576xi32, #tpu.memory_space<vmem>> -> memref<128xi32, #tpu.memory_space<vmem>>
    %dma_start3A_805 = arith.constant 0 : i32
    %dma_start3A_806 = tpu.memref_slice %arg11[%dma_start3A_805] : memref<917504xf32, #tpu.memory_space<vmem_shared>> -> memref<917504xf32, #tpu.memory_space<vmem_shared>>
    tpu.enqueue_indirect_dma source(%dma_start3A_806 : memref<917504xf32, #tpu.memory_space<vmem_shared>>) target(%dma_start3A_802 : memref<128xf32, #tpu.memory_space<vmem>>) offsets(%dma_start3A_804 : memref<128xi32, #tpu.memory_space<vmem>>) semaphore(%arg12 : memref<!tpu.dma_semaphore, #tpu.memory_space<semaphore_mem>>)
    %dma_start3A_807 = arith.constant 10752 : i32
    %dma_start3A_808 = tpu.memref_slice %arg8[%dma_start3A_807] : memref<24576xf32, #tpu.memory_space<vmem>> -> memref<128xf32, #tpu.memory_space<vmem>>
    %dma_start3A_809 = arith.constant 10752 : i32
    %dma_start3A_810 = tpu.memref_slice %arg7[%dma_start3A_809] : memref<24576xi32, #tpu.memory_space<vmem>> -> memref<128xi32, #tpu.memory_space<vmem>>
    %dma_start3A_811 = arith.constant 0 : i32
    %dma_start3A_812 = tpu.memref_slice %arg11[%dma_start3A_811] : memref<917504xf32, #tpu.memory_space<vmem_shared>> -> memref<917504xf32, #tpu.memory_space<vmem_shared>>
    tpu.enqueue_indirect_dma source(%dma_start3A_812 : memref<917504xf32, #tpu.memory_space<vmem_shared>>) target(%dma_start3A_808 : memref<128xf32, #tpu.memory_space<vmem>>) offsets(%dma_start3A_810 : memref<128xi32, #tpu.memory_space<vmem>>) semaphore(%arg12 : memref<!tpu.dma_semaphore, #tpu.memory_space<semaphore_mem>>)
    %dma_start3A_813 = arith.constant 10880 : i32
    %dma_start3A_814 = tpu.memref_slice %arg8[%dma_start3A_813] : memref<24576xf32, #tpu.memory_space<vmem>> -> memref<128xf32, #tpu.memory_space<vmem>>
    %dma_start3A_815 = arith.constant 10880 : i32
    %dma_start3A_816 = tpu.memref_slice %arg7[%dma_start3A_815] : memref<24576xi32, #tpu.memory_space<vmem>> -> memref<128xi32, #tpu.memory_space<vmem>>
    %dma_start3A_817 = arith.constant 0 : i32
    %dma_start3A_818 = tpu.memref_slice %arg11[%dma_start3A_817] : memref<917504xf32, #tpu.memory_space<vmem_shared>> -> memref<917504xf32, #tpu.memory_space<vmem_shared>>
    tpu.enqueue_indirect_dma source(%dma_start3A_818 : memref<917504xf32, #tpu.memory_space<vmem_shared>>) target(%dma_start3A_814 : memref<128xf32, #tpu.memory_space<vmem>>) offsets(%dma_start3A_816 : memref<128xi32, #tpu.memory_space<vmem>>) semaphore(%arg12 : memref<!tpu.dma_semaphore, #tpu.memory_space<semaphore_mem>>)
    %dma_start3A_819 = arith.constant 11008 : i32
    %dma_start3A_820 = tpu.memref_slice %arg8[%dma_start3A_819] : memref<24576xf32, #tpu.memory_space<vmem>> -> memref<128xf32, #tpu.memory_space<vmem>>
    %dma_start3A_821 = arith.constant 11008 : i32
    %dma_start3A_822 = tpu.memref_slice %arg7[%dma_start3A_821] : memref<24576xi32, #tpu.memory_space<vmem>> -> memref<128xi32, #tpu.memory_space<vmem>>
    %dma_start3A_823 = arith.constant 0 : i32
    %dma_start3A_824 = tpu.memref_slice %arg11[%dma_start3A_823] : memref<917504xf32, #tpu.memory_space<vmem_shared>> -> memref<917504xf32, #tpu.memory_space<vmem_shared>>
    tpu.enqueue_indirect_dma source(%dma_start3A_824 : memref<917504xf32, #tpu.memory_space<vmem_shared>>) target(%dma_start3A_820 : memref<128xf32, #tpu.memory_space<vmem>>) offsets(%dma_start3A_822 : memref<128xi32, #tpu.memory_space<vmem>>) semaphore(%arg12 : memref<!tpu.dma_semaphore, #tpu.memory_space<semaphore_mem>>)
    %dma_start3A_825 = arith.constant 11136 : i32
    %dma_start3A_826 = tpu.memref_slice %arg8[%dma_start3A_825] : memref<24576xf32, #tpu.memory_space<vmem>> -> memref<128xf32, #tpu.memory_space<vmem>>
    %dma_start3A_827 = arith.constant 11136 : i32
    %dma_start3A_828 = tpu.memref_slice %arg7[%dma_start3A_827] : memref<24576xi32, #tpu.memory_space<vmem>> -> memref<128xi32, #tpu.memory_space<vmem>>
    %dma_start3A_829 = arith.constant 0 : i32
    %dma_start3A_830 = tpu.memref_slice %arg11[%dma_start3A_829] : memref<917504xf32, #tpu.memory_space<vmem_shared>> -> memref<917504xf32, #tpu.memory_space<vmem_shared>>
    tpu.enqueue_indirect_dma source(%dma_start3A_830 : memref<917504xf32, #tpu.memory_space<vmem_shared>>) target(%dma_start3A_826 : memref<128xf32, #tpu.memory_space<vmem>>) offsets(%dma_start3A_828 : memref<128xi32, #tpu.memory_space<vmem>>) semaphore(%arg12 : memref<!tpu.dma_semaphore, #tpu.memory_space<semaphore_mem>>)
    %dma_start3A_831 = arith.constant 11264 : i32
    %dma_start3A_832 = tpu.memref_slice %arg8[%dma_start3A_831] : memref<24576xf32, #tpu.memory_space<vmem>> -> memref<128xf32, #tpu.memory_space<vmem>>
    %dma_start3A_833 = arith.constant 11264 : i32
    %dma_start3A_834 = tpu.memref_slice %arg7[%dma_start3A_833] : memref<24576xi32, #tpu.memory_space<vmem>> -> memref<128xi32, #tpu.memory_space<vmem>>
    %dma_start3A_835 = arith.constant 0 : i32
    %dma_start3A_836 = tpu.memref_slice %arg11[%dma_start3A_835] : memref<917504xf32, #tpu.memory_space<vmem_shared>> -> memref<917504xf32, #tpu.memory_space<vmem_shared>>
    tpu.enqueue_indirect_dma source(%dma_start3A_836 : memref<917504xf32, #tpu.memory_space<vmem_shared>>) target(%dma_start3A_832 : memref<128xf32, #tpu.memory_space<vmem>>) offsets(%dma_start3A_834 : memref<128xi32, #tpu.memory_space<vmem>>) semaphore(%arg12 : memref<!tpu.dma_semaphore, #tpu.memory_space<semaphore_mem>>)
    %dma_start3A_837 = arith.constant 11392 : i32
    %dma_start3A_838 = tpu.memref_slice %arg8[%dma_start3A_837] : memref<24576xf32, #tpu.memory_space<vmem>> -> memref<128xf32, #tpu.memory_space<vmem>>
    %dma_start3A_839 = arith.constant 11392 : i32
    %dma_start3A_840 = tpu.memref_slice %arg7[%dma_start3A_839] : memref<24576xi32, #tpu.memory_space<vmem>> -> memref<128xi32, #tpu.memory_space<vmem>>
    %dma_start3A_841 = arith.constant 0 : i32
    %dma_start3A_842 = tpu.memref_slice %arg11[%dma_start3A_841] : memref<917504xf32, #tpu.memory_space<vmem_shared>> -> memref<917504xf32, #tpu.memory_space<vmem_shared>>
    tpu.enqueue_indirect_dma source(%dma_start3A_842 : memref<917504xf32, #tpu.memory_space<vmem_shared>>) target(%dma_start3A_838 : memref<128xf32, #tpu.memory_space<vmem>>) offsets(%dma_start3A_840 : memref<128xi32, #tpu.memory_space<vmem>>) semaphore(%arg12 : memref<!tpu.dma_semaphore, #tpu.memory_space<semaphore_mem>>)
    %dma_start3A_843 = arith.constant 11520 : i32
    %dma_start3A_844 = tpu.memref_slice %arg8[%dma_start3A_843] : memref<24576xf32, #tpu.memory_space<vmem>> -> memref<128xf32, #tpu.memory_space<vmem>>
    %dma_start3A_845 = arith.constant 11520 : i32
    %dma_start3A_846 = tpu.memref_slice %arg7[%dma_start3A_845] : memref<24576xi32, #tpu.memory_space<vmem>> -> memref<128xi32, #tpu.memory_space<vmem>>
    %dma_start3A_847 = arith.constant 0 : i32
    %dma_start3A_848 = tpu.memref_slice %arg11[%dma_start3A_847] : memref<917504xf32, #tpu.memory_space<vmem_shared>> -> memref<917504xf32, #tpu.memory_space<vmem_shared>>
    tpu.enqueue_indirect_dma source(%dma_start3A_848 : memref<917504xf32, #tpu.memory_space<vmem_shared>>) target(%dma_start3A_844 : memref<128xf32, #tpu.memory_space<vmem>>) offsets(%dma_start3A_846 : memref<128xi32, #tpu.memory_space<vmem>>) semaphore(%arg12 : memref<!tpu.dma_semaphore, #tpu.memory_space<semaphore_mem>>)
    %dma_start3A_849 = arith.constant 11648 : i32
    %dma_start3A_850 = tpu.memref_slice %arg8[%dma_start3A_849] : memref<24576xf32, #tpu.memory_space<vmem>> -> memref<128xf32, #tpu.memory_space<vmem>>
    %dma_start3A_851 = arith.constant 11648 : i32
    %dma_start3A_852 = tpu.memref_slice %arg7[%dma_start3A_851] : memref<24576xi32, #tpu.memory_space<vmem>> -> memref<128xi32, #tpu.memory_space<vmem>>
    %dma_start3A_853 = arith.constant 0 : i32
    %dma_start3A_854 = tpu.memref_slice %arg11[%dma_start3A_853] : memref<917504xf32, #tpu.memory_space<vmem_shared>> -> memref<917504xf32, #tpu.memory_space<vmem_shared>>
    tpu.enqueue_indirect_dma source(%dma_start3A_854 : memref<917504xf32, #tpu.memory_space<vmem_shared>>) target(%dma_start3A_850 : memref<128xf32, #tpu.memory_space<vmem>>) offsets(%dma_start3A_852 : memref<128xi32, #tpu.memory_space<vmem>>) semaphore(%arg12 : memref<!tpu.dma_semaphore, #tpu.memory_space<semaphore_mem>>)
    %dma_start3A_855 = arith.constant 11776 : i32
    %dma_start3A_856 = tpu.memref_slice %arg8[%dma_start3A_855] : memref<24576xf32, #tpu.memory_space<vmem>> -> memref<128xf32, #tpu.memory_space<vmem>>
    %dma_start3A_857 = arith.constant 11776 : i32
    %dma_start3A_858 = tpu.memref_slice %arg7[%dma_start3A_857] : memref<24576xi32, #tpu.memory_space<vmem>> -> memref<128xi32, #tpu.memory_space<vmem>>
    %dma_start3A_859 = arith.constant 0 : i32
    %dma_start3A_860 = tpu.memref_slice %arg11[%dma_start3A_859] : memref<917504xf32, #tpu.memory_space<vmem_shared>> -> memref<917504xf32, #tpu.memory_space<vmem_shared>>
    tpu.enqueue_indirect_dma source(%dma_start3A_860 : memref<917504xf32, #tpu.memory_space<vmem_shared>>) target(%dma_start3A_856 : memref<128xf32, #tpu.memory_space<vmem>>) offsets(%dma_start3A_858 : memref<128xi32, #tpu.memory_space<vmem>>) semaphore(%arg12 : memref<!tpu.dma_semaphore, #tpu.memory_space<semaphore_mem>>)
    %dma_start3A_861 = arith.constant 11904 : i32
    %dma_start3A_862 = tpu.memref_slice %arg8[%dma_start3A_861] : memref<24576xf32, #tpu.memory_space<vmem>> -> memref<128xf32, #tpu.memory_space<vmem>>
    %dma_start3A_863 = arith.constant 11904 : i32
    %dma_start3A_864 = tpu.memref_slice %arg7[%dma_start3A_863] : memref<24576xi32, #tpu.memory_space<vmem>> -> memref<128xi32, #tpu.memory_space<vmem>>
    %dma_start3A_865 = arith.constant 0 : i32
    %dma_start3A_866 = tpu.memref_slice %arg11[%dma_start3A_865] : memref<917504xf32, #tpu.memory_space<vmem_shared>> -> memref<917504xf32, #tpu.memory_space<vmem_shared>>
    tpu.enqueue_indirect_dma source(%dma_start3A_866 : memref<917504xf32, #tpu.memory_space<vmem_shared>>) target(%dma_start3A_862 : memref<128xf32, #tpu.memory_space<vmem>>) offsets(%dma_start3A_864 : memref<128xi32, #tpu.memory_space<vmem>>) semaphore(%arg12 : memref<!tpu.dma_semaphore, #tpu.memory_space<semaphore_mem>>)
    %dma_start3A_867 = arith.constant 12032 : i32
    %dma_start3A_868 = tpu.memref_slice %arg8[%dma_start3A_867] : memref<24576xf32, #tpu.memory_space<vmem>> -> memref<128xf32, #tpu.memory_space<vmem>>
    %dma_start3A_869 = arith.constant 12032 : i32
    %dma_start3A_870 = tpu.memref_slice %arg7[%dma_start3A_869] : memref<24576xi32, #tpu.memory_space<vmem>> -> memref<128xi32, #tpu.memory_space<vmem>>
    %dma_start3A_871 = arith.constant 0 : i32
    %dma_start3A_872 = tpu.memref_slice %arg11[%dma_start3A_871] : memref<917504xf32, #tpu.memory_space<vmem_shared>> -> memref<917504xf32, #tpu.memory_space<vmem_shared>>
    tpu.enqueue_indirect_dma source(%dma_start3A_872 : memref<917504xf32, #tpu.memory_space<vmem_shared>>) target(%dma_start3A_868 : memref<128xf32, #tpu.memory_space<vmem>>) offsets(%dma_start3A_870 : memref<128xi32, #tpu.memory_space<vmem>>) semaphore(%arg12 : memref<!tpu.dma_semaphore, #tpu.memory_space<semaphore_mem>>)
    %dma_start3A_873 = arith.constant 12160 : i32
    %dma_start3A_874 = tpu.memref_slice %arg8[%dma_start3A_873] : memref<24576xf32, #tpu.memory_space<vmem>> -> memref<128xf32, #tpu.memory_space<vmem>>
    %dma_start3A_875 = arith.constant 12160 : i32
    %dma_start3A_876 = tpu.memref_slice %arg7[%dma_start3A_875] : memref<24576xi32, #tpu.memory_space<vmem>> -> memref<128xi32, #tpu.memory_space<vmem>>
    %dma_start3A_877 = arith.constant 0 : i32
    %dma_start3A_878 = tpu.memref_slice %arg11[%dma_start3A_877] : memref<917504xf32, #tpu.memory_space<vmem_shared>> -> memref<917504xf32, #tpu.memory_space<vmem_shared>>
    tpu.enqueue_indirect_dma source(%dma_start3A_878 : memref<917504xf32, #tpu.memory_space<vmem_shared>>) target(%dma_start3A_874 : memref<128xf32, #tpu.memory_space<vmem>>) offsets(%dma_start3A_876 : memref<128xi32, #tpu.memory_space<vmem>>) semaphore(%arg12 : memref<!tpu.dma_semaphore, #tpu.memory_space<semaphore_mem>>)
    %dma_wait3A_879 = arith.constant 0 : i32
    %dma_wait3A_880 = tpu.memref_slice %arg8[%dma_wait3A_879] : memref<24576xf32, #tpu.memory_space<vmem>> -> memref<6144xf32, #tpu.memory_space<vmem>>
    %dma_wait3A_881 = arith.constant 0 : i32
    %dma_wait3A_882 = tpu.memref_slice %arg2[%dma_wait3A_881] : memref<917504xf32, #tpu.memory_space<hbm>> -> memref<6144xf32, #tpu.memory_space<hbm>>
    %dma_wait3A_883 = arith.constant 0 : i32
    %dma_wait3A_884 = tpu.memref_slice %arg8[%dma_wait3A_883] : memref<24576xf32, #tpu.memory_space<vmem>> -> memref<6144xf32, #tpu.memory_space<vmem>>
    %dma_wait3A_885 = arith.constant 0 : i32
    %dma_wait3A_886 = tpu.memref_slice %arg2[%dma_wait3A_885] : memref<917504xf32, #tpu.memory_space<hbm>> -> memref<6144xf32, #tpu.memory_space<hbm>>
    tpu.wait_dma2 semaphore(%arg12 : memref<!tpu.dma_semaphore, #tpu.memory_space<semaphore_mem>>) src(%dma_wait3A_886 : memref<6144xf32, #tpu.memory_space<hbm>>) dst(%dma_wait3A_884 : memref<6144xf32, #tpu.memory_space<vmem>>)
    %dma_start3A_887 = arith.constant 12288 : i32
    %dma_start3A_888 = tpu.memref_slice %arg8[%dma_start3A_887] : memref<24576xf32, #tpu.memory_space<vmem>> -> memref<128xf32, #tpu.memory_space<vmem>>
    %dma_start3A_889 = arith.constant 12288 : i32
    %dma_start3A_890 = tpu.memref_slice %arg7[%dma_start3A_889] : memref<24576xi32, #tpu.memory_space<vmem>> -> memref<128xi32, #tpu.memory_space<vmem>>
    %dma_start3A_891 = arith.constant 0 : i32
    %dma_start3A_892 = tpu.memref_slice %arg11[%dma_start3A_891] : memref<917504xf32, #tpu.memory_space<vmem_shared>> -> memref<917504xf32, #tpu.memory_space<vmem_shared>>
    tpu.enqueue_indirect_dma source(%dma_start3A_892 : memref<917504xf32, #tpu.memory_space<vmem_shared>>) target(%dma_start3A_888 : memref<128xf32, #tpu.memory_space<vmem>>) offsets(%dma_start3A_890 : memref<128xi32, #tpu.memory_space<vmem>>) semaphore(%arg12 : memref<!tpu.dma_semaphore, #tpu.memory_space<semaphore_mem>>)
    %dma_start3A_893 = arith.constant 12416 : i32
    %dma_start3A_894 = tpu.memref_slice %arg8[%dma_start3A_893] : memref<24576xf32, #tpu.memory_space<vmem>> -> memref<128xf32, #tpu.memory_space<vmem>>
    %dma_start3A_895 = arith.constant 12416 : i32
    %dma_start3A_896 = tpu.memref_slice %arg7[%dma_start3A_895] : memref<24576xi32, #tpu.memory_space<vmem>> -> memref<128xi32, #tpu.memory_space<vmem>>
    %dma_start3A_897 = arith.constant 0 : i32
    %dma_start3A_898 = tpu.memref_slice %arg11[%dma_start3A_897] : memref<917504xf32, #tpu.memory_space<vmem_shared>> -> memref<917504xf32, #tpu.memory_space<vmem_shared>>
    tpu.enqueue_indirect_dma source(%dma_start3A_898 : memref<917504xf32, #tpu.memory_space<vmem_shared>>) target(%dma_start3A_894 : memref<128xf32, #tpu.memory_space<vmem>>) offsets(%dma_start3A_896 : memref<128xi32, #tpu.memory_space<vmem>>) semaphore(%arg12 : memref<!tpu.dma_semaphore, #tpu.memory_space<semaphore_mem>>)
    %dma_start3A_899 = arith.constant 12544 : i32
    %dma_start3A_900 = tpu.memref_slice %arg8[%dma_start3A_899] : memref<24576xf32, #tpu.memory_space<vmem>> -> memref<128xf32, #tpu.memory_space<vmem>>
    %dma_start3A_901 = arith.constant 12544 : i32
    %dma_start3A_902 = tpu.memref_slice %arg7[%dma_start3A_901] : memref<24576xi32, #tpu.memory_space<vmem>> -> memref<128xi32, #tpu.memory_space<vmem>>
    %dma_start3A_903 = arith.constant 0 : i32
    %dma_start3A_904 = tpu.memref_slice %arg11[%dma_start3A_903] : memref<917504xf32, #tpu.memory_space<vmem_shared>> -> memref<917504xf32, #tpu.memory_space<vmem_shared>>
    tpu.enqueue_indirect_dma source(%dma_start3A_904 : memref<917504xf32, #tpu.memory_space<vmem_shared>>) target(%dma_start3A_900 : memref<128xf32, #tpu.memory_space<vmem>>) offsets(%dma_start3A_902 : memref<128xi32, #tpu.memory_space<vmem>>) semaphore(%arg12 : memref<!tpu.dma_semaphore, #tpu.memory_space<semaphore_mem>>)
    %dma_start3A_905 = arith.constant 12672 : i32
    %dma_start3A_906 = tpu.memref_slice %arg8[%dma_start3A_905] : memref<24576xf32, #tpu.memory_space<vmem>> -> memref<128xf32, #tpu.memory_space<vmem>>
    %dma_start3A_907 = arith.constant 12672 : i32
    %dma_start3A_908 = tpu.memref_slice %arg7[%dma_start3A_907] : memref<24576xi32, #tpu.memory_space<vmem>> -> memref<128xi32, #tpu.memory_space<vmem>>
    %dma_start3A_909 = arith.constant 0 : i32
    %dma_start3A_910 = tpu.memref_slice %arg11[%dma_start3A_909] : memref<917504xf32, #tpu.memory_space<vmem_shared>> -> memref<917504xf32, #tpu.memory_space<vmem_shared>>
    tpu.enqueue_indirect_dma source(%dma_start3A_910 : memref<917504xf32, #tpu.memory_space<vmem_shared>>) target(%dma_start3A_906 : memref<128xf32, #tpu.memory_space<vmem>>) offsets(%dma_start3A_908 : memref<128xi32, #tpu.memory_space<vmem>>) semaphore(%arg12 : memref<!tpu.dma_semaphore, #tpu.memory_space<semaphore_mem>>)
    %dma_start3A_911 = arith.constant 12800 : i32
    %dma_start3A_912 = tpu.memref_slice %arg8[%dma_start3A_911] : memref<24576xf32, #tpu.memory_space<vmem>> -> memref<128xf32, #tpu.memory_space<vmem>>
    %dma_start3A_913 = arith.constant 12800 : i32
    %dma_start3A_914 = tpu.memref_slice %arg7[%dma_start3A_913] : memref<24576xi32, #tpu.memory_space<vmem>> -> memref<128xi32, #tpu.memory_space<vmem>>
    %dma_start3A_915 = arith.constant 0 : i32
    %dma_start3A_916 = tpu.memref_slice %arg11[%dma_start3A_915] : memref<917504xf32, #tpu.memory_space<vmem_shared>> -> memref<917504xf32, #tpu.memory_space<vmem_shared>>
    tpu.enqueue_indirect_dma source(%dma_start3A_916 : memref<917504xf32, #tpu.memory_space<vmem_shared>>) target(%dma_start3A_912 : memref<128xf32, #tpu.memory_space<vmem>>) offsets(%dma_start3A_914 : memref<128xi32, #tpu.memory_space<vmem>>) semaphore(%arg12 : memref<!tpu.dma_semaphore, #tpu.memory_space<semaphore_mem>>)
    %dma_start3A_917 = arith.constant 12928 : i32
    %dma_start3A_918 = tpu.memref_slice %arg8[%dma_start3A_917] : memref<24576xf32, #tpu.memory_space<vmem>> -> memref<128xf32, #tpu.memory_space<vmem>>
    %dma_start3A_919 = arith.constant 12928 : i32
    %dma_start3A_920 = tpu.memref_slice %arg7[%dma_start3A_919] : memref<24576xi32, #tpu.memory_space<vmem>> -> memref<128xi32, #tpu.memory_space<vmem>>
    %dma_start3A_921 = arith.constant 0 : i32
    %dma_start3A_922 = tpu.memref_slice %arg11[%dma_start3A_921] : memref<917504xf32, #tpu.memory_space<vmem_shared>> -> memref<917504xf32, #tpu.memory_space<vmem_shared>>
    tpu.enqueue_indirect_dma source(%dma_start3A_922 : memref<917504xf32, #tpu.memory_space<vmem_shared>>) target(%dma_start3A_918 : memref<128xf32, #tpu.memory_space<vmem>>) offsets(%dma_start3A_920 : memref<128xi32, #tpu.memory_space<vmem>>) semaphore(%arg12 : memref<!tpu.dma_semaphore, #tpu.memory_space<semaphore_mem>>)
    %dma_start3A_923 = arith.constant 13056 : i32
    %dma_start3A_924 = tpu.memref_slice %arg8[%dma_start3A_923] : memref<24576xf32, #tpu.memory_space<vmem>> -> memref<128xf32, #tpu.memory_space<vmem>>
    %dma_start3A_925 = arith.constant 13056 : i32
    %dma_start3A_926 = tpu.memref_slice %arg7[%dma_start3A_925] : memref<24576xi32, #tpu.memory_space<vmem>> -> memref<128xi32, #tpu.memory_space<vmem>>
    %dma_start3A_927 = arith.constant 0 : i32
    %dma_start3A_928 = tpu.memref_slice %arg11[%dma_start3A_927] : memref<917504xf32, #tpu.memory_space<vmem_shared>> -> memref<917504xf32, #tpu.memory_space<vmem_shared>>
    tpu.enqueue_indirect_dma source(%dma_start3A_928 : memref<917504xf32, #tpu.memory_space<vmem_shared>>) target(%dma_start3A_924 : memref<128xf32, #tpu.memory_space<vmem>>) offsets(%dma_start3A_926 : memref<128xi32, #tpu.memory_space<vmem>>) semaphore(%arg12 : memref<!tpu.dma_semaphore, #tpu.memory_space<semaphore_mem>>)
    %dma_start3A_929 = arith.constant 13184 : i32
    %dma_start3A_930 = tpu.memref_slice %arg8[%dma_start3A_929] : memref<24576xf32, #tpu.memory_space<vmem>> -> memref<128xf32, #tpu.memory_space<vmem>>
    %dma_start3A_931 = arith.constant 13184 : i32
    %dma_start3A_932 = tpu.memref_slice %arg7[%dma_start3A_931] : memref<24576xi32, #tpu.memory_space<vmem>> -> memref<128xi32, #tpu.memory_space<vmem>>
    %dma_start3A_933 = arith.constant 0 : i32
    %dma_start3A_934 = tpu.memref_slice %arg11[%dma_start3A_933] : memref<917504xf32, #tpu.memory_space<vmem_shared>> -> memref<917504xf32, #tpu.memory_space<vmem_shared>>
    tpu.enqueue_indirect_dma source(%dma_start3A_934 : memref<917504xf32, #tpu.memory_space<vmem_shared>>) target(%dma_start3A_930 : memref<128xf32, #tpu.memory_space<vmem>>) offsets(%dma_start3A_932 : memref<128xi32, #tpu.memory_space<vmem>>) semaphore(%arg12 : memref<!tpu.dma_semaphore, #tpu.memory_space<semaphore_mem>>)
    %dma_start3A_935 = arith.constant 13312 : i32
    %dma_start3A_936 = tpu.memref_slice %arg8[%dma_start3A_935] : memref<24576xf32, #tpu.memory_space<vmem>> -> memref<128xf32, #tpu.memory_space<vmem>>
    %dma_start3A_937 = arith.constant 13312 : i32
    %dma_start3A_938 = tpu.memref_slice %arg7[%dma_start3A_937] : memref<24576xi32, #tpu.memory_space<vmem>> -> memref<128xi32, #tpu.memory_space<vmem>>
    %dma_start3A_939 = arith.constant 0 : i32
    %dma_start3A_940 = tpu.memref_slice %arg11[%dma_start3A_939] : memref<917504xf32, #tpu.memory_space<vmem_shared>> -> memref<917504xf32, #tpu.memory_space<vmem_shared>>
    tpu.enqueue_indirect_dma source(%dma_start3A_940 : memref<917504xf32, #tpu.memory_space<vmem_shared>>) target(%dma_start3A_936 : memref<128xf32, #tpu.memory_space<vmem>>) offsets(%dma_start3A_938 : memref<128xi32, #tpu.memory_space<vmem>>) semaphore(%arg12 : memref<!tpu.dma_semaphore, #tpu.memory_space<semaphore_mem>>)
    %dma_start3A_941 = arith.constant 13440 : i32
    %dma_start3A_942 = tpu.memref_slice %arg8[%dma_start3A_941] : memref<24576xf32, #tpu.memory_space<vmem>> -> memref<128xf32, #tpu.memory_space<vmem>>
    %dma_start3A_943 = arith.constant 13440 : i32
    %dma_start3A_944 = tpu.memref_slice %arg7[%dma_start3A_943] : memref<24576xi32, #tpu.memory_space<vmem>> -> memref<128xi32, #tpu.memory_space<vmem>>
    %dma_start3A_945 = arith.constant 0 : i32
    %dma_start3A_946 = tpu.memref_slice %arg11[%dma_start3A_945] : memref<917504xf32, #tpu.memory_space<vmem_shared>> -> memref<917504xf32, #tpu.memory_space<vmem_shared>>
    tpu.enqueue_indirect_dma source(%dma_start3A_946 : memref<917504xf32, #tpu.memory_space<vmem_shared>>) target(%dma_start3A_942 : memref<128xf32, #tpu.memory_space<vmem>>) offsets(%dma_start3A_944 : memref<128xi32, #tpu.memory_space<vmem>>) semaphore(%arg12 : memref<!tpu.dma_semaphore, #tpu.memory_space<semaphore_mem>>)
    %dma_start3A_947 = arith.constant 13568 : i32
    %dma_start3A_948 = tpu.memref_slice %arg8[%dma_start3A_947] : memref<24576xf32, #tpu.memory_space<vmem>> -> memref<128xf32, #tpu.memory_space<vmem>>
    %dma_start3A_949 = arith.constant 13568 : i32
    %dma_start3A_950 = tpu.memref_slice %arg7[%dma_start3A_949] : memref<24576xi32, #tpu.memory_space<vmem>> -> memref<128xi32, #tpu.memory_space<vmem>>
    %dma_start3A_951 = arith.constant 0 : i32
    %dma_start3A_952 = tpu.memref_slice %arg11[%dma_start3A_951] : memref<917504xf32, #tpu.memory_space<vmem_shared>> -> memref<917504xf32, #tpu.memory_space<vmem_shared>>
    tpu.enqueue_indirect_dma source(%dma_start3A_952 : memref<917504xf32, #tpu.memory_space<vmem_shared>>) target(%dma_start3A_948 : memref<128xf32, #tpu.memory_space<vmem>>) offsets(%dma_start3A_950 : memref<128xi32, #tpu.memory_space<vmem>>) semaphore(%arg12 : memref<!tpu.dma_semaphore, #tpu.memory_space<semaphore_mem>>)
    %dma_start3A_953 = arith.constant 13696 : i32
    %dma_start3A_954 = tpu.memref_slice %arg8[%dma_start3A_953] : memref<24576xf32, #tpu.memory_space<vmem>> -> memref<128xf32, #tpu.memory_space<vmem>>
    %dma_start3A_955 = arith.constant 13696 : i32
    %dma_start3A_956 = tpu.memref_slice %arg7[%dma_start3A_955] : memref<24576xi32, #tpu.memory_space<vmem>> -> memref<128xi32, #tpu.memory_space<vmem>>
    %dma_start3A_957 = arith.constant 0 : i32
    %dma_start3A_958 = tpu.memref_slice %arg11[%dma_start3A_957] : memref<917504xf32, #tpu.memory_space<vmem_shared>> -> memref<917504xf32, #tpu.memory_space<vmem_shared>>
    tpu.enqueue_indirect_dma source(%dma_start3A_958 : memref<917504xf32, #tpu.memory_space<vmem_shared>>) target(%dma_start3A_954 : memref<128xf32, #tpu.memory_space<vmem>>) offsets(%dma_start3A_956 : memref<128xi32, #tpu.memory_space<vmem>>) semaphore(%arg12 : memref<!tpu.dma_semaphore, #tpu.memory_space<semaphore_mem>>)
    %dma_start3A_959 = arith.constant 13824 : i32
    %dma_start3A_960 = tpu.memref_slice %arg8[%dma_start3A_959] : memref<24576xf32, #tpu.memory_space<vmem>> -> memref<128xf32, #tpu.memory_space<vmem>>
    %dma_start3A_961 = arith.constant 13824 : i32
    %dma_start3A_962 = tpu.memref_slice %arg7[%dma_start3A_961] : memref<24576xi32, #tpu.memory_space<vmem>> -> memref<128xi32, #tpu.memory_space<vmem>>
    %dma_start3A_963 = arith.constant 0 : i32
    %dma_start3A_964 = tpu.memref_slice %arg11[%dma_start3A_963] : memref<917504xf32, #tpu.memory_space<vmem_shared>> -> memref<917504xf32, #tpu.memory_space<vmem_shared>>
    tpu.enqueue_indirect_dma source(%dma_start3A_964 : memref<917504xf32, #tpu.memory_space<vmem_shared>>) target(%dma_start3A_960 : memref<128xf32, #tpu.memory_space<vmem>>) offsets(%dma_start3A_962 : memref<128xi32, #tpu.memory_space<vmem>>) semaphore(%arg12 : memref<!tpu.dma_semaphore, #tpu.memory_space<semaphore_mem>>)
    %dma_start3A_965 = arith.constant 13952 : i32
    %dma_start3A_966 = tpu.memref_slice %arg8[%dma_start3A_965] : memref<24576xf32, #tpu.memory_space<vmem>> -> memref<128xf32, #tpu.memory_space<vmem>>
    %dma_start3A_967 = arith.constant 13952 : i32
    %dma_start3A_968 = tpu.memref_slice %arg7[%dma_start3A_967] : memref<24576xi32, #tpu.memory_space<vmem>> -> memref<128xi32, #tpu.memory_space<vmem>>
    %dma_start3A_969 = arith.constant 0 : i32
    %dma_start3A_970 = tpu.memref_slice %arg11[%dma_start3A_969] : memref<917504xf32, #tpu.memory_space<vmem_shared>> -> memref<917504xf32, #tpu.memory_space<vmem_shared>>
    tpu.enqueue_indirect_dma source(%dma_start3A_970 : memref<917504xf32, #tpu.memory_space<vmem_shared>>) target(%dma_start3A_966 : memref<128xf32, #tpu.memory_space<vmem>>) offsets(%dma_start3A_968 : memref<128xi32, #tpu.memory_space<vmem>>) semaphore(%arg12 : memref<!tpu.dma_semaphore, #tpu.memory_space<semaphore_mem>>)
    %dma_start3A_971 = arith.constant 14080 : i32
    %dma_start3A_972 = tpu.memref_slice %arg8[%dma_start3A_971] : memref<24576xf32, #tpu.memory_space<vmem>> -> memref<128xf32, #tpu.memory_space<vmem>>
    %dma_start3A_973 = arith.constant 14080 : i32
    %dma_start3A_974 = tpu.memref_slice %arg7[%dma_start3A_973] : memref<24576xi32, #tpu.memory_space<vmem>> -> memref<128xi32, #tpu.memory_space<vmem>>
    %dma_start3A_975 = arith.constant 0 : i32
    %dma_start3A_976 = tpu.memref_slice %arg11[%dma_start3A_975] : memref<917504xf32, #tpu.memory_space<vmem_shared>> -> memref<917504xf32, #tpu.memory_space<vmem_shared>>
    tpu.enqueue_indirect_dma source(%dma_start3A_976 : memref<917504xf32, #tpu.memory_space<vmem_shared>>) target(%dma_start3A_972 : memref<128xf32, #tpu.memory_space<vmem>>) offsets(%dma_start3A_974 : memref<128xi32, #tpu.memory_space<vmem>>) semaphore(%arg12 : memref<!tpu.dma_semaphore, #tpu.memory_space<semaphore_mem>>)
    %dma_start3A_977 = arith.constant 14208 : i32
    %dma_start3A_978 = tpu.memref_slice %arg8[%dma_start3A_977] : memref<24576xf32, #tpu.memory_space<vmem>> -> memref<128xf32, #tpu.memory_space<vmem>>
    %dma_start3A_979 = arith.constant 14208 : i32
    %dma_start3A_980 = tpu.memref_slice %arg7[%dma_start3A_979] : memref<24576xi32, #tpu.memory_space<vmem>> -> memref<128xi32, #tpu.memory_space<vmem>>
    %dma_start3A_981 = arith.constant 0 : i32
    %dma_start3A_982 = tpu.memref_slice %arg11[%dma_start3A_981] : memref<917504xf32, #tpu.memory_space<vmem_shared>> -> memref<917504xf32, #tpu.memory_space<vmem_shared>>
    tpu.enqueue_indirect_dma source(%dma_start3A_982 : memref<917504xf32, #tpu.memory_space<vmem_shared>>) target(%dma_start3A_978 : memref<128xf32, #tpu.memory_space<vmem>>) offsets(%dma_start3A_980 : memref<128xi32, #tpu.memory_space<vmem>>) semaphore(%arg12 : memref<!tpu.dma_semaphore, #tpu.memory_space<semaphore_mem>>)
    %dma_start3A_983 = arith.constant 14336 : i32
    %dma_start3A_984 = tpu.memref_slice %arg8[%dma_start3A_983] : memref<24576xf32, #tpu.memory_space<vmem>> -> memref<128xf32, #tpu.memory_space<vmem>>
    %dma_start3A_985 = arith.constant 14336 : i32
    %dma_start3A_986 = tpu.memref_slice %arg7[%dma_start3A_985] : memref<24576xi32, #tpu.memory_space<vmem>> -> memref<128xi32, #tpu.memory_space<vmem>>
    %dma_start3A_987 = arith.constant 0 : i32
    %dma_start3A_988 = tpu.memref_slice %arg11[%dma_start3A_987] : memref<917504xf32, #tpu.memory_space<vmem_shared>> -> memref<917504xf32, #tpu.memory_space<vmem_shared>>
    tpu.enqueue_indirect_dma source(%dma_start3A_988 : memref<917504xf32, #tpu.memory_space<vmem_shared>>) target(%dma_start3A_984 : memref<128xf32, #tpu.memory_space<vmem>>) offsets(%dma_start3A_986 : memref<128xi32, #tpu.memory_space<vmem>>) semaphore(%arg12 : memref<!tpu.dma_semaphore, #tpu.memory_space<semaphore_mem>>)
    %dma_start3A_989 = arith.constant 14464 : i32
    %dma_start3A_990 = tpu.memref_slice %arg8[%dma_start3A_989] : memref<24576xf32, #tpu.memory_space<vmem>> -> memref<128xf32, #tpu.memory_space<vmem>>
    %dma_start3A_991 = arith.constant 14464 : i32
    %dma_start3A_992 = tpu.memref_slice %arg7[%dma_start3A_991] : memref<24576xi32, #tpu.memory_space<vmem>> -> memref<128xi32, #tpu.memory_space<vmem>>
    %dma_start3A_993 = arith.constant 0 : i32
    %dma_start3A_994 = tpu.memref_slice %arg11[%dma_start3A_993] : memref<917504xf32, #tpu.memory_space<vmem_shared>> -> memref<917504xf32, #tpu.memory_space<vmem_shared>>
    tpu.enqueue_indirect_dma source(%dma_start3A_994 : memref<917504xf32, #tpu.memory_space<vmem_shared>>) target(%dma_start3A_990 : memref<128xf32, #tpu.memory_space<vmem>>) offsets(%dma_start3A_992 : memref<128xi32, #tpu.memory_space<vmem>>) semaphore(%arg12 : memref<!tpu.dma_semaphore, #tpu.memory_space<semaphore_mem>>)
    %dma_start3A_995 = arith.constant 14592 : i32
    %dma_start3A_996 = tpu.memref_slice %arg8[%dma_start3A_995] : memref<24576xf32, #tpu.memory_space<vmem>> -> memref<128xf32, #tpu.memory_space<vmem>>
    %dma_start3A_997 = arith.constant 14592 : i32
    %dma_start3A_998 = tpu.memref_slice %arg7[%dma_start3A_997] : memref<24576xi32, #tpu.memory_space<vmem>> -> memref<128xi32, #tpu.memory_space<vmem>>
    %dma_start3A_999 = arith.constant 0 : i32
    %dma_start3A_1000 = tpu.memref_slice %arg11[%dma_start3A_999] : memref<917504xf32, #tpu.memory_space<vmem_shared>> -> memref<917504xf32, #tpu.memory_space<vmem_shared>>
    tpu.enqueue_indirect_dma source(%dma_start3A_1000 : memref<917504xf32, #tpu.memory_space<vmem_shared>>) target(%dma_start3A_996 : memref<128xf32, #tpu.memory_space<vmem>>) offsets(%dma_start3A_998 : memref<128xi32, #tpu.memory_space<vmem>>) semaphore(%arg12 : memref<!tpu.dma_semaphore, #tpu.memory_space<semaphore_mem>>)
    %dma_start3A_1001 = arith.constant 14720 : i32
    %dma_start3A_1002 = tpu.memref_slice %arg8[%dma_start3A_1001] : memref<24576xf32, #tpu.memory_space<vmem>> -> memref<128xf32, #tpu.memory_space<vmem>>
    %dma_start3A_1003 = arith.constant 14720 : i32
    %dma_start3A_1004 = tpu.memref_slice %arg7[%dma_start3A_1003] : memref<24576xi32, #tpu.memory_space<vmem>> -> memref<128xi32, #tpu.memory_space<vmem>>
    %dma_start3A_1005 = arith.constant 0 : i32
    %dma_start3A_1006 = tpu.memref_slice %arg11[%dma_start3A_1005] : memref<917504xf32, #tpu.memory_space<vmem_shared>> -> memref<917504xf32, #tpu.memory_space<vmem_shared>>
    tpu.enqueue_indirect_dma source(%dma_start3A_1006 : memref<917504xf32, #tpu.memory_space<vmem_shared>>) target(%dma_start3A_1002 : memref<128xf32, #tpu.memory_space<vmem>>) offsets(%dma_start3A_1004 : memref<128xi32, #tpu.memory_space<vmem>>) semaphore(%arg12 : memref<!tpu.dma_semaphore, #tpu.memory_space<semaphore_mem>>)
    %dma_start3A_1007 = arith.constant 14848 : i32
    %dma_start3A_1008 = tpu.memref_slice %arg8[%dma_start3A_1007] : memref<24576xf32, #tpu.memory_space<vmem>> -> memref<128xf32, #tpu.memory_space<vmem>>
    %dma_start3A_1009 = arith.constant 14848 : i32
    %dma_start3A_1010 = tpu.memref_slice %arg7[%dma_start3A_1009] : memref<24576xi32, #tpu.memory_space<vmem>> -> memref<128xi32, #tpu.memory_space<vmem>>
    %dma_start3A_1011 = arith.constant 0 : i32
    %dma_start3A_1012 = tpu.memref_slice %arg11[%dma_start3A_1011] : memref<917504xf32, #tpu.memory_space<vmem_shared>> -> memref<917504xf32, #tpu.memory_space<vmem_shared>>
    tpu.enqueue_indirect_dma source(%dma_start3A_1012 : memref<917504xf32, #tpu.memory_space<vmem_shared>>) target(%dma_start3A_1008 : memref<128xf32, #tpu.memory_space<vmem>>) offsets(%dma_start3A_1010 : memref<128xi32, #tpu.memory_space<vmem>>) semaphore(%arg12 : memref<!tpu.dma_semaphore, #tpu.memory_space<semaphore_mem>>)
    %dma_start3A_1013 = arith.constant 14976 : i32
    %dma_start3A_1014 = tpu.memref_slice %arg8[%dma_start3A_1013] : memref<24576xf32, #tpu.memory_space<vmem>> -> memref<128xf32, #tpu.memory_space<vmem>>
    %dma_start3A_1015 = arith.constant 14976 : i32
    %dma_start3A_1016 = tpu.memref_slice %arg7[%dma_start3A_1015] : memref<24576xi32, #tpu.memory_space<vmem>> -> memref<128xi32, #tpu.memory_space<vmem>>
    %dma_start3A_1017 = arith.constant 0 : i32
    %dma_start3A_1018 = tpu.memref_slice %arg11[%dma_start3A_1017] : memref<917504xf32, #tpu.memory_space<vmem_shared>> -> memref<917504xf32, #tpu.memory_space<vmem_shared>>
    tpu.enqueue_indirect_dma source(%dma_start3A_1018 : memref<917504xf32, #tpu.memory_space<vmem_shared>>) target(%dma_start3A_1014 : memref<128xf32, #tpu.memory_space<vmem>>) offsets(%dma_start3A_1016 : memref<128xi32, #tpu.memory_space<vmem>>) semaphore(%arg12 : memref<!tpu.dma_semaphore, #tpu.memory_space<semaphore_mem>>)
    %dma_start3A_1019 = arith.constant 15104 : i32
    %dma_start3A_1020 = tpu.memref_slice %arg8[%dma_start3A_1019] : memref<24576xf32, #tpu.memory_space<vmem>> -> memref<128xf32, #tpu.memory_space<vmem>>
    %dma_start3A_1021 = arith.constant 15104 : i32
    %dma_start3A_1022 = tpu.memref_slice %arg7[%dma_start3A_1021] : memref<24576xi32, #tpu.memory_space<vmem>> -> memref<128xi32, #tpu.memory_space<vmem>>
    %dma_start3A_1023 = arith.constant 0 : i32
    %dma_start3A_1024 = tpu.memref_slice %arg11[%dma_start3A_1023] : memref<917504xf32, #tpu.memory_space<vmem_shared>> -> memref<917504xf32, #tpu.memory_space<vmem_shared>>
    tpu.enqueue_indirect_dma source(%dma_start3A_1024 : memref<917504xf32, #tpu.memory_space<vmem_shared>>) target(%dma_start3A_1020 : memref<128xf32, #tpu.memory_space<vmem>>) offsets(%dma_start3A_1022 : memref<128xi32, #tpu.memory_space<vmem>>) semaphore(%arg12 : memref<!tpu.dma_semaphore, #tpu.memory_space<semaphore_mem>>)
    %dma_start3A_1025 = arith.constant 15232 : i32
    %dma_start3A_1026 = tpu.memref_slice %arg8[%dma_start3A_1025] : memref<24576xf32, #tpu.memory_space<vmem>> -> memref<128xf32, #tpu.memory_space<vmem>>
    %dma_start3A_1027 = arith.constant 15232 : i32
    %dma_start3A_1028 = tpu.memref_slice %arg7[%dma_start3A_1027] : memref<24576xi32, #tpu.memory_space<vmem>> -> memref<128xi32, #tpu.memory_space<vmem>>
    %dma_start3A_1029 = arith.constant 0 : i32
    %dma_start3A_1030 = tpu.memref_slice %arg11[%dma_start3A_1029] : memref<917504xf32, #tpu.memory_space<vmem_shared>> -> memref<917504xf32, #tpu.memory_space<vmem_shared>>
    tpu.enqueue_indirect_dma source(%dma_start3A_1030 : memref<917504xf32, #tpu.memory_space<vmem_shared>>) target(%dma_start3A_1026 : memref<128xf32, #tpu.memory_space<vmem>>) offsets(%dma_start3A_1028 : memref<128xi32, #tpu.memory_space<vmem>>) semaphore(%arg12 : memref<!tpu.dma_semaphore, #tpu.memory_space<semaphore_mem>>)
    %dma_start3A_1031 = arith.constant 15360 : i32
    %dma_start3A_1032 = tpu.memref_slice %arg8[%dma_start3A_1031] : memref<24576xf32, #tpu.memory_space<vmem>> -> memref<128xf32, #tpu.memory_space<vmem>>
    %dma_start3A_1033 = arith.constant 15360 : i32
    %dma_start3A_1034 = tpu.memref_slice %arg7[%dma_start3A_1033] : memref<24576xi32, #tpu.memory_space<vmem>> -> memref<128xi32, #tpu.memory_space<vmem>>
    %dma_start3A_1035 = arith.constant 0 : i32
    %dma_start3A_1036 = tpu.memref_slice %arg11[%dma_start3A_1035] : memref<917504xf32, #tpu.memory_space<vmem_shared>> -> memref<917504xf32, #tpu.memory_space<vmem_shared>>
    tpu.enqueue_indirect_dma source(%dma_start3A_1036 : memref<917504xf32, #tpu.memory_space<vmem_shared>>) target(%dma_start3A_1032 : memref<128xf32, #tpu.memory_space<vmem>>) offsets(%dma_start3A_1034 : memref<128xi32, #tpu.memory_space<vmem>>) semaphore(%arg12 : memref<!tpu.dma_semaphore, #tpu.memory_space<semaphore_mem>>)
    %dma_start3A_1037 = arith.constant 15488 : i32
    %dma_start3A_1038 = tpu.memref_slice %arg8[%dma_start3A_1037] : memref<24576xf32, #tpu.memory_space<vmem>> -> memref<128xf32, #tpu.memory_space<vmem>>
    %dma_start3A_1039 = arith.constant 15488 : i32
    %dma_start3A_1040 = tpu.memref_slice %arg7[%dma_start3A_1039] : memref<24576xi32, #tpu.memory_space<vmem>> -> memref<128xi32, #tpu.memory_space<vmem>>
    %dma_start3A_1041 = arith.constant 0 : i32
    %dma_start3A_1042 = tpu.memref_slice %arg11[%dma_start3A_1041] : memref<917504xf32, #tpu.memory_space<vmem_shared>> -> memref<917504xf32, #tpu.memory_space<vmem_shared>>
    tpu.enqueue_indirect_dma source(%dma_start3A_1042 : memref<917504xf32, #tpu.memory_space<vmem_shared>>) target(%dma_start3A_1038 : memref<128xf32, #tpu.memory_space<vmem>>) offsets(%dma_start3A_1040 : memref<128xi32, #tpu.memory_space<vmem>>) semaphore(%arg12 : memref<!tpu.dma_semaphore, #tpu.memory_space<semaphore_mem>>)
    %dma_start3A_1043 = arith.constant 15616 : i32
    %dma_start3A_1044 = tpu.memref_slice %arg8[%dma_start3A_1043] : memref<24576xf32, #tpu.memory_space<vmem>> -> memref<128xf32, #tpu.memory_space<vmem>>
    %dma_start3A_1045 = arith.constant 15616 : i32
    %dma_start3A_1046 = tpu.memref_slice %arg7[%dma_start3A_1045] : memref<24576xi32, #tpu.memory_space<vmem>> -> memref<128xi32, #tpu.memory_space<vmem>>
    %dma_start3A_1047 = arith.constant 0 : i32
    %dma_start3A_1048 = tpu.memref_slice %arg11[%dma_start3A_1047] : memref<917504xf32, #tpu.memory_space<vmem_shared>> -> memref<917504xf32, #tpu.memory_space<vmem_shared>>
    tpu.enqueue_indirect_dma source(%dma_start3A_1048 : memref<917504xf32, #tpu.memory_space<vmem_shared>>) target(%dma_start3A_1044 : memref<128xf32, #tpu.memory_space<vmem>>) offsets(%dma_start3A_1046 : memref<128xi32, #tpu.memory_space<vmem>>) semaphore(%arg12 : memref<!tpu.dma_semaphore, #tpu.memory_space<semaphore_mem>>)
    %dma_start3A_1049 = arith.constant 15744 : i32
    %dma_start3A_1050 = tpu.memref_slice %arg8[%dma_start3A_1049] : memref<24576xf32, #tpu.memory_space<vmem>> -> memref<128xf32, #tpu.memory_space<vmem>>
    %dma_start3A_1051 = arith.constant 15744 : i32
    %dma_start3A_1052 = tpu.memref_slice %arg7[%dma_start3A_1051] : memref<24576xi32, #tpu.memory_space<vmem>> -> memref<128xi32, #tpu.memory_space<vmem>>
    %dma_start3A_1053 = arith.constant 0 : i32
    %dma_start3A_1054 = tpu.memref_slice %arg11[%dma_start3A_1053] : memref<917504xf32, #tpu.memory_space<vmem_shared>> -> memref<917504xf32, #tpu.memory_space<vmem_shared>>
    tpu.enqueue_indirect_dma source(%dma_start3A_1054 : memref<917504xf32, #tpu.memory_space<vmem_shared>>) target(%dma_start3A_1050 : memref<128xf32, #tpu.memory_space<vmem>>) offsets(%dma_start3A_1052 : memref<128xi32, #tpu.memory_space<vmem>>) semaphore(%arg12 : memref<!tpu.dma_semaphore, #tpu.memory_space<semaphore_mem>>)
    %dma_start3A_1055 = arith.constant 15872 : i32
    %dma_start3A_1056 = tpu.memref_slice %arg8[%dma_start3A_1055] : memref<24576xf32, #tpu.memory_space<vmem>> -> memref<128xf32, #tpu.memory_space<vmem>>
    %dma_start3A_1057 = arith.constant 15872 : i32
    %dma_start3A_1058 = tpu.memref_slice %arg7[%dma_start3A_1057] : memref<24576xi32, #tpu.memory_space<vmem>> -> memref<128xi32, #tpu.memory_space<vmem>>
    %dma_start3A_1059 = arith.constant 0 : i32
    %dma_start3A_1060 = tpu.memref_slice %arg11[%dma_start3A_1059] : memref<917504xf32, #tpu.memory_space<vmem_shared>> -> memref<917504xf32, #tpu.memory_space<vmem_shared>>
    tpu.enqueue_indirect_dma source(%dma_start3A_1060 : memref<917504xf32, #tpu.memory_space<vmem_shared>>) target(%dma_start3A_1056 : memref<128xf32, #tpu.memory_space<vmem>>) offsets(%dma_start3A_1058 : memref<128xi32, #tpu.memory_space<vmem>>) semaphore(%arg12 : memref<!tpu.dma_semaphore, #tpu.memory_space<semaphore_mem>>)
    %dma_start3A_1061 = arith.constant 16000 : i32
    %dma_start3A_1062 = tpu.memref_slice %arg8[%dma_start3A_1061] : memref<24576xf32, #tpu.memory_space<vmem>> -> memref<128xf32, #tpu.memory_space<vmem>>
    %dma_start3A_1063 = arith.constant 16000 : i32
    %dma_start3A_1064 = tpu.memref_slice %arg7[%dma_start3A_1063] : memref<24576xi32, #tpu.memory_space<vmem>> -> memref<128xi32, #tpu.memory_space<vmem>>
    %dma_start3A_1065 = arith.constant 0 : i32
    %dma_start3A_1066 = tpu.memref_slice %arg11[%dma_start3A_1065] : memref<917504xf32, #tpu.memory_space<vmem_shared>> -> memref<917504xf32, #tpu.memory_space<vmem_shared>>
    tpu.enqueue_indirect_dma source(%dma_start3A_1066 : memref<917504xf32, #tpu.memory_space<vmem_shared>>) target(%dma_start3A_1062 : memref<128xf32, #tpu.memory_space<vmem>>) offsets(%dma_start3A_1064 : memref<128xi32, #tpu.memory_space<vmem>>) semaphore(%arg12 : memref<!tpu.dma_semaphore, #tpu.memory_space<semaphore_mem>>)
    %dma_start3A_1067 = arith.constant 16128 : i32
    %dma_start3A_1068 = tpu.memref_slice %arg8[%dma_start3A_1067] : memref<24576xf32, #tpu.memory_space<vmem>> -> memref<128xf32, #tpu.memory_space<vmem>>
    %dma_start3A_1069 = arith.constant 16128 : i32
    %dma_start3A_1070 = tpu.memref_slice %arg7[%dma_start3A_1069] : memref<24576xi32, #tpu.memory_space<vmem>> -> memref<128xi32, #tpu.memory_space<vmem>>
    %dma_start3A_1071 = arith.constant 0 : i32
    %dma_start3A_1072 = tpu.memref_slice %arg11[%dma_start3A_1071] : memref<917504xf32, #tpu.memory_space<vmem_shared>> -> memref<917504xf32, #tpu.memory_space<vmem_shared>>
    tpu.enqueue_indirect_dma source(%dma_start3A_1072 : memref<917504xf32, #tpu.memory_space<vmem_shared>>) target(%dma_start3A_1068 : memref<128xf32, #tpu.memory_space<vmem>>) offsets(%dma_start3A_1070 : memref<128xi32, #tpu.memory_space<vmem>>) semaphore(%arg12 : memref<!tpu.dma_semaphore, #tpu.memory_space<semaphore_mem>>)
    %dma_start3A_1073 = arith.constant 16256 : i32
    %dma_start3A_1074 = tpu.memref_slice %arg8[%dma_start3A_1073] : memref<24576xf32, #tpu.memory_space<vmem>> -> memref<128xf32, #tpu.memory_space<vmem>>
    %dma_start3A_1075 = arith.constant 16256 : i32
    %dma_start3A_1076 = tpu.memref_slice %arg7[%dma_start3A_1075] : memref<24576xi32, #tpu.memory_space<vmem>> -> memref<128xi32, #tpu.memory_space<vmem>>
    %dma_start3A_1077 = arith.constant 0 : i32
    %dma_start3A_1078 = tpu.memref_slice %arg11[%dma_start3A_1077] : memref<917504xf32, #tpu.memory_space<vmem_shared>> -> memref<917504xf32, #tpu.memory_space<vmem_shared>>
    tpu.enqueue_indirect_dma source(%dma_start3A_1078 : memref<917504xf32, #tpu.memory_space<vmem_shared>>) target(%dma_start3A_1074 : memref<128xf32, #tpu.memory_space<vmem>>) offsets(%dma_start3A_1076 : memref<128xi32, #tpu.memory_space<vmem>>) semaphore(%arg12 : memref<!tpu.dma_semaphore, #tpu.memory_space<semaphore_mem>>)
    %dma_start3A_1079 = arith.constant 16384 : i32
    %dma_start3A_1080 = tpu.memref_slice %arg8[%dma_start3A_1079] : memref<24576xf32, #tpu.memory_space<vmem>> -> memref<128xf32, #tpu.memory_space<vmem>>
    %dma_start3A_1081 = arith.constant 16384 : i32
    %dma_start3A_1082 = tpu.memref_slice %arg7[%dma_start3A_1081] : memref<24576xi32, #tpu.memory_space<vmem>> -> memref<128xi32, #tpu.memory_space<vmem>>
    %dma_start3A_1083 = arith.constant 0 : i32
    %dma_start3A_1084 = tpu.memref_slice %arg11[%dma_start3A_1083] : memref<917504xf32, #tpu.memory_space<vmem_shared>> -> memref<917504xf32, #tpu.memory_space<vmem_shared>>
    tpu.enqueue_indirect_dma source(%dma_start3A_1084 : memref<917504xf32, #tpu.memory_space<vmem_shared>>) target(%dma_start3A_1080 : memref<128xf32, #tpu.memory_space<vmem>>) offsets(%dma_start3A_1082 : memref<128xi32, #tpu.memory_space<vmem>>) semaphore(%arg12 : memref<!tpu.dma_semaphore, #tpu.memory_space<semaphore_mem>>)
    %dma_start3A_1085 = arith.constant 16512 : i32
    %dma_start3A_1086 = tpu.memref_slice %arg8[%dma_start3A_1085] : memref<24576xf32, #tpu.memory_space<vmem>> -> memref<128xf32, #tpu.memory_space<vmem>>
    %dma_start3A_1087 = arith.constant 16512 : i32
    %dma_start3A_1088 = tpu.memref_slice %arg7[%dma_start3A_1087] : memref<24576xi32, #tpu.memory_space<vmem>> -> memref<128xi32, #tpu.memory_space<vmem>>
    %dma_start3A_1089 = arith.constant 0 : i32
    %dma_start3A_1090 = tpu.memref_slice %arg11[%dma_start3A_1089] : memref<917504xf32, #tpu.memory_space<vmem_shared>> -> memref<917504xf32, #tpu.memory_space<vmem_shared>>
    tpu.enqueue_indirect_dma source(%dma_start3A_1090 : memref<917504xf32, #tpu.memory_space<vmem_shared>>) target(%dma_start3A_1086 : memref<128xf32, #tpu.memory_space<vmem>>) offsets(%dma_start3A_1088 : memref<128xi32, #tpu.memory_space<vmem>>) semaphore(%arg12 : memref<!tpu.dma_semaphore, #tpu.memory_space<semaphore_mem>>)
    %dma_start3A_1091 = arith.constant 16640 : i32
    %dma_start3A_1092 = tpu.memref_slice %arg8[%dma_start3A_1091] : memref<24576xf32, #tpu.memory_space<vmem>> -> memref<128xf32, #tpu.memory_space<vmem>>
    %dma_start3A_1093 = arith.constant 16640 : i32
    %dma_start3A_1094 = tpu.memref_slice %arg7[%dma_start3A_1093] : memref<24576xi32, #tpu.memory_space<vmem>> -> memref<128xi32, #tpu.memory_space<vmem>>
    %dma_start3A_1095 = arith.constant 0 : i32
    %dma_start3A_1096 = tpu.memref_slice %arg11[%dma_start3A_1095] : memref<917504xf32, #tpu.memory_space<vmem_shared>> -> memref<917504xf32, #tpu.memory_space<vmem_shared>>
    tpu.enqueue_indirect_dma source(%dma_start3A_1096 : memref<917504xf32, #tpu.memory_space<vmem_shared>>) target(%dma_start3A_1092 : memref<128xf32, #tpu.memory_space<vmem>>) offsets(%dma_start3A_1094 : memref<128xi32, #tpu.memory_space<vmem>>) semaphore(%arg12 : memref<!tpu.dma_semaphore, #tpu.memory_space<semaphore_mem>>)
    %dma_start3A_1097 = arith.constant 16768 : i32
    %dma_start3A_1098 = tpu.memref_slice %arg8[%dma_start3A_1097] : memref<24576xf32, #tpu.memory_space<vmem>> -> memref<128xf32, #tpu.memory_space<vmem>>
    %dma_start3A_1099 = arith.constant 16768 : i32
    %dma_start3A_1100 = tpu.memref_slice %arg7[%dma_start3A_1099] : memref<24576xi32, #tpu.memory_space<vmem>> -> memref<128xi32, #tpu.memory_space<vmem>>
    %dma_start3A_1101 = arith.constant 0 : i32
    %dma_start3A_1102 = tpu.memref_slice %arg11[%dma_start3A_1101] : memref<917504xf32, #tpu.memory_space<vmem_shared>> -> memref<917504xf32, #tpu.memory_space<vmem_shared>>
    tpu.enqueue_indirect_dma source(%dma_start3A_1102 : memref<917504xf32, #tpu.memory_space<vmem_shared>>) target(%dma_start3A_1098 : memref<128xf32, #tpu.memory_space<vmem>>) offsets(%dma_start3A_1100 : memref<128xi32, #tpu.memory_space<vmem>>) semaphore(%arg12 : memref<!tpu.dma_semaphore, #tpu.memory_space<semaphore_mem>>)
    %dma_start3A_1103 = arith.constant 16896 : i32
    %dma_start3A_1104 = tpu.memref_slice %arg8[%dma_start3A_1103] : memref<24576xf32, #tpu.memory_space<vmem>> -> memref<128xf32, #tpu.memory_space<vmem>>
    %dma_start3A_1105 = arith.constant 16896 : i32
    %dma_start3A_1106 = tpu.memref_slice %arg7[%dma_start3A_1105] : memref<24576xi32, #tpu.memory_space<vmem>> -> memref<128xi32, #tpu.memory_space<vmem>>
    %dma_start3A_1107 = arith.constant 0 : i32
    %dma_start3A_1108 = tpu.memref_slice %arg11[%dma_start3A_1107] : memref<917504xf32, #tpu.memory_space<vmem_shared>> -> memref<917504xf32, #tpu.memory_space<vmem_shared>>
    tpu.enqueue_indirect_dma source(%dma_start3A_1108 : memref<917504xf32, #tpu.memory_space<vmem_shared>>) target(%dma_start3A_1104 : memref<128xf32, #tpu.memory_space<vmem>>) offsets(%dma_start3A_1106 : memref<128xi32, #tpu.memory_space<vmem>>) semaphore(%arg12 : memref<!tpu.dma_semaphore, #tpu.memory_space<semaphore_mem>>)
    %dma_start3A_1109 = arith.constant 17024 : i32
    %dma_start3A_1110 = tpu.memref_slice %arg8[%dma_start3A_1109] : memref<24576xf32, #tpu.memory_space<vmem>> -> memref<128xf32, #tpu.memory_space<vmem>>
    %dma_start3A_1111 = arith.constant 17024 : i32
    %dma_start3A_1112 = tpu.memref_slice %arg7[%dma_start3A_1111] : memref<24576xi32, #tpu.memory_space<vmem>> -> memref<128xi32, #tpu.memory_space<vmem>>
    %dma_start3A_1113 = arith.constant 0 : i32
    %dma_start3A_1114 = tpu.memref_slice %arg11[%dma_start3A_1113] : memref<917504xf32, #tpu.memory_space<vmem_shared>> -> memref<917504xf32, #tpu.memory_space<vmem_shared>>
    tpu.enqueue_indirect_dma source(%dma_start3A_1114 : memref<917504xf32, #tpu.memory_space<vmem_shared>>) target(%dma_start3A_1110 : memref<128xf32, #tpu.memory_space<vmem>>) offsets(%dma_start3A_1112 : memref<128xi32, #tpu.memory_space<vmem>>) semaphore(%arg12 : memref<!tpu.dma_semaphore, #tpu.memory_space<semaphore_mem>>)
    %dma_start3A_1115 = arith.constant 17152 : i32
    %dma_start3A_1116 = tpu.memref_slice %arg8[%dma_start3A_1115] : memref<24576xf32, #tpu.memory_space<vmem>> -> memref<128xf32, #tpu.memory_space<vmem>>
    %dma_start3A_1117 = arith.constant 17152 : i32
    %dma_start3A_1118 = tpu.memref_slice %arg7[%dma_start3A_1117] : memref<24576xi32, #tpu.memory_space<vmem>> -> memref<128xi32, #tpu.memory_space<vmem>>
    %dma_start3A_1119 = arith.constant 0 : i32
    %dma_start3A_1120 = tpu.memref_slice %arg11[%dma_start3A_1119] : memref<917504xf32, #tpu.memory_space<vmem_shared>> -> memref<917504xf32, #tpu.memory_space<vmem_shared>>
    tpu.enqueue_indirect_dma source(%dma_start3A_1120 : memref<917504xf32, #tpu.memory_space<vmem_shared>>) target(%dma_start3A_1116 : memref<128xf32, #tpu.memory_space<vmem>>) offsets(%dma_start3A_1118 : memref<128xi32, #tpu.memory_space<vmem>>) semaphore(%arg12 : memref<!tpu.dma_semaphore, #tpu.memory_space<semaphore_mem>>)
    %dma_start3A_1121 = arith.constant 17280 : i32
    %dma_start3A_1122 = tpu.memref_slice %arg8[%dma_start3A_1121] : memref<24576xf32, #tpu.memory_space<vmem>> -> memref<128xf32, #tpu.memory_space<vmem>>
    %dma_start3A_1123 = arith.constant 17280 : i32
    %dma_start3A_1124 = tpu.memref_slice %arg7[%dma_start3A_1123] : memref<24576xi32, #tpu.memory_space<vmem>> -> memref<128xi32, #tpu.memory_space<vmem>>
    %dma_start3A_1125 = arith.constant 0 : i32
    %dma_start3A_1126 = tpu.memref_slice %arg11[%dma_start3A_1125] : memref<917504xf32, #tpu.memory_space<vmem_shared>> -> memref<917504xf32, #tpu.memory_space<vmem_shared>>
    tpu.enqueue_indirect_dma source(%dma_start3A_1126 : memref<917504xf32, #tpu.memory_space<vmem_shared>>) target(%dma_start3A_1122 : memref<128xf32, #tpu.memory_space<vmem>>) offsets(%dma_start3A_1124 : memref<128xi32, #tpu.memory_space<vmem>>) semaphore(%arg12 : memref<!tpu.dma_semaphore, #tpu.memory_space<semaphore_mem>>)
    %dma_start3A_1127 = arith.constant 17408 : i32
    %dma_start3A_1128 = tpu.memref_slice %arg8[%dma_start3A_1127] : memref<24576xf32, #tpu.memory_space<vmem>> -> memref<128xf32, #tpu.memory_space<vmem>>
    %dma_start3A_1129 = arith.constant 17408 : i32
    %dma_start3A_1130 = tpu.memref_slice %arg7[%dma_start3A_1129] : memref<24576xi32, #tpu.memory_space<vmem>> -> memref<128xi32, #tpu.memory_space<vmem>>
    %dma_start3A_1131 = arith.constant 0 : i32
    %dma_start3A_1132 = tpu.memref_slice %arg11[%dma_start3A_1131] : memref<917504xf32, #tpu.memory_space<vmem_shared>> -> memref<917504xf32, #tpu.memory_space<vmem_shared>>
    tpu.enqueue_indirect_dma source(%dma_start3A_1132 : memref<917504xf32, #tpu.memory_space<vmem_shared>>) target(%dma_start3A_1128 : memref<128xf32, #tpu.memory_space<vmem>>) offsets(%dma_start3A_1130 : memref<128xi32, #tpu.memory_space<vmem>>) semaphore(%arg12 : memref<!tpu.dma_semaphore, #tpu.memory_space<semaphore_mem>>)
    %dma_start3A_1133 = arith.constant 17536 : i32
    %dma_start3A_1134 = tpu.memref_slice %arg8[%dma_start3A_1133] : memref<24576xf32, #tpu.memory_space<vmem>> -> memref<128xf32, #tpu.memory_space<vmem>>
    %dma_start3A_1135 = arith.constant 17536 : i32
    %dma_start3A_1136 = tpu.memref_slice %arg7[%dma_start3A_1135] : memref<24576xi32, #tpu.memory_space<vmem>> -> memref<128xi32, #tpu.memory_space<vmem>>
    %dma_start3A_1137 = arith.constant 0 : i32
    %dma_start3A_1138 = tpu.memref_slice %arg11[%dma_start3A_1137] : memref<917504xf32, #tpu.memory_space<vmem_shared>> -> memref<917504xf32, #tpu.memory_space<vmem_shared>>
    tpu.enqueue_indirect_dma source(%dma_start3A_1138 : memref<917504xf32, #tpu.memory_space<vmem_shared>>) target(%dma_start3A_1134 : memref<128xf32, #tpu.memory_space<vmem>>) offsets(%dma_start3A_1136 : memref<128xi32, #tpu.memory_space<vmem>>) semaphore(%arg12 : memref<!tpu.dma_semaphore, #tpu.memory_space<semaphore_mem>>)
    %dma_start3A_1139 = arith.constant 17664 : i32
    %dma_start3A_1140 = tpu.memref_slice %arg8[%dma_start3A_1139] : memref<24576xf32, #tpu.memory_space<vmem>> -> memref<128xf32, #tpu.memory_space<vmem>>
    %dma_start3A_1141 = arith.constant 17664 : i32
    %dma_start3A_1142 = tpu.memref_slice %arg7[%dma_start3A_1141] : memref<24576xi32, #tpu.memory_space<vmem>> -> memref<128xi32, #tpu.memory_space<vmem>>
    %dma_start3A_1143 = arith.constant 0 : i32
    %dma_start3A_1144 = tpu.memref_slice %arg11[%dma_start3A_1143] : memref<917504xf32, #tpu.memory_space<vmem_shared>> -> memref<917504xf32, #tpu.memory_space<vmem_shared>>
    tpu.enqueue_indirect_dma source(%dma_start3A_1144 : memref<917504xf32, #tpu.memory_space<vmem_shared>>) target(%dma_start3A_1140 : memref<128xf32, #tpu.memory_space<vmem>>) offsets(%dma_start3A_1142 : memref<128xi32, #tpu.memory_space<vmem>>) semaphore(%arg12 : memref<!tpu.dma_semaphore, #tpu.memory_space<semaphore_mem>>)
    %dma_start3A_1145 = arith.constant 17792 : i32
    %dma_start3A_1146 = tpu.memref_slice %arg8[%dma_start3A_1145] : memref<24576xf32, #tpu.memory_space<vmem>> -> memref<128xf32, #tpu.memory_space<vmem>>
    %dma_start3A_1147 = arith.constant 17792 : i32
    %dma_start3A_1148 = tpu.memref_slice %arg7[%dma_start3A_1147] : memref<24576xi32, #tpu.memory_space<vmem>> -> memref<128xi32, #tpu.memory_space<vmem>>
    %dma_start3A_1149 = arith.constant 0 : i32
    %dma_start3A_1150 = tpu.memref_slice %arg11[%dma_start3A_1149] : memref<917504xf32, #tpu.memory_space<vmem_shared>> -> memref<917504xf32, #tpu.memory_space<vmem_shared>>
    tpu.enqueue_indirect_dma source(%dma_start3A_1150 : memref<917504xf32, #tpu.memory_space<vmem_shared>>) target(%dma_start3A_1146 : memref<128xf32, #tpu.memory_space<vmem>>) offsets(%dma_start3A_1148 : memref<128xi32, #tpu.memory_space<vmem>>) semaphore(%arg12 : memref<!tpu.dma_semaphore, #tpu.memory_space<semaphore_mem>>)
    %dma_start3A_1151 = arith.constant 17920 : i32
    %dma_start3A_1152 = tpu.memref_slice %arg8[%dma_start3A_1151] : memref<24576xf32, #tpu.memory_space<vmem>> -> memref<128xf32, #tpu.memory_space<vmem>>
    %dma_start3A_1153 = arith.constant 17920 : i32
    %dma_start3A_1154 = tpu.memref_slice %arg7[%dma_start3A_1153] : memref<24576xi32, #tpu.memory_space<vmem>> -> memref<128xi32, #tpu.memory_space<vmem>>
    %dma_start3A_1155 = arith.constant 0 : i32
    %dma_start3A_1156 = tpu.memref_slice %arg11[%dma_start3A_1155] : memref<917504xf32, #tpu.memory_space<vmem_shared>> -> memref<917504xf32, #tpu.memory_space<vmem_shared>>
    tpu.enqueue_indirect_dma source(%dma_start3A_1156 : memref<917504xf32, #tpu.memory_space<vmem_shared>>) target(%dma_start3A_1152 : memref<128xf32, #tpu.memory_space<vmem>>) offsets(%dma_start3A_1154 : memref<128xi32, #tpu.memory_space<vmem>>) semaphore(%arg12 : memref<!tpu.dma_semaphore, #tpu.memory_space<semaphore_mem>>)
    %dma_start3A_1157 = arith.constant 18048 : i32
    %dma_start3A_1158 = tpu.memref_slice %arg8[%dma_start3A_1157] : memref<24576xf32, #tpu.memory_space<vmem>> -> memref<128xf32, #tpu.memory_space<vmem>>
    %dma_start3A_1159 = arith.constant 18048 : i32
    %dma_start3A_1160 = tpu.memref_slice %arg7[%dma_start3A_1159] : memref<24576xi32, #tpu.memory_space<vmem>> -> memref<128xi32, #tpu.memory_space<vmem>>
    %dma_start3A_1161 = arith.constant 0 : i32
    %dma_start3A_1162 = tpu.memref_slice %arg11[%dma_start3A_1161] : memref<917504xf32, #tpu.memory_space<vmem_shared>> -> memref<917504xf32, #tpu.memory_space<vmem_shared>>
    tpu.enqueue_indirect_dma source(%dma_start3A_1162 : memref<917504xf32, #tpu.memory_space<vmem_shared>>) target(%dma_start3A_1158 : memref<128xf32, #tpu.memory_space<vmem>>) offsets(%dma_start3A_1160 : memref<128xi32, #tpu.memory_space<vmem>>) semaphore(%arg12 : memref<!tpu.dma_semaphore, #tpu.memory_space<semaphore_mem>>)
    %dma_start3A_1163 = arith.constant 18176 : i32
    %dma_start3A_1164 = tpu.memref_slice %arg8[%dma_start3A_1163] : memref<24576xf32, #tpu.memory_space<vmem>> -> memref<128xf32, #tpu.memory_space<vmem>>
    %dma_start3A_1165 = arith.constant 18176 : i32
    %dma_start3A_1166 = tpu.memref_slice %arg7[%dma_start3A_1165] : memref<24576xi32, #tpu.memory_space<vmem>> -> memref<128xi32, #tpu.memory_space<vmem>>
    %dma_start3A_1167 = arith.constant 0 : i32
    %dma_start3A_1168 = tpu.memref_slice %arg11[%dma_start3A_1167] : memref<917504xf32, #tpu.memory_space<vmem_shared>> -> memref<917504xf32, #tpu.memory_space<vmem_shared>>
    tpu.enqueue_indirect_dma source(%dma_start3A_1168 : memref<917504xf32, #tpu.memory_space<vmem_shared>>) target(%dma_start3A_1164 : memref<128xf32, #tpu.memory_space<vmem>>) offsets(%dma_start3A_1166 : memref<128xi32, #tpu.memory_space<vmem>>) semaphore(%arg12 : memref<!tpu.dma_semaphore, #tpu.memory_space<semaphore_mem>>)
    %dma_start3A_1169 = arith.constant 18304 : i32
    %dma_start3A_1170 = tpu.memref_slice %arg8[%dma_start3A_1169] : memref<24576xf32, #tpu.memory_space<vmem>> -> memref<128xf32, #tpu.memory_space<vmem>>
    %dma_start3A_1171 = arith.constant 18304 : i32
    %dma_start3A_1172 = tpu.memref_slice %arg7[%dma_start3A_1171] : memref<24576xi32, #tpu.memory_space<vmem>> -> memref<128xi32, #tpu.memory_space<vmem>>
    %dma_start3A_1173 = arith.constant 0 : i32
    %dma_start3A_1174 = tpu.memref_slice %arg11[%dma_start3A_1173] : memref<917504xf32, #tpu.memory_space<vmem_shared>> -> memref<917504xf32, #tpu.memory_space<vmem_shared>>
    tpu.enqueue_indirect_dma source(%dma_start3A_1174 : memref<917504xf32, #tpu.memory_space<vmem_shared>>) target(%dma_start3A_1170 : memref<128xf32, #tpu.memory_space<vmem>>) offsets(%dma_start3A_1172 : memref<128xi32, #tpu.memory_space<vmem>>) semaphore(%arg12 : memref<!tpu.dma_semaphore, #tpu.memory_space<semaphore_mem>>)
    %dma_wait3A_1175 = arith.constant 6144 : i32
    %dma_wait3A_1176 = tpu.memref_slice %arg8[%dma_wait3A_1175] : memref<24576xf32, #tpu.memory_space<vmem>> -> memref<6144xf32, #tpu.memory_space<vmem>>
    %dma_wait3A_1177 = arith.constant 0 : i32
    %dma_wait3A_1178 = tpu.memref_slice %arg2[%dma_wait3A_1177] : memref<917504xf32, #tpu.memory_space<hbm>> -> memref<6144xf32, #tpu.memory_space<hbm>>
    %dma_wait3A_1179 = arith.constant 6144 : i32
    %dma_wait3A_1180 = tpu.memref_slice %arg8[%dma_wait3A_1179] : memref<24576xf32, #tpu.memory_space<vmem>> -> memref<6144xf32, #tpu.memory_space<vmem>>
    %dma_wait3A_1181 = arith.constant 0 : i32
    %dma_wait3A_1182 = tpu.memref_slice %arg2[%dma_wait3A_1181] : memref<917504xf32, #tpu.memory_space<hbm>> -> memref<6144xf32, #tpu.memory_space<hbm>>
    tpu.wait_dma2 semaphore(%arg12 : memref<!tpu.dma_semaphore, #tpu.memory_space<semaphore_mem>>) src(%dma_wait3A_1182 : memref<6144xf32, #tpu.memory_space<hbm>>) dst(%dma_wait3A_1180 : memref<6144xf32, #tpu.memory_space<vmem>>)
    %dma_start3A_1183 = arith.constant 18432 : i32
    %dma_start3A_1184 = tpu.memref_slice %arg8[%dma_start3A_1183] : memref<24576xf32, #tpu.memory_space<vmem>> -> memref<128xf32, #tpu.memory_space<vmem>>
    %dma_start3A_1185 = arith.constant 18432 : i32
    %dma_start3A_1186 = tpu.memref_slice %arg7[%dma_start3A_1185] : memref<24576xi32, #tpu.memory_space<vmem>> -> memref<128xi32, #tpu.memory_space<vmem>>
    %dma_start3A_1187 = arith.constant 0 : i32
    %dma_start3A_1188 = tpu.memref_slice %arg11[%dma_start3A_1187] : memref<917504xf32, #tpu.memory_space<vmem_shared>> -> memref<917504xf32, #tpu.memory_space<vmem_shared>>
    tpu.enqueue_indirect_dma source(%dma_start3A_1188 : memref<917504xf32, #tpu.memory_space<vmem_shared>>) target(%dma_start3A_1184 : memref<128xf32, #tpu.memory_space<vmem>>) offsets(%dma_start3A_1186 : memref<128xi32, #tpu.memory_space<vmem>>) semaphore(%arg12 : memref<!tpu.dma_semaphore, #tpu.memory_space<semaphore_mem>>)
    %dma_start3A_1189 = arith.constant 18560 : i32
    %dma_start3A_1190 = tpu.memref_slice %arg8[%dma_start3A_1189] : memref<24576xf32, #tpu.memory_space<vmem>> -> memref<128xf32, #tpu.memory_space<vmem>>
    %dma_start3A_1191 = arith.constant 18560 : i32
    %dma_start3A_1192 = tpu.memref_slice %arg7[%dma_start3A_1191] : memref<24576xi32, #tpu.memory_space<vmem>> -> memref<128xi32, #tpu.memory_space<vmem>>
    %dma_start3A_1193 = arith.constant 0 : i32
    %dma_start3A_1194 = tpu.memref_slice %arg11[%dma_start3A_1193] : memref<917504xf32, #tpu.memory_space<vmem_shared>> -> memref<917504xf32, #tpu.memory_space<vmem_shared>>
    tpu.enqueue_indirect_dma source(%dma_start3A_1194 : memref<917504xf32, #tpu.memory_space<vmem_shared>>) target(%dma_start3A_1190 : memref<128xf32, #tpu.memory_space<vmem>>) offsets(%dma_start3A_1192 : memref<128xi32, #tpu.memory_space<vmem>>) semaphore(%arg12 : memref<!tpu.dma_semaphore, #tpu.memory_space<semaphore_mem>>)
    %dma_start3A_1195 = arith.constant 18688 : i32
    %dma_start3A_1196 = tpu.memref_slice %arg8[%dma_start3A_1195] : memref<24576xf32, #tpu.memory_space<vmem>> -> memref<128xf32, #tpu.memory_space<vmem>>
    %dma_start3A_1197 = arith.constant 18688 : i32
    %dma_start3A_1198 = tpu.memref_slice %arg7[%dma_start3A_1197] : memref<24576xi32, #tpu.memory_space<vmem>> -> memref<128xi32, #tpu.memory_space<vmem>>
    %dma_start3A_1199 = arith.constant 0 : i32
    %dma_start3A_1200 = tpu.memref_slice %arg11[%dma_start3A_1199] : memref<917504xf32, #tpu.memory_space<vmem_shared>> -> memref<917504xf32, #tpu.memory_space<vmem_shared>>
    tpu.enqueue_indirect_dma source(%dma_start3A_1200 : memref<917504xf32, #tpu.memory_space<vmem_shared>>) target(%dma_start3A_1196 : memref<128xf32, #tpu.memory_space<vmem>>) offsets(%dma_start3A_1198 : memref<128xi32, #tpu.memory_space<vmem>>) semaphore(%arg12 : memref<!tpu.dma_semaphore, #tpu.memory_space<semaphore_mem>>)
    %dma_start3A_1201 = arith.constant 18816 : i32
    %dma_start3A_1202 = tpu.memref_slice %arg8[%dma_start3A_1201] : memref<24576xf32, #tpu.memory_space<vmem>> -> memref<128xf32, #tpu.memory_space<vmem>>
    %dma_start3A_1203 = arith.constant 18816 : i32
    %dma_start3A_1204 = tpu.memref_slice %arg7[%dma_start3A_1203] : memref<24576xi32, #tpu.memory_space<vmem>> -> memref<128xi32, #tpu.memory_space<vmem>>
    %dma_start3A_1205 = arith.constant 0 : i32
    %dma_start3A_1206 = tpu.memref_slice %arg11[%dma_start3A_1205] : memref<917504xf32, #tpu.memory_space<vmem_shared>> -> memref<917504xf32, #tpu.memory_space<vmem_shared>>
    tpu.enqueue_indirect_dma source(%dma_start3A_1206 : memref<917504xf32, #tpu.memory_space<vmem_shared>>) target(%dma_start3A_1202 : memref<128xf32, #tpu.memory_space<vmem>>) offsets(%dma_start3A_1204 : memref<128xi32, #tpu.memory_space<vmem>>) semaphore(%arg12 : memref<!tpu.dma_semaphore, #tpu.memory_space<semaphore_mem>>)
    %dma_start3A_1207 = arith.constant 18944 : i32
    %dma_start3A_1208 = tpu.memref_slice %arg8[%dma_start3A_1207] : memref<24576xf32, #tpu.memory_space<vmem>> -> memref<128xf32, #tpu.memory_space<vmem>>
    %dma_start3A_1209 = arith.constant 18944 : i32
    %dma_start3A_1210 = tpu.memref_slice %arg7[%dma_start3A_1209] : memref<24576xi32, #tpu.memory_space<vmem>> -> memref<128xi32, #tpu.memory_space<vmem>>
    %dma_start3A_1211 = arith.constant 0 : i32
    %dma_start3A_1212 = tpu.memref_slice %arg11[%dma_start3A_1211] : memref<917504xf32, #tpu.memory_space<vmem_shared>> -> memref<917504xf32, #tpu.memory_space<vmem_shared>>
    tpu.enqueue_indirect_dma source(%dma_start3A_1212 : memref<917504xf32, #tpu.memory_space<vmem_shared>>) target(%dma_start3A_1208 : memref<128xf32, #tpu.memory_space<vmem>>) offsets(%dma_start3A_1210 : memref<128xi32, #tpu.memory_space<vmem>>) semaphore(%arg12 : memref<!tpu.dma_semaphore, #tpu.memory_space<semaphore_mem>>)
    %dma_start3A_1213 = arith.constant 19072 : i32
    %dma_start3A_1214 = tpu.memref_slice %arg8[%dma_start3A_1213] : memref<24576xf32, #tpu.memory_space<vmem>> -> memref<128xf32, #tpu.memory_space<vmem>>
    %dma_start3A_1215 = arith.constant 19072 : i32
    %dma_start3A_1216 = tpu.memref_slice %arg7[%dma_start3A_1215] : memref<24576xi32, #tpu.memory_space<vmem>> -> memref<128xi32, #tpu.memory_space<vmem>>
    %dma_start3A_1217 = arith.constant 0 : i32
    %dma_start3A_1218 = tpu.memref_slice %arg11[%dma_start3A_1217] : memref<917504xf32, #tpu.memory_space<vmem_shared>> -> memref<917504xf32, #tpu.memory_space<vmem_shared>>
    tpu.enqueue_indirect_dma source(%dma_start3A_1218 : memref<917504xf32, #tpu.memory_space<vmem_shared>>) target(%dma_start3A_1214 : memref<128xf32, #tpu.memory_space<vmem>>) offsets(%dma_start3A_1216 : memref<128xi32, #tpu.memory_space<vmem>>) semaphore(%arg12 : memref<!tpu.dma_semaphore, #tpu.memory_space<semaphore_mem>>)
    %dma_start3A_1219 = arith.constant 19200 : i32
    %dma_start3A_1220 = tpu.memref_slice %arg8[%dma_start3A_1219] : memref<24576xf32, #tpu.memory_space<vmem>> -> memref<128xf32, #tpu.memory_space<vmem>>
    %dma_start3A_1221 = arith.constant 19200 : i32
    %dma_start3A_1222 = tpu.memref_slice %arg7[%dma_start3A_1221] : memref<24576xi32, #tpu.memory_space<vmem>> -> memref<128xi32, #tpu.memory_space<vmem>>
    %dma_start3A_1223 = arith.constant 0 : i32
    %dma_start3A_1224 = tpu.memref_slice %arg11[%dma_start3A_1223] : memref<917504xf32, #tpu.memory_space<vmem_shared>> -> memref<917504xf32, #tpu.memory_space<vmem_shared>>
    tpu.enqueue_indirect_dma source(%dma_start3A_1224 : memref<917504xf32, #tpu.memory_space<vmem_shared>>) target(%dma_start3A_1220 : memref<128xf32, #tpu.memory_space<vmem>>) offsets(%dma_start3A_1222 : memref<128xi32, #tpu.memory_space<vmem>>) semaphore(%arg12 : memref<!tpu.dma_semaphore, #tpu.memory_space<semaphore_mem>>)
    %dma_start3A_1225 = arith.constant 19328 : i32
    %dma_start3A_1226 = tpu.memref_slice %arg8[%dma_start3A_1225] : memref<24576xf32, #tpu.memory_space<vmem>> -> memref<128xf32, #tpu.memory_space<vmem>>
    %dma_start3A_1227 = arith.constant 19328 : i32
    %dma_start3A_1228 = tpu.memref_slice %arg7[%dma_start3A_1227] : memref<24576xi32, #tpu.memory_space<vmem>> -> memref<128xi32, #tpu.memory_space<vmem>>
    %dma_start3A_1229 = arith.constant 0 : i32
    %dma_start3A_1230 = tpu.memref_slice %arg11[%dma_start3A_1229] : memref<917504xf32, #tpu.memory_space<vmem_shared>> -> memref<917504xf32, #tpu.memory_space<vmem_shared>>
    tpu.enqueue_indirect_dma source(%dma_start3A_1230 : memref<917504xf32, #tpu.memory_space<vmem_shared>>) target(%dma_start3A_1226 : memref<128xf32, #tpu.memory_space<vmem>>) offsets(%dma_start3A_1228 : memref<128xi32, #tpu.memory_space<vmem>>) semaphore(%arg12 : memref<!tpu.dma_semaphore, #tpu.memory_space<semaphore_mem>>)
    %dma_start3A_1231 = arith.constant 19456 : i32
    %dma_start3A_1232 = tpu.memref_slice %arg8[%dma_start3A_1231] : memref<24576xf32, #tpu.memory_space<vmem>> -> memref<128xf32, #tpu.memory_space<vmem>>
    %dma_start3A_1233 = arith.constant 19456 : i32
    %dma_start3A_1234 = tpu.memref_slice %arg7[%dma_start3A_1233] : memref<24576xi32, #tpu.memory_space<vmem>> -> memref<128xi32, #tpu.memory_space<vmem>>
    %dma_start3A_1235 = arith.constant 0 : i32
    %dma_start3A_1236 = tpu.memref_slice %arg11[%dma_start3A_1235] : memref<917504xf32, #tpu.memory_space<vmem_shared>> -> memref<917504xf32, #tpu.memory_space<vmem_shared>>
    tpu.enqueue_indirect_dma source(%dma_start3A_1236 : memref<917504xf32, #tpu.memory_space<vmem_shared>>) target(%dma_start3A_1232 : memref<128xf32, #tpu.memory_space<vmem>>) offsets(%dma_start3A_1234 : memref<128xi32, #tpu.memory_space<vmem>>) semaphore(%arg12 : memref<!tpu.dma_semaphore, #tpu.memory_space<semaphore_mem>>)
    %dma_start3A_1237 = arith.constant 19584 : i32
    %dma_start3A_1238 = tpu.memref_slice %arg8[%dma_start3A_1237] : memref<24576xf32, #tpu.memory_space<vmem>> -> memref<128xf32, #tpu.memory_space<vmem>>
    %dma_start3A_1239 = arith.constant 19584 : i32
    %dma_start3A_1240 = tpu.memref_slice %arg7[%dma_start3A_1239] : memref<24576xi32, #tpu.memory_space<vmem>> -> memref<128xi32, #tpu.memory_space<vmem>>
    %dma_start3A_1241 = arith.constant 0 : i32
    %dma_start3A_1242 = tpu.memref_slice %arg11[%dma_start3A_1241] : memref<917504xf32, #tpu.memory_space<vmem_shared>> -> memref<917504xf32, #tpu.memory_space<vmem_shared>>
    tpu.enqueue_indirect_dma source(%dma_start3A_1242 : memref<917504xf32, #tpu.memory_space<vmem_shared>>) target(%dma_start3A_1238 : memref<128xf32, #tpu.memory_space<vmem>>) offsets(%dma_start3A_1240 : memref<128xi32, #tpu.memory_space<vmem>>) semaphore(%arg12 : memref<!tpu.dma_semaphore, #tpu.memory_space<semaphore_mem>>)
    %dma_start3A_1243 = arith.constant 19712 : i32
    %dma_start3A_1244 = tpu.memref_slice %arg8[%dma_start3A_1243] : memref<24576xf32, #tpu.memory_space<vmem>> -> memref<128xf32, #tpu.memory_space<vmem>>
    %dma_start3A_1245 = arith.constant 19712 : i32
    %dma_start3A_1246 = tpu.memref_slice %arg7[%dma_start3A_1245] : memref<24576xi32, #tpu.memory_space<vmem>> -> memref<128xi32, #tpu.memory_space<vmem>>
    %dma_start3A_1247 = arith.constant 0 : i32
    %dma_start3A_1248 = tpu.memref_slice %arg11[%dma_start3A_1247] : memref<917504xf32, #tpu.memory_space<vmem_shared>> -> memref<917504xf32, #tpu.memory_space<vmem_shared>>
    tpu.enqueue_indirect_dma source(%dma_start3A_1248 : memref<917504xf32, #tpu.memory_space<vmem_shared>>) target(%dma_start3A_1244 : memref<128xf32, #tpu.memory_space<vmem>>) offsets(%dma_start3A_1246 : memref<128xi32, #tpu.memory_space<vmem>>) semaphore(%arg12 : memref<!tpu.dma_semaphore, #tpu.memory_space<semaphore_mem>>)
    %dma_start3A_1249 = arith.constant 19840 : i32
    %dma_start3A_1250 = tpu.memref_slice %arg8[%dma_start3A_1249] : memref<24576xf32, #tpu.memory_space<vmem>> -> memref<128xf32, #tpu.memory_space<vmem>>
    %dma_start3A_1251 = arith.constant 19840 : i32
    %dma_start3A_1252 = tpu.memref_slice %arg7[%dma_start3A_1251] : memref<24576xi32, #tpu.memory_space<vmem>> -> memref<128xi32, #tpu.memory_space<vmem>>
    %dma_start3A_1253 = arith.constant 0 : i32
    %dma_start3A_1254 = tpu.memref_slice %arg11[%dma_start3A_1253] : memref<917504xf32, #tpu.memory_space<vmem_shared>> -> memref<917504xf32, #tpu.memory_space<vmem_shared>>
    tpu.enqueue_indirect_dma source(%dma_start3A_1254 : memref<917504xf32, #tpu.memory_space<vmem_shared>>) target(%dma_start3A_1250 : memref<128xf32, #tpu.memory_space<vmem>>) offsets(%dma_start3A_1252 : memref<128xi32, #tpu.memory_space<vmem>>) semaphore(%arg12 : memref<!tpu.dma_semaphore, #tpu.memory_space<semaphore_mem>>)
    %dma_start3A_1255 = arith.constant 19968 : i32
    %dma_start3A_1256 = tpu.memref_slice %arg8[%dma_start3A_1255] : memref<24576xf32, #tpu.memory_space<vmem>> -> memref<128xf32, #tpu.memory_space<vmem>>
    %dma_start3A_1257 = arith.constant 19968 : i32
    %dma_start3A_1258 = tpu.memref_slice %arg7[%dma_start3A_1257] : memref<24576xi32, #tpu.memory_space<vmem>> -> memref<128xi32, #tpu.memory_space<vmem>>
    %dma_start3A_1259 = arith.constant 0 : i32
    %dma_start3A_1260 = tpu.memref_slice %arg11[%dma_start3A_1259] : memref<917504xf32, #tpu.memory_space<vmem_shared>> -> memref<917504xf32, #tpu.memory_space<vmem_shared>>
    tpu.enqueue_indirect_dma source(%dma_start3A_1260 : memref<917504xf32, #tpu.memory_space<vmem_shared>>) target(%dma_start3A_1256 : memref<128xf32, #tpu.memory_space<vmem>>) offsets(%dma_start3A_1258 : memref<128xi32, #tpu.memory_space<vmem>>) semaphore(%arg12 : memref<!tpu.dma_semaphore, #tpu.memory_space<semaphore_mem>>)
    %dma_start3A_1261 = arith.constant 20096 : i32
    %dma_start3A_1262 = tpu.memref_slice %arg8[%dma_start3A_1261] : memref<24576xf32, #tpu.memory_space<vmem>> -> memref<128xf32, #tpu.memory_space<vmem>>
    %dma_start3A_1263 = arith.constant 20096 : i32
    %dma_start3A_1264 = tpu.memref_slice %arg7[%dma_start3A_1263] : memref<24576xi32, #tpu.memory_space<vmem>> -> memref<128xi32, #tpu.memory_space<vmem>>
    %dma_start3A_1265 = arith.constant 0 : i32
    %dma_start3A_1266 = tpu.memref_slice %arg11[%dma_start3A_1265] : memref<917504xf32, #tpu.memory_space<vmem_shared>> -> memref<917504xf32, #tpu.memory_space<vmem_shared>>
    tpu.enqueue_indirect_dma source(%dma_start3A_1266 : memref<917504xf32, #tpu.memory_space<vmem_shared>>) target(%dma_start3A_1262 : memref<128xf32, #tpu.memory_space<vmem>>) offsets(%dma_start3A_1264 : memref<128xi32, #tpu.memory_space<vmem>>) semaphore(%arg12 : memref<!tpu.dma_semaphore, #tpu.memory_space<semaphore_mem>>)
    %dma_start3A_1267 = arith.constant 20224 : i32
    %dma_start3A_1268 = tpu.memref_slice %arg8[%dma_start3A_1267] : memref<24576xf32, #tpu.memory_space<vmem>> -> memref<128xf32, #tpu.memory_space<vmem>>
    %dma_start3A_1269 = arith.constant 20224 : i32
    %dma_start3A_1270 = tpu.memref_slice %arg7[%dma_start3A_1269] : memref<24576xi32, #tpu.memory_space<vmem>> -> memref<128xi32, #tpu.memory_space<vmem>>
    %dma_start3A_1271 = arith.constant 0 : i32
    %dma_start3A_1272 = tpu.memref_slice %arg11[%dma_start3A_1271] : memref<917504xf32, #tpu.memory_space<vmem_shared>> -> memref<917504xf32, #tpu.memory_space<vmem_shared>>
    tpu.enqueue_indirect_dma source(%dma_start3A_1272 : memref<917504xf32, #tpu.memory_space<vmem_shared>>) target(%dma_start3A_1268 : memref<128xf32, #tpu.memory_space<vmem>>) offsets(%dma_start3A_1270 : memref<128xi32, #tpu.memory_space<vmem>>) semaphore(%arg12 : memref<!tpu.dma_semaphore, #tpu.memory_space<semaphore_mem>>)
    %dma_start3A_1273 = arith.constant 20352 : i32
    %dma_start3A_1274 = tpu.memref_slice %arg8[%dma_start3A_1273] : memref<24576xf32, #tpu.memory_space<vmem>> -> memref<128xf32, #tpu.memory_space<vmem>>
    %dma_start3A_1275 = arith.constant 20352 : i32
    %dma_start3A_1276 = tpu.memref_slice %arg7[%dma_start3A_1275] : memref<24576xi32, #tpu.memory_space<vmem>> -> memref<128xi32, #tpu.memory_space<vmem>>
    %dma_start3A_1277 = arith.constant 0 : i32
    %dma_start3A_1278 = tpu.memref_slice %arg11[%dma_start3A_1277] : memref<917504xf32, #tpu.memory_space<vmem_shared>> -> memref<917504xf32, #tpu.memory_space<vmem_shared>>
    tpu.enqueue_indirect_dma source(%dma_start3A_1278 : memref<917504xf32, #tpu.memory_space<vmem_shared>>) target(%dma_start3A_1274 : memref<128xf32, #tpu.memory_space<vmem>>) offsets(%dma_start3A_1276 : memref<128xi32, #tpu.memory_space<vmem>>) semaphore(%arg12 : memref<!tpu.dma_semaphore, #tpu.memory_space<semaphore_mem>>)
    %dma_start3A_1279 = arith.constant 20480 : i32
    %dma_start3A_1280 = tpu.memref_slice %arg8[%dma_start3A_1279] : memref<24576xf32, #tpu.memory_space<vmem>> -> memref<128xf32, #tpu.memory_space<vmem>>
    %dma_start3A_1281 = arith.constant 20480 : i32
    %dma_start3A_1282 = tpu.memref_slice %arg7[%dma_start3A_1281] : memref<24576xi32, #tpu.memory_space<vmem>> -> memref<128xi32, #tpu.memory_space<vmem>>
    %dma_start3A_1283 = arith.constant 0 : i32
    %dma_start3A_1284 = tpu.memref_slice %arg11[%dma_start3A_1283] : memref<917504xf32, #tpu.memory_space<vmem_shared>> -> memref<917504xf32, #tpu.memory_space<vmem_shared>>
    tpu.enqueue_indirect_dma source(%dma_start3A_1284 : memref<917504xf32, #tpu.memory_space<vmem_shared>>) target(%dma_start3A_1280 : memref<128xf32, #tpu.memory_space<vmem>>) offsets(%dma_start3A_1282 : memref<128xi32, #tpu.memory_space<vmem>>) semaphore(%arg12 : memref<!tpu.dma_semaphore, #tpu.memory_space<semaphore_mem>>)
    %dma_start3A_1285 = arith.constant 20608 : i32
    %dma_start3A_1286 = tpu.memref_slice %arg8[%dma_start3A_1285] : memref<24576xf32, #tpu.memory_space<vmem>> -> memref<128xf32, #tpu.memory_space<vmem>>
    %dma_start3A_1287 = arith.constant 20608 : i32
    %dma_start3A_1288 = tpu.memref_slice %arg7[%dma_start3A_1287] : memref<24576xi32, #tpu.memory_space<vmem>> -> memref<128xi32, #tpu.memory_space<vmem>>
    %dma_start3A_1289 = arith.constant 0 : i32
    %dma_start3A_1290 = tpu.memref_slice %arg11[%dma_start3A_1289] : memref<917504xf32, #tpu.memory_space<vmem_shared>> -> memref<917504xf32, #tpu.memory_space<vmem_shared>>
    tpu.enqueue_indirect_dma source(%dma_start3A_1290 : memref<917504xf32, #tpu.memory_space<vmem_shared>>) target(%dma_start3A_1286 : memref<128xf32, #tpu.memory_space<vmem>>) offsets(%dma_start3A_1288 : memref<128xi32, #tpu.memory_space<vmem>>) semaphore(%arg12 : memref<!tpu.dma_semaphore, #tpu.memory_space<semaphore_mem>>)
    %dma_start3A_1291 = arith.constant 20736 : i32
    %dma_start3A_1292 = tpu.memref_slice %arg8[%dma_start3A_1291] : memref<24576xf32, #tpu.memory_space<vmem>> -> memref<128xf32, #tpu.memory_space<vmem>>
    %dma_start3A_1293 = arith.constant 20736 : i32
    %dma_start3A_1294 = tpu.memref_slice %arg7[%dma_start3A_1293] : memref<24576xi32, #tpu.memory_space<vmem>> -> memref<128xi32, #tpu.memory_space<vmem>>
    %dma_start3A_1295 = arith.constant 0 : i32
    %dma_start3A_1296 = tpu.memref_slice %arg11[%dma_start3A_1295] : memref<917504xf32, #tpu.memory_space<vmem_shared>> -> memref<917504xf32, #tpu.memory_space<vmem_shared>>
    tpu.enqueue_indirect_dma source(%dma_start3A_1296 : memref<917504xf32, #tpu.memory_space<vmem_shared>>) target(%dma_start3A_1292 : memref<128xf32, #tpu.memory_space<vmem>>) offsets(%dma_start3A_1294 : memref<128xi32, #tpu.memory_space<vmem>>) semaphore(%arg12 : memref<!tpu.dma_semaphore, #tpu.memory_space<semaphore_mem>>)
    %dma_start3A_1297 = arith.constant 20864 : i32
    %dma_start3A_1298 = tpu.memref_slice %arg8[%dma_start3A_1297] : memref<24576xf32, #tpu.memory_space<vmem>> -> memref<128xf32, #tpu.memory_space<vmem>>
    %dma_start3A_1299 = arith.constant 20864 : i32
    %dma_start3A_1300 = tpu.memref_slice %arg7[%dma_start3A_1299] : memref<24576xi32, #tpu.memory_space<vmem>> -> memref<128xi32, #tpu.memory_space<vmem>>
    %dma_start3A_1301 = arith.constant 0 : i32
    %dma_start3A_1302 = tpu.memref_slice %arg11[%dma_start3A_1301] : memref<917504xf32, #tpu.memory_space<vmem_shared>> -> memref<917504xf32, #tpu.memory_space<vmem_shared>>
    tpu.enqueue_indirect_dma source(%dma_start3A_1302 : memref<917504xf32, #tpu.memory_space<vmem_shared>>) target(%dma_start3A_1298 : memref<128xf32, #tpu.memory_space<vmem>>) offsets(%dma_start3A_1300 : memref<128xi32, #tpu.memory_space<vmem>>) semaphore(%arg12 : memref<!tpu.dma_semaphore, #tpu.memory_space<semaphore_mem>>)
    %dma_start3A_1303 = arith.constant 20992 : i32
    %dma_start3A_1304 = tpu.memref_slice %arg8[%dma_start3A_1303] : memref<24576xf32, #tpu.memory_space<vmem>> -> memref<128xf32, #tpu.memory_space<vmem>>
    %dma_start3A_1305 = arith.constant 20992 : i32
    %dma_start3A_1306 = tpu.memref_slice %arg7[%dma_start3A_1305] : memref<24576xi32, #tpu.memory_space<vmem>> -> memref<128xi32, #tpu.memory_space<vmem>>
    %dma_start3A_1307 = arith.constant 0 : i32
    %dma_start3A_1308 = tpu.memref_slice %arg11[%dma_start3A_1307] : memref<917504xf32, #tpu.memory_space<vmem_shared>> -> memref<917504xf32, #tpu.memory_space<vmem_shared>>
    tpu.enqueue_indirect_dma source(%dma_start3A_1308 : memref<917504xf32, #tpu.memory_space<vmem_shared>>) target(%dma_start3A_1304 : memref<128xf32, #tpu.memory_space<vmem>>) offsets(%dma_start3A_1306 : memref<128xi32, #tpu.memory_space<vmem>>) semaphore(%arg12 : memref<!tpu.dma_semaphore, #tpu.memory_space<semaphore_mem>>)
    %dma_start3A_1309 = arith.constant 21120 : i32
    %dma_start3A_1310 = tpu.memref_slice %arg8[%dma_start3A_1309] : memref<24576xf32, #tpu.memory_space<vmem>> -> memref<128xf32, #tpu.memory_space<vmem>>
    %dma_start3A_1311 = arith.constant 21120 : i32
    %dma_start3A_1312 = tpu.memref_slice %arg7[%dma_start3A_1311] : memref<24576xi32, #tpu.memory_space<vmem>> -> memref<128xi32, #tpu.memory_space<vmem>>
    %dma_start3A_1313 = arith.constant 0 : i32
    %dma_start3A_1314 = tpu.memref_slice %arg11[%dma_start3A_1313] : memref<917504xf32, #tpu.memory_space<vmem_shared>> -> memref<917504xf32, #tpu.memory_space<vmem_shared>>
    tpu.enqueue_indirect_dma source(%dma_start3A_1314 : memref<917504xf32, #tpu.memory_space<vmem_shared>>) target(%dma_start3A_1310 : memref<128xf32, #tpu.memory_space<vmem>>) offsets(%dma_start3A_1312 : memref<128xi32, #tpu.memory_space<vmem>>) semaphore(%arg12 : memref<!tpu.dma_semaphore, #tpu.memory_space<semaphore_mem>>)
    %dma_start3A_1315 = arith.constant 21248 : i32
    %dma_start3A_1316 = tpu.memref_slice %arg8[%dma_start3A_1315] : memref<24576xf32, #tpu.memory_space<vmem>> -> memref<128xf32, #tpu.memory_space<vmem>>
    %dma_start3A_1317 = arith.constant 21248 : i32
    %dma_start3A_1318 = tpu.memref_slice %arg7[%dma_start3A_1317] : memref<24576xi32, #tpu.memory_space<vmem>> -> memref<128xi32, #tpu.memory_space<vmem>>
    %dma_start3A_1319 = arith.constant 0 : i32
    %dma_start3A_1320 = tpu.memref_slice %arg11[%dma_start3A_1319] : memref<917504xf32, #tpu.memory_space<vmem_shared>> -> memref<917504xf32, #tpu.memory_space<vmem_shared>>
    tpu.enqueue_indirect_dma source(%dma_start3A_1320 : memref<917504xf32, #tpu.memory_space<vmem_shared>>) target(%dma_start3A_1316 : memref<128xf32, #tpu.memory_space<vmem>>) offsets(%dma_start3A_1318 : memref<128xi32, #tpu.memory_space<vmem>>) semaphore(%arg12 : memref<!tpu.dma_semaphore, #tpu.memory_space<semaphore_mem>>)
    %dma_start3A_1321 = arith.constant 21376 : i32
    %dma_start3A_1322 = tpu.memref_slice %arg8[%dma_start3A_1321] : memref<24576xf32, #tpu.memory_space<vmem>> -> memref<128xf32, #tpu.memory_space<vmem>>
    %dma_start3A_1323 = arith.constant 21376 : i32
    %dma_start3A_1324 = tpu.memref_slice %arg7[%dma_start3A_1323] : memref<24576xi32, #tpu.memory_space<vmem>> -> memref<128xi32, #tpu.memory_space<vmem>>
    %dma_start3A_1325 = arith.constant 0 : i32
    %dma_start3A_1326 = tpu.memref_slice %arg11[%dma_start3A_1325] : memref<917504xf32, #tpu.memory_space<vmem_shared>> -> memref<917504xf32, #tpu.memory_space<vmem_shared>>
    tpu.enqueue_indirect_dma source(%dma_start3A_1326 : memref<917504xf32, #tpu.memory_space<vmem_shared>>) target(%dma_start3A_1322 : memref<128xf32, #tpu.memory_space<vmem>>) offsets(%dma_start3A_1324 : memref<128xi32, #tpu.memory_space<vmem>>) semaphore(%arg12 : memref<!tpu.dma_semaphore, #tpu.memory_space<semaphore_mem>>)
    %dma_start3A_1327 = arith.constant 21504 : i32
    %dma_start3A_1328 = tpu.memref_slice %arg8[%dma_start3A_1327] : memref<24576xf32, #tpu.memory_space<vmem>> -> memref<128xf32, #tpu.memory_space<vmem>>
    %dma_start3A_1329 = arith.constant 21504 : i32
    %dma_start3A_1330 = tpu.memref_slice %arg7[%dma_start3A_1329] : memref<24576xi32, #tpu.memory_space<vmem>> -> memref<128xi32, #tpu.memory_space<vmem>>
    %dma_start3A_1331 = arith.constant 0 : i32
    %dma_start3A_1332 = tpu.memref_slice %arg11[%dma_start3A_1331] : memref<917504xf32, #tpu.memory_space<vmem_shared>> -> memref<917504xf32, #tpu.memory_space<vmem_shared>>
    tpu.enqueue_indirect_dma source(%dma_start3A_1332 : memref<917504xf32, #tpu.memory_space<vmem_shared>>) target(%dma_start3A_1328 : memref<128xf32, #tpu.memory_space<vmem>>) offsets(%dma_start3A_1330 : memref<128xi32, #tpu.memory_space<vmem>>) semaphore(%arg12 : memref<!tpu.dma_semaphore, #tpu.memory_space<semaphore_mem>>)
    %dma_start3A_1333 = arith.constant 21632 : i32
    %dma_start3A_1334 = tpu.memref_slice %arg8[%dma_start3A_1333] : memref<24576xf32, #tpu.memory_space<vmem>> -> memref<128xf32, #tpu.memory_space<vmem>>
    %dma_start3A_1335 = arith.constant 21632 : i32
    %dma_start3A_1336 = tpu.memref_slice %arg7[%dma_start3A_1335] : memref<24576xi32, #tpu.memory_space<vmem>> -> memref<128xi32, #tpu.memory_space<vmem>>
    %dma_start3A_1337 = arith.constant 0 : i32
    %dma_start3A_1338 = tpu.memref_slice %arg11[%dma_start3A_1337] : memref<917504xf32, #tpu.memory_space<vmem_shared>> -> memref<917504xf32, #tpu.memory_space<vmem_shared>>
    tpu.enqueue_indirect_dma source(%dma_start3A_1338 : memref<917504xf32, #tpu.memory_space<vmem_shared>>) target(%dma_start3A_1334 : memref<128xf32, #tpu.memory_space<vmem>>) offsets(%dma_start3A_1336 : memref<128xi32, #tpu.memory_space<vmem>>) semaphore(%arg12 : memref<!tpu.dma_semaphore, #tpu.memory_space<semaphore_mem>>)
    %dma_start3A_1339 = arith.constant 21760 : i32
    %dma_start3A_1340 = tpu.memref_slice %arg8[%dma_start3A_1339] : memref<24576xf32, #tpu.memory_space<vmem>> -> memref<128xf32, #tpu.memory_space<vmem>>
    %dma_start3A_1341 = arith.constant 21760 : i32
    %dma_start3A_1342 = tpu.memref_slice %arg7[%dma_start3A_1341] : memref<24576xi32, #tpu.memory_space<vmem>> -> memref<128xi32, #tpu.memory_space<vmem>>
    %dma_start3A_1343 = arith.constant 0 : i32
    %dma_start3A_1344 = tpu.memref_slice %arg11[%dma_start3A_1343] : memref<917504xf32, #tpu.memory_space<vmem_shared>> -> memref<917504xf32, #tpu.memory_space<vmem_shared>>
    tpu.enqueue_indirect_dma source(%dma_start3A_1344 : memref<917504xf32, #tpu.memory_space<vmem_shared>>) target(%dma_start3A_1340 : memref<128xf32, #tpu.memory_space<vmem>>) offsets(%dma_start3A_1342 : memref<128xi32, #tpu.memory_space<vmem>>) semaphore(%arg12 : memref<!tpu.dma_semaphore, #tpu.memory_space<semaphore_mem>>)
    %dma_start3A_1345 = arith.constant 21888 : i32
    %dma_start3A_1346 = tpu.memref_slice %arg8[%dma_start3A_1345] : memref<24576xf32, #tpu.memory_space<vmem>> -> memref<128xf32, #tpu.memory_space<vmem>>
    %dma_start3A_1347 = arith.constant 21888 : i32
    %dma_start3A_1348 = tpu.memref_slice %arg7[%dma_start3A_1347] : memref<24576xi32, #tpu.memory_space<vmem>> -> memref<128xi32, #tpu.memory_space<vmem>>
    %dma_start3A_1349 = arith.constant 0 : i32
    %dma_start3A_1350 = tpu.memref_slice %arg11[%dma_start3A_1349] : memref<917504xf32, #tpu.memory_space<vmem_shared>> -> memref<917504xf32, #tpu.memory_space<vmem_shared>>
    tpu.enqueue_indirect_dma source(%dma_start3A_1350 : memref<917504xf32, #tpu.memory_space<vmem_shared>>) target(%dma_start3A_1346 : memref<128xf32, #tpu.memory_space<vmem>>) offsets(%dma_start3A_1348 : memref<128xi32, #tpu.memory_space<vmem>>) semaphore(%arg12 : memref<!tpu.dma_semaphore, #tpu.memory_space<semaphore_mem>>)
    %dma_start3A_1351 = arith.constant 22016 : i32
    %dma_start3A_1352 = tpu.memref_slice %arg8[%dma_start3A_1351] : memref<24576xf32, #tpu.memory_space<vmem>> -> memref<128xf32, #tpu.memory_space<vmem>>
    %dma_start3A_1353 = arith.constant 22016 : i32
    %dma_start3A_1354 = tpu.memref_slice %arg7[%dma_start3A_1353] : memref<24576xi32, #tpu.memory_space<vmem>> -> memref<128xi32, #tpu.memory_space<vmem>>
    %dma_start3A_1355 = arith.constant 0 : i32
    %dma_start3A_1356 = tpu.memref_slice %arg11[%dma_start3A_1355] : memref<917504xf32, #tpu.memory_space<vmem_shared>> -> memref<917504xf32, #tpu.memory_space<vmem_shared>>
    tpu.enqueue_indirect_dma source(%dma_start3A_1356 : memref<917504xf32, #tpu.memory_space<vmem_shared>>) target(%dma_start3A_1352 : memref<128xf32, #tpu.memory_space<vmem>>) offsets(%dma_start3A_1354 : memref<128xi32, #tpu.memory_space<vmem>>) semaphore(%arg12 : memref<!tpu.dma_semaphore, #tpu.memory_space<semaphore_mem>>)
    %dma_start3A_1357 = arith.constant 22144 : i32
    %dma_start3A_1358 = tpu.memref_slice %arg8[%dma_start3A_1357] : memref<24576xf32, #tpu.memory_space<vmem>> -> memref<128xf32, #tpu.memory_space<vmem>>
    %dma_start3A_1359 = arith.constant 22144 : i32
    %dma_start3A_1360 = tpu.memref_slice %arg7[%dma_start3A_1359] : memref<24576xi32, #tpu.memory_space<vmem>> -> memref<128xi32, #tpu.memory_space<vmem>>
    %dma_start3A_1361 = arith.constant 0 : i32
    %dma_start3A_1362 = tpu.memref_slice %arg11[%dma_start3A_1361] : memref<917504xf32, #tpu.memory_space<vmem_shared>> -> memref<917504xf32, #tpu.memory_space<vmem_shared>>
    tpu.enqueue_indirect_dma source(%dma_start3A_1362 : memref<917504xf32, #tpu.memory_space<vmem_shared>>) target(%dma_start3A_1358 : memref<128xf32, #tpu.memory_space<vmem>>) offsets(%dma_start3A_1360 : memref<128xi32, #tpu.memory_space<vmem>>) semaphore(%arg12 : memref<!tpu.dma_semaphore, #tpu.memory_space<semaphore_mem>>)
    %dma_start3A_1363 = arith.constant 22272 : i32
    %dma_start3A_1364 = tpu.memref_slice %arg8[%dma_start3A_1363] : memref<24576xf32, #tpu.memory_space<vmem>> -> memref<128xf32, #tpu.memory_space<vmem>>
    %dma_start3A_1365 = arith.constant 22272 : i32
    %dma_start3A_1366 = tpu.memref_slice %arg7[%dma_start3A_1365] : memref<24576xi32, #tpu.memory_space<vmem>> -> memref<128xi32, #tpu.memory_space<vmem>>
    %dma_start3A_1367 = arith.constant 0 : i32
    %dma_start3A_1368 = tpu.memref_slice %arg11[%dma_start3A_1367] : memref<917504xf32, #tpu.memory_space<vmem_shared>> -> memref<917504xf32, #tpu.memory_space<vmem_shared>>
    tpu.enqueue_indirect_dma source(%dma_start3A_1368 : memref<917504xf32, #tpu.memory_space<vmem_shared>>) target(%dma_start3A_1364 : memref<128xf32, #tpu.memory_space<vmem>>) offsets(%dma_start3A_1366 : memref<128xi32, #tpu.memory_space<vmem>>) semaphore(%arg12 : memref<!tpu.dma_semaphore, #tpu.memory_space<semaphore_mem>>)
    %dma_start3A_1369 = arith.constant 22400 : i32
    %dma_start3A_1370 = tpu.memref_slice %arg8[%dma_start3A_1369] : memref<24576xf32, #tpu.memory_space<vmem>> -> memref<128xf32, #tpu.memory_space<vmem>>
    %dma_start3A_1371 = arith.constant 22400 : i32
    %dma_start3A_1372 = tpu.memref_slice %arg7[%dma_start3A_1371] : memref<24576xi32, #tpu.memory_space<vmem>> -> memref<128xi32, #tpu.memory_space<vmem>>
    %dma_start3A_1373 = arith.constant 0 : i32
    %dma_start3A_1374 = tpu.memref_slice %arg11[%dma_start3A_1373] : memref<917504xf32, #tpu.memory_space<vmem_shared>> -> memref<917504xf32, #tpu.memory_space<vmem_shared>>
    tpu.enqueue_indirect_dma source(%dma_start3A_1374 : memref<917504xf32, #tpu.memory_space<vmem_shared>>) target(%dma_start3A_1370 : memref<128xf32, #tpu.memory_space<vmem>>) offsets(%dma_start3A_1372 : memref<128xi32, #tpu.memory_space<vmem>>) semaphore(%arg12 : memref<!tpu.dma_semaphore, #tpu.memory_space<semaphore_mem>>)
    %dma_start3A_1375 = arith.constant 22528 : i32
    %dma_start3A_1376 = tpu.memref_slice %arg8[%dma_start3A_1375] : memref<24576xf32, #tpu.memory_space<vmem>> -> memref<128xf32, #tpu.memory_space<vmem>>
    %dma_start3A_1377 = arith.constant 22528 : i32
    %dma_start3A_1378 = tpu.memref_slice %arg7[%dma_start3A_1377] : memref<24576xi32, #tpu.memory_space<vmem>> -> memref<128xi32, #tpu.memory_space<vmem>>
    %dma_start3A_1379 = arith.constant 0 : i32
    %dma_start3A_1380 = tpu.memref_slice %arg11[%dma_start3A_1379] : memref<917504xf32, #tpu.memory_space<vmem_shared>> -> memref<917504xf32, #tpu.memory_space<vmem_shared>>
    tpu.enqueue_indirect_dma source(%dma_start3A_1380 : memref<917504xf32, #tpu.memory_space<vmem_shared>>) target(%dma_start3A_1376 : memref<128xf32, #tpu.memory_space<vmem>>) offsets(%dma_start3A_1378 : memref<128xi32, #tpu.memory_space<vmem>>) semaphore(%arg12 : memref<!tpu.dma_semaphore, #tpu.memory_space<semaphore_mem>>)
    %dma_start3A_1381 = arith.constant 22656 : i32
    %dma_start3A_1382 = tpu.memref_slice %arg8[%dma_start3A_1381] : memref<24576xf32, #tpu.memory_space<vmem>> -> memref<128xf32, #tpu.memory_space<vmem>>
    %dma_start3A_1383 = arith.constant 22656 : i32
    %dma_start3A_1384 = tpu.memref_slice %arg7[%dma_start3A_1383] : memref<24576xi32, #tpu.memory_space<vmem>> -> memref<128xi32, #tpu.memory_space<vmem>>
    %dma_start3A_1385 = arith.constant 0 : i32
    %dma_start3A_1386 = tpu.memref_slice %arg11[%dma_start3A_1385] : memref<917504xf32, #tpu.memory_space<vmem_shared>> -> memref<917504xf32, #tpu.memory_space<vmem_shared>>
    tpu.enqueue_indirect_dma source(%dma_start3A_1386 : memref<917504xf32, #tpu.memory_space<vmem_shared>>) target(%dma_start3A_1382 : memref<128xf32, #tpu.memory_space<vmem>>) offsets(%dma_start3A_1384 : memref<128xi32, #tpu.memory_space<vmem>>) semaphore(%arg12 : memref<!tpu.dma_semaphore, #tpu.memory_space<semaphore_mem>>)
    %dma_start3A_1387 = arith.constant 22784 : i32
    %dma_start3A_1388 = tpu.memref_slice %arg8[%dma_start3A_1387] : memref<24576xf32, #tpu.memory_space<vmem>> -> memref<128xf32, #tpu.memory_space<vmem>>
    %dma_start3A_1389 = arith.constant 22784 : i32
    %dma_start3A_1390 = tpu.memref_slice %arg7[%dma_start3A_1389] : memref<24576xi32, #tpu.memory_space<vmem>> -> memref<128xi32, #tpu.memory_space<vmem>>
    %dma_start3A_1391 = arith.constant 0 : i32
    %dma_start3A_1392 = tpu.memref_slice %arg11[%dma_start3A_1391] : memref<917504xf32, #tpu.memory_space<vmem_shared>> -> memref<917504xf32, #tpu.memory_space<vmem_shared>>
    tpu.enqueue_indirect_dma source(%dma_start3A_1392 : memref<917504xf32, #tpu.memory_space<vmem_shared>>) target(%dma_start3A_1388 : memref<128xf32, #tpu.memory_space<vmem>>) offsets(%dma_start3A_1390 : memref<128xi32, #tpu.memory_space<vmem>>) semaphore(%arg12 : memref<!tpu.dma_semaphore, #tpu.memory_space<semaphore_mem>>)
    %dma_start3A_1393 = arith.constant 22912 : i32
    %dma_start3A_1394 = tpu.memref_slice %arg8[%dma_start3A_1393] : memref<24576xf32, #tpu.memory_space<vmem>> -> memref<128xf32, #tpu.memory_space<vmem>>
    %dma_start3A_1395 = arith.constant 22912 : i32
    %dma_start3A_1396 = tpu.memref_slice %arg7[%dma_start3A_1395] : memref<24576xi32, #tpu.memory_space<vmem>> -> memref<128xi32, #tpu.memory_space<vmem>>
    %dma_start3A_1397 = arith.constant 0 : i32
    %dma_start3A_1398 = tpu.memref_slice %arg11[%dma_start3A_1397] : memref<917504xf32, #tpu.memory_space<vmem_shared>> -> memref<917504xf32, #tpu.memory_space<vmem_shared>>
    tpu.enqueue_indirect_dma source(%dma_start3A_1398 : memref<917504xf32, #tpu.memory_space<vmem_shared>>) target(%dma_start3A_1394 : memref<128xf32, #tpu.memory_space<vmem>>) offsets(%dma_start3A_1396 : memref<128xi32, #tpu.memory_space<vmem>>) semaphore(%arg12 : memref<!tpu.dma_semaphore, #tpu.memory_space<semaphore_mem>>)
    %dma_start3A_1399 = arith.constant 23040 : i32
    %dma_start3A_1400 = tpu.memref_slice %arg8[%dma_start3A_1399] : memref<24576xf32, #tpu.memory_space<vmem>> -> memref<128xf32, #tpu.memory_space<vmem>>
    %dma_start3A_1401 = arith.constant 23040 : i32
    %dma_start3A_1402 = tpu.memref_slice %arg7[%dma_start3A_1401] : memref<24576xi32, #tpu.memory_space<vmem>> -> memref<128xi32, #tpu.memory_space<vmem>>
    %dma_start3A_1403 = arith.constant 0 : i32
    %dma_start3A_1404 = tpu.memref_slice %arg11[%dma_start3A_1403] : memref<917504xf32, #tpu.memory_space<vmem_shared>> -> memref<917504xf32, #tpu.memory_space<vmem_shared>>
    tpu.enqueue_indirect_dma source(%dma_start3A_1404 : memref<917504xf32, #tpu.memory_space<vmem_shared>>) target(%dma_start3A_1400 : memref<128xf32, #tpu.memory_space<vmem>>) offsets(%dma_start3A_1402 : memref<128xi32, #tpu.memory_space<vmem>>) semaphore(%arg12 : memref<!tpu.dma_semaphore, #tpu.memory_space<semaphore_mem>>)
    %dma_start3A_1405 = arith.constant 23168 : i32
    %dma_start3A_1406 = tpu.memref_slice %arg8[%dma_start3A_1405] : memref<24576xf32, #tpu.memory_space<vmem>> -> memref<128xf32, #tpu.memory_space<vmem>>
    %dma_start3A_1407 = arith.constant 23168 : i32
    %dma_start3A_1408 = tpu.memref_slice %arg7[%dma_start3A_1407] : memref<24576xi32, #tpu.memory_space<vmem>> -> memref<128xi32, #tpu.memory_space<vmem>>
    %dma_start3A_1409 = arith.constant 0 : i32
    %dma_start3A_1410 = tpu.memref_slice %arg11[%dma_start3A_1409] : memref<917504xf32, #tpu.memory_space<vmem_shared>> -> memref<917504xf32, #tpu.memory_space<vmem_shared>>
    tpu.enqueue_indirect_dma source(%dma_start3A_1410 : memref<917504xf32, #tpu.memory_space<vmem_shared>>) target(%dma_start3A_1406 : memref<128xf32, #tpu.memory_space<vmem>>) offsets(%dma_start3A_1408 : memref<128xi32, #tpu.memory_space<vmem>>) semaphore(%arg12 : memref<!tpu.dma_semaphore, #tpu.memory_space<semaphore_mem>>)
    %dma_start3A_1411 = arith.constant 23296 : i32
    %dma_start3A_1412 = tpu.memref_slice %arg8[%dma_start3A_1411] : memref<24576xf32, #tpu.memory_space<vmem>> -> memref<128xf32, #tpu.memory_space<vmem>>
    %dma_start3A_1413 = arith.constant 23296 : i32
    %dma_start3A_1414 = tpu.memref_slice %arg7[%dma_start3A_1413] : memref<24576xi32, #tpu.memory_space<vmem>> -> memref<128xi32, #tpu.memory_space<vmem>>
    %dma_start3A_1415 = arith.constant 0 : i32
    %dma_start3A_1416 = tpu.memref_slice %arg11[%dma_start3A_1415] : memref<917504xf32, #tpu.memory_space<vmem_shared>> -> memref<917504xf32, #tpu.memory_space<vmem_shared>>
    tpu.enqueue_indirect_dma source(%dma_start3A_1416 : memref<917504xf32, #tpu.memory_space<vmem_shared>>) target(%dma_start3A_1412 : memref<128xf32, #tpu.memory_space<vmem>>) offsets(%dma_start3A_1414 : memref<128xi32, #tpu.memory_space<vmem>>) semaphore(%arg12 : memref<!tpu.dma_semaphore, #tpu.memory_space<semaphore_mem>>)
    %dma_start3A_1417 = arith.constant 23424 : i32
    %dma_start3A_1418 = tpu.memref_slice %arg8[%dma_start3A_1417] : memref<24576xf32, #tpu.memory_space<vmem>> -> memref<128xf32, #tpu.memory_space<vmem>>
    %dma_start3A_1419 = arith.constant 23424 : i32
    %dma_start3A_1420 = tpu.memref_slice %arg7[%dma_start3A_1419] : memref<24576xi32, #tpu.memory_space<vmem>> -> memref<128xi32, #tpu.memory_space<vmem>>
    %dma_start3A_1421 = arith.constant 0 : i32
    %dma_start3A_1422 = tpu.memref_slice %arg11[%dma_start3A_1421] : memref<917504xf32, #tpu.memory_space<vmem_shared>> -> memref<917504xf32, #tpu.memory_space<vmem_shared>>
    tpu.enqueue_indirect_dma source(%dma_start3A_1422 : memref<917504xf32, #tpu.memory_space<vmem_shared>>) target(%dma_start3A_1418 : memref<128xf32, #tpu.memory_space<vmem>>) offsets(%dma_start3A_1420 : memref<128xi32, #tpu.memory_space<vmem>>) semaphore(%arg12 : memref<!tpu.dma_semaphore, #tpu.memory_space<semaphore_mem>>)
    %dma_start3A_1423 = arith.constant 23552 : i32
    %dma_start3A_1424 = tpu.memref_slice %arg8[%dma_start3A_1423] : memref<24576xf32, #tpu.memory_space<vmem>> -> memref<128xf32, #tpu.memory_space<vmem>>
    %dma_start3A_1425 = arith.constant 23552 : i32
    %dma_start3A_1426 = tpu.memref_slice %arg7[%dma_start3A_1425] : memref<24576xi32, #tpu.memory_space<vmem>> -> memref<128xi32, #tpu.memory_space<vmem>>
    %dma_start3A_1427 = arith.constant 0 : i32
    %dma_start3A_1428 = tpu.memref_slice %arg11[%dma_start3A_1427] : memref<917504xf32, #tpu.memory_space<vmem_shared>> -> memref<917504xf32, #tpu.memory_space<vmem_shared>>
    tpu.enqueue_indirect_dma source(%dma_start3A_1428 : memref<917504xf32, #tpu.memory_space<vmem_shared>>) target(%dma_start3A_1424 : memref<128xf32, #tpu.memory_space<vmem>>) offsets(%dma_start3A_1426 : memref<128xi32, #tpu.memory_space<vmem>>) semaphore(%arg12 : memref<!tpu.dma_semaphore, #tpu.memory_space<semaphore_mem>>)
    %dma_start3A_1429 = arith.constant 23680 : i32
    %dma_start3A_1430 = tpu.memref_slice %arg8[%dma_start3A_1429] : memref<24576xf32, #tpu.memory_space<vmem>> -> memref<128xf32, #tpu.memory_space<vmem>>
    %dma_start3A_1431 = arith.constant 23680 : i32
    %dma_start3A_1432 = tpu.memref_slice %arg7[%dma_start3A_1431] : memref<24576xi32, #tpu.memory_space<vmem>> -> memref<128xi32, #tpu.memory_space<vmem>>
    %dma_start3A_1433 = arith.constant 0 : i32
    %dma_start3A_1434 = tpu.memref_slice %arg11[%dma_start3A_1433] : memref<917504xf32, #tpu.memory_space<vmem_shared>> -> memref<917504xf32, #tpu.memory_space<vmem_shared>>
    tpu.enqueue_indirect_dma source(%dma_start3A_1434 : memref<917504xf32, #tpu.memory_space<vmem_shared>>) target(%dma_start3A_1430 : memref<128xf32, #tpu.memory_space<vmem>>) offsets(%dma_start3A_1432 : memref<128xi32, #tpu.memory_space<vmem>>) semaphore(%arg12 : memref<!tpu.dma_semaphore, #tpu.memory_space<semaphore_mem>>)
    %dma_start3A_1435 = arith.constant 23808 : i32
    %dma_start3A_1436 = tpu.memref_slice %arg8[%dma_start3A_1435] : memref<24576xf32, #tpu.memory_space<vmem>> -> memref<128xf32, #tpu.memory_space<vmem>>
    %dma_start3A_1437 = arith.constant 23808 : i32
    %dma_start3A_1438 = tpu.memref_slice %arg7[%dma_start3A_1437] : memref<24576xi32, #tpu.memory_space<vmem>> -> memref<128xi32, #tpu.memory_space<vmem>>
    %dma_start3A_1439 = arith.constant 0 : i32
    %dma_start3A_1440 = tpu.memref_slice %arg11[%dma_start3A_1439] : memref<917504xf32, #tpu.memory_space<vmem_shared>> -> memref<917504xf32, #tpu.memory_space<vmem_shared>>
    tpu.enqueue_indirect_dma source(%dma_start3A_1440 : memref<917504xf32, #tpu.memory_space<vmem_shared>>) target(%dma_start3A_1436 : memref<128xf32, #tpu.memory_space<vmem>>) offsets(%dma_start3A_1438 : memref<128xi32, #tpu.memory_space<vmem>>) semaphore(%arg12 : memref<!tpu.dma_semaphore, #tpu.memory_space<semaphore_mem>>)
    %dma_start3A_1441 = arith.constant 23936 : i32
    %dma_start3A_1442 = tpu.memref_slice %arg8[%dma_start3A_1441] : memref<24576xf32, #tpu.memory_space<vmem>> -> memref<128xf32, #tpu.memory_space<vmem>>
    %dma_start3A_1443 = arith.constant 23936 : i32
    %dma_start3A_1444 = tpu.memref_slice %arg7[%dma_start3A_1443] : memref<24576xi32, #tpu.memory_space<vmem>> -> memref<128xi32, #tpu.memory_space<vmem>>
    %dma_start3A_1445 = arith.constant 0 : i32
    %dma_start3A_1446 = tpu.memref_slice %arg11[%dma_start3A_1445] : memref<917504xf32, #tpu.memory_space<vmem_shared>> -> memref<917504xf32, #tpu.memory_space<vmem_shared>>
    tpu.enqueue_indirect_dma source(%dma_start3A_1446 : memref<917504xf32, #tpu.memory_space<vmem_shared>>) target(%dma_start3A_1442 : memref<128xf32, #tpu.memory_space<vmem>>) offsets(%dma_start3A_1444 : memref<128xi32, #tpu.memory_space<vmem>>) semaphore(%arg12 : memref<!tpu.dma_semaphore, #tpu.memory_space<semaphore_mem>>)
    %dma_start3A_1447 = arith.constant 24064 : i32
    %dma_start3A_1448 = tpu.memref_slice %arg8[%dma_start3A_1447] : memref<24576xf32, #tpu.memory_space<vmem>> -> memref<128xf32, #tpu.memory_space<vmem>>
    %dma_start3A_1449 = arith.constant 24064 : i32
    %dma_start3A_1450 = tpu.memref_slice %arg7[%dma_start3A_1449] : memref<24576xi32, #tpu.memory_space<vmem>> -> memref<128xi32, #tpu.memory_space<vmem>>
    %dma_start3A_1451 = arith.constant 0 : i32
    %dma_start3A_1452 = tpu.memref_slice %arg11[%dma_start3A_1451] : memref<917504xf32, #tpu.memory_space<vmem_shared>> -> memref<917504xf32, #tpu.memory_space<vmem_shared>>
    tpu.enqueue_indirect_dma source(%dma_start3A_1452 : memref<917504xf32, #tpu.memory_space<vmem_shared>>) target(%dma_start3A_1448 : memref<128xf32, #tpu.memory_space<vmem>>) offsets(%dma_start3A_1450 : memref<128xi32, #tpu.memory_space<vmem>>) semaphore(%arg12 : memref<!tpu.dma_semaphore, #tpu.memory_space<semaphore_mem>>)
    %dma_start3A_1453 = arith.constant 24192 : i32
    %dma_start3A_1454 = tpu.memref_slice %arg8[%dma_start3A_1453] : memref<24576xf32, #tpu.memory_space<vmem>> -> memref<128xf32, #tpu.memory_space<vmem>>
    %dma_start3A_1455 = arith.constant 24192 : i32
    %dma_start3A_1456 = tpu.memref_slice %arg7[%dma_start3A_1455] : memref<24576xi32, #tpu.memory_space<vmem>> -> memref<128xi32, #tpu.memory_space<vmem>>
    %dma_start3A_1457 = arith.constant 0 : i32
    %dma_start3A_1458 = tpu.memref_slice %arg11[%dma_start3A_1457] : memref<917504xf32, #tpu.memory_space<vmem_shared>> -> memref<917504xf32, #tpu.memory_space<vmem_shared>>
    tpu.enqueue_indirect_dma source(%dma_start3A_1458 : memref<917504xf32, #tpu.memory_space<vmem_shared>>) target(%dma_start3A_1454 : memref<128xf32, #tpu.memory_space<vmem>>) offsets(%dma_start3A_1456 : memref<128xi32, #tpu.memory_space<vmem>>) semaphore(%arg12 : memref<!tpu.dma_semaphore, #tpu.memory_space<semaphore_mem>>)
    %dma_start3A_1459 = arith.constant 24320 : i32
    %dma_start3A_1460 = tpu.memref_slice %arg8[%dma_start3A_1459] : memref<24576xf32, #tpu.memory_space<vmem>> -> memref<128xf32, #tpu.memory_space<vmem>>
    %dma_start3A_1461 = arith.constant 24320 : i32
    %dma_start3A_1462 = tpu.memref_slice %arg7[%dma_start3A_1461] : memref<24576xi32, #tpu.memory_space<vmem>> -> memref<128xi32, #tpu.memory_space<vmem>>
    %dma_start3A_1463 = arith.constant 0 : i32
    %dma_start3A_1464 = tpu.memref_slice %arg11[%dma_start3A_1463] : memref<917504xf32, #tpu.memory_space<vmem_shared>> -> memref<917504xf32, #tpu.memory_space<vmem_shared>>
    tpu.enqueue_indirect_dma source(%dma_start3A_1464 : memref<917504xf32, #tpu.memory_space<vmem_shared>>) target(%dma_start3A_1460 : memref<128xf32, #tpu.memory_space<vmem>>) offsets(%dma_start3A_1462 : memref<128xi32, #tpu.memory_space<vmem>>) semaphore(%arg12 : memref<!tpu.dma_semaphore, #tpu.memory_space<semaphore_mem>>)
    %dma_start3A_1465 = arith.constant 24448 : i32
    %dma_start3A_1466 = tpu.memref_slice %arg8[%dma_start3A_1465] : memref<24576xf32, #tpu.memory_space<vmem>> -> memref<128xf32, #tpu.memory_space<vmem>>
    %dma_start3A_1467 = arith.constant 24448 : i32
    %dma_start3A_1468 = tpu.memref_slice %arg7[%dma_start3A_1467] : memref<24576xi32, #tpu.memory_space<vmem>> -> memref<128xi32, #tpu.memory_space<vmem>>
    %dma_start3A_1469 = arith.constant 0 : i32
    %dma_start3A_1470 = tpu.memref_slice %arg11[%dma_start3A_1469] : memref<917504xf32, #tpu.memory_space<vmem_shared>> -> memref<917504xf32, #tpu.memory_space<vmem_shared>>
    tpu.enqueue_indirect_dma source(%dma_start3A_1470 : memref<917504xf32, #tpu.memory_space<vmem_shared>>) target(%dma_start3A_1466 : memref<128xf32, #tpu.memory_space<vmem>>) offsets(%dma_start3A_1468 : memref<128xi32, #tpu.memory_space<vmem>>) semaphore(%arg12 : memref<!tpu.dma_semaphore, #tpu.memory_space<semaphore_mem>>)
    %dma_wait3A_1471 = arith.constant 12288 : i32
    %dma_wait3A_1472 = tpu.memref_slice %arg8[%dma_wait3A_1471] : memref<24576xf32, #tpu.memory_space<vmem>> -> memref<6144xf32, #tpu.memory_space<vmem>>
    %dma_wait3A_1473 = arith.constant 0 : i32
    %dma_wait3A_1474 = tpu.memref_slice %arg2[%dma_wait3A_1473] : memref<917504xf32, #tpu.memory_space<hbm>> -> memref<6144xf32, #tpu.memory_space<hbm>>
    %dma_wait3A_1475 = arith.constant 12288 : i32
    %dma_wait3A_1476 = tpu.memref_slice %arg8[%dma_wait3A_1475] : memref<24576xf32, #tpu.memory_space<vmem>> -> memref<6144xf32, #tpu.memory_space<vmem>>
    %dma_wait3A_1477 = arith.constant 0 : i32
    %dma_wait3A_1478 = tpu.memref_slice %arg2[%dma_wait3A_1477] : memref<917504xf32, #tpu.memory_space<hbm>> -> memref<6144xf32, #tpu.memory_space<hbm>>
    tpu.wait_dma2 semaphore(%arg12 : memref<!tpu.dma_semaphore, #tpu.memory_space<semaphore_mem>>) src(%dma_wait3A_1478 : memref<6144xf32, #tpu.memory_space<hbm>>) dst(%dma_wait3A_1476 : memref<6144xf32, #tpu.memory_space<vmem>>)
    %dma_wait3A_1479 = arith.constant 18432 : i32
    %dma_wait3A_1480 = tpu.memref_slice %arg8[%dma_wait3A_1479] : memref<24576xf32, #tpu.memory_space<vmem>> -> memref<6144xf32, #tpu.memory_space<vmem>>
    %dma_wait3A_1481 = arith.constant 0 : i32
    %dma_wait3A_1482 = tpu.memref_slice %arg2[%dma_wait3A_1481] : memref<917504xf32, #tpu.memory_space<hbm>> -> memref<6144xf32, #tpu.memory_space<hbm>>
    %dma_wait3A_1483 = arith.constant 18432 : i32
    %dma_wait3A_1484 = tpu.memref_slice %arg8[%dma_wait3A_1483] : memref<24576xf32, #tpu.memory_space<vmem>> -> memref<6144xf32, #tpu.memory_space<vmem>>
    %dma_wait3A_1485 = arith.constant 0 : i32
    %dma_wait3A_1486 = tpu.memref_slice %arg2[%dma_wait3A_1485] : memref<917504xf32, #tpu.memory_space<hbm>> -> memref<6144xf32, #tpu.memory_space<hbm>>
    tpu.wait_dma2 semaphore(%arg12 : memref<!tpu.dma_semaphore, #tpu.memory_space<semaphore_mem>>) src(%dma_wait3A_1486 : memref<6144xf32, #tpu.memory_space<hbm>>) dst(%dma_wait3A_1484 : memref<6144xf32, #tpu.memory_space<vmem>>)
    %dma_wait3A_1487 = arith.constant 0 : i32
    %dma_wait3A_1488 = tpu.memref_slice %arg9[%dma_wait3A_1487] : memref<8192xf32, #tpu.memory_space<vmem>> -> memref<2048xf32, #tpu.memory_space<vmem>>
    %dma_wait3A_1489 = tpu.memref_slice %arg4[%add3A_7] : memref<262144xf32, #tpu.memory_space<hbm>> -> memref<2048xf32, #tpu.memory_space<hbm>>
    %dma_wait3A_1490 = arith.constant 0 : i32
    %dma_wait3A_1491 = tpu.memref_slice %arg9[%dma_wait3A_1490] : memref<8192xf32, #tpu.memory_space<vmem>> -> memref<2048xf32, #tpu.memory_space<vmem>>
    %dma_wait3A_1492 = tpu.memref_slice %arg4[%add3A_7] : memref<262144xf32, #tpu.memory_space<hbm>> -> memref<2048xf32, #tpu.memory_space<hbm>>
    tpu.wait_dma2 semaphore(%arg14 : memref<!tpu.dma_semaphore, #tpu.memory_space<semaphore_mem>>) src(%dma_wait3A_1492 : memref<2048xf32, #tpu.memory_space<hbm>>) dst(%dma_wait3A_1491 : memref<2048xf32, #tpu.memory_space<vmem>>)
    %dma_wait3A_1493 = arith.constant 2048 : i32
    %dma_wait3A_1494 = tpu.memref_slice %arg9[%dma_wait3A_1493] : memref<8192xf32, #tpu.memory_space<vmem>> -> memref<2048xf32, #tpu.memory_space<vmem>>
    %dma_wait3A_1495 = tpu.memref_slice %arg4[%add3A_17] : memref<262144xf32, #tpu.memory_space<hbm>> -> memref<2048xf32, #tpu.memory_space<hbm>>
    %dma_wait3A_1496 = arith.constant 2048 : i32
    %dma_wait3A_1497 = tpu.memref_slice %arg9[%dma_wait3A_1496] : memref<8192xf32, #tpu.memory_space<vmem>> -> memref<2048xf32, #tpu.memory_space<vmem>>
    %dma_wait3A_1498 = tpu.memref_slice %arg4[%add3A_17] : memref<262144xf32, #tpu.memory_space<hbm>> -> memref<2048xf32, #tpu.memory_space<hbm>>
    tpu.wait_dma2 semaphore(%arg14 : memref<!tpu.dma_semaphore, #tpu.memory_space<semaphore_mem>>) src(%dma_wait3A_1498 : memref<2048xf32, #tpu.memory_space<hbm>>) dst(%dma_wait3A_1497 : memref<2048xf32, #tpu.memory_space<vmem>>)
    %dma_wait3A_1499 = arith.constant 4096 : i32
    %dma_wait3A_1500 = tpu.memref_slice %arg9[%dma_wait3A_1499] : memref<8192xf32, #tpu.memory_space<vmem>> -> memref<2048xf32, #tpu.memory_space<vmem>>
    %dma_wait3A_1501 = tpu.memref_slice %arg4[%add3A_27] : memref<262144xf32, #tpu.memory_space<hbm>> -> memref<2048xf32, #tpu.memory_space<hbm>>
    %dma_wait3A_1502 = arith.constant 4096 : i32
    %dma_wait3A_1503 = tpu.memref_slice %arg9[%dma_wait3A_1502] : memref<8192xf32, #tpu.memory_space<vmem>> -> memref<2048xf32, #tpu.memory_space<vmem>>
    %dma_wait3A_1504 = tpu.memref_slice %arg4[%add3A_27] : memref<262144xf32, #tpu.memory_space<hbm>> -> memref<2048xf32, #tpu.memory_space<hbm>>
    tpu.wait_dma2 semaphore(%arg14 : memref<!tpu.dma_semaphore, #tpu.memory_space<semaphore_mem>>) src(%dma_wait3A_1504 : memref<2048xf32, #tpu.memory_space<hbm>>) dst(%dma_wait3A_1503 : memref<2048xf32, #tpu.memory_space<vmem>>)
    %dma_wait3A_1505 = arith.constant 6144 : i32
    %dma_wait3A_1506 = tpu.memref_slice %arg9[%dma_wait3A_1505] : memref<8192xf32, #tpu.memory_space<vmem>> -> memref<2048xf32, #tpu.memory_space<vmem>>
    %dma_wait3A_1507 = tpu.memref_slice %arg4[%add3A_37] : memref<262144xf32, #tpu.memory_space<hbm>> -> memref<2048xf32, #tpu.memory_space<hbm>>
    %dma_wait3A_1508 = arith.constant 6144 : i32
    %dma_wait3A_1509 = tpu.memref_slice %arg9[%dma_wait3A_1508] : memref<8192xf32, #tpu.memory_space<vmem>> -> memref<2048xf32, #tpu.memory_space<vmem>>
    %dma_wait3A_1510 = tpu.memref_slice %arg4[%add3A_37] : memref<262144xf32, #tpu.memory_space<hbm>> -> memref<2048xf32, #tpu.memory_space<hbm>>
    tpu.wait_dma2 semaphore(%arg14 : memref<!tpu.dma_semaphore, #tpu.memory_space<semaphore_mem>>) src(%dma_wait3A_1510 : memref<2048xf32, #tpu.memory_space<hbm>>) dst(%dma_wait3A_1509 : memref<2048xf32, #tpu.memory_space<vmem>>)
    %scan3A_1511 = arith.constant 0 : i32
    %scan3A_1512 = arith.constant 0 : i32
    %scan3A_1513 = arith.constant 128 : i32
    %scan3A_1514 = arith.addi %scan3A_1512, %scan3A_1513 : i32
    %scan3A_1515 = arith.constant 1 : i32
    %scan3A_1516 = scf.for %scan3A_1530 = %scan3A_1512 to %scan3A_1514 step %scan3A_1515 iter_args(%scan3A_1531 = %scan3A_1511) -> (i32)  : i32 {
      %jit3A = arith.constant 8 : i32
      %div3A = arith.divsi %scan3A_1530, %jit3A : i32
      %sign3A = arith.constant 0 : i32
      %sign3A_1532 = arith.cmpi sgt, %scan3A_1530, %sign3A : i32
      %sign3A_1533 = arith.extui %sign3A_1532 : i1 to i32
      %sign3A_1534 = arith.constant 0 : i32
      %sign3A_1535 = arith.cmpi slt, %scan3A_1530, %sign3A_1534 : i32
      %sign3A_1536 = arith.extui %sign3A_1535 : i1 to i32
      %sign3A_1537 = arith.subi %sign3A_1533, %sign3A_1536 : i32
      %sign3A_1538 = arith.constant 0 : i32
      %sign3A_1539 = arith.cmpi sgt, %jit3A, %sign3A_1538 : i32
      %sign3A_1540 = arith.extui %sign3A_1539 : i1 to i32
      %sign3A_1541 = arith.constant 0 : i32
      %sign3A_1542 = arith.cmpi slt, %jit3A, %sign3A_1541 : i32
      %sign3A_1543 = arith.extui %sign3A_1542 : i1 to i32
      %sign3A_1544 = arith.subi %sign3A_1540, %sign3A_1543 : i32
      %ne3A = arith.cmpi ne, %sign3A_1537, %sign3A_1544 : i32
      %rem3A = arith.remsi %scan3A_1530, %jit3A : i32
      %ne3A_1545 = arith.constant 0 : i32
      %ne3A_1546 = arith.cmpi ne, %rem3A, %ne3A_1545 : i32
      %and3A = arith.andi %ne3A, %ne3A_1546 : i1
      %sub3A = arith.constant 1 : i32
      %sub3A_1547 = arith.subi %div3A, %sub3A : i32
      %select_n3A = arith.select %and3A, %sub3A_1547, %div3A : i32
      %mul3A_1548 = arith.constant 8 : i32
      %mul3A_1549 = arith.muli %select_n3A, %mul3A_1548 : i32
      %sub3A_1550 = arith.subi %scan3A_1530, %mul3A_1549 : i32
      %broadcast_in_dim3A = arith.constant 0.000000e+00 : f32
      %broadcast_in_dim3A_1551 = vector.broadcast %broadcast_in_dim3A : f32 to vector<16xf32>
      %mul3A_1552 = arith.constant 16 : i32
      %mul3A_1553 = arith.muli %scan3A_1530, %mul3A_1552 : i32
      %add3A_1554 = arith.constant 0 : i32
      %add3A_1555 = arith.addi %add3A_1554, %mul3A_1553 : i32
      %get3A = arith.index_cast %add3A_1555 : i32 to index
      %get3A_1556 = tpu.vector_load %arg9[%get3A] {strides = array<i32>} : memref<8192xf32, #tpu.memory_space<vmem>>, vector<16xf32>,
      %get3A_1557 = vector.shape_cast %get3A_1556 : vector<16xf32> to vector<16xf32>
      %mul3A_1558 = arith.constant 12 : i32
      %mul3A_1559 = arith.muli %select_n3A, %mul3A_1558 : i32
      %add3A_1560 = arith.constant 0 : i32
      %add3A_1561 = arith.addi %mul3A_1559, %add3A_1560 : i32
      %add3A_1562 = arith.constant 0 : i32
      %add3A_1563 = arith.addi %add3A_1561, %add3A_1562 : i32
      %mul3A_1564 = arith.constant 128 : i32
      %mul3A_1565 = arith.muli %add3A_1563, %mul3A_1564 : i32
      %mul3A_1566 = arith.constant 16 : i32
      %mul3A_1567 = arith.muli %sub3A_1550, %mul3A_1566 : i32
      %add3A_1568 = arith.addi %mul3A_1565, %mul3A_1567 : i32
      %get3A_1569 = arith.index_cast %add3A_1568 : i32 to index
      %get3A_1570 = tpu.vector_load %arg8[%get3A_1569] {strides = array<i32>} : memref<24576xf32, #tpu.memory_space<vmem>>, vector<16xf32>,
      %get3A_1571 = vector.shape_cast %get3A_1570 : vector<16xf32> to vector<16xf32>
      %mul3A_1572 = arith.mulf %get3A_1571, %get3A_1557 : vector<16xf32>
      %add3A_1573 = arith.addf %broadcast_in_dim3A_1551, %mul3A_1572 : vector<16xf32>
      %mul3A_1574 = arith.constant 16 : i32
      %mul3A_1575 = arith.muli %scan3A_1530, %mul3A_1574 : i32
      %add3A_1576 = arith.constant 2048 : i32
      %add3A_1577 = arith.addi %add3A_1576, %mul3A_1575 : i32
      %get3A_1578 = arith.index_cast %add3A_1577 : i32 to index
      %get3A_1579 = tpu.vector_load %arg9[%get3A_1578] {strides = array<i32>} : memref<8192xf32, #tpu.memory_space<vmem>>, vector<16xf32>,
      %get3A_1580 = vector.shape_cast %get3A_1579 : vector<16xf32> to vector<16xf32>
      %mul3A_1581 = arith.constant 12 : i32
      %mul3A_1582 = arith.muli %select_n3A, %mul3A_1581 : i32
      %add3A_1583 = arith.constant 0 : i32
      %add3A_1584 = arith.addi %mul3A_1582, %add3A_1583 : i32
      %add3A_1585 = arith.constant 1 : i32
      %add3A_1586 = arith.addi %add3A_1584, %add3A_1585 : i32
      %mul3A_1587 = arith.constant 128 : i32
      %mul3A_1588 = arith.muli %add3A_1586, %mul3A_1587 : i32
      %mul3A_1589 = arith.constant 16 : i32
      %mul3A_1590 = arith.muli %sub3A_1550, %mul3A_1589 : i32
      %add3A_1591 = arith.addi %mul3A_1588, %mul3A_1590 : i32
      %get3A_1592 = arith.index_cast %add3A_1591 : i32 to index
      %get3A_1593 = tpu.vector_load %arg8[%get3A_1592] {strides = array<i32>} : memref<24576xf32, #tpu.memory_space<vmem>>, vector<16xf32>,
      %get3A_1594 = vector.shape_cast %get3A_1593 : vector<16xf32> to vector<16xf32>
      %mul3A_1595 = arith.mulf %get3A_1594, %get3A_1580 : vector<16xf32>
      %add3A_1596 = arith.addf %add3A_1573, %mul3A_1595 : vector<16xf32>
      %mul3A_1597 = arith.constant 16 : i32
      %mul3A_1598 = arith.muli %scan3A_1530, %mul3A_1597 : i32
      %add3A_1599 = arith.constant 4096 : i32
      %add3A_1600 = arith.addi %add3A_1599, %mul3A_1598 : i32
      %get3A_1601 = arith.index_cast %add3A_1600 : i32 to index
      %get3A_1602 = tpu.vector_load %arg9[%get3A_1601] {strides = array<i32>} : memref<8192xf32, #tpu.memory_space<vmem>>, vector<16xf32>,
      %get3A_1603 = vector.shape_cast %get3A_1602 : vector<16xf32> to vector<16xf32>
      %mul3A_1604 = arith.constant 12 : i32
      %mul3A_1605 = arith.muli %select_n3A, %mul3A_1604 : i32
      %add3A_1606 = arith.constant 0 : i32
      %add3A_1607 = arith.addi %mul3A_1605, %add3A_1606 : i32
      %add3A_1608 = arith.constant 2 : i32
      %add3A_1609 = arith.addi %add3A_1607, %add3A_1608 : i32
      %mul3A_1610 = arith.constant 128 : i32
      %mul3A_1611 = arith.muli %add3A_1609, %mul3A_1610 : i32
      %mul3A_1612 = arith.constant 16 : i32
      %mul3A_1613 = arith.muli %sub3A_1550, %mul3A_1612 : i32
      %add3A_1614 = arith.addi %mul3A_1611, %mul3A_1613 : i32
      %get3A_1615 = arith.index_cast %add3A_1614 : i32 to index
      %get3A_1616 = tpu.vector_load %arg8[%get3A_1615] {strides = array<i32>} : memref<24576xf32, #tpu.memory_space<vmem>>, vector<16xf32>,
      %get3A_1617 = vector.shape_cast %get3A_1616 : vector<16xf32> to vector<16xf32>
      %mul3A_1618 = arith.mulf %get3A_1617, %get3A_1603 : vector<16xf32>
      %add3A_1619 = arith.addf %add3A_1596, %mul3A_1618 : vector<16xf32>
      %mul3A_1620 = arith.constant 16 : i32
      %mul3A_1621 = arith.muli %scan3A_1530, %mul3A_1620 : i32
      %add3A_1622 = arith.constant 6144 : i32
      %add3A_1623 = arith.addi %add3A_1622, %mul3A_1621 : i32
      %get3A_1624 = arith.index_cast %add3A_1623 : i32 to index
      %get3A_1625 = tpu.vector_load %arg9[%get3A_1624] {strides = array<i32>} : memref<8192xf32, #tpu.memory_space<vmem>>, vector<16xf32>,
      %get3A_1626 = vector.shape_cast %get3A_1625 : vector<16xf32> to vector<16xf32>
      %mul3A_1627 = arith.constant 12 : i32
      %mul3A_1628 = arith.muli %select_n3A, %mul3A_1627 : i32
      %add3A_1629 = arith.constant 0 : i32
      %add3A_1630 = arith.addi %mul3A_1628, %add3A_1629 : i32
      %add3A_1631 = arith.constant 3 : i32
      %add3A_1632 = arith.addi %add3A_1630, %add3A_1631 : i32
      %mul3A_1633 = arith.constant 128 : i32
      %mul3A_1634 = arith.muli %add3A_1632, %mul3A_1633 : i32
      %mul3A_1635 = arith.constant 16 : i32
      %mul3A_1636 = arith.muli %sub3A_1550, %mul3A_1635 : i32
      %add3A_1637 = arith.addi %mul3A_1634, %mul3A_1636 : i32
      %get3A_1638 = arith.index_cast %add3A_1637 : i32 to index
      %get3A_1639 = tpu.vector_load %arg8[%get3A_1638] {strides = array<i32>} : memref<24576xf32, #tpu.memory_space<vmem>>, vector<16xf32>,
      %get3A_1640 = vector.shape_cast %get3A_1639 : vector<16xf32> to vector<16xf32>
      %mul3A_1641 = arith.mulf %get3A_1640, %get3A_1626 : vector<16xf32>
      %add3A_1642 = arith.addf %add3A_1619, %mul3A_1641 : vector<16xf32>
      %mul3A_1643 = arith.constant 16 : i32
      %mul3A_1644 = arith.muli %scan3A_1530, %mul3A_1643 : i32
      %add3A_1645 = arith.constant 0 : i32
      %add3A_1646 = arith.addi %add3A_1645, %mul3A_1644 : i32
      %swap3A = arith.index_cast %add3A_1646 : i32 to index
      %swap3A_1647 = tpu.vector_load %arg10[%swap3A] {strides = array<i32>} : memref<6144xf32, #tpu.memory_space<vmem>>, vector<16xf32>,
      %swap3A_1648 = vector.shape_cast %swap3A_1647 : vector<16xf32> to vector<16xf32>
      %swap3A_1649 = vector.shape_cast %add3A_1642 : vector<16xf32> to vector<16xf32>
      tpu.vector_store %arg10[%swap3A], %swap3A_1649 {strides = array<i32>} : memref<6144xf32, #tpu.memory_space<vmem>>, vector<16xf32>,
      %broadcast_in_dim3A_1650 = arith.constant 0.000000e+00 : f32
      %broadcast_in_dim3A_1651 = vector.broadcast %broadcast_in_dim3A_1650 : f32 to vector<16xf32>
      %mul3A_1652 = arith.constant 16 : i32
      %mul3A_1653 = arith.muli %scan3A_1530, %mul3A_1652 : i32
      %add3A_1654 = arith.constant 0 : i32
      %add3A_1655 = arith.addi %add3A_1654, %mul3A_1653 : i32
      %get3A_1656 = arith.index_cast %add3A_1655 : i32 to index
      %get3A_1657 = tpu.vector_load %arg9[%get3A_1656] {strides = array<i32>} : memref<8192xf32, #tpu.memory_space<vmem>>, vector<16xf32>,
      %get3A_1658 = vector.shape_cast %get3A_1657 : vector<16xf32> to vector<16xf32>
      %mul3A_1659 = arith.constant 12 : i32
      %mul3A_1660 = arith.muli %select_n3A, %mul3A_1659 : i32
      %add3A_1661 = arith.constant 4 : i32
      %add3A_1662 = arith.addi %mul3A_1660, %add3A_1661 : i32
      %add3A_1663 = arith.constant 0 : i32
      %add3A_1664 = arith.addi %add3A_1662, %add3A_1663 : i32
      %mul3A_1665 = arith.constant 128 : i32
      %mul3A_1666 = arith.muli %add3A_1664, %mul3A_1665 : i32
      %mul3A_1667 = arith.constant 16 : i32
      %mul3A_1668 = arith.muli %sub3A_1550, %mul3A_1667 : i32
      %add3A_1669 = arith.addi %mul3A_1666, %mul3A_1668 : i32
      %get3A_1670 = arith.index_cast %add3A_1669 : i32 to index
      %get3A_1671 = tpu.vector_load %arg8[%get3A_1670] {strides = array<i32>} : memref<24576xf32, #tpu.memory_space<vmem>>, vector<16xf32>,
      %get3A_1672 = vector.shape_cast %get3A_1671 : vector<16xf32> to vector<16xf32>
      %mul3A_1673 = arith.mulf %get3A_1672, %get3A_1658 : vector<16xf32>
      %add3A_1674 = arith.addf %broadcast_in_dim3A_1651, %mul3A_1673 : vector<16xf32>
      %mul3A_1675 = arith.constant 16 : i32
      %mul3A_1676 = arith.muli %scan3A_1530, %mul3A_1675 : i32
      %add3A_1677 = arith.constant 2048 : i32
      %add3A_1678 = arith.addi %add3A_1677, %mul3A_1676 : i32
      %get3A_1679 = arith.index_cast %add3A_1678 : i32 to index
      %get3A_1680 = tpu.vector_load %arg9[%get3A_1679] {strides = array<i32>} : memref<8192xf32, #tpu.memory_space<vmem>>, vector<16xf32>,
      %get3A_1681 = vector.shape_cast %get3A_1680 : vector<16xf32> to vector<16xf32>
      %mul3A_1682 = arith.constant 12 : i32
      %mul3A_1683 = arith.muli %select_n3A, %mul3A_1682 : i32
      %add3A_1684 = arith.constant 4 : i32
      %add3A_1685 = arith.addi %mul3A_1683, %add3A_1684 : i32
      %add3A_1686 = arith.constant 1 : i32
      %add3A_1687 = arith.addi %add3A_1685, %add3A_1686 : i32
      %mul3A_1688 = arith.constant 128 : i32
      %mul3A_1689 = arith.muli %add3A_1687, %mul3A_1688 : i32
      %mul3A_1690 = arith.constant 16 : i32
      %mul3A_1691 = arith.muli %sub3A_1550, %mul3A_1690 : i32
      %add3A_1692 = arith.addi %mul3A_1689, %mul3A_1691 : i32
      %get3A_1693 = arith.index_cast %add3A_1692 : i32 to index
      %get3A_1694 = tpu.vector_load %arg8[%get3A_1693] {strides = array<i32>} : memref<24576xf32, #tpu.memory_space<vmem>>, vector<16xf32>,
      %get3A_1695 = vector.shape_cast %get3A_1694 : vector<16xf32> to vector<16xf32>
      %mul3A_1696 = arith.mulf %get3A_1695, %get3A_1681 : vector<16xf32>
      %add3A_1697 = arith.addf %add3A_1674, %mul3A_1696 : vector<16xf32>
      %mul3A_1698 = arith.constant 16 : i32
      %mul3A_1699 = arith.muli %scan3A_1530, %mul3A_1698 : i32
      %add3A_1700 = arith.constant 4096 : i32
      %add3A_1701 = arith.addi %add3A_1700, %mul3A_1699 : i32
      %get3A_1702 = arith.index_cast %add3A_1701 : i32 to index
      %get3A_1703 = tpu.vector_load %arg9[%get3A_1702] {strides = array<i32>} : memref<8192xf32, #tpu.memory_space<vmem>>, vector<16xf32>,
      %get3A_1704 = vector.shape_cast %get3A_1703 : vector<16xf32> to vector<16xf32>
      %mul3A_1705 = arith.constant 12 : i32
      %mul3A_1706 = arith.muli %select_n3A, %mul3A_1705 : i32
      %add3A_1707 = arith.constant 4 : i32
      %add3A_1708 = arith.addi %mul3A_1706, %add3A_1707 : i32
      %add3A_1709 = arith.constant 2 : i32
      %add3A_1710 = arith.addi %add3A_1708, %add3A_1709 : i32
      %mul3A_1711 = arith.constant 128 : i32
      %mul3A_1712 = arith.muli %add3A_1710, %mul3A_1711 : i32
      %mul3A_1713 = arith.constant 16 : i32
      %mul3A_1714 = arith.muli %sub3A_1550, %mul3A_1713 : i32
      %add3A_1715 = arith.addi %mul3A_1712, %mul3A_1714 : i32
      %get3A_1716 = arith.index_cast %add3A_1715 : i32 to index
      %get3A_1717 = tpu.vector_load %arg8[%get3A_1716] {strides = array<i32>} : memref<24576xf32, #tpu.memory_space<vmem>>, vector<16xf32>,
      %get3A_1718 = vector.shape_cast %get3A_1717 : vector<16xf32> to vector<16xf32>
      %mul3A_1719 = arith.mulf %get3A_1718, %get3A_1704 : vector<16xf32>
      %add3A_1720 = arith.addf %add3A_1697, %mul3A_1719 : vector<16xf32>
      %mul3A_1721 = arith.constant 16 : i32
      %mul3A_1722 = arith.muli %scan3A_1530, %mul3A_1721 : i32
      %add3A_1723 = arith.constant 6144 : i32
      %add3A_1724 = arith.addi %add3A_1723, %mul3A_1722 : i32
      %get3A_1725 = arith.index_cast %add3A_1724 : i32 to index
      %get3A_1726 = tpu.vector_load %arg9[%get3A_1725] {strides = array<i32>} : memref<8192xf32, #tpu.memory_space<vmem>>, vector<16xf32>,
      %get3A_1727 = vector.shape_cast %get3A_1726 : vector<16xf32> to vector<16xf32>
      %mul3A_1728 = arith.constant 12 : i32
      %mul3A_1729 = arith.muli %select_n3A, %mul3A_1728 : i32
      %add3A_1730 = arith.constant 4 : i32
      %add3A_1731 = arith.addi %mul3A_1729, %add3A_1730 : i32
      %add3A_1732 = arith.constant 3 : i32
      %add3A_1733 = arith.addi %add3A_1731, %add3A_1732 : i32
      %mul3A_1734 = arith.constant 128 : i32
      %mul3A_1735 = arith.muli %add3A_1733, %mul3A_1734 : i32
      %mul3A_1736 = arith.constant 16 : i32
      %mul3A_1737 = arith.muli %sub3A_1550, %mul3A_1736 : i32
      %add3A_1738 = arith.addi %mul3A_1735, %mul3A_1737 : i32
      %get3A_1739 = arith.index_cast %add3A_1738 : i32 to index
      %get3A_1740 = tpu.vector_load %arg8[%get3A_1739] {strides = array<i32>} : memref<24576xf32, #tpu.memory_space<vmem>>, vector<16xf32>,
      %get3A_1741 = vector.shape_cast %get3A_1740 : vector<16xf32> to vector<16xf32>
      %mul3A_1742 = arith.mulf %get3A_1741, %get3A_1727 : vector<16xf32>
      %add3A_1743 = arith.addf %add3A_1720, %mul3A_1742 : vector<16xf32>
      %mul3A_1744 = arith.constant 16 : i32
      %mul3A_1745 = arith.muli %scan3A_1530, %mul3A_1744 : i32
      %add3A_1746 = arith.constant 2048 : i32
      %add3A_1747 = arith.addi %add3A_1746, %mul3A_1745 : i32
      %swap3A_1748 = arith.index_cast %add3A_1747 : i32 to index
      %swap3A_1749 = tpu.vector_load %arg10[%swap3A_1748] {strides = array<i32>} : memref<6144xf32, #tpu.memory_space<vmem>>, vector<16xf32>,
      %swap3A_1750 = vector.shape_cast %swap3A_1749 : vector<16xf32> to vector<16xf32>
      %swap3A_1751 = vector.shape_cast %add3A_1743 : vector<16xf32> to vector<16xf32>
      tpu.vector_store %arg10[%swap3A_1748], %swap3A_1751 {strides = array<i32>} : memref<6144xf32, #tpu.memory_space<vmem>>, vector<16xf32>,
      %broadcast_in_dim3A_1752 = arith.constant 0.000000e+00 : f32
      %broadcast_in_dim3A_1753 = vector.broadcast %broadcast_in_dim3A_1752 : f32 to vector<16xf32>
      %mul3A_1754 = arith.constant 16 : i32
      %mul3A_1755 = arith.muli %scan3A_1530, %mul3A_1754 : i32
      %add3A_1756 = arith.constant 0 : i32
      %add3A_1757 = arith.addi %add3A_1756, %mul3A_1755 : i32
      %get3A_1758 = arith.index_cast %add3A_1757 : i32 to index
      %get3A_1759 = tpu.vector_load %arg9[%get3A_1758] {strides = array<i32>} : memref<8192xf32, #tpu.memory_space<vmem>>, vector<16xf32>,
      %get3A_1760 = vector.shape_cast %get3A_1759 : vector<16xf32> to vector<16xf32>
      %mul3A_1761 = arith.constant 12 : i32
      %mul3A_1762 = arith.muli %select_n3A, %mul3A_1761 : i32
      %add3A_1763 = arith.constant 8 : i32
      %add3A_1764 = arith.addi %mul3A_1762, %add3A_1763 : i32
      %add3A_1765 = arith.constant 0 : i32
      %add3A_1766 = arith.addi %add3A_1764, %add3A_1765 : i32
      %mul3A_1767 = arith.constant 128 : i32
      %mul3A_1768 = arith.muli %add3A_1766, %mul3A_1767 : i32
      %mul3A_1769 = arith.constant 16 : i32
      %mul3A_1770 = arith.muli %sub3A_1550, %mul3A_1769 : i32
      %add3A_1771 = arith.addi %mul3A_1768, %mul3A_1770 : i32
      %get3A_1772 = arith.index_cast %add3A_1771 : i32 to index
      %get3A_1773 = tpu.vector_load %arg8[%get3A_1772] {strides = array<i32>} : memref<24576xf32, #tpu.memory_space<vmem>>, vector<16xf32>,
      %get3A_1774 = vector.shape_cast %get3A_1773 : vector<16xf32> to vector<16xf32>
      %mul3A_1775 = arith.mulf %get3A_1774, %get3A_1760 : vector<16xf32>
      %add3A_1776 = arith.addf %broadcast_in_dim3A_1753, %mul3A_1775 : vector<16xf32>
      %mul3A_1777 = arith.constant 16 : i32
      %mul3A_1778 = arith.muli %scan3A_1530, %mul3A_1777 : i32
      %add3A_1779 = arith.constant 2048 : i32
      %add3A_1780 = arith.addi %add3A_1779, %mul3A_1778 : i32
      %get3A_1781 = arith.index_cast %add3A_1780 : i32 to index
      %get3A_1782 = tpu.vector_load %arg9[%get3A_1781] {strides = array<i32>} : memref<8192xf32, #tpu.memory_space<vmem>>, vector<16xf32>,
      %get3A_1783 = vector.shape_cast %get3A_1782 : vector<16xf32> to vector<16xf32>
      %mul3A_1784 = arith.constant 12 : i32
      %mul3A_1785 = arith.muli %select_n3A, %mul3A_1784 : i32
      %add3A_1786 = arith.constant 8 : i32
      %add3A_1787 = arith.addi %mul3A_1785, %add3A_1786 : i32
      %add3A_1788 = arith.constant 1 : i32
      %add3A_1789 = arith.addi %add3A_1787, %add3A_1788 : i32
      %mul3A_1790 = arith.constant 128 : i32
      %mul3A_1791 = arith.muli %add3A_1789, %mul3A_1790 : i32
      %mul3A_1792 = arith.constant 16 : i32
      %mul3A_1793 = arith.muli %sub3A_1550, %mul3A_1792 : i32
      %add3A_1794 = arith.addi %mul3A_1791, %mul3A_1793 : i32
      %get3A_1795 = arith.index_cast %add3A_1794 : i32 to index
      %get3A_1796 = tpu.vector_load %arg8[%get3A_1795] {strides = array<i32>} : memref<24576xf32, #tpu.memory_space<vmem>>, vector<16xf32>,
      %get3A_1797 = vector.shape_cast %get3A_1796 : vector<16xf32> to vector<16xf32>
      %mul3A_1798 = arith.mulf %get3A_1797, %get3A_1783 : vector<16xf32>
      %add3A_1799 = arith.addf %add3A_1776, %mul3A_1798 : vector<16xf32>
      %mul3A_1800 = arith.constant 16 : i32
      %mul3A_1801 = arith.muli %scan3A_1530, %mul3A_1800 : i32
      %add3A_1802 = arith.constant 4096 : i32
      %add3A_1803 = arith.addi %add3A_1802, %mul3A_1801 : i32
      %get3A_1804 = arith.index_cast %add3A_1803 : i32 to index
      %get3A_1805 = tpu.vector_load %arg9[%get3A_1804] {strides = array<i32>} : memref<8192xf32, #tpu.memory_space<vmem>>, vector<16xf32>,
      %get3A_1806 = vector.shape_cast %get3A_1805 : vector<16xf32> to vector<16xf32>
      %mul3A_1807 = arith.constant 12 : i32
      %mul3A_1808 = arith.muli %select_n3A, %mul3A_1807 : i32
      %add3A_1809 = arith.constant 8 : i32
      %add3A_1810 = arith.addi %mul3A_1808, %add3A_1809 : i32
      %add3A_1811 = arith.constant 2 : i32
      %add3A_1812 = arith.addi %add3A_1810, %add3A_1811 : i32
      %mul3A_1813 = arith.constant 128 : i32
      %mul3A_1814 = arith.muli %add3A_1812, %mul3A_1813 : i32
      %mul3A_1815 = arith.constant 16 : i32
      %mul3A_1816 = arith.muli %sub3A_1550, %mul3A_1815 : i32
      %add3A_1817 = arith.addi %mul3A_1814, %mul3A_1816 : i32
      %get3A_1818 = arith.index_cast %add3A_1817 : i32 to index
      %get3A_1819 = tpu.vector_load %arg8[%get3A_1818] {strides = array<i32>} : memref<24576xf32, #tpu.memory_space<vmem>>, vector<16xf32>,
      %get3A_1820 = vector.shape_cast %get3A_1819 : vector<16xf32> to vector<16xf32>
      %mul3A_1821 = arith.mulf %get3A_1820, %get3A_1806 : vector<16xf32>
      %add3A_1822 = arith.addf %add3A_1799, %mul3A_1821 : vector<16xf32>
      %mul3A_1823 = arith.constant 16 : i32
      %mul3A_1824 = arith.muli %scan3A_1530, %mul3A_1823 : i32
      %add3A_1825 = arith.constant 6144 : i32
      %add3A_1826 = arith.addi %add3A_1825, %mul3A_1824 : i32
      %get3A_1827 = arith.index_cast %add3A_1826 : i32 to index
      %get3A_1828 = tpu.vector_load %arg9[%get3A_1827] {strides = array<i32>} : memref<8192xf32, #tpu.memory_space<vmem>>, vector<16xf32>,
      %get3A_1829 = vector.shape_cast %get3A_1828 : vector<16xf32> to vector<16xf32>
      %mul3A_1830 = arith.constant 12 : i32
      %mul3A_1831 = arith.muli %select_n3A, %mul3A_1830 : i32
      %add3A_1832 = arith.constant 8 : i32
      %add3A_1833 = arith.addi %mul3A_1831, %add3A_1832 : i32
      %add3A_1834 = arith.constant 3 : i32
      %add3A_1835 = arith.addi %add3A_1833, %add3A_1834 : i32
      %mul3A_1836 = arith.constant 128 : i32
      %mul3A_1837 = arith.muli %add3A_1835, %mul3A_1836 : i32
      %mul3A_1838 = arith.constant 16 : i32
      %mul3A_1839 = arith.muli %sub3A_1550, %mul3A_1838 : i32
      %add3A_1840 = arith.addi %mul3A_1837, %mul3A_1839 : i32
      %get3A_1841 = arith.index_cast %add3A_1840 : i32 to index
      %get3A_1842 = tpu.vector_load %arg8[%get3A_1841] {strides = array<i32>} : memref<24576xf32, #tpu.memory_space<vmem>>, vector<16xf32>,
      %get3A_1843 = vector.shape_cast %get3A_1842 : vector<16xf32> to vector<16xf32>
      %mul3A_1844 = arith.mulf %get3A_1843, %get3A_1829 : vector<16xf32>
      %add3A_1845 = arith.addf %add3A_1822, %mul3A_1844 : vector<16xf32>
      %mul3A_1846 = arith.constant 16 : i32
      %mul3A_1847 = arith.muli %scan3A_1530, %mul3A_1846 : i32
      %add3A_1848 = arith.constant 4096 : i32
      %add3A_1849 = arith.addi %add3A_1848, %mul3A_1847 : i32
      %swap3A_1850 = arith.index_cast %add3A_1849 : i32 to index
      %swap3A_1851 = tpu.vector_load %arg10[%swap3A_1850] {strides = array<i32>} : memref<6144xf32, #tpu.memory_space<vmem>>, vector<16xf32>,
      %swap3A_1852 = vector.shape_cast %swap3A_1851 : vector<16xf32> to vector<16xf32>
      %swap3A_1853 = vector.shape_cast %add3A_1845 : vector<16xf32> to vector<16xf32>
      tpu.vector_store %arg10[%swap3A_1850], %swap3A_1853 {strides = array<i32>} : memref<6144xf32, #tpu.memory_space<vmem>>, vector<16xf32>,
      %scan3A_1854 = arith.constant 0 : i32
      scf.yield %scan3A_1854 : i32
    }
    %scan3A_1517 = arith.constant 128 : i32
    %mul3A_1518 = arith.constant 2048 : i32
    %mul3A_1519 = arith.muli %add3A, %mul3A_1518 : i32
    %add3A_1520 = arith.constant 0 : i32
    %add3A_1521 = arith.addi %add3A_1520, %mul3A_1519 : i32
    "tpu.region"() ({
      %run_scoped3A = tpu.sem_alloc : memref<!tpu.dma_semaphore, #tpu.memory_space<semaphore_mem>>
      %dma_start3A_1530 = arith.constant 0 : i32
      %dma_start3A_1531 = tpu.memref_slice %arg10[%dma_start3A_1530] : memref<6144xf32, #tpu.memory_space<vmem>> -> memref<2048xf32, #tpu.memory_space<vmem>>
      %dma_start3A_1532 = tpu.memref_slice %arg5[%add3A_1521] : memref<196608xf32, #tpu.memory_space<hbm>> -> memref<2048xf32, #tpu.memory_space<hbm>>
      %dma_start3A_1533 = tpu.memref_slice %arg5[%add3A_1521] : memref<196608xf32, #tpu.memory_space<hbm>> -> memref<2048xf32, #tpu.memory_space<hbm>>
      %dma_start3A_1534 = arith.constant 0 : i32
      %dma_start3A_1535 = tpu.memref_slice %arg10[%dma_start3A_1534] : memref<6144xf32, #tpu.memory_space<vmem>> -> memref<2048xf32, #tpu.memory_space<vmem>>
      tpu.enqueue_dma source(%dma_start3A_1535 : memref<2048xf32, #tpu.memory_space<vmem>>) target(%dma_start3A_1533 : memref<2048xf32, #tpu.memory_space<hbm>>) target_semaphore(%run_scoped3A : memref<!tpu.dma_semaphore, #tpu.memory_space<semaphore_mem>>)
      %dma_wait3A_1536 = arith.constant 0 : i32
      %dma_wait3A_1537 = tpu.memref_slice %arg10[%dma_wait3A_1536] : memref<6144xf32, #tpu.memory_space<vmem>> -> memref<2048xf32, #tpu.memory_space<vmem>>
      %dma_wait3A_1538 = tpu.memref_slice %arg5[%add3A_1521] : memref<196608xf32, #tpu.memory_space<hbm>> -> memref<2048xf32, #tpu.memory_space<hbm>>
      %dma_wait3A_1539 = tpu.memref_slice %arg5[%add3A_1521] : memref<196608xf32, #tpu.memory_space<hbm>> -> memref<2048xf32, #tpu.memory_space<hbm>>
      %dma_wait3A_1540 = arith.constant 0 : i32
      %dma_wait3A_1541 = tpu.memref_slice %arg10[%dma_wait3A_1540] : memref<6144xf32, #tpu.memory_space<vmem>> -> memref<2048xf32, #tpu.memory_space<vmem>>
      tpu.wait_dma2 semaphore(%run_scoped3A : memref<!tpu.dma_semaphore, #tpu.memory_space<semaphore_mem>>) src(%dma_wait3A_1541 : memref<2048xf32, #tpu.memory_space<vmem>>) dst(%dma_wait3A_1539 : memref<2048xf32, #tpu.memory_space<hbm>>)
      tpu.yield
    }) : () -> ()
    %mul3A_1522 = arith.constant 2048 : i32
    %mul3A_1523 = arith.muli %add3A, %mul3A_1522 : i32
    %add3A_1524 = arith.constant 65536 : i32
    %add3A_1525 = arith.addi %add3A_1524, %mul3A_1523 : i32
    "tpu.region"() ({
      %run_scoped3A = tpu.sem_alloc : memref<!tpu.dma_semaphore, #tpu.memory_space<semaphore_mem>>
      %dma_start3A_1530 = arith.constant 2048 : i32
      %dma_start3A_1531 = tpu.memref_slice %arg10[%dma_start3A_1530] : memref<6144xf32, #tpu.memory_space<vmem>> -> memref<2048xf32, #tpu.memory_space<vmem>>
      %dma_start3A_1532 = tpu.memref_slice %arg5[%add3A_1525] : memref<196608xf32, #tpu.memory_space<hbm>> -> memref<2048xf32, #tpu.memory_space<hbm>>
      %dma_start3A_1533 = tpu.memref_slice %arg5[%add3A_1525] : memref<196608xf32, #tpu.memory_space<hbm>> -> memref<2048xf32, #tpu.memory_space<hbm>>
      %dma_start3A_1534 = arith.constant 2048 : i32
      %dma_start3A_1535 = tpu.memref_slice %arg10[%dma_start3A_1534] : memref<6144xf32, #tpu.memory_space<vmem>> -> memref<2048xf32, #tpu.memory_space<vmem>>
      tpu.enqueue_dma source(%dma_start3A_1535 : memref<2048xf32, #tpu.memory_space<vmem>>) target(%dma_start3A_1533 : memref<2048xf32, #tpu.memory_space<hbm>>) target_semaphore(%run_scoped3A : memref<!tpu.dma_semaphore, #tpu.memory_space<semaphore_mem>>)
      %dma_wait3A_1536 = arith.constant 2048 : i32
      %dma_wait3A_1537 = tpu.memref_slice %arg10[%dma_wait3A_1536] : memref<6144xf32, #tpu.memory_space<vmem>> -> memref<2048xf32, #tpu.memory_space<vmem>>
      %dma_wait3A_1538 = tpu.memref_slice %arg5[%add3A_1525] : memref<196608xf32, #tpu.memory_space<hbm>> -> memref<2048xf32, #tpu.memory_space<hbm>>
      %dma_wait3A_1539 = tpu.memref_slice %arg5[%add3A_1525] : memref<196608xf32, #tpu.memory_space<hbm>> -> memref<2048xf32, #tpu.memory_space<hbm>>
      %dma_wait3A_1540 = arith.constant 2048 : i32
      %dma_wait3A_1541 = tpu.memref_slice %arg10[%dma_wait3A_1540] : memref<6144xf32, #tpu.memory_space<vmem>> -> memref<2048xf32, #tpu.memory_space<vmem>>
      tpu.wait_dma2 semaphore(%run_scoped3A : memref<!tpu.dma_semaphore, #tpu.memory_space<semaphore_mem>>) src(%dma_wait3A_1541 : memref<2048xf32, #tpu.memory_space<vmem>>) dst(%dma_wait3A_1539 : memref<2048xf32, #tpu.memory_space<hbm>>)
      tpu.yield
    }) : () -> ()
    %mul3A_1526 = arith.constant 2048 : i32
    %mul3A_1527 = arith.muli %add3A, %mul3A_1526 : i32
    %add3A_1528 = arith.constant 131072 : i32
    %add3A_1529 = arith.addi %add3A_1528, %mul3A_1527 : i32
    "tpu.region"() ({
      %run_scoped3A = tpu.sem_alloc : memref<!tpu.dma_semaphore, #tpu.memory_space<semaphore_mem>>
      %dma_start3A_1530 = arith.constant 4096 : i32
      %dma_start3A_1531 = tpu.memref_slice %arg10[%dma_start3A_1530] : memref<6144xf32, #tpu.memory_space<vmem>> -> memref<2048xf32, #tpu.memory_space<vmem>>
      %dma_start3A_1532 = tpu.memref_slice %arg5[%add3A_1529] : memref<196608xf32, #tpu.memory_space<hbm>> -> memref<2048xf32, #tpu.memory_space<hbm>>
      %dma_start3A_1533 = tpu.memref_slice %arg5[%add3A_1529] : memref<196608xf32, #tpu.memory_space<hbm>> -> memref<2048xf32, #tpu.memory_space<hbm>>
      %dma_start3A_1534 = arith.constant 4096 : i32
      %dma_start3A_1535 = tpu.memref_slice %arg10[%dma_start3A_1534] : memref<6144xf32, #tpu.memory_space<vmem>> -> memref<2048xf32, #tpu.memory_space<vmem>>
      tpu.enqueue_dma source(%dma_start3A_1535 : memref<2048xf32, #tpu.memory_space<vmem>>) target(%dma_start3A_1533 : memref<2048xf32, #tpu.memory_space<hbm>>) target_semaphore(%run_scoped3A : memref<!tpu.dma_semaphore, #tpu.memory_space<semaphore_mem>>)
      %dma_wait3A_1536 = arith.constant 4096 : i32
      %dma_wait3A_1537 = tpu.memref_slice %arg10[%dma_wait3A_1536] : memref<6144xf32, #tpu.memory_space<vmem>> -> memref<2048xf32, #tpu.memory_space<vmem>>
      %dma_wait3A_1538 = tpu.memref_slice %arg5[%add3A_1529] : memref<196608xf32, #tpu.memory_space<hbm>> -> memref<2048xf32, #tpu.memory_space<hbm>>
      %dma_wait3A_1539 = tpu.memref_slice %arg5[%add3A_1529] : memref<196608xf32, #tpu.memory_space<hbm>> -> memref<2048xf32, #tpu.memory_space<hbm>>
      %dma_wait3A_1540 = arith.constant 4096 : i32
      %dma_wait3A_1541 = tpu.memref_slice %arg10[%dma_wait3A_1540] : memref<6144xf32, #tpu.memory_space<vmem>> -> memref<2048xf32, #tpu.memory_space<vmem>>
      tpu.wait_dma2 semaphore(%run_scoped3A : memref<!tpu.dma_semaphore, #tpu.memory_space<semaphore_mem>>) src(%dma_wait3A_1541 : memref<2048xf32, #tpu.memory_space<vmem>>) dst(%dma_wait3A_1539 : memref<2048xf32, #tpu.memory_space<hbm>>)
      tpu.yield
    }) : () -> ()
    return
  }
}

module attributes {stable_mosaic.version = 14 : i64} {
  func.func @_raster_body(%arg0: i32, %arg1: memref<1x1xf32, #tpu.memory_space<smem>>, %arg2: memref<20x128xf32, #tpu.memory_space<smem>>, %arg3: memref<4x128xi32, #tpu.memory_space<smem>>, %arg4: memref<4x1xi32, #tpu.memory_space<smem>>, %arg5: memref<1x256xf32, #tpu.memory_space<vmem>>, %arg6: memref<64x1xf32, #tpu.memory_space<vmem>>, %arg7: memref<64x256xi32, #tpu.memory_space<vmem>>, %arg8: memref<4x64x256xf32, #tpu.memory_space<vmem>>, %arg9: memref<64x256xf32, #tpu.memory_space<vmem>>) attributes {dimension_semantics = [#tpu.dimension_semantics<arbitrary>], iteration_bounds = array<i64: 4>, scalar_prefetch = 0 : i64, scratch_operands = 0 : i64, tpu.core_type = #tpu.core_type<tc>, window_params = [{transform_indices = @transform_0, window_bounds = array<i64: 1, 1>}, {transform_indices = @transform_1, window_bounds = array<i64: 20, 128>}, {transform_indices = @transform_2, window_bounds = array<i64: 4, 128>}, {transform_indices = @transform_3, window_bounds = array<i64: 4, 1>}, {pipeline_mode = #tpu.pipeline_mode<synchronous>, transform_indices = @transform_4, window_bounds = array<i64: 1, 256>}, {transform_indices = @transform_5, window_bounds = array<i64: 64, 1>}, {transform_indices = @transform_6, window_bounds = array<i64: 64, 256>}, {transform_indices = @transform_7, window_bounds = array<i64: 4, 64, 256>}, {transform_indices = @transform_8, window_bounds = array<i64: 64, 256>}]} {
    %get3A = arith.constant 0 : index
    %get3A_0 = arith.constant 0 : index
    %get3A_1 = vector.load %arg5[%get3A, %get3A_0] : memref<1x256xf32, #tpu.memory_space<vmem>>, vector<1x256xf32>
    %broadcast_in_dim3A = vector.shape_cast %get3A_1 : vector<1x256xf32> to vector<1x256xf32>
    %broadcast_in_dim3A_2 = vector.broadcast %broadcast_in_dim3A : vector<1x256xf32> to vector<64x256xf32>
    %get3A_3 = arith.constant 0 : index
    %get3A_4 = arith.constant 0 : index
    %get3A_5 = vector.load %arg6[%get3A_3, %get3A_4] : memref<64x1xf32, #tpu.memory_space<vmem>>, vector<64x1xf32>
    %broadcast_in_dim3A_6 = vector.shape_cast %get3A_5 : vector<64x1xf32> to vector<64x1xf32>
    %broadcast_in_dim3A_7 = vector.broadcast %broadcast_in_dim3A_6 : vector<64x1xf32> to vector<64x256xf32>
    %get3A_8 = arith.constant 0 : index
    %get3A_9 = arith.constant 0 : index
    %get3A_10 = memref.load %arg1[%get3A_8, %get3A_9] : memref<1x1xf32, #tpu.memory_space<smem>>
    %get3A_11 = arith.index_cast %arg0 : i32 to index
    %get3A_12 = arith.constant 0 : index
    %get3A_13 = memref.load %arg4[%get3A_11, %get3A_12] : memref<4x1xi32, #tpu.memory_space<smem>>
    %broadcast_in_dim3A_14 = vector.broadcast %get3A_10 : f32 to vector<64x256xf32>
    %broadcast_in_dim3A_15 = arith.constant 0.000000e+00 : f32
    %broadcast_in_dim3A_16 = vector.broadcast %broadcast_in_dim3A_15 : f32 to vector<64x256xf32>
    %broadcast_in_dim3A_17 = arith.constant 0.000000e+00 : f32
    %broadcast_in_dim3A_18 = vector.broadcast %broadcast_in_dim3A_17 : f32 to vector<64x256xf32>
    %broadcast_in_dim3A_19 = arith.constant 0.000000e+00 : f32
    %broadcast_in_dim3A_20 = vector.broadcast %broadcast_in_dim3A_19 : f32 to vector<64x256xf32>
    %while3A = arith.constant 0 : i32
    %while3A_21 = arith.subi %get3A_13, %while3A : i32
    %while3A_22 = arith.addi %while3A, %while3A_21 : i32
    %while3A_23 = arith.constant 1 : i32
    %while3A_24 = arith.divsi %while3A_21, %while3A_23 : i32
    %while3A_25 = arith.muli %while3A_24, %while3A_23 : i32
    %while3A_26 = arith.addi %while3A, %while3A_25 : i32
    %while3A_27 = arith.constant 1 : i32
    %while3A_28:4 = scf.for %while3A_118 = %while3A to %while3A_26 step %while3A_27 iter_args(%while3A_119 = %broadcast_in_dim3A_14, %while3A_120 = %broadcast_in_dim3A_16, %while3A_121 = %broadcast_in_dim3A_18, %while3A_122 = %broadcast_in_dim3A_20) -> (vector<64x256xf32>, vector<64x256xf32>, vector<64x256xf32>, vector<64x256xf32>)  : i32 {
      %get3A_123 = arith.index_cast %arg0 : i32 to index
      %get3A_124 = arith.index_cast %while3A_118 : i32 to index
      %get3A_125 = memref.load %arg3[%get3A_123, %get3A_124] : memref<4x128xi32, #tpu.memory_space<smem>>
      %get3A_126 = arith.constant 0 : index
      %get3A_127 = arith.index_cast %get3A_125 : i32 to index
      %get3A_128 = memref.load %arg2[%get3A_126, %get3A_127] : memref<20x128xf32, #tpu.memory_space<smem>>
      %get3A_129 = arith.constant 1 : index
      %get3A_130 = arith.index_cast %get3A_125 : i32 to index
      %get3A_131 = memref.load %arg2[%get3A_129, %get3A_130] : memref<20x128xf32, #tpu.memory_space<smem>>
      %get3A_132 = arith.constant 2 : index
      %get3A_133 = arith.index_cast %get3A_125 : i32 to index
      %get3A_134 = memref.load %arg2[%get3A_132, %get3A_133] : memref<20x128xf32, #tpu.memory_space<smem>>
      %get3A_135 = arith.constant 3 : index
      %get3A_136 = arith.index_cast %get3A_125 : i32 to index
      %get3A_137 = memref.load %arg2[%get3A_135, %get3A_136] : memref<20x128xf32, #tpu.memory_space<smem>>
      %get3A_138 = arith.constant 4 : index
      %get3A_139 = arith.index_cast %get3A_125 : i32 to index
      %get3A_140 = memref.load %arg2[%get3A_138, %get3A_139] : memref<20x128xf32, #tpu.memory_space<smem>>
      %get3A_141 = arith.constant 5 : index
      %get3A_142 = arith.index_cast %get3A_125 : i32 to index
      %get3A_143 = memref.load %arg2[%get3A_141, %get3A_142] : memref<20x128xf32, #tpu.memory_space<smem>>
      %get3A_144 = arith.constant 6 : index
      %get3A_145 = arith.index_cast %get3A_125 : i32 to index
      %get3A_146 = memref.load %arg2[%get3A_144, %get3A_145] : memref<20x128xf32, #tpu.memory_space<smem>>
      %get3A_147 = arith.constant 7 : index
      %get3A_148 = arith.index_cast %get3A_125 : i32 to index
      %get3A_149 = memref.load %arg2[%get3A_147, %get3A_148] : memref<20x128xf32, #tpu.memory_space<smem>>
      %get3A_150 = arith.constant 8 : index
      %get3A_151 = arith.index_cast %get3A_125 : i32 to index
      %get3A_152 = memref.load %arg2[%get3A_150, %get3A_151] : memref<20x128xf32, #tpu.memory_space<smem>>
      %get3A_153 = arith.constant 9 : index
      %get3A_154 = arith.index_cast %get3A_125 : i32 to index
      %get3A_155 = memref.load %arg2[%get3A_153, %get3A_154] : memref<20x128xf32, #tpu.memory_space<smem>>
      %get3A_156 = arith.constant 10 : index
      %get3A_157 = arith.index_cast %get3A_125 : i32 to index
      %get3A_158 = memref.load %arg2[%get3A_156, %get3A_157] : memref<20x128xf32, #tpu.memory_space<smem>>
      %get3A_159 = arith.constant 11 : index
      %get3A_160 = arith.index_cast %get3A_125 : i32 to index
      %get3A_161 = memref.load %arg2[%get3A_159, %get3A_160] : memref<20x128xf32, #tpu.memory_space<smem>>
      %get3A_162 = arith.constant 12 : index
      %get3A_163 = arith.index_cast %get3A_125 : i32 to index
      %get3A_164 = memref.load %arg2[%get3A_162, %get3A_163] : memref<20x128xf32, #tpu.memory_space<smem>>
      %get3A_165 = arith.constant 13 : index
      %get3A_166 = arith.index_cast %get3A_125 : i32 to index
      %get3A_167 = memref.load %arg2[%get3A_165, %get3A_166] : memref<20x128xf32, #tpu.memory_space<smem>>
      %get3A_168 = arith.constant 14 : index
      %get3A_169 = arith.index_cast %get3A_125 : i32 to index
      %get3A_170 = memref.load %arg2[%get3A_168, %get3A_169] : memref<20x128xf32, #tpu.memory_space<smem>>
      %get3A_171 = arith.constant 15 : index
      %get3A_172 = arith.index_cast %get3A_125 : i32 to index
      %get3A_173 = memref.load %arg2[%get3A_171, %get3A_172] : memref<20x128xf32, #tpu.memory_space<smem>>
      %sub3A_174 = vector.broadcast %get3A_137 : f32 to vector<64x256xf32>
      %sub3A_175 = arith.subf %broadcast_in_dim3A_2, %sub3A_174 : vector<64x256xf32>
      %sub3A_176 = arith.subf %get3A_131, %get3A_140 : f32
      %mul3A_177 = vector.broadcast %sub3A_176 : f32 to vector<64x256xf32>
      %mul3A_178 = arith.mulf %sub3A_175, %mul3A_177 : vector<64x256xf32>
      %sub3A_179 = vector.broadcast %get3A_140 : f32 to vector<64x256xf32>
      %sub3A_180 = arith.subf %broadcast_in_dim3A_7, %sub3A_179 : vector<64x256xf32>
      %sub3A_181 = arith.subf %get3A_128, %get3A_137 : f32
      %mul3A_182 = vector.broadcast %sub3A_181 : f32 to vector<64x256xf32>
      %mul3A_183 = arith.mulf %sub3A_180, %mul3A_182 : vector<64x256xf32>
      %sub3A_184 = arith.subf %mul3A_178, %mul3A_183 : vector<64x256xf32>
      %sub3A_185 = vector.broadcast %get3A_146 : f32 to vector<64x256xf32>
      %sub3A_186 = arith.subf %broadcast_in_dim3A_2, %sub3A_185 : vector<64x256xf32>
      %sub3A_187 = arith.subf %get3A_140, %get3A_149 : f32
      %mul3A_188 = vector.broadcast %sub3A_187 : f32 to vector<64x256xf32>
      %mul3A_189 = arith.mulf %sub3A_186, %mul3A_188 : vector<64x256xf32>
      %sub3A_190 = vector.broadcast %get3A_149 : f32 to vector<64x256xf32>
      %sub3A_191 = arith.subf %broadcast_in_dim3A_7, %sub3A_190 : vector<64x256xf32>
      %sub3A_192 = arith.subf %get3A_137, %get3A_146 : f32
      %mul3A_193 = vector.broadcast %sub3A_192 : f32 to vector<64x256xf32>
      %mul3A_194 = arith.mulf %sub3A_191, %mul3A_193 : vector<64x256xf32>
      %sub3A_195 = arith.subf %mul3A_189, %mul3A_194 : vector<64x256xf32>
      %sub3A_196 = vector.broadcast %get3A_128 : f32 to vector<64x256xf32>
      %sub3A_197 = arith.subf %broadcast_in_dim3A_2, %sub3A_196 : vector<64x256xf32>
      %sub3A_198 = arith.subf %get3A_149, %get3A_131 : f32
      %mul3A_199 = vector.broadcast %sub3A_198 : f32 to vector<64x256xf32>
      %mul3A_200 = arith.mulf %sub3A_197, %mul3A_199 : vector<64x256xf32>
      %sub3A_201 = vector.broadcast %get3A_131 : f32 to vector<64x256xf32>
      %sub3A_202 = arith.subf %broadcast_in_dim3A_7, %sub3A_201 : vector<64x256xf32>
      %sub3A_203 = arith.subf %get3A_146, %get3A_128 : f32
      %mul3A_204 = vector.broadcast %sub3A_203 : f32 to vector<64x256xf32>
      %mul3A_205 = arith.mulf %sub3A_202, %mul3A_204 : vector<64x256xf32>
      %sub3A_206 = arith.subf %mul3A_200, %mul3A_205 : vector<64x256xf32>
      %max3A_207 = arith.constant 0.000000e+00 : f32
      %max3A_208 = vector.broadcast %max3A_207 : f32 to vector<64x256xf32>
      %max3A_209 = arith.maximumf %sub3A_184, %max3A_208 : vector<64x256xf32>
      %max3A_210 = arith.constant 0.000000e+00 : f32
      %max3A_211 = vector.broadcast %max3A_210 : f32 to vector<64x256xf32>
      %max3A_212 = arith.maximumf %sub3A_195, %max3A_211 : vector<64x256xf32>
      %mul3A_213 = arith.mulf %max3A_209, %max3A_212 : vector<64x256xf32>
      %max3A_214 = arith.constant 0.000000e+00 : f32
      %max3A_215 = vector.broadcast %max3A_214 : f32 to vector<64x256xf32>
      %max3A_216 = arith.maximumf %sub3A_206, %max3A_215 : vector<64x256xf32>
      %mul3A_217 = arith.mulf %mul3A_213, %max3A_216 : vector<64x256xf32>
      %gt3A_218 = arith.constant 0.000000e+00 : f32
      %gt3A_219 = vector.broadcast %gt3A_218 : f32 to vector<64x256xf32>
      %gt3A_220 = arith.cmpf ogt, %mul3A_217, %gt3A_219 : vector<64x256xf32>
      %mul3A_221 = vector.broadcast %get3A_155 : f32 to vector<64x256xf32>
      %mul3A_222 = arith.mulf %sub3A_195, %mul3A_221 : vector<64x256xf32>
      %mul3A_223 = vector.broadcast %get3A_155 : f32 to vector<64x256xf32>
      %mul3A_224 = arith.mulf %sub3A_206, %mul3A_223 : vector<64x256xf32>
      %sub3A_225 = arith.constant 1.000000e+00 : f32
      %sub3A_226 = vector.broadcast %sub3A_225 : f32 to vector<64x256xf32>
      %sub3A_227 = arith.subf %sub3A_226, %mul3A_222 : vector<64x256xf32>
      %sub3A_228 = arith.subf %sub3A_227, %mul3A_224 : vector<64x256xf32>
      %mul3A_229 = vector.broadcast %get3A_134 : f32 to vector<64x256xf32>
      %mul3A_230 = arith.mulf %mul3A_222, %mul3A_229 : vector<64x256xf32>
      %mul3A_231 = vector.broadcast %get3A_143 : f32 to vector<64x256xf32>
      %mul3A_232 = arith.mulf %mul3A_224, %mul3A_231 : vector<64x256xf32>
      %add3A_233 = arith.addf %mul3A_230, %mul3A_232 : vector<64x256xf32>
      %mul3A_234 = vector.broadcast %get3A_152 : f32 to vector<64x256xf32>
      %mul3A_235 = arith.mulf %sub3A_228, %mul3A_234 : vector<64x256xf32>
      %add3A_236 = arith.addf %add3A_233, %mul3A_235 : vector<64x256xf32>
      %ge3A = arith.cmpf oge, %add3A_236, %while3A_119 : vector<64x256xf32>
      %and3A = arith.andi %gt3A_220, %ge3A : vector<64x256xi1>
      %mul3A_237 = vector.broadcast %get3A_158 : f32 to vector<64x256xf32>
      %mul3A_238 = arith.mulf %mul3A_222, %mul3A_237 : vector<64x256xf32>
      %mul3A_239 = vector.broadcast %get3A_164 : f32 to vector<64x256xf32>
      %mul3A_240 = arith.mulf %mul3A_224, %mul3A_239 : vector<64x256xf32>
      %add3A_241 = arith.addf %mul3A_238, %mul3A_240 : vector<64x256xf32>
      %mul3A_242 = vector.broadcast %get3A_170 : f32 to vector<64x256xf32>
      %mul3A_243 = arith.mulf %sub3A_228, %mul3A_242 : vector<64x256xf32>
      %add3A_244 = arith.addf %add3A_241, %mul3A_243 : vector<64x256xf32>
      %mul3A_245 = vector.broadcast %get3A_161 : f32 to vector<64x256xf32>
      %mul3A_246 = arith.mulf %mul3A_222, %mul3A_245 : vector<64x256xf32>
      %mul3A_247 = vector.broadcast %get3A_167 : f32 to vector<64x256xf32>
      %mul3A_248 = arith.mulf %mul3A_224, %mul3A_247 : vector<64x256xf32>
      %add3A_249 = arith.addf %mul3A_246, %mul3A_248 : vector<64x256xf32>
      %mul3A_250 = vector.broadcast %get3A_173 : f32 to vector<64x256xf32>
      %mul3A_251 = arith.mulf %sub3A_228, %mul3A_250 : vector<64x256xf32>
      %add3A_252 = arith.addf %add3A_249, %mul3A_251 : vector<64x256xf32>
      %select_n3A_253 = arith.select %and3A, %add3A_236, %while3A_119 : vector<64x256xi1>, vector<64x256xf32>
      %select_n3A_254 = arith.select %and3A, %add3A_244, %while3A_120 : vector<64x256xi1>, vector<64x256xf32>
      %select_n3A_255 = arith.select %and3A, %add3A_252, %while3A_121 : vector<64x256xi1>, vector<64x256xf32>
      %jit3A_256 = arith.constant 1.000000e+00 : f32
      %broadcast_in_dim3A_257 = vector.broadcast %jit3A_256 : f32 to vector<64x256xf32>
      %select_n3A_258 = arith.select %and3A, %broadcast_in_dim3A_257, %while3A_122 : vector<64x256xi1>, vector<64x256xf32>
      scf.yield %select_n3A_253, %select_n3A_254, %select_n3A_255, %select_n3A_258 : vector<64x256xf32>, vector<64x256xf32>, vector<64x256xf32>, vector<64x256xf32>
    }
    %while3A_29 = arith.constant 1 : i32
    %while3A_30:4 = scf.for %while3A_118 = %while3A_26 to %while3A_22 step %while3A_29 iter_args(%while3A_119 = %while3A_28#0, %while3A_120 = %while3A_28#1, %while3A_121 = %while3A_28#2, %while3A_122 = %while3A_28#3) -> (vector<64x256xf32>, vector<64x256xf32>, vector<64x256xf32>, vector<64x256xf32>)  : i32 {
      %get3A_123 = arith.index_cast %arg0 : i32 to index
      %get3A_124 = arith.index_cast %while3A_118 : i32 to index
      %get3A_125 = memref.load %arg3[%get3A_123, %get3A_124] : memref<4x128xi32, #tpu.memory_space<smem>>
      %get3A_126 = arith.constant 0 : index
      %get3A_127 = arith.index_cast %get3A_125 : i32 to index
      %get3A_128 = memref.load %arg2[%get3A_126, %get3A_127] : memref<20x128xf32, #tpu.memory_space<smem>>
      %get3A_129 = arith.constant 1 : index
      %get3A_130 = arith.index_cast %get3A_125 : i32 to index
      %get3A_131 = memref.load %arg2[%get3A_129, %get3A_130] : memref<20x128xf32, #tpu.memory_space<smem>>
      %get3A_132 = arith.constant 2 : index
      %get3A_133 = arith.index_cast %get3A_125 : i32 to index
      %get3A_134 = memref.load %arg2[%get3A_132, %get3A_133] : memref<20x128xf32, #tpu.memory_space<smem>>
      %get3A_135 = arith.constant 3 : index
      %get3A_136 = arith.index_cast %get3A_125 : i32 to index
      %get3A_137 = memref.load %arg2[%get3A_135, %get3A_136] : memref<20x128xf32, #tpu.memory_space<smem>>
      %get3A_138 = arith.constant 4 : index
      %get3A_139 = arith.index_cast %get3A_125 : i32 to index
      %get3A_140 = memref.load %arg2[%get3A_138, %get3A_139] : memref<20x128xf32, #tpu.memory_space<smem>>
      %get3A_141 = arith.constant 5 : index
      %get3A_142 = arith.index_cast %get3A_125 : i32 to index
      %get3A_143 = memref.load %arg2[%get3A_141, %get3A_142] : memref<20x128xf32, #tpu.memory_space<smem>>
      %get3A_144 = arith.constant 6 : index
      %get3A_145 = arith.index_cast %get3A_125 : i32 to index
      %get3A_146 = memref.load %arg2[%get3A_144, %get3A_145] : memref<20x128xf32, #tpu.memory_space<smem>>
      %get3A_147 = arith.constant 7 : index
      %get3A_148 = arith.index_cast %get3A_125 : i32 to index
      %get3A_149 = memref.load %arg2[%get3A_147, %get3A_148] : memref<20x128xf32, #tpu.memory_space<smem>>
      %get3A_150 = arith.constant 8 : index
      %get3A_151 = arith.index_cast %get3A_125 : i32 to index
      %get3A_152 = memref.load %arg2[%get3A_150, %get3A_151] : memref<20x128xf32, #tpu.memory_space<smem>>
      %get3A_153 = arith.constant 9 : index
      %get3A_154 = arith.index_cast %get3A_125 : i32 to index
      %get3A_155 = memref.load %arg2[%get3A_153, %get3A_154] : memref<20x128xf32, #tpu.memory_space<smem>>
      %get3A_156 = arith.constant 10 : index
      %get3A_157 = arith.index_cast %get3A_125 : i32 to index
      %get3A_158 = memref.load %arg2[%get3A_156, %get3A_157] : memref<20x128xf32, #tpu.memory_space<smem>>
      %get3A_159 = arith.constant 11 : index
      %get3A_160 = arith.index_cast %get3A_125 : i32 to index
      %get3A_161 = memref.load %arg2[%get3A_159, %get3A_160] : memref<20x128xf32, #tpu.memory_space<smem>>
      %get3A_162 = arith.constant 12 : index
      %get3A_163 = arith.index_cast %get3A_125 : i32 to index
      %get3A_164 = memref.load %arg2[%get3A_162, %get3A_163] : memref<20x128xf32, #tpu.memory_space<smem>>
      %get3A_165 = arith.constant 13 : index
      %get3A_166 = arith.index_cast %get3A_125 : i32 to index
      %get3A_167 = memref.load %arg2[%get3A_165, %get3A_166] : memref<20x128xf32, #tpu.memory_space<smem>>
      %get3A_168 = arith.constant 14 : index
      %get3A_169 = arith.index_cast %get3A_125 : i32 to index
      %get3A_170 = memref.load %arg2[%get3A_168, %get3A_169] : memref<20x128xf32, #tpu.memory_space<smem>>
      %get3A_171 = arith.constant 15 : index
      %get3A_172 = arith.index_cast %get3A_125 : i32 to index
      %get3A_173 = memref.load %arg2[%get3A_171, %get3A_172] : memref<20x128xf32, #tpu.memory_space<smem>>
      %sub3A_174 = vector.broadcast %get3A_137 : f32 to vector<64x256xf32>
      %sub3A_175 = arith.subf %broadcast_in_dim3A_2, %sub3A_174 : vector<64x256xf32>
      %sub3A_176 = arith.subf %get3A_131, %get3A_140 : f32
      %mul3A_177 = vector.broadcast %sub3A_176 : f32 to vector<64x256xf32>
      %mul3A_178 = arith.mulf %sub3A_175, %mul3A_177 : vector<64x256xf32>
      %sub3A_179 = vector.broadcast %get3A_140 : f32 to vector<64x256xf32>
      %sub3A_180 = arith.subf %broadcast_in_dim3A_7, %sub3A_179 : vector<64x256xf32>
      %sub3A_181 = arith.subf %get3A_128, %get3A_137 : f32
      %mul3A_182 = vector.broadcast %sub3A_181 : f32 to vector<64x256xf32>
      %mul3A_183 = arith.mulf %sub3A_180, %mul3A_182 : vector<64x256xf32>
      %sub3A_184 = arith.subf %mul3A_178, %mul3A_183 : vector<64x256xf32>
      %sub3A_185 = vector.broadcast %get3A_146 : f32 to vector<64x256xf32>
      %sub3A_186 = arith.subf %broadcast_in_dim3A_2, %sub3A_185 : vector<64x256xf32>
      %sub3A_187 = arith.subf %get3A_140, %get3A_149 : f32
      %mul3A_188 = vector.broadcast %sub3A_187 : f32 to vector<64x256xf32>
      %mul3A_189 = arith.mulf %sub3A_186, %mul3A_188 : vector<64x256xf32>
      %sub3A_190 = vector.broadcast %get3A_149 : f32 to vector<64x256xf32>
      %sub3A_191 = arith.subf %broadcast_in_dim3A_7, %sub3A_190 : vector<64x256xf32>
      %sub3A_192 = arith.subf %get3A_137, %get3A_146 : f32
      %mul3A_193 = vector.broadcast %sub3A_192 : f32 to vector<64x256xf32>
      %mul3A_194 = arith.mulf %sub3A_191, %mul3A_193 : vector<64x256xf32>
      %sub3A_195 = arith.subf %mul3A_189, %mul3A_194 : vector<64x256xf32>
      %sub3A_196 = vector.broadcast %get3A_128 : f32 to vector<64x256xf32>
      %sub3A_197 = arith.subf %broadcast_in_dim3A_2, %sub3A_196 : vector<64x256xf32>
      %sub3A_198 = arith.subf %get3A_149, %get3A_131 : f32
      %mul3A_199 = vector.broadcast %sub3A_198 : f32 to vector<64x256xf32>
      %mul3A_200 = arith.mulf %sub3A_197, %mul3A_199 : vector<64x256xf32>
      %sub3A_201 = vector.broadcast %get3A_131 : f32 to vector<64x256xf32>
      %sub3A_202 = arith.subf %broadcast_in_dim3A_7, %sub3A_201 : vector<64x256xf32>
      %sub3A_203 = arith.subf %get3A_146, %get3A_128 : f32
      %mul3A_204 = vector.broadcast %sub3A_203 : f32 to vector<64x256xf32>
      %mul3A_205 = arith.mulf %sub3A_202, %mul3A_204 : vector<64x256xf32>
      %sub3A_206 = arith.subf %mul3A_200, %mul3A_205 : vector<64x256xf32>
      %max3A_207 = arith.constant 0.000000e+00 : f32
      %max3A_208 = vector.broadcast %max3A_207 : f32 to vector<64x256xf32>
      %max3A_209 = arith.maximumf %sub3A_184, %max3A_208 : vector<64x256xf32>
      %max3A_210 = arith.constant 0.000000e+00 : f32
      %max3A_211 = vector.broadcast %max3A_210 : f32 to vector<64x256xf32>
      %max3A_212 = arith.maximumf %sub3A_195, %max3A_211 : vector<64x256xf32>
      %mul3A_213 = arith.mulf %max3A_209, %max3A_212 : vector<64x256xf32>
      %max3A_214 = arith.constant 0.000000e+00 : f32
      %max3A_215 = vector.broadcast %max3A_214 : f32 to vector<64x256xf32>
      %max3A_216 = arith.maximumf %sub3A_206, %max3A_215 : vector<64x256xf32>
      %mul3A_217 = arith.mulf %mul3A_213, %max3A_216 : vector<64x256xf32>
      %gt3A_218 = arith.constant 0.000000e+00 : f32
      %gt3A_219 = vector.broadcast %gt3A_218 : f32 to vector<64x256xf32>
      %gt3A_220 = arith.cmpf ogt, %mul3A_217, %gt3A_219 : vector<64x256xf32>
      %mul3A_221 = vector.broadcast %get3A_155 : f32 to vector<64x256xf32>
      %mul3A_222 = arith.mulf %sub3A_195, %mul3A_221 : vector<64x256xf32>
      %mul3A_223 = vector.broadcast %get3A_155 : f32 to vector<64x256xf32>
      %mul3A_224 = arith.mulf %sub3A_206, %mul3A_223 : vector<64x256xf32>
      %sub3A_225 = arith.constant 1.000000e+00 : f32
      %sub3A_226 = vector.broadcast %sub3A_225 : f32 to vector<64x256xf32>
      %sub3A_227 = arith.subf %sub3A_226, %mul3A_222 : vector<64x256xf32>
      %sub3A_228 = arith.subf %sub3A_227, %mul3A_224 : vector<64x256xf32>
      %mul3A_229 = vector.broadcast %get3A_134 : f32 to vector<64x256xf32>
      %mul3A_230 = arith.mulf %mul3A_222, %mul3A_229 : vector<64x256xf32>
      %mul3A_231 = vector.broadcast %get3A_143 : f32 to vector<64x256xf32>
      %mul3A_232 = arith.mulf %mul3A_224, %mul3A_231 : vector<64x256xf32>
      %add3A_233 = arith.addf %mul3A_230, %mul3A_232 : vector<64x256xf32>
      %mul3A_234 = vector.broadcast %get3A_152 : f32 to vector<64x256xf32>
      %mul3A_235 = arith.mulf %sub3A_228, %mul3A_234 : vector<64x256xf32>
      %add3A_236 = arith.addf %add3A_233, %mul3A_235 : vector<64x256xf32>
      %ge3A = arith.cmpf oge, %add3A_236, %while3A_119 : vector<64x256xf32>
      %and3A = arith.andi %gt3A_220, %ge3A : vector<64x256xi1>
      %mul3A_237 = vector.broadcast %get3A_158 : f32 to vector<64x256xf32>
      %mul3A_238 = arith.mulf %mul3A_222, %mul3A_237 : vector<64x256xf32>
      %mul3A_239 = vector.broadcast %get3A_164 : f32 to vector<64x256xf32>
      %mul3A_240 = arith.mulf %mul3A_224, %mul3A_239 : vector<64x256xf32>
      %add3A_241 = arith.addf %mul3A_238, %mul3A_240 : vector<64x256xf32>
      %mul3A_242 = vector.broadcast %get3A_170 : f32 to vector<64x256xf32>
      %mul3A_243 = arith.mulf %sub3A_228, %mul3A_242 : vector<64x256xf32>
      %add3A_244 = arith.addf %add3A_241, %mul3A_243 : vector<64x256xf32>
      %mul3A_245 = vector.broadcast %get3A_161 : f32 to vector<64x256xf32>
      %mul3A_246 = arith.mulf %mul3A_222, %mul3A_245 : vector<64x256xf32>
      %mul3A_247 = vector.broadcast %get3A_167 : f32 to vector<64x256xf32>
      %mul3A_248 = arith.mulf %mul3A_224, %mul3A_247 : vector<64x256xf32>
      %add3A_249 = arith.addf %mul3A_246, %mul3A_248 : vector<64x256xf32>
      %mul3A_250 = vector.broadcast %get3A_173 : f32 to vector<64x256xf32>
      %mul3A_251 = arith.mulf %sub3A_228, %mul3A_250 : vector<64x256xf32>
      %add3A_252 = arith.addf %add3A_249, %mul3A_251 : vector<64x256xf32>
      %select_n3A_253 = arith.select %and3A, %add3A_236, %while3A_119 : vector<64x256xi1>, vector<64x256xf32>
      %select_n3A_254 = arith.select %and3A, %add3A_244, %while3A_120 : vector<64x256xi1>, vector<64x256xf32>
      %select_n3A_255 = arith.select %and3A, %add3A_252, %while3A_121 : vector<64x256xi1>, vector<64x256xf32>
      %jit3A_256 = arith.constant 1.000000e+00 : f32
      %broadcast_in_dim3A_257 = vector.broadcast %jit3A_256 : f32 to vector<64x256xf32>
      %select_n3A_258 = arith.select %and3A, %broadcast_in_dim3A_257, %while3A_122 : vector<64x256xi1>, vector<64x256xf32>
      scf.yield %select_n3A_253, %select_n3A_254, %select_n3A_255, %select_n3A_258 : vector<64x256xf32>, vector<64x256xf32>, vector<64x256xf32>, vector<64x256xf32>
    }
    %gt3A = arith.constant 0.000000e+00 : f32
    %gt3A_31 = vector.broadcast %gt3A : f32 to vector<64x256xf32>
    %gt3A_32 = arith.cmpf ogt, %while3A_30#3, %gt3A_31 : vector<64x256xf32>
    %add3A = arith.constant 1.000000e+00 : f32
    %add3A_33 = vector.broadcast %add3A : f32 to vector<64x256xf32>
    %add3A_34 = arith.addf %while3A_30#1, %add3A_33 : vector<64x256xf32>
    %mul3A = arith.constant 5.120000e+02 : f32
    %mul3A_35 = vector.broadcast %mul3A : f32 to vector<64x256xf32>
    %mul3A_36 = arith.mulf %add3A_34, %mul3A_35 : vector<64x256xf32>
    %sub3A = arith.constant 1.000000e+00 : f32
    %sub3A_37 = vector.broadcast %sub3A : f32 to vector<64x256xf32>
    %sub3A_38 = arith.subf %mul3A_36, %sub3A_37 : vector<64x256xf32>
    %div3A = arith.constant 2.000000e+00 : f32
    %div3A_39 = vector.broadcast %div3A : f32 to vector<64x256xf32>
    %div3A_40 = arith.divf %sub3A_38, %div3A_39 : vector<64x256xf32>
    %add3A_41 = arith.constant 1.000000e+00 : f32
    %add3A_42 = vector.broadcast %add3A_41 : f32 to vector<64x256xf32>
    %add3A_43 = arith.addf %while3A_30#2, %add3A_42 : vector<64x256xf32>
    %mul3A_44 = arith.constant 5.120000e+02 : f32
    %mul3A_45 = vector.broadcast %mul3A_44 : f32 to vector<64x256xf32>
    %mul3A_46 = arith.mulf %add3A_43, %mul3A_45 : vector<64x256xf32>
    %sub3A_47 = arith.constant 1.000000e+00 : f32
    %sub3A_48 = vector.broadcast %sub3A_47 : f32 to vector<64x256xf32>
    %sub3A_49 = arith.subf %mul3A_46, %sub3A_48 : vector<64x256xf32>
    %div3A_50 = arith.constant 2.000000e+00 : f32
    %div3A_51 = vector.broadcast %div3A_50 : f32 to vector<64x256xf32>
    %div3A_52 = arith.divf %sub3A_49, %div3A_51 : vector<64x256xf32>
    %floor3A = math.floor %div3A_40 : vector<64x256xf32>
    %floor3A_53 = math.floor %div3A_52 : vector<64x256xf32>
    %sub3A_54 = arith.subf %div3A_40, %floor3A : vector<64x256xf32>
    %sub3A_55 = arith.constant 1.000000e+00 : f32
    %sub3A_56 = vector.broadcast %sub3A_55 : f32 to vector<64x256xf32>
    %sub3A_57 = arith.subf %sub3A_56, %sub3A_54 : vector<64x256xf32>
    %sub3A_58 = arith.subf %div3A_52, %floor3A_53 : vector<64x256xf32>
    %sub3A_59 = arith.constant 1.000000e+00 : f32
    %sub3A_60 = vector.broadcast %sub3A_59 : f32 to vector<64x256xf32>
    %sub3A_61 = arith.subf %sub3A_60, %sub3A_58 : vector<64x256xf32>
    %add3A_62 = arith.constant 1.000000e+00 : f32
    %add3A_63 = vector.broadcast %add3A_62 : f32 to vector<64x256xf32>
    %add3A_64 = arith.addf %floor3A_53, %add3A_63 : vector<64x256xf32>
    %mul3A_65 = arith.constant 5.140000e+02 : f32
    %mul3A_66 = vector.broadcast %mul3A_65 : f32 to vector<64x256xf32>
    %mul3A_67 = arith.mulf %add3A_64, %mul3A_66 : vector<64x256xf32>
    %add3A_68 = arith.constant 1.000000e+00 : f32
    %add3A_69 = vector.broadcast %add3A_68 : f32 to vector<64x256xf32>
    %add3A_70 = arith.addf %floor3A, %add3A_69 : vector<64x256xf32>
    %add3A_71 = arith.addf %mul3A_67, %add3A_70 : vector<64x256xf32>
    %jit3A = arith.constant 0.000000e+00 : f32
    %jit3A_72 = arith.constant 2.636800e+05 : f32
    %max3A = vector.broadcast %jit3A : f32 to vector<64x256xf32>
    %max3A_73 = arith.maximumf %max3A, %add3A_71 : vector<64x256xf32>
    %min3A = vector.broadcast %jit3A_72 : f32 to vector<64x256xf32>
    %min3A_74 = arith.minimumf %min3A, %max3A_73 : vector<64x256xf32>
    %convert_element_type3A = arith.fptosi %min3A_74 : vector<64x256xf32> to vector<64x256xi32>
    %jit3A_75 = arith.constant 0 : i32
    %broadcast_in_dim3A_76 = vector.broadcast %jit3A_75 : i32 to vector<64x256xi32>
    %select_n3A = arith.select %gt3A_32, %convert_element_type3A, %broadcast_in_dim3A_76 : vector<64x256xi1>, vector<64x256xi32>
    %swap3A = arith.constant 0 : index
    %swap3A_77 = arith.constant 0 : index
    %swap3A_78 = vector.load %arg7[%swap3A, %swap3A_77] : memref<64x256xi32, #tpu.memory_space<vmem>>, vector<64x256xi32>
    tpu.vector_store %arg7[%swap3A, %swap3A_77], %select_n3A {strides = array<i32>} : memref<64x256xi32, #tpu.memory_space<vmem>>, vector<64x256xi32>,
    %broadcast_in_dim3A_79 = arith.constant 0.000000e+00 : f32
    %broadcast_in_dim3A_80 = vector.broadcast %broadcast_in_dim3A_79 : f32 to vector<64x256xf32>
    %mul3A_81 = arith.mulf %sub3A_61, %sub3A_57 : vector<64x256xf32>
    %select_n3A_82 = arith.select %gt3A_32, %mul3A_81, %broadcast_in_dim3A_80 : vector<64x256xi1>, vector<64x256xf32>
    %swap3A_83 = arith.constant 0 : index
    %swap3A_84 = arith.constant 0 : index
    %swap3A_85 = arith.constant 0 : index
    %swap3A_86 = vector.load %arg8[%swap3A_83, %swap3A_84, %swap3A_85] : memref<4x64x256xf32, #tpu.memory_space<vmem>>, vector<1x64x256xf32>
    %swap3A_87 = vector.shape_cast %swap3A_86 : vector<1x64x256xf32> to vector<64x256xf32>
    %swap3A_88 = vector.shape_cast %select_n3A_82 : vector<64x256xf32> to vector<1x64x256xf32>
    tpu.vector_store %arg8[%swap3A_83, %swap3A_84, %swap3A_85], %swap3A_88 {strides = array<i32>} : memref<4x64x256xf32, #tpu.memory_space<vmem>>, vector<1x64x256xf32>,
    %mul3A_89 = arith.mulf %sub3A_61, %sub3A_54 : vector<64x256xf32>
    %select_n3A_90 = arith.select %gt3A_32, %mul3A_89, %broadcast_in_dim3A_80 : vector<64x256xi1>, vector<64x256xf32>
    %swap3A_91 = arith.constant 1 : index
    %swap3A_92 = arith.constant 0 : index
    %swap3A_93 = arith.constant 0 : index
    %swap3A_94 = vector.load %arg8[%swap3A_91, %swap3A_92, %swap3A_93] : memref<4x64x256xf32, #tpu.memory_space<vmem>>, vector<1x64x256xf32>
    %swap3A_95 = vector.shape_cast %swap3A_94 : vector<1x64x256xf32> to vector<64x256xf32>
    %swap3A_96 = vector.shape_cast %select_n3A_90 : vector<64x256xf32> to vector<1x64x256xf32>
    tpu.vector_store %arg8[%swap3A_91, %swap3A_92, %swap3A_93], %swap3A_96 {strides = array<i32>} : memref<4x64x256xf32, #tpu.memory_space<vmem>>, vector<1x64x256xf32>,
    %mul3A_97 = arith.mulf %sub3A_58, %sub3A_57 : vector<64x256xf32>
    %select_n3A_98 = arith.select %gt3A_32, %mul3A_97, %broadcast_in_dim3A_80 : vector<64x256xi1>, vector<64x256xf32>
    %swap3A_99 = arith.constant 2 : index
    %swap3A_100 = arith.constant 0 : index
    %swap3A_101 = arith.constant 0 : index
    %swap3A_102 = vector.load %arg8[%swap3A_99, %swap3A_100, %swap3A_101] : memref<4x64x256xf32, #tpu.memory_space<vmem>>, vector<1x64x256xf32>
    %swap3A_103 = vector.shape_cast %swap3A_102 : vector<1x64x256xf32> to vector<64x256xf32>
    %swap3A_104 = vector.shape_cast %select_n3A_98 : vector<64x256xf32> to vector<1x64x256xf32>
    tpu.vector_store %arg8[%swap3A_99, %swap3A_100, %swap3A_101], %swap3A_104 {strides = array<i32>} : memref<4x64x256xf32, #tpu.memory_space<vmem>>, vector<1x64x256xf32>,
    %mul3A_105 = arith.mulf %sub3A_58, %sub3A_54 : vector<64x256xf32>
    %select_n3A_106 = arith.select %gt3A_32, %mul3A_105, %broadcast_in_dim3A_80 : vector<64x256xi1>, vector<64x256xf32>
    %swap3A_107 = arith.constant 3 : index
    %swap3A_108 = arith.constant 0 : index
    %swap3A_109 = arith.constant 0 : index
    %swap3A_110 = vector.load %arg8[%swap3A_107, %swap3A_108, %swap3A_109] : memref<4x64x256xf32, #tpu.memory_space<vmem>>, vector<1x64x256xf32>
    %swap3A_111 = vector.shape_cast %swap3A_110 : vector<1x64x256xf32> to vector<64x256xf32>
    %swap3A_112 = vector.shape_cast %select_n3A_106 : vector<64x256xf32> to vector<1x64x256xf32>
    tpu.vector_store %arg8[%swap3A_107, %swap3A_108, %swap3A_109], %swap3A_112 {strides = array<i32>} : memref<4x64x256xf32, #tpu.memory_space<vmem>>, vector<1x64x256xf32>,
    %convert_element_type3A_113 = arith.extui %gt3A_32 : vector<64x256xi1> to vector<64x256xi32>
    %convert_element_type3A_114 = arith.sitofp %convert_element_type3A_113 : vector<64x256xi32> to vector<64x256xf32>
    %swap3A_115 = arith.constant 0 : index
    %swap3A_116 = arith.constant 0 : index
    %swap3A_117 = vector.load %arg9[%swap3A_115, %swap3A_116] : memref<64x256xf32, #tpu.memory_space<vmem>>, vector<64x256xf32>
    tpu.vector_store %arg9[%swap3A_115, %swap3A_116], %convert_element_type3A_114 {strides = array<i32>} : memref<64x256xf32, #tpu.memory_space<vmem>>, vector<64x256xf32>,
    return
  }
  func.func @transform_0(%arg0: i32) -> (i32, i32) {
    %c0_i32 = arith.constant 0 : i32
    %c0_i32_0 = arith.constant 0 : i32
    %c0_i32_1 = arith.constant 0 : i32
    return %c0_i32, %c0_i32_0 : i32, i32
  }
  func.func @transform_1(%arg0: i32) -> (i32, i32) {
    %c0_i32 = arith.constant 0 : i32
    %c0_i32_0 = arith.constant 0 : i32
    %c0_i32_1 = arith.constant 0 : i32
    return %c0_i32, %c0_i32_0 : i32, i32
  }
  func.func @transform_2(%arg0: i32) -> (i32, i32) {
    %c0_i32 = arith.constant 0 : i32
    %c0_i32_0 = arith.constant 0 : i32
    %c0_i32_1 = arith.constant 0 : i32
    return %c0_i32, %c0_i32_0 : i32, i32
  }
  func.func @transform_3(%arg0: i32) -> (i32, i32) {
    %c0_i32 = arith.constant 0 : i32
    %c0_i32_0 = arith.constant 0 : i32
    %c0_i32_1 = arith.constant 0 : i32
    return %c0_i32, %c0_i32_0 : i32, i32
  }
  func.func @transform_4(%arg0: i32) -> (i32, i32) {
    %c0_i32 = arith.constant 0 : i32
    %c0_i32_0 = arith.constant 0 : i32
    %c0_i32_1 = arith.constant 0 : i32
    return %c0_i32, %c0_i32_0 : i32, i32
  }
  func.func @transform_5(%arg0: i32) -> (i32, i32) {
    %c0_i32 = arith.constant 0 : i32
    %c0_i32_0 = arith.constant 0 : i32
    return %arg0, %c0_i32 : i32, i32
  }
  func.func @transform_6(%arg0: i32) -> (i32, i32) {
    %c0_i32 = arith.constant 0 : i32
    %c0_i32_0 = arith.constant 0 : i32
    return %arg0, %c0_i32 : i32, i32
  }
  func.func @transform_7(%arg0: i32) -> (i32, i32, i32) {
    %c0_i32 = arith.constant 0 : i32
    %c0_i32_0 = arith.constant 0 : i32
    %c0_i32_1 = arith.constant 0 : i32
    return %c0_i32, %arg0, %c0_i32_0 : i32, i32, i32
  }
  func.func @transform_8(%arg0: i32) -> (i32, i32) {
    %c0_i32 = arith.constant 0 : i32
    %c0_i32_0 = arith.constant 0 : i32
    return %arg0, %c0_i32 : i32, i32
  }
}

</mosaic_0001>

<sc_bundles>
// kernel: kernel.4.cloned.1.call-start
scs
__scs_entry_jumppad:
0x0: {  	(pc) =	sbr.rel $0x88, $3  }
0x1: {  	(tag) =	ssettag $0x0;
	lr =	simm.s32 $0x1  }
0x2: {  	[smem:$0x3F9E] =	sst lr;
	_ =	strace $0xD0000000  }
0x3: {  	_ = 	snop  }
0x4: {  	_ = 	snop  }
0x5: {  	_ = 	snop  }
0x6: {  	_ = 	snop  }
0x7: {  	_ = 	snop  }
__scs_overlays_trampoline_lowered:
0x8: {  	[smem:$0x3FAD] =	sst s0  }
0x9: {  	[smem:$0x3FAE] =	sst s1  }
0xa: {  	[smem:$0x3FAF] =	sst s2  }
0xb: {  	[smem:$0x3FB0] =	sst s3  }
0xc: {  	[smem:$0x3FB1] =	sst s4  }
0xd: {  	[smem:$0x3FB2] =	sst s5  }
0xe: {  	[smem:$0x3FB3] =	sst s6  }
0xf: {  	[smem:$0x3FB4] =	sst s7  }
0x10: {  	[smem:$0x3FB5] =	sst s8  }
0x11: {  	[smem:$0x3FB6] =	sst s9;
	s0 =	simm.s32 @!p0 $0x0  }
0x12: {  	s1 =	sld [smem:$0x3F9C];
	s0 =	simm.s32 @p0 $0x1  }
0x13: {  	[smem:$0x3FB7] =	sst s0;
	s0 =	simm.s32 @!p1 $0x0  }
0x14: {  	s2 =	sld [smem:$0x3F9B];
	s0 =	simm.s32 @p1 $0x1  }
0x15: {  	[smem:$0x3FB8] =	sst s0;
	s0 =	simm.s32 @!p2 $0x0  }
0x16: {  	s3 =	sld [smem:$0x3FDB];
	s0 =	simm.s32 @p2 $0x1  }
0x17: {  	s4 =	simm.s32 $0x1BF5;
	[smem:$0x3FBA] =	sst s0  }
0x18: {  	s0 =	sld [smem:$0x3F9D];
	_ =	swait.ge [sflag:s4], $0x0  }
0x19: {  	s7 =	sld [smem:$0x3F9E]  }
0x1a: {  	s8 =	sadd.s32 $0xFFFFE003, lr  }
0x1b: {  	s9 =	sadd.s32 $0xFFFFFEF7, lr;
	s5 =	simm.s32 $0xFFFFFFFF;
	p2 =	slt.u32 s8, $0xFFFFF086  }
0x1c: {  	p1 =	slt.u32 s9, $0xF7A;
	s5 =	simm.s32 @!p2 $0x0  }
0x1d: {  	s5 =	simm.s32 @p1 $0x1;
	p0 =	seq.s32 s7, s2  }
0x1e: {  	s7 =	smul.u32 @!p0 $0xF7A, s2;
	p2 =	seq.s32 @!p0 s5, $0x0  }
0x1f: {  	s9 =	smul.u32 $0xF7A, s1;
	s8 =	simm.s32 @!p0 $0x1BF5;
	p2 =	por !p2, p0  }
0x20: {  	[sflag:s8] =	ssyncset.s32 @!p0 $0xFFFFF086;
	s6 =	sadd.s32 @!p0 s3, s7;
	s7 =	simm.s32 @!p0 $0x108  }
0x21: {  	s3 =	sadd.s32 s3, s9;
	s6 =	sadd.s32 @!p0 $0x88, s6;
	s7 =	simm.s32 @p2 $0x1082  }
0x22: {  	[simem:s7], [sflag:s8] =	dma.local @!p0 [hbm:s6], $0xF7A  }
0x23: {  	s9 =	sor.u32 $0xD0000000, s2;
	s6 =	simm.s32 $0x108;
	_ =	swait.ge @!p0 [sflag:s8], $0x0  }
0x24: {  	s3 =	sadd.s32 $0x88, s3;
	s6 =	simm.s32 @!p1 $0x1082;
	[sflag:s4] =	ssyncset.s32 $0xFFFFF086  }
0x25: {  	[simem:s6], [sflag:s4] =	dma.local [hbm:s3], $0xF7A  }
0x26: {  	[smem:$0x3F9E] =	sst s1;
	(tag) =	ssettag s2;
	_ =	strace s9  }
0x27: {  	s1 =	sld [smem:$0x3FAE]  }
0x28: {  	s2 =	sld [smem:$0x3FAF]  }
0x29: {  	s4 =	sld [smem:$0x3FB1]  }
0x2a: {  	p0 =	seq.s32 s5, $0x0;
	s5 =	sld [smem:$0x3FB2]  }
0x2b: {  	s6 =	sld [smem:$0x3FB3]  }
0x2c: {  	s7 =	sld [smem:$0x3FB4]  }
0x2d: {  	s3 =	simm.s32 $0x108;
	s8 =	sld [smem:$0x3FB5]  }
0x2e: {  	s3 =	simm.s32 @!p0 $0x1082;
	s9 =	sld [smem:$0x3FB6]  }
0x2f: {  	lr =	sadd.s32 s0, s3;
	s0 =	sld [smem:$0x3FAD]  }
0x30: {  	s3 =	sld [smem:$0x3FB0]  }
0x31: {  	[smem:$0x3FB9] =	sst s10  }
0x32: {  	s10 =	sld [smem:$0x3FB7];
	_ =	sdelay $0x3  }
0x33: {  	p0 =	seq.s32 s10, $0x1;
	s10 =	sld [smem:$0x3FB9];
	_ =	sdelay $0x3  }
0x34: {  	[smem:$0x3FB9] =	sst s10  }
0x35: {  	s10 =	sld [smem:$0x3FB8];
	_ =	sdelay $0x3  }
0x36: {  	p1 =	seq.s32 s10, $0x1;
	s10 =	sld [smem:$0x3FB9];
	_ =	sdelay $0x3  }
0x37: {  	[smem:$0x3FB9] =	sst s10  }
0x38: {  	s10 =	sld [smem:$0x3FBA]  }
0x39: {  	_ = 	snop;
	(pc) =	sbr.ind lr, $3  }
0x3a: {  	_ = 	snop  }
0x3b: {  	_ = 	snop  }
0x3c: {  	p2 =	seq.s32 s10, $0x1;
	s10 =	sld [smem:$0x3FB9]  }
0x3d: {  	_ =	shalt  }
0x3e: {  	_ =	shalt  }
0x3f: {  	_ =	shalt  }
0x40: {  	_ =	shalt  }
0x41: {  	_ =	shalt  }
0x42: {  	_ =	shalt  }
0x43: {  	_ =	shalt  }
0x44: {  	_ =	shalt  }
0x45: {  	_ =	shalt  }
0x46: {  	_ =	shalt  }
0x47: {  	_ =	shalt  }
0x48: {  	_ =	shalt  }
0x49: {  	_ =	shalt  }
0x4a: {  	_ =	shalt  }
0x4b: {  	_ =	shalt  }
0x4c: {  	_ =	shalt  }
0x4d: {  	_ =	shalt  }
0x4e: {  	_ =	shalt  }
0x4f: {  	_ =	shalt  }
0x50: {  	_ =	shalt  }
0x51: {  	_ =	shalt  }
0x52: {  	_ =	shalt  }
0x53: {  	_ =	shalt  }
0x54: {  	_ =	shalt  }
0x55: {  	_ =	shalt  }
0x56: {  	_ =	shalt  }
0x57: {  	_ =	shalt  }
0x58: {  	_ =	shalt  }
0x59: {  	_ =	shalt  }
0x5a: {  	_ =	shalt  }
0x5b: {  	_ =	shalt  }
0x5c: {  	_ =	shalt  }
0x5d: {  	_ =	shalt  }
0x5e: {  	_ =	shalt  }
0x5f: {  	_ =	shalt  }
0x60: {  	_ =	shalt  }
0x61: {  	_ =	shalt  }
0x62: {  	_ =	shalt  }
0x63: {  	_ =	shalt  }
0x64: {  	_ =	shalt  }
0x65: {  	_ =	shalt  }
0x66: {  	_ =	shalt  }
0x67: {  	_ =	shalt  }
0x68: {  	_ =	shalt  }
0x69: {  	_ =	shalt  }
0x6a: {  	_ =	shalt  }
0x6b: {  	_ =	shalt  }
0x6c: {  	_ =	shalt  }
0x6d: {  	_ =	shalt  }
0x6e: {  	_ =	shalt  }
0x6f: {  	_ =	shalt  }
0x70: {  	_ =	shalt  }
0x71: {  	_ =	shalt  }
0x72: {  	_ =	shalt  }
0x73: {  	_ =	shalt  }
0x74: {  	_ =	shalt  }
0x75: {  	_ =	shalt  }
0x76: {  	_ =	shalt  }
0x77: {  	_ =	shalt  }
0x78: {  	_ =	shalt  }
0x79: {  	_ =	shalt  }
0x7a: {  	_ =	shalt  }
0x7b: {  	_ =	shalt  }
0x7c: {  	_ =	shalt  }
0x7d: {  	_ =	shalt  }
0x7e: {  	_ =	shalt  }
0x7f: {  	_ =	shalt  }
0x80: {  	_ =	shalt  }
0x81: {  	_ =	shalt  }
0x82: {  	_ =	shalt  }
0x83: {  	_ =	shalt  }
0x84: {  	_ =	shalt  }
0x85: {  	_ =	shalt  }
0x86: {  	_ =	shalt  }
0x87: {  	_ =	shalt  }
.Lfunc_end0:
.L_simem_size_0:
called_computation_lowered:
.L_overlay_start_0:
0x88: {  	s2 =	sld [smem:$0x3FD9]  }
0x89: {  	s3 =	sld [smem:$0x3FFE];
	_ =	sdelay $0x1  }
0x8a: {  	s1 =	srdreg.scid  }
0x8b: {  	s0 =	sand.u32 $0x1, s1  }
0x8c: {  	s17 =	sshll.u32 s0, $0xA;
	s2 =	sadd.s32 s3, s2  }
0x8d: {  	s2 =	sadd.s32 s2, s17  }
0x8e: {  	[smem:$0x3FC5] =	sst s2  }
0x8f: {  	_ = 	snop  }
0x90: {  	s2 =	sld [smem:$0x3FD0];
	(tm) =	ssettm $0x1  }
0x91: {  	s18 =	sld [smem:$0x3FFB];
	_ =	sdelay $0x3  }
0x92: {  	_ =	strace s18  }
0x93: {  	s3 =	sld [smem:$0x3FFC];
	_ =	sdelay $0x3  }
0x94: {  	_ =	strace s3  }
0x95: {  	s3 =	sld [smem:$0x3FFD];
	_ =	sdelay $0x3  }
0x96: {  	_ =	strace s3  }
0x97: {  	_ =	strace $0x8FFFFFFF  }
0x98: {  	s19 =	sld [smem:$0x3FDB];
	_ =	sdelay $0x1  }
0x99: {  	s4 =	simm.s32 $_scs_section_size  }
0x9a: {  	s5 =	simm.s32 $_size__tile_overlayer_lowered;
	s6 =	simm.s32 $_tile_overlayer_lowered  }
0x9b: {  	s22 =	simm.s32 $0x1BFF;
	s21 =	sshll.u32 s6, $0x1;
	s3 =	sadd.s32 s4, s19  }
0x9c: {  	s7 =	simm.s32 $0x0;
	s20 =	sshll.u32 s5, $0x1;
	s5 =	sadd.s32 s21, s3  }
0x9d: {  	[timem:s7], [sflag:s22] =	dma.local [hbm:s5], s20  }
0x9e: {  	_ =	swait.ge [sflag:s22], s20  }
0x9f: {  	s4 =	ssub.s32 $0x0, s20;
	[sflag:s22] =	ssyncset.done $0x0  }
0xa0: {  	[sflag:s22] =	ssyncadd.s32 s4;
	_ =	sdelay $0x1  }
0xa1: {  	s23 =	simm.s32 $0x1B8B  }
0xa2: {  	_ =	swait.ge [sflag:s23], $0x1  }
0xa3: {  	[sflag:s23] =	ssyncset.done $0x0  }
0xa4: {  	s25 =	simm.s32 $0x1B8E;
	s24 =	sld [smem:$0x3FFE];
	[sflag:s23] =	ssyncadd.s32 $0xFFFFFFFF  }
0xa5: {  	s26 =	simm.s32 $execute0_lowered;
	[smem:$0x3FD2] =	sst s25  }
0xa6: {  	s5 =	sshll.u32 s26, $0x1;
	_ =	strace $0x80000046;
	[dreg:$0x1] =	wrdreg $0xFFFFFFFF  }
0xa7: {  	s28 =	simm.s32 $_size_execute0_lowered;
	s3 =	sadd.s32 s3, s5;
	[dreg:$0x0] =	wrdreg $0x0  }
0xa8: {  	s5 =	sshll.u32 s28, $0x1;
	[dreg:$0x2] =	wrdreg s3  }
0xa9: {  	[dreg:$0x3] =	wrdreg s5  }
0xaa: {  	[dreg:$0x4] =	wrdreg $0xC0  }
0xab: {  	_ =	task [dreg:s7], $0x5FFFF  }
0xac: {  	[dreg:$0x1] =	wrdreg $0xFFFFFFFF  }
0xad: {  	[dreg:$0x0] =	wrdreg $0x60  }
0xae: {  	[dreg:$0x2] =	wrdreg s24  }
0xaf: {  	[dreg:$0x3] =	wrdreg s2  }
0xb0: {  	[dreg:$0x4] =	wrdreg $0x100000  }
0xb1: {  	[dreg:$0x5] =	wrdreg $0x9  }
0xb2: {  	_ =	task.clear_ibuf [dreg:s7], $0x6FFFF;
	_ =	strace $0x90000046  }
0xb3: {  	s29 =	simm.s32 $0x9;
	_ =	strace $0x80000048  }
0xb4: {  	_ =	swait.ge [sflag:s29], $0x1  }
0xb5: {  	[sflag:s29] =	ssyncadd.s32 $0xFFFFFFFF  }
0xb6: {  	_ =	strace $0x90000048  }
0xb7: {  	_ =	sfence  }
0xb8: {  	s30 =	sld [smem:$0x0];
	_ =	sdelay $0x2  }
0xb9: {  	s31 =	sshll.u32 s1, $0xD;
	s1 =	sshrl.u32 s1, $0x2  }
0xba: {  	s3 =	sand.u32 $0x4000, s31;
	s1 =	sadd.s32 s1, s30  }
0xbb: {  	s0 =	sor.u32 s3, s0;
	s1 =	sshll.u32 s1, $0x11  }
0xbc: {  	s0 =	sor.u32 s1, s0  }
0xbd: {  	s0 =	sadd.s32 $0x8F2B, s0  }
0xbe: {  	[sflag:s0] =	ssyncadd.remote.s32 $0x1  }
0xbf: {  	_ =	sfence.sel $0xFFFF  }
0xc0: {  	[dreg:$0x0] =	wrdreg $0xFFFFFFFF;
	(pc) =	sbr.abs _section_cstart, $3  }
0xc1: {  	[dreg:$0x1] =	wrdreg $0xFFFFFFFF  }
0xc2: {  	_ =	task.clear_ibuf [dreg:s7], $0x2FFFF;
	_ =	strace $0x9FFFFFFF  }
0xc3: {  	(tm) =	ssettm $0x7FFFFFFF  }
tec
execute0_lowered:
.L_overlay_start_1:
0x0: {  	(tag) =	ssettag $0x1  }
0x1: {  	s1 =	rddreg [dreg:$0x0]  }
0x2: {  	s3 =	rddreg [dreg:$0x1]  }
0x3: {  	s0 =	rddreg [dreg:$0x2]  }
0x4: {  	s2 =	simm.s32 $0x0;
	s4 =	srdreg.scid;
	s9 =	stileid.u32  }
0x5: {  	s28 =	simm.s32 $0x4;
	s29 =	simm.s32 $0x8800;
	s30 =	simm.s32 $0x5  }
0x6: {  	s31 =	simm.s32 $0x80;
	[smem:$0x7FF] =	sst s2;
	s5 =	sadd.s32 $0x2000, s1  }
0x7: {  	s4 =	sand.u32 $0x1, s4;
	s7 =	sshll.u32 s9, $0x9;
	s9 =	smul.u32 $0xE000, s9  }
0x8: {  	s10 =	sadd.s32 $0x1E000, s1;
	s6 =	ssub.s32 $0x2, s4;
	s4 =	sshll.u32 s4, $0x8  }
0x9: {  	s8 =	sshrl.u32 s6, $0x1;
	s7 =	sor.u32 s4, s7;
	s18 =	sshrl.u32 s9, $0x3  }
0xa: {  	s12 =	sadd.s32 $0x4000, s9;
	s13 =	sadd.s32 $0x6000, s9;
	s22 =	sadd.s32 $0x8000, s9  }
0xb: {  	s15 =	sadd.s32 $0xA000, s9;
	s16 =	sadd.s32 $0xC000, s9;
	s6 =	ssub.s32 s6, s8  }
0xc: {  	s1 =	sadd.s32 s1, s7;
	s4 =	sadd.s32 s3, s7;
	s8 =	sadd.s32 s5, s18  }
0xd: {  	s20 =	sshrl.u32 s12, $0x3;
	s14 =	sshrl.u32 s13, $0x3;
	s23 =	sshrl.u32 s22, $0x3  }
0xe: {  	s24 =	sshrl.u32 s15, $0x3;
	s17 =	sshrl.u32 s16, $0x3;
	s25 =	sor.u32 $0x4000, s7  }
0xf: {  	s26 =	sadd.s32 s10, s7;
	s18 =	sadd.s32 s9, s0;
	[dreg:$0x4] =	wrdreg s1  }
0x10: {  	s22 =	sadd.s32 s22, s0;
	s1 =	sor.u32 $0x2000, s7;
	[dreg:$0x6] =	wrdreg s8  }
0x11: {  	s8 =	sadd.s32 $0x2000, s9;
	s21 =	sadd.s32 s5, s14;
	[dreg:$0xe] =	wrdreg s26  }
0x12: {  	s14 =	sadd.s32 s5, s23;
	s23 =	sadd.s32 s15, s0;
	[dreg:$0x9] =	wrdreg s21  }
0x13: {  	s26 =	sadd.s32 $0x6000, s4;
	s11 =	sadd.s32 s3, s1;
	[dreg:$0xa] =	wrdreg s14  }
0x14: {  	s7 =	simm.s32 $0x0;
	s14 =	sadd.s32 s5, s24;
	[dreg:$0x5] =	wrdreg s11  }
0x15: {  	s19 =	sshrl.u32 s8, $0x3;
	s3 =	sadd.s32 s3, s25;
	[dreg:$0xb] =	wrdreg s14  }
0x16: {  	s1 =	sadd.s32 s10, s1;
	s21 =	sadd.s32 s13, s0;
	[dreg:$0xd] =	wrdreg s3  }
0x17: {  	s24 =	sadd.s32 s16, s0;
	s11 =	sadd.s32 s5, s19;
	[dreg:$0xf] =	wrdreg s1  }
0x18: {  	s19 =	sadd.s32 s8, s0;
	s1 =	simm.s32 $0x2;
	s3 =	simm.s32 $0x1  }
0x19: {  	[dreg:$0x7] =	wrdreg s11;
	s11 =	sadd.s32 s5, s20;
	s5 =	sadd.s32 s5, s17  }
0x1a: {  	s17 =	sadd.s32 s10, s25;
	s20 =	sadd.s32 s12, s0;
	[dreg:$0x8] =	wrdreg s11  }
0x1b: {  	s25 =	smax.u32 s6, $0x1;
	s6 =	simm.s32 $0x6;
	[dreg:$0xc] =	wrdreg s5  }
0x1c: {  	s11 =	simm.s32 $0x6800;
	s5 =	simm.s32 $0x3;
	_ =	strace $0x80000047  }
.LBB2_1:
0x1d: {  	s8 =	rddreg [dreg:$0x4]  }
0x1e: {  	[tilespmem:s2], [sflag:$0x2] =	stream.linear.gather [hbm4b:s8+s2], $0x800, $0x38;
	[tilespmem:$0x1E000] =	vst v63  }
0x1f: {  	s15 =	simm.s32 $0xC800  }
0x20: {  	[tilespmem:s15], [sflag:$0x3] =	stream.linear.gather [hbm4b:s4+s2], $0x800, $0x38;
	[tilespmem:$0x1E000] =	vst v63  }
0x21: {  	s16 =	rddreg [dreg:$0x5];
	s9 =	simm.s32 $0xD000  }
0x22: {  	[tilespmem:s9], [sflag:$0x3] =	stream.linear.gather [hbm4b:s16+s2], $0x800, $0x38;
	[tilespmem:$0x1E000] =	vst v63  }
0x23: {  	s10 =	simm.s32 $0xD800;
	s9 =	rddreg [dreg:$0xd]  }
0x24: {  	[tilespmem:s10], [sflag:$0x3] =	stream.linear.gather [hbm4b:s9+s2], $0x800, $0x38;
	[tilespmem:$0x1E000] =	vst v63  }
0x25: {  	s12 =	simm.s32 $0xE000  }
0x26: {  	[tilespmem:s12], [sflag:$0x3] =	stream.linear.gather [hbm4b:s26+s2], $0x800, $0x38;
	[tilespmem:$0x1E000] =	vst v63  }
0x27: {  	s13 =	rddreg [dreg:$0x6]  }
0x28: {  	[tilespmem:s11], [sflag:$0x4] =	stream.linear.gather [hbm4b:s13+s2], $0x2000, $0x38;
	[tilespmem:$0x1E000] =	vst v63  }
0x29: {  	_ =	swait.ge [sflag:s1], $0x800  }
0x2a: {  	[sflag:s1] =	ssyncset.done $0x0  }
0x2b: {  	s14 =	simm.s32 $0x0;
	[sflag:s1] =	ssyncadd.s32 $0xFFFFF800  }
0x2c: {  	s8 =	smul.u32 $0x580, s14;
	v0 =	vld [tilespmem:s2+$0x0];
	_ =	sdelay $0x1  }
0x2d: {  	s8 =	sadd.s32 $0x0, s8  }
0x2e: {  	s15 =	sand.u32 $0x70, s2;
	s8 =	sand.u32 $0xFFFFFF80, s8  }
0x2f: {  	s8 =	sor.u32 s15, s8  }
0x30: {  	[tilespmem:s8+$0x800] =	vst v0;
	v1 =	vadd.s32 $0x1, v0  }
0x31: {  	v2 =	vadd.s32 $0x202, v0;
	[tilespmem:s8+$0x880] =	vst v1  }
0x32: {  	v1 =	vadd.s32 $0x203, v0;
	[tilespmem:s8+$0x900] =	vst v2  }
0x33: {  	v2 =	vadd.s32 $0x40804, v0;
	[tilespmem:s8+$0x980] =	vst v1  }
0x34: {  	v1 =	vadd.s32 $0x40805, v0;
	[tilespmem:s8+$0xA00] =	vst v2  }
0x35: {  	v2 =	vadd.s32 $0x40A06, v0;
	[tilespmem:s8+$0xA80] =	vst v1  }
0x36: {  	v1 =	vadd.s32 $0x40A07, v0;
	[tilespmem:s8+$0xB00] =	vst v2  }
0x37: {  	v2 =	vadd.s32 $0x81008, v0;
	[tilespmem:s8+$0xB80] =	vst v1  }
0x38: {  	v1 =	vadd.s32 $0x81009, v0;
	[tilespmem:s8+$0xC00] =	vst v2  }
0x39: {  	v2 =	vadd.s32 $0x8120A, v0;
	[tilespmem:s8+$0xC80] =	vst v1  }
0x3a: {  	v0 =	vadd.s32 $0x8120B, v0;
	[tilespmem:s8+$0xD00] =	vst v2  }
0x3b: {  	s16 =	simm.s32 $0x0;
	[tilespmem:s8+$0xD80] =	vst v0;
	s8 =	simm.s32 $0x10  }
0x3c: {  	s10 =	simm.s32 $0x2;
	s9 =	simm.s32 $0x0;
	s12 =	smul.u32 $0x580, s16;
	v0 =	vld [tilespmem:s8+$0x0]  }
.LBB2_2:
0x3d: {  	p0 =	sne.s32 s10, $0x7F;
	s9 =	sadd.s32 $0x10, s9  }
0x3e: {  	s12 =	sadd.s32 s12, s9  }
0x3f: {  	s13 =	sand.u32 $0x70, s9;
	s12 =	sand.u32 $0xFFFFFF80, s12  }
0x40: {  	s12 =	sor.u32 s13, s12  }
0x41: {  	[tilespmem:s12+$0x800] =	vst v0;
	v1 =	vadd.s32 $0x1, v0;
	v2 =	vadd.s32 $0x202, v0;
	v3 =	vadd.s32 $0x203, v0  }
0x42: {  	v4 =	vadd.s32 $0x40805, v0;
	v5 =	vadd.s32 $0x40A06, v0;
	[tilespmem:s12+$0x880] =	vst v1;
	v1 =	vadd.s32 $0x40804, v0  }
0x43: {  	v6 =	vadd.s32 $0x81008, v0;
	v7 =	vadd.s32 $0x81009, v0;
	[tilespmem:s12+$0x900] =	vst v2;
	v2 =	vadd.s32 $0x40A07, v0  }
0x44: {  	[tilespmem:s12+$0x980] =	vst v3;
	v3 =	vadd.s32 $0x8120A, v0;
	v0 =	vadd.s32 $0x8120B, v0  }
0x45: {  	[tilespmem:s12+$0xA00] =	vst v1  }
0x46: {  	[tilespmem:s12+$0xA80] =	vst v4  }
0x47: {  	[tilespmem:s12+$0xB00] =	vst v5  }
0x48: {  	[tilespmem:s12+$0xB80] =	vst v2  }
.Ltmp0:
0x49: {  	[tilespmem:s12+$0xC00] =	vst v6;
	(pc) =	sbr.rel @p0 .LBB2_2-.Ltmp0, $4  }
0x4a: {  	[tilespmem:s12+$0xC80] =	vst v7  }
0x4b: {  	[tilespmem:s12+$0xD00] =	vst v3  }
0x4c: {  	s8 =	sadd.s32 $0x10, s8;
	s13 =	sshrl.u32 s10, $0x3;
	[tilespmem:s12+$0xD80] =	vst v0  }
0x4d: {  	s10 =	sadd.s32 $0x1, s10;
	s12 =	smul.u32 $0x580, s13;
	v0 =	vld [tilespmem:s8+$0x0]  }
0x4e: {  	s8 =	sadd.s32 $0x10, s9  }
0x4f: {  	s9 =	sadd.s32 s12, s8  }
0x50: {  	s8 =	sand.u32 $0x70, s8;
	s9 =	sand.u32 $0xFFFFFF80, s9  }
0x51: {  	s8 =	sor.u32 s8, s9  }
0x52: {  	[tilespmem:s8+$0x800] =	vst v0;
	v1 =	vadd.s32 $0x1, v0  }
0x53: {  	v2 =	vadd.s32 $0x202, v0;
	[tilespmem:s8+$0x880] =	vst v1  }
0x54: {  	v1 =	vadd.s32 $0x203, v0;
	[tilespmem:s8+$0x900] =	vst v2  }
0x55: {  	v2 =	vadd.s32 $0x40804, v0;
	[tilespmem:s8+$0x980] =	vst v1  }
0x56: {  	v1 =	vadd.s32 $0x40805, v0;
	[tilespmem:s8+$0xA00] =	vst v2  }
0x57: {  	v2 =	vadd.s32 $0x40A06, v0;
	[tilespmem:s8+$0xA80] =	vst v1  }
0x58: {  	v1 =	vadd.s32 $0x40A07, v0;
	[tilespmem:s8+$0xB00] =	vst v2  }
0x59: {  	v2 =	vadd.s32 $0x81008, v0;
	[tilespmem:s8+$0xB80] =	vst v1  }
0x5a: {  	v1 =	vadd.s32 $0x81009, v0;
	[tilespmem:s8+$0xC00] =	vst v2  }
0x5b: {  	v2 =	vadd.s32 $0x8120A, v0;
	[tilespmem:s8+$0xC80] =	vst v1  }
0x5c: {  	v0 =	vadd.s32 $0x8120B, v0;
	[tilespmem:s8+$0xD00] =	vst v2  }
0x5d: {  	[tilespmem:s8+$0xD80] =	vst v0  }
0x5e: {  	_ =	swait.ge [sflag:s28], $0x2000  }
0x5f: {  	[sflag:s28] =	ssyncset.done $0x0  }
0x60: {  	[sflag:s28] =	ssyncadd.s32 $0xFFFFE000  }
0x61: {  	[spmem:s18] =	stream.linear.scatter [tilespmem:s11], [sflag:$0x5], $0x2000, $0x38;
	[tilespmem:$0x1E000] =	vst v63  }
0x62: {  	s8 =	simm.s32 $0x0;
	s15 =	rddreg [dreg:$0x7]  }
0x63: {  	[tilespmem:s29], [sflag:$0x4] =	stream.linear.gather [hbm4b:s15+s8], $0x2000, $0x38;
	[tilespmem:$0x1E000] =	vst v63  }
0x64: {  	_ =	swait.ge [sflag:s28], $0x2000  }
0x65: {  	[sflag:s28] =	ssyncset.done $0x0  }
0x66: {  	[sflag:s28] =	ssyncadd.s32 $0xFFFFE000  }
0x67: {  	[spmem:s19] =	stream.linear.scatter [tilespmem:s29], [sflag:$0x5], $0x2000, $0x38;
	[tilespmem:$0x1E000] =	vst v63  }
0x68: {  	_ =	swait.ge [sflag:s30], $0x2000  }
0x69: {  	[sflag:s30] =	ssyncset.done $0x0  }
0x6a: {  	s16 =	rddreg [dreg:$0x8];
	[sflag:s30] =	ssyncadd.s32 $0xFFFFE000  }
0x6b: {  	[tilespmem:s11], [sflag:$0x4] =	stream.linear.gather [hbm4b:s16+s8], $0x2000, $0x38;
	[tilespmem:$0x1E000] =	vst v63  }
0x6c: {  	_ =	swait.ge [sflag:s28], $0x2000  }
0x6d: {  	[sflag:s28] =	ssyncset.done $0x0  }
0x6e: {  	[sflag:s28] =	ssyncadd.s32 $0xFFFFE000  }
0x6f: {  	[spmem:s20] =	stream.linear.scatter [tilespmem:s11], [sflag:$0x5], $0x2000, $0x38;
	[tilespmem:$0x1E000] =	vst v63  }
0x70: {  	_ =	swait.ge [sflag:s30], $0x2000  }
0x71: {  	[sflag:s30] =	ssyncset.done $0x0  }
0x72: {  	s10 =	rddreg [dreg:$0x9];
	[sflag:s30] =	ssyncadd.s32 $0xFFFFE000  }
0x73: {  	[tilespmem:s29], [sflag:$0x4] =	stream.linear.gather [hbm4b:s10+s8], $0x2000, $0x38;
	[tilespmem:$0x1E000] =	vst v63  }
0x74: {  	_ =	swait.ge [sflag:s28], $0x2000  }
0x75: {  	[sflag:s28] =	ssyncset.done $0x0  }
0x76: {  	[sflag:s28] =	ssyncadd.s32 $0xFFFFE000  }
0x77: {  	[spmem:s21] =	stream.linear.scatter [tilespmem:s29], [sflag:$0x5], $0x2000, $0x38;
	[tilespmem:$0x1E000] =	vst v63  }
0x78: {  	_ =	swait.ge [sflag:s30], $0x2000  }
0x79: {  	[sflag:s30] =	ssyncset.done $0x0  }
0x7a: {  	s12 =	rddreg [dreg:$0xa];
	[sflag:s30] =	ssyncadd.s32 $0xFFFFE000  }
0x7b: {  	[tilespmem:s11], [sflag:$0x4] =	stream.linear.gather [hbm4b:s12+s8], $0x2000, $0x38;
	[tilespmem:$0x1E000] =	vst v63  }
0x7c: {  	_ =	swait.ge [sflag:s28], $0x2000  }
0x7d: {  	[sflag:s28] =	ssyncset.done $0x0  }
0x7e: {  	[sflag:s28] =	ssyncadd.s32 $0xFFFFE000  }
0x7f: {  	[spmem:s22] =	stream.linear.scatter [tilespmem:s11], [sflag:$0x5], $0x2000, $0x38;
	[tilespmem:$0x1E000] =	vst v63  }
0x80: {  	_ =	swait.ge [sflag:s30], $0x2000  }
0x81: {  	[sflag:s30] =	ssyncset.done $0x0  }
0x82: {  	s13 =	rddreg [dreg:$0xb];
	[sflag:s30] =	ssyncadd.s32 $0xFFFFE000  }
0x83: {  	[tilespmem:s29], [sflag:$0x4] =	stream.linear.gather [hbm4b:s13+s8], $0x2000, $0x38;
	[tilespmem:$0x1E000] =	vst v63  }
0x84: {  	_ =	swait.ge [sflag:s28], $0x2000  }
0x85: {  	[sflag:s28] =	ssyncset.done $0x0  }
0x86: {  	[sflag:s28] =	ssyncadd.s32 $0xFFFFE000  }
0x87: {  	[spmem:s23] =	stream.linear.scatter [tilespmem:s29], [sflag:$0x5], $0x2000, $0x38;
	[tilespmem:$0x1E000] =	vst v63  }
0x88: {  	_ =	swait.ge [sflag:s30], $0x2000  }
0x89: {  	[sflag:s30] =	ssyncset.done $0x0  }
0x8a: {  	s14 =	rddreg [dreg:$0xc];
	[sflag:s30] =	ssyncadd.s32 $0xFFFFE000  }
0x8b: {  	[tilespmem:s11], [sflag:$0x4] =	stream.linear.gather [hbm4b:s14+s8], $0x2000, $0x38;
	[tilespmem:$0x1E000] =	vst v63  }
0x8c: {  	_ =	swait.ge [sflag:s28], $0x2000  }
0x8d: {  	[sflag:s28] =	ssyncset.done $0x0  }
0x8e: {  	[sflag:s28] =	ssyncadd.s32 $0xFFFFE000  }
0x8f: {  	[spmem:s24] =	stream.linear.scatter [tilespmem:s11], [sflag:$0x5], $0x2000, $0x38;
	[tilespmem:$0x1E000] =	vst v63  }
0x90: {  	_ =	swait.ge [sflag:s30], $0x2000  }
0x91: {  	[sflag:s30] =	ssyncset.done $0x0  }
0x92: {  	[sflag:s30] =	ssyncadd.s32 $0xFFFFE000  }
0x93: {  	_ =	swait.ge [sflag:s30], $0x2000  }
0x94: {  	[sflag:s30] =	ssyncset.done $0x0  }
0x95: {  	[sflag:s30] =	ssyncadd.s32 $0xFFFFE000  }
0x96: {  	s15 =	simm.s32 $0x800;
	[bflag:$0x0] =	sbarrier.arrive $0xFFFF  }
0x97: {  	[tilespmem:s11], [sflag:$0x1] =	stream.indirect.gather [spmem:s0], $0x1, s15, s31, $0xb8;
	[tilespmem:$0x1E000] =	vst v63  }
0x98: {  	s16 =	simm.s32 $0x880;
	s10 =	simm.s32 $0x6880  }
0x99: {  	[tilespmem:s10], [sflag:$0x1] =	stream.indirect.gather [spmem:s0], $0x1, s16, s31, $0xb8;
	[tilespmem:$0x1E000] =	vst v63  }
0x9a: {  	s12 =	simm.s32 $0x6900;
	s10 =	simm.s32 $0x900  }
0x9b: {  	[tilespmem:s12], [sflag:$0x1] =	stream.indirect.gather [spmem:s0], $0x1, s10, s31, $0xb8;
	[tilespmem:$0x1E000] =	vst v63  }
0x9c: {  	s13 =	simm.s32 $0x980;
	s14 =	simm.s32 $0x6980  }
0x9d: {  	[tilespmem:s14], [sflag:$0x1] =	stream.indirect.gather [spmem:s0], $0x1, s13, s31, $0xb8;
	[tilespmem:$0x1E000] =	vst v63  }
0x9e: {  	s15 =	simm.s32 $0xA00;
	s16 =	simm.s32 $0x6A00  }
0x9f: {  	[tilespmem:s16], [sflag:$0x1] =	stream.indirect.gather [spmem:s0], $0x1, s15, s31, $0xb8;
	[tilespmem:$0x1E000] =	vst v63  }
0xa0: {  	s10 =	simm.s32 $0xA80;
	s12 =	simm.s32 $0x6A80  }
0xa1: {  	[tilespmem:s12], [sflag:$0x1] =	stream.indirect.gather [spmem:s0], $0x1, s10, s31, $0xb8;
	[tilespmem:$0x1E000] =	vst v63  }
0xa2: {  	s13 =	simm.s32 $0xB00;
	s14 =	simm.s32 $0x6B00  }
0xa3: {  	[tilespmem:s14], [sflag:$0x1] =	stream.indirect.gather [spmem:s0], $0x1, s13, s31, $0xb8;
	[tilespmem:$0x1E000] =	vst v63  }
0xa4: {  	s15 =	simm.s32 $0xB80;
	s16 =	simm.s32 $0x6B80  }
0xa5: {  	[tilespmem:s16], [sflag:$0x1] =	stream.indirect.gather [spmem:s0], $0x1, s15, s31, $0xb8;
	[tilespmem:$0x1E000] =	vst v63  }
0xa6: {  	s10 =	simm.s32 $0xC00;
	s12 =	simm.s32 $0x6C00  }
0xa7: {  	[tilespmem:s12], [sflag:$0x1] =	stream.indirect.gather [spmem:s0], $0x1, s10, s31, $0xb8;
	[tilespmem:$0x1E000] =	vst v63  }
0xa8: {  	s13 =	simm.s32 $0xC80;
	s14 =	simm.s32 $0x6C80  }
0xa9: {  	[tilespmem:s14], [sflag:$0x1] =	stream.indirect.gather [spmem:s0], $0x1, s13, s31, $0xb8;
	[tilespmem:$0x1E000] =	vst v63  }
0xaa: {  	s15 =	simm.s32 $0xD00;
	s16 =	simm.s32 $0x6D00  }
0xab: {  	[tilespmem:s16], [sflag:$0x1] =	stream.indirect.gather [spmem:s0], $0x1, s15, s31, $0xb8;
	[tilespmem:$0x1E000] =	vst v63  }
0xac: {  	s10 =	simm.s32 $0xD80;
	s12 =	simm.s32 $0x6D80  }
0xad: {  	[tilespmem:s12], [sflag:$0x1] =	stream.indirect.gather [spmem:s0], $0x1, s10, s31, $0xb8;
	[tilespmem:$0x1E000] =	vst v63  }
0xae: {  	s13 =	simm.s32 $0xE00;
	s14 =	simm.s32 $0x6E00  }
0xaf: {  	[tilespmem:s14], [sflag:$0x1] =	stream.indirect.gather [spmem:s0], $0x1, s13, s31, $0xb8;
	[tilespmem:$0x1E000] =	vst v63  }
0xb0: {  	s15 =	simm.s32 $0xE80;
	s16 =	simm.s32 $0x6E80  }
0xb1: {  	[tilespmem:s16], [sflag:$0x1] =	stream.indirect.gather [spmem:s0], $0x1, s15, s31, $0xb8;
	[tilespmem:$0x1E000] =	vst v63  }
0xb2: {  	s10 =	simm.s32 $0xF00;
	s12 =	simm.s32 $0x6F00  }
0xb3: {  	[tilespmem:s12], [sflag:$0x1] =	stream.indirect.gather [spmem:s0], $0x1, s10, s31, $0xb8;
	[tilespmem:$0x1E000] =	vst v63  }
0xb4: {  	s13 =	simm.s32 $0xF80;
	s14 =	simm.s32 $0x6F80  }
0xb5: {  	[tilespmem:s14], [sflag:$0x1] =	stream.indirect.gather [spmem:s0], $0x1, s13, s31, $0xb8;
	[tilespmem:$0x1E000] =	vst v63  }
0xb6: {  	s15 =	simm.s32 $0x1000;
	s16 =	simm.s32 $0x7000  }
0xb7: {  	[tilespmem:s16], [sflag:$0x1] =	stream.indirect.gather [spmem:s0], $0x1, s15, s31, $0xb8;
	[tilespmem:$0x1E000] =	vst v63  }
0xb8: {  	s10 =	simm.s32 $0x1080;
	s12 =	simm.s32 $0x7080  }
0xb9: {  	[tilespmem:s12], [sflag:$0x1] =	stream.indirect.gather [spmem:s0], $0x1, s10, s31, $0xb8;
	[tilespmem:$0x1E000] =	vst v63  }
0xba: {  	s13 =	simm.s32 $0x1100;
	s14 =	simm.s32 $0x7100  }
0xbb: {  	[tilespmem:s14], [sflag:$0x1] =	stream.indirect.gather [spmem:s0], $0x1, s13, s31, $0xb8;
	[tilespmem:$0x1E000] =	vst v63  }
0xbc: {  	s15 =	simm.s32 $0x1180;
	s16 =	simm.s32 $0x7180  }
0xbd: {  	[tilespmem:s16], [sflag:$0x1] =	stream.indirect.gather [spmem:s0], $0x1, s15, s31, $0xb8;
	[tilespmem:$0x1E000] =	vst v63  }
0xbe: {  	s10 =	simm.s32 $0x1200;
	s12 =	simm.s32 $0x7200  }
0xbf: {  	[tilespmem:s12], [sflag:$0x1] =	stream.indirect.gather [spmem:s0], $0x1, s10, s31, $0xb8;
	[tilespmem:$0x1E000] =	vst v63  }
0xc0: {  	s13 =	simm.s32 $0x1280;
	s14 =	simm.s32 $0x7280  }
0xc1: {  	[tilespmem:s14], [sflag:$0x1] =	stream.indirect.gather [spmem:s0], $0x1, s13, s31, $0xb8;
	[tilespmem:$0x1E000] =	vst v63  }
0xc2: {  	s15 =	simm.s32 $0x1300;
	s16 =	simm.s32 $0x7300  }
0xc3: {  	[tilespmem:s16], [sflag:$0x1] =	stream.indirect.gather [spmem:s0], $0x1, s15, s31, $0xb8;
	[tilespmem:$0x1E000] =	vst v63  }
0xc4: {  	s10 =	simm.s32 $0x1380;
	s12 =	simm.s32 $0x7380  }
0xc5: {  	[tilespmem:s12], [sflag:$0x1] =	stream.indirect.gather [spmem:s0], $0x1, s10, s31, $0xb8;
	[tilespmem:$0x1E000] =	vst v63  }
0xc6: {  	s13 =	simm.s32 $0x1400;
	s14 =	simm.s32 $0x7400  }
0xc7: {  	[tilespmem:s14], [sflag:$0x1] =	stream.indirect.gather [spmem:s0], $0x1, s13, s31, $0xb8;
	[tilespmem:$0x1E000] =	vst v63  }
0xc8: {  	s15 =	simm.s32 $0x1480;
	s16 =	simm.s32 $0x7480  }
0xc9: {  	[tilespmem:s16], [sflag:$0x1] =	stream.indirect.gather [spmem:s0], $0x1, s15, s31, $0xb8;
	[tilespmem:$0x1E000] =	vst v63  }
0xca: {  	s10 =	simm.s32 $0x1500;
	s12 =	simm.s32 $0x7500  }
0xcb: {  	[tilespmem:s12], [sflag:$0x1] =	stream.indirect.gather [spmem:s0], $0x1, s10, s31, $0xb8;
	[tilespmem:$0x1E000] =	vst v63  }
0xcc: {  	s13 =	simm.s32 $0x1580;
	s14 =	simm.s32 $0x7580  }
0xcd: {  	[tilespmem:s14], [sflag:$0x1] =	stream.indirect.gather [spmem:s0], $0x1, s13, s31, $0xb8;
	[tilespmem:$0x1E000] =	vst v63  }
0xce: {  	s15 =	simm.s32 $0x1600;
	s16 =	simm.s32 $0x7600  }
0xcf: {  	[tilespmem:s16], [sflag:$0x1] =	stream.indirect.gather [spmem:s0], $0x1, s15, s31, $0xb8;
	[tilespmem:$0x1E000] =	vst v63  }
0xd0: {  	s10 =	simm.s32 $0x1680;
	s12 =	simm.s32 $0x7680  }
0xd1: {  	[tilespmem:s12], [sflag:$0x1] =	stream.indirect.gather [spmem:s0], $0x1, s10, s31, $0xb8;
	[tilespmem:$0x1E000] =	vst v63  }
0xd2: {  	s13 =	simm.s32 $0x1700;
	s14 =	simm.s32 $0x7700  }
0xd3: {  	[tilespmem:s14], [sflag:$0x1] =	stream.indirect.gather [spmem:s0], $0x1, s13, s31, $0xb8;
	[tilespmem:$0x1E000] =	vst v63  }
0xd4: {  	s15 =	simm.s32 $0x1780;
	s16 =	simm.s32 $0x7780  }
0xd5: {  	[tilespmem:s16], [sflag:$0x1] =	stream.indirect.gather [spmem:s0], $0x1, s15, s31, $0xb8;
	[tilespmem:$0x1E000] =	vst v63  }
0xd6: {  	s10 =	simm.s32 $0x1800;
	s12 =	simm.s32 $0x7800  }
0xd7: {  	[tilespmem:s12], [sflag:$0x1] =	stream.indirect.gather [spmem:s0], $0x1, s10, s31, $0xb8;
	[tilespmem:$0x1E000] =	vst v63  }
0xd8: {  	s13 =	simm.s32 $0x1880;
	s14 =	simm.s32 $0x7880  }
0xd9: {  	[tilespmem:s14], [sflag:$0x1] =	stream.indirect.gather [spmem:s0], $0x1, s13, s31, $0xb8;
	[tilespmem:$0x1E000] =	vst v63  }
0xda: {  	s15 =	simm.s32 $0x1900;
	s16 =	simm.s32 $0x7900  }
0xdb: {  	[tilespmem:s16], [sflag:$0x1] =	stream.indirect.gather [spmem:s0], $0x1, s15, s31, $0xb8;
	[tilespmem:$0x1E000] =	vst v63  }
0xdc: {  	s10 =	simm.s32 $0x1980;
	s12 =	simm.s32 $0x7980  }
0xdd: {  	[tilespmem:s12], [sflag:$0x1] =	stream.indirect.gather [spmem:s0], $0x1, s10, s31, $0xb8;
	[tilespmem:$0x1E000] =	vst v63  }
0xde: {  	s13 =	simm.s32 $0x1A00;
	s14 =	simm.s32 $0x7A00  }
0xdf: {  	[tilespmem:s14], [sflag:$0x1] =	stream.indirect.gather [spmem:s0], $0x1, s13, s31, $0xb8;
	[tilespmem:$0x1E000] =	vst v63  }
0xe0: {  	s15 =	simm.s32 $0x1A80;
	s16 =	simm.s32 $0x7A80  }
0xe1: {  	[tilespmem:s16], [sflag:$0x1] =	stream.indirect.gather [spmem:s0], $0x1, s15, s31, $0xb8;
	[tilespmem:$0x1E000] =	vst v63  }
0xe2: {  	s10 =	simm.s32 $0x1B00;
	s12 =	simm.s32 $0x7B00  }
0xe3: {  	[tilespmem:s12], [sflag:$0x1] =	stream.indirect.gather [spmem:s0], $0x1, s10, s31, $0xb8;
	[tilespmem:$0x1E000] =	vst v63  }
0xe4: {  	s13 =	simm.s32 $0x1B80;
	s14 =	simm.s32 $0x7B80  }
0xe5: {  	[tilespmem:s14], [sflag:$0x1] =	stream.indirect.gather [spmem:s0], $0x1, s13, s31, $0xb8;
	[tilespmem:$0x1E000] =	vst v63  }
0xe6: {  	s15 =	simm.s32 $0x1C00;
	s16 =	simm.s32 $0x7C00  }
0xe7: {  	[tilespmem:s16], [sflag:$0x1] =	stream.indirect.gather [spmem:s0], $0x1, s15, s31, $0xb8;
	[tilespmem:$0x1E000] =	vst v63  }
0xe8: {  	s10 =	simm.s32 $0x1C80;
	s12 =	simm.s32 $0x7C80  }
0xe9: {  	[tilespmem:s12], [sflag:$0x1] =	stream.indirect.gather [spmem:s0], $0x1, s10, s31, $0xb8;
	[tilespmem:$0x1E000] =	vst v63  }
0xea: {  	s13 =	simm.s32 $0x1D00;
	s14 =	simm.s32 $0x7D00  }
0xeb: {  	[tilespmem:s14], [sflag:$0x1] =	stream.indirect.gather [spmem:s0], $0x1, s13, s31, $0xb8;
	[tilespmem:$0x1E000] =	vst v63  }
0xec: {  	s15 =	simm.s32 $0x1D80;
	s16 =	simm.s32 $0x7D80  }
0xed: {  	[tilespmem:s16], [sflag:$0x1] =	stream.indirect.gather [spmem:s0], $0x1, s15, s31, $0xb8;
	[tilespmem:$0x1E000] =	vst v63  }
0xee: {  	s10 =	simm.s32 $0x1E00;
	s12 =	simm.s32 $0x7E00  }
0xef: {  	[tilespmem:s12], [sflag:$0x1] =	stream.indirect.gather [spmem:s0], $0x1, s10, s31, $0xb8;
	[tilespmem:$0x1E000] =	vst v63  }
0xf0: {  	s13 =	simm.s32 $0x1E80;
	s14 =	simm.s32 $0x7E80  }
0xf1: {  	[tilespmem:s14], [sflag:$0x1] =	stream.indirect.gather [spmem:s0], $0x1, s13, s31, $0xb8;
	[tilespmem:$0x1E000] =	vst v63  }
0xf2: {  	s15 =	simm.s32 $0x1F00;
	s16 =	simm.s32 $0x7F00  }
0xf3: {  	[tilespmem:s16], [sflag:$0x1] =	stream.indirect.gather [spmem:s0], $0x1, s15, s31, $0xb8;
	[tilespmem:$0x1E000] =	vst v63  }
0xf4: {  	s10 =	simm.s32 $0x1F80;
	s12 =	simm.s32 $0x7F80  }
0xf5: {  	[tilespmem:s12], [sflag:$0x1] =	stream.indirect.gather [spmem:s0], $0x1, s10, s31, $0xb8;
	[tilespmem:$0x1E000] =	vst v63  }
0xf6: {  	s13 =	simm.s32 $0x2000;
	s14 =	simm.s32 $0x8000  }
0xf7: {  	[tilespmem:s14], [sflag:$0x1] =	stream.indirect.gather [spmem:s0], $0x1, s13, s31, $0xb8;
	[tilespmem:$0x1E000] =	vst v63  }
0xf8: {  	s15 =	simm.s32 $0x2080;
	s16 =	simm.s32 $0x8080  }
0xf9: {  	[tilespmem:s16], [sflag:$0x1] =	stream.indirect.gather [spmem:s0], $0x1, s15, s31, $0xb8;
	[tilespmem:$0x1E000] =	vst v63  }
0xfa: {  	s10 =	simm.s32 $0x2100;
	s12 =	simm.s32 $0x8100  }
0xfb: {  	[tilespmem:s12], [sflag:$0x1] =	stream.indirect.gather [spmem:s0], $0x1, s10, s31, $0xb8;
	[tilespmem:$0x1E000] =	vst v63  }
0xfc: {  	s13 =	simm.s32 $0x2180;
	s14 =	simm.s32 $0x8180  }
0xfd: {  	[tilespmem:s14], [sflag:$0x1] =	stream.indirect.gather [spmem:s0], $0x1, s13, s31, $0xb8;
	[tilespmem:$0x1E000] =	vst v63  }
0xfe: {  	s15 =	simm.s32 $0x2200;
	s16 =	simm.s32 $0x8200  }
0xff: {  	[tilespmem:s16], [sflag:$0x1] =	stream.indirect.gather [spmem:s0], $0x1, s15, s31, $0xb8;
	[tilespmem:$0x1E000] =	vst v63  }
0x100: {  	s10 =	simm.s32 $0x2280;
	s12 =	simm.s32 $0x8280  }
0x101: {  	[tilespmem:s12], [sflag:$0x1] =	stream.indirect.gather [spmem:s0], $0x1, s10, s31, $0xb8;
	[tilespmem:$0x1E000] =	vst v63  }
0x102: {  	s13 =	simm.s32 $0x2300;
	s14 =	simm.s32 $0x8300  }
0x103: {  	[tilespmem:s14], [sflag:$0x1] =	stream.indirect.gather [spmem:s0], $0x1, s13, s31, $0xb8;
	[tilespmem:$0x1E000] =	vst v63  }
0x104: {  	s15 =	simm.s32 $0x2380;
	s16 =	simm.s32 $0x8380  }
0x105: {  	[tilespmem:s16], [sflag:$0x1] =	stream.indirect.gather [spmem:s0], $0x1, s15, s31, $0xb8;
	[tilespmem:$0x1E000] =	vst v63  }
0x106: {  	s10 =	simm.s32 $0x2400;
	s12 =	simm.s32 $0x8400  }
0x107: {  	[tilespmem:s12], [sflag:$0x1] =	stream.indirect.gather [spmem:s0], $0x1, s10, s31, $0xb8;
	[tilespmem:$0x1E000] =	vst v63  }
0x108: {  	s13 =	simm.s32 $0x2480;
	s14 =	simm.s32 $0x8480  }
0x109: {  	[tilespmem:s14], [sflag:$0x1] =	stream.indirect.gather [spmem:s0], $0x1, s13, s31, $0xb8;
	[tilespmem:$0x1E000] =	vst v63  }
0x10a: {  	s15 =	simm.s32 $0x2500;
	s16 =	simm.s32 $0x8500  }
0x10b: {  	[tilespmem:s16], [sflag:$0x1] =	stream.indirect.gather [spmem:s0], $0x1, s15, s31, $0xb8;
	[tilespmem:$0x1E000] =	vst v63  }
0x10c: {  	s10 =	simm.s32 $0x2580;
	s12 =	simm.s32 $0x8580  }
0x10d: {  	[tilespmem:s12], [sflag:$0x1] =	stream.indirect.gather [spmem:s0], $0x1, s10, s31, $0xb8;
	[tilespmem:$0x1E000] =	vst v63  }
0x10e: {  	s13 =	simm.s32 $0x2600;
	s14 =	simm.s32 $0x8600  }
0x10f: {  	[tilespmem:s14], [sflag:$0x1] =	stream.indirect.gather [spmem:s0], $0x1, s13, s31, $0xb8;
	[tilespmem:$0x1E000] =	vst v63  }
0x110: {  	s15 =	simm.s32 $0x2680;
	s16 =	simm.s32 $0x8680  }
0x111: {  	[tilespmem:s16], [sflag:$0x1] =	stream.indirect.gather [spmem:s0], $0x1, s15, s31, $0xb8;
	[tilespmem:$0x1E000] =	vst v63  }
0x112: {  	s12 =	simm.s32 $0x2700;
	s13 =	simm.s32 $0x8700  }
0x113: {  	[tilespmem:s13], [sflag:$0x1] =	stream.indirect.gather [spmem:s0], $0x1, s12, s31, $0xb8;
	[tilespmem:$0x1E000] =	vst v63  }
0x114: {  	s14 =	simm.s32 $0x2780;
	s15 =	simm.s32 $0x8780  }
0x115: {  	[tilespmem:s15], [sflag:$0x1] =	stream.indirect.gather [spmem:s0], $0x1, s14, s31, $0xb8;
	[tilespmem:$0x1E000] =	vst v63  }
0x116: {  	s16 =	simm.s32 $0x2800  }
0x117: {  	[tilespmem:s29], [sflag:$0x1] =	stream.indirect.gather [spmem:s0], $0x1, s16, s31, $0xb8;
	[tilespmem:$0x1E000] =	vst v63  }
0x118: {  	s10 =	simm.s32 $0x2880;
	s12 =	simm.s32 $0x8880  }
0x119: {  	[tilespmem:s12], [sflag:$0x1] =	stream.indirect.gather [spmem:s0], $0x1, s10, s31, $0xb8;
	[tilespmem:$0x1E000] =	vst v63  }
0x11a: {  	s13 =	simm.s32 $0x2900;
	s14 =	simm.s32 $0x8900  }
0x11b: {  	[tilespmem:s14], [sflag:$0x1] =	stream.indirect.gather [spmem:s0], $0x1, s13, s31, $0xb8;
	[tilespmem:$0x1E000] =	vst v63  }
0x11c: {  	s15 =	simm.s32 $0x2980;
	s16 =	simm.s32 $0x8980  }
0x11d: {  	[tilespmem:s16], [sflag:$0x1] =	stream.indirect.gather [spmem:s0], $0x1, s15, s31, $0xb8;
	[tilespmem:$0x1E000] =	vst v63  }
0x11e: {  	s10 =	simm.s32 $0x2A00;
	s12 =	simm.s32 $0x8A00  }
0x11f: {  	[tilespmem:s12], [sflag:$0x1] =	stream.indirect.gather [spmem:s0], $0x1, s10, s31, $0xb8;
	[tilespmem:$0x1E000] =	vst v63  }
0x120: {  	s13 =	simm.s32 $0x2A80;
	s14 =	simm.s32 $0x8A80  }
0x121: {  	[tilespmem:s14], [sflag:$0x1] =	stream.indirect.gather [spmem:s0], $0x1, s13, s31, $0xb8;
	[tilespmem:$0x1E000] =	vst v63  }
0x122: {  	s15 =	simm.s32 $0x2B00;
	s16 =	simm.s32 $0x8B00  }
0x123: {  	[tilespmem:s16], [sflag:$0x1] =	stream.indirect.gather [spmem:s0], $0x1, s15, s31, $0xb8;
	[tilespmem:$0x1E000] =	vst v63  }
0x124: {  	s10 =	simm.s32 $0x2B80;
	s12 =	simm.s32 $0x8B80  }
0x125: {  	[tilespmem:s12], [sflag:$0x1] =	stream.indirect.gather [spmem:s0], $0x1, s10, s31, $0xb8;
	[tilespmem:$0x1E000] =	vst v63  }
0x126: {  	s13 =	simm.s32 $0x2C00;
	s14 =	simm.s32 $0x8C00  }
0x127: {  	[tilespmem:s14], [sflag:$0x1] =	stream.indirect.gather [spmem:s0], $0x1, s13, s31, $0xb8;
	[tilespmem:$0x1E000] =	vst v63  }
0x128: {  	s15 =	simm.s32 $0x2C80;
	s16 =	simm.s32 $0x8C80  }
0x129: {  	[tilespmem:s16], [sflag:$0x1] =	stream.indirect.gather [spmem:s0], $0x1, s15, s31, $0xb8;
	[tilespmem:$0x1E000] =	vst v63  }
0x12a: {  	s10 =	simm.s32 $0x2D00;
	s12 =	simm.s32 $0x8D00  }
0x12b: {  	[tilespmem:s12], [sflag:$0x1] =	stream.indirect.gather [spmem:s0], $0x1, s10, s31, $0xb8;
	[tilespmem:$0x1E000] =	vst v63  }
0x12c: {  	s13 =	simm.s32 $0x2D80;
	s14 =	simm.s32 $0x8D80  }
0x12d: {  	[tilespmem:s14], [sflag:$0x1] =	stream.indirect.gather [spmem:s0], $0x1, s13, s31, $0xb8;
	[tilespmem:$0x1E000] =	vst v63  }
0x12e: {  	s15 =	simm.s32 $0x2E00;
	s16 =	simm.s32 $0x8E00  }
0x12f: {  	[tilespmem:s16], [sflag:$0x1] =	stream.indirect.gather [spmem:s0], $0x1, s15, s31, $0xb8;
	[tilespmem:$0x1E000] =	vst v63  }
0x130: {  	s10 =	simm.s32 $0x2E80;
	s12 =	simm.s32 $0x8E80  }
0x131: {  	[tilespmem:s12], [sflag:$0x1] =	stream.indirect.gather [spmem:s0], $0x1, s10, s31, $0xb8;
	[tilespmem:$0x1E000] =	vst v63  }
0x132: {  	s13 =	simm.s32 $0x2F00;
	s14 =	simm.s32 $0x8F00  }
0x133: {  	[tilespmem:s14], [sflag:$0x1] =	stream.indirect.gather [spmem:s0], $0x1, s13, s31, $0xb8;
	[tilespmem:$0x1E000] =	vst v63  }
0x134: {  	s15 =	simm.s32 $0x2F80;
	s16 =	simm.s32 $0x8F80  }
0x135: {  	[tilespmem:s16], [sflag:$0x1] =	stream.indirect.gather [spmem:s0], $0x1, s15, s31, $0xb8;
	[tilespmem:$0x1E000] =	vst v63  }
0x136: {  	s10 =	simm.s32 $0x3000;
	s12 =	simm.s32 $0x9000  }
0x137: {  	[tilespmem:s12], [sflag:$0x1] =	stream.indirect.gather [spmem:s0], $0x1, s10, s31, $0xb8;
	[tilespmem:$0x1E000] =	vst v63  }
0x138: {  	s13 =	simm.s32 $0x3080;
	s14 =	simm.s32 $0x9080  }
0x139: {  	[tilespmem:s14], [sflag:$0x1] =	stream.indirect.gather [spmem:s0], $0x1, s13, s31, $0xb8;
	[tilespmem:$0x1E000] =	vst v63  }
0x13a: {  	s15 =	simm.s32 $0x3100;
	s16 =	simm.s32 $0x9100  }
0x13b: {  	[tilespmem:s16], [sflag:$0x1] =	stream.indirect.gather [spmem:s0], $0x1, s15, s31, $0xb8;
	[tilespmem:$0x1E000] =	vst v63  }
0x13c: {  	s10 =	simm.s32 $0x3180;
	s12 =	simm.s32 $0x9180  }
0x13d: {  	[tilespmem:s12], [sflag:$0x1] =	stream.indirect.gather [spmem:s0], $0x1, s10, s31, $0xb8;
	[tilespmem:$0x1E000] =	vst v63  }
0x13e: {  	s13 =	simm.s32 $0x3200;
	s14 =	simm.s32 $0x9200  }
0x13f: {  	[tilespmem:s14], [sflag:$0x1] =	stream.indirect.gather [spmem:s0], $0x1, s13, s31, $0xb8;
	[tilespmem:$0x1E000] =	vst v63  }
0x140: {  	s15 =	simm.s32 $0x3280;
	s16 =	simm.s32 $0x9280  }
0x141: {  	[tilespmem:s16], [sflag:$0x1] =	stream.indirect.gather [spmem:s0], $0x1, s15, s31, $0xb8;
	[tilespmem:$0x1E000] =	vst v63  }
0x142: {  	s10 =	simm.s32 $0x3300;
	s12 =	simm.s32 $0x9300  }
0x143: {  	[tilespmem:s12], [sflag:$0x1] =	stream.indirect.gather [spmem:s0], $0x1, s10, s31, $0xb8;
	[tilespmem:$0x1E000] =	vst v63  }
0x144: {  	s13 =	simm.s32 $0x3380;
	s14 =	simm.s32 $0x9380  }
0x145: {  	[tilespmem:s14], [sflag:$0x1] =	stream.indirect.gather [spmem:s0], $0x1, s13, s31, $0xb8;
	[tilespmem:$0x1E000] =	vst v63  }
0x146: {  	s15 =	simm.s32 $0x3400;
	s16 =	simm.s32 $0x9400  }
0x147: {  	[tilespmem:s16], [sflag:$0x1] =	stream.indirect.gather [spmem:s0], $0x1, s15, s31, $0xb8;
	[tilespmem:$0x1E000] =	vst v63  }
0x148: {  	s10 =	simm.s32 $0x3480;
	s12 =	simm.s32 $0x9480  }
0x149: {  	[tilespmem:s12], [sflag:$0x1] =	stream.indirect.gather [spmem:s0], $0x1, s10, s31, $0xb8;
	[tilespmem:$0x1E000] =	vst v63  }
0x14a: {  	s13 =	simm.s32 $0x3500;
	s14 =	simm.s32 $0x9500  }
0x14b: {  	[tilespmem:s14], [sflag:$0x1] =	stream.indirect.gather [spmem:s0], $0x1, s13, s31, $0xb8;
	[tilespmem:$0x1E000] =	vst v63  }
0x14c: {  	s15 =	simm.s32 $0x3580;
	s16 =	simm.s32 $0x9580  }
0x14d: {  	[tilespmem:s16], [sflag:$0x1] =	stream.indirect.gather [spmem:s0], $0x1, s15, s31, $0xb8;
	[tilespmem:$0x1E000] =	vst v63  }
0x14e: {  	s10 =	simm.s32 $0x3600;
	s12 =	simm.s32 $0x9600  }
0x14f: {  	[tilespmem:s12], [sflag:$0x1] =	stream.indirect.gather [spmem:s0], $0x1, s10, s31, $0xb8;
	[tilespmem:$0x1E000] =	vst v63  }
0x150: {  	s13 =	simm.s32 $0x3680;
	s14 =	simm.s32 $0x9680  }
0x151: {  	[tilespmem:s14], [sflag:$0x1] =	stream.indirect.gather [spmem:s0], $0x1, s13, s31, $0xb8;
	[tilespmem:$0x1E000] =	vst v63  }
0x152: {  	s15 =	simm.s32 $0x3700;
	s16 =	simm.s32 $0x9700  }
0x153: {  	[tilespmem:s16], [sflag:$0x1] =	stream.indirect.gather [spmem:s0], $0x1, s15, s31, $0xb8;
	[tilespmem:$0x1E000] =	vst v63  }
0x154: {  	s10 =	simm.s32 $0x3780;
	s12 =	simm.s32 $0x9780  }
0x155: {  	[tilespmem:s12], [sflag:$0x1] =	stream.indirect.gather [spmem:s0], $0x1, s10, s31, $0xb8;
	[tilespmem:$0x1E000] =	vst v63  }
0x156: {  	_ =	swait.ge [sflag:s3], $0x1800  }
0x157: {  	[sflag:s3] =	ssyncset.done $0x0  }
0x158: {  	s13 =	simm.s32 $0x3800;
	s14 =	simm.s32 $0x9800;
	[sflag:s3] =	ssyncadd.s32 $0xFFFFE800  }
0x159: {  	[tilespmem:s14], [sflag:$0x1] =	stream.indirect.gather [spmem:s0], $0x1, s13, s31, $0xb8;
	[tilespmem:$0x1E000] =	vst v63  }
0x15a: {  	s15 =	simm.s32 $0x3880;
	s16 =	simm.s32 $0x9880  }
0x15b: {  	[tilespmem:s16], [sflag:$0x1] =	stream.indirect.gather [spmem:s0], $0x1, s15, s31, $0xb8;
	[tilespmem:$0x1E000] =	vst v63  }
0x15c: {  	s10 =	simm.s32 $0x3900;
	s12 =	simm.s32 $0x9900  }
0x15d: {  	[tilespmem:s12], [sflag:$0x1] =	stream.indirect.gather [spmem:s0], $0x1, s10, s31, $0xb8;
	[tilespmem:$0x1E000] =	vst v63  }
0x15e: {  	s13 =	simm.s32 $0x3980;
	s14 =	simm.s32 $0x9980  }
0x15f: {  	[tilespmem:s14], [sflag:$0x1] =	stream.indirect.gather [spmem:s0], $0x1, s13, s31, $0xb8;
	[tilespmem:$0x1E000] =	vst v63  }
0x160: {  	s15 =	simm.s32 $0x3A00;
	s16 =	simm.s32 $0x9A00  }
0x161: {  	[tilespmem:s16], [sflag:$0x1] =	stream.indirect.gather [spmem:s0], $0x1, s15, s31, $0xb8;
	[tilespmem:$0x1E000] =	vst v63  }
0x162: {  	s10 =	simm.s32 $0x3A80;
	s12 =	simm.s32 $0x9A80  }
0x163: {  	[tilespmem:s12], [sflag:$0x1] =	stream.indirect.gather [spmem:s0], $0x1, s10, s31, $0xb8;
	[tilespmem:$0x1E000] =	vst v63  }
0x164: {  	s13 =	simm.s32 $0x3B00;
	s14 =	simm.s32 $0x9B00  }
0x165: {  	[tilespmem:s14], [sflag:$0x1] =	stream.indirect.gather [spmem:s0], $0x1, s13, s31, $0xb8;
	[tilespmem:$0x1E000] =	vst v63  }
0x166: {  	s15 =	simm.s32 $0x3B80;
	s16 =	simm.s32 $0x9B80  }
0x167: {  	[tilespmem:s16], [sflag:$0x1] =	stream.indirect.gather [spmem:s0], $0x1, s15, s31, $0xb8;
	[tilespmem:$0x1E000] =	vst v63  }
0x168: {  	s10 =	simm.s32 $0x3C00;
	s12 =	simm.s32 $0x9C00  }
0x169: {  	[tilespmem:s12], [sflag:$0x1] =	stream.indirect.gather [spmem:s0], $0x1, s10, s31, $0xb8;
	[tilespmem:$0x1E000] =	vst v63  }
0x16a: {  	s13 =	simm.s32 $0x3C80;
	s14 =	simm.s32 $0x9C80  }
0x16b: {  	[tilespmem:s14], [sflag:$0x1] =	stream.indirect.gather [spmem:s0], $0x1, s13, s31, $0xb8;
	[tilespmem:$0x1E000] =	vst v63  }
0x16c: {  	s15 =	simm.s32 $0x3D00;
	s16 =	simm.s32 $0x9D00  }
0x16d: {  	[tilespmem:s16], [sflag:$0x1] =	stream.indirect.gather [spmem:s0], $0x1, s15, s31, $0xb8;
	[tilespmem:$0x1E000] =	vst v63  }
0x16e: {  	s10 =	simm.s32 $0x3D80;
	s12 =	simm.s32 $0x9D80  }
0x16f: {  	[tilespmem:s12], [sflag:$0x1] =	stream.indirect.gather [spmem:s0], $0x1, s10, s31, $0xb8;
	[tilespmem:$0x1E000] =	vst v63  }
0x170: {  	s13 =	simm.s32 $0x3E00;
	s14 =	simm.s32 $0x9E00  }
0x171: {  	[tilespmem:s14], [sflag:$0x1] =	stream.indirect.gather [spmem:s0], $0x1, s13, s31, $0xb8;
	[tilespmem:$0x1E000] =	vst v63  }
0x172: {  	s15 =	simm.s32 $0x3E80;
	s16 =	simm.s32 $0x9E80  }
0x173: {  	[tilespmem:s16], [sflag:$0x1] =	stream.indirect.gather [spmem:s0], $0x1, s15, s31, $0xb8;
	[tilespmem:$0x1E000] =	vst v63  }
0x174: {  	s10 =	simm.s32 $0x3F00;
	s12 =	simm.s32 $0x9F00  }
0x175: {  	[tilespmem:s12], [sflag:$0x1] =	stream.indirect.gather [spmem:s0], $0x1, s10, s31, $0xb8;
	[tilespmem:$0x1E000] =	vst v63  }
0x176: {  	s13 =	simm.s32 $0x3F80;
	s14 =	simm.s32 $0x9F80  }
0x177: {  	[tilespmem:s14], [sflag:$0x1] =	stream.indirect.gather [spmem:s0], $0x1, s13, s31, $0xb8;
	[tilespmem:$0x1E000] =	vst v63  }
0x178: {  	s15 =	simm.s32 $0x4000;
	s16 =	simm.s32 $0xA000  }
0x179: {  	[tilespmem:s16], [sflag:$0x1] =	stream.indirect.gather [spmem:s0], $0x1, s15, s31, $0xb8;
	[tilespmem:$0x1E000] =	vst v63  }
0x17a: {  	s10 =	simm.s32 $0x4080;
	s12 =	simm.s32 $0xA080  }
0x17b: {  	[tilespmem:s12], [sflag:$0x1] =	stream.indirect.gather [spmem:s0], $0x1, s10, s31, $0xb8;
	[tilespmem:$0x1E000] =	vst v63  }
0x17c: {  	s13 =	simm.s32 $0x4100;
	s14 =	simm.s32 $0xA100  }
0x17d: {  	[tilespmem:s14], [sflag:$0x1] =	stream.indirect.gather [spmem:s0], $0x1, s13, s31, $0xb8;
	[tilespmem:$0x1E000] =	vst v63  }
0x17e: {  	s15 =	simm.s32 $0x4180;
	s16 =	simm.s32 $0xA180  }
0x17f: {  	[tilespmem:s16], [sflag:$0x1] =	stream.indirect.gather [spmem:s0], $0x1, s15, s31, $0xb8;
	[tilespmem:$0x1E000] =	vst v63  }
0x180: {  	s10 =	simm.s32 $0x4200;
	s12 =	simm.s32 $0xA200  }
0x181: {  	[tilespmem:s12], [sflag:$0x1] =	stream.indirect.gather [spmem:s0], $0x1, s10, s31, $0xb8;
	[tilespmem:$0x1E000] =	vst v63  }
0x182: {  	s13 =	simm.s32 $0x4280;
	s14 =	simm.s32 $0xA280  }
0x183: {  	[tilespmem:s14], [sflag:$0x1] =	stream.indirect.gather [spmem:s0], $0x1, s13, s31, $0xb8;
	[tilespmem:$0x1E000] =	vst v63  }
0x184: {  	s15 =	simm.s32 $0x4300;
	s16 =	simm.s32 $0xA300  }
0x185: {  	[tilespmem:s16], [sflag:$0x1] =	stream.indirect.gather [spmem:s0], $0x1, s15, s31, $0xb8;
	[tilespmem:$0x1E000] =	vst v63  }
0x186: {  	s10 =	simm.s32 $0x4380;
	s12 =	simm.s32 $0xA380  }
0x187: {  	[tilespmem:s12], [sflag:$0x1] =	stream.indirect.gather [spmem:s0], $0x1, s10, s31, $0xb8;
	[tilespmem:$0x1E000] =	vst v63  }
0x188: {  	s13 =	simm.s32 $0x4400;
	s14 =	simm.s32 $0xA400  }
0x189: {  	[tilespmem:s14], [sflag:$0x1] =	stream.indirect.gather [spmem:s0], $0x1, s13, s31, $0xb8;
	[tilespmem:$0x1E000] =	vst v63  }
0x18a: {  	s15 =	simm.s32 $0x4480;
	s16 =	simm.s32 $0xA480  }
0x18b: {  	[tilespmem:s16], [sflag:$0x1] =	stream.indirect.gather [spmem:s0], $0x1, s15, s31, $0xb8;
	[tilespmem:$0x1E000] =	vst v63  }
0x18c: {  	s10 =	simm.s32 $0x4500;
	s12 =	simm.s32 $0xA500  }
0x18d: {  	[tilespmem:s12], [sflag:$0x1] =	stream.indirect.gather [spmem:s0], $0x1, s10, s31, $0xb8;
	[tilespmem:$0x1E000] =	vst v63  }
0x18e: {  	s13 =	simm.s32 $0x4580;
	s14 =	simm.s32 $0xA580  }
0x18f: {  	[tilespmem:s14], [sflag:$0x1] =	stream.indirect.gather [spmem:s0], $0x1, s13, s31, $0xb8;
	[tilespmem:$0x1E000] =	vst v63  }
0x190: {  	s15 =	simm.s32 $0x4600;
	s16 =	simm.s32 $0xA600  }
0x191: {  	[tilespmem:s16], [sflag:$0x1] =	stream.indirect.gather [spmem:s0], $0x1, s15, s31, $0xb8;
	[tilespmem:$0x1E000] =	vst v63  }
0x192: {  	s10 =	simm.s32 $0x4680;
	s12 =	simm.s32 $0xA680  }
0x193: {  	[tilespmem:s12], [sflag:$0x1] =	stream.indirect.gather [spmem:s0], $0x1, s10, s31, $0xb8;
	[tilespmem:$0x1E000] =	vst v63  }
0x194: {  	s13 =	simm.s32 $0x4700;
	s14 =	simm.s32 $0xA700  }
0x195: {  	[tilespmem:s14], [sflag:$0x1] =	stream.indirect.gather [spmem:s0], $0x1, s13, s31, $0xb8;
	[tilespmem:$0x1E000] =	vst v63  }
0x196: {  	s15 =	simm.s32 $0x4780;
	s16 =	simm.s32 $0xA780  }
0x197: {  	[tilespmem:s16], [sflag:$0x1] =	stream.indirect.gather [spmem:s0], $0x1, s15, s31, $0xb8;
	[tilespmem:$0x1E000] =	vst v63  }
0x198: {  	s10 =	simm.s32 $0x4800;
	s12 =	simm.s32 $0xA800  }
0x199: {  	[tilespmem:s12], [sflag:$0x1] =	stream.indirect.gather [spmem:s0], $0x1, s10, s31, $0xb8;
	[tilespmem:$0x1E000] =	vst v63  }
0x19a: {  	s13 =	simm.s32 $0x4880;
	s14 =	simm.s32 $0xA880  }
0x19b: {  	[tilespmem:s14], [sflag:$0x1] =	stream.indirect.gather [spmem:s0], $0x1, s13, s31, $0xb8;
	[tilespmem:$0x1E000] =	vst v63  }
0x19c: {  	s15 =	simm.s32 $0x4900;
	s16 =	simm.s32 $0xA900  }
0x19d: {  	[tilespmem:s16], [sflag:$0x1] =	stream.indirect.gather [spmem:s0], $0x1, s15, s31, $0xb8;
	[tilespmem:$0x1E000] =	vst v63  }
0x19e: {  	s10 =	simm.s32 $0x4980;
	s12 =	simm.s32 $0xA980  }
0x19f: {  	[tilespmem:s12], [sflag:$0x1] =	stream.indirect.gather [spmem:s0], $0x1, s10, s31, $0xb8;
	[tilespmem:$0x1E000] =	vst v63  }
0x1a0: {  	s13 =	simm.s32 $0x4A00;
	s14 =	simm.s32 $0xAA00  }
0x1a1: {  	[tilespmem:s14], [sflag:$0x1] =	stream.indirect.gather [spmem:s0], $0x1, s13, s31, $0xb8;
	[tilespmem:$0x1E000] =	vst v63  }
0x1a2: {  	s15 =	simm.s32 $0x4A80;
	s16 =	simm.s32 $0xAA80  }
0x1a3: {  	[tilespmem:s16], [sflag:$0x1] =	stream.indirect.gather [spmem:s0], $0x1, s15, s31, $0xb8;
	[tilespmem:$0x1E000] =	vst v63  }
0x1a4: {  	s10 =	simm.s32 $0x4B00;
	s12 =	simm.s32 $0xAB00  }
0x1a5: {  	[tilespmem:s12], [sflag:$0x1] =	stream.indirect.gather [spmem:s0], $0x1, s10, s31, $0xb8;
	[tilespmem:$0x1E000] =	vst v63  }
0x1a6: {  	s13 =	simm.s32 $0x4B80;
	s14 =	simm.s32 $0xAB80  }
0x1a7: {  	[tilespmem:s14], [sflag:$0x1] =	stream.indirect.gather [spmem:s0], $0x1, s13, s31, $0xb8;
	[tilespmem:$0x1E000] =	vst v63  }
0x1a8: {  	s15 =	simm.s32 $0x4C00;
	s16 =	simm.s32 $0xAC00  }
0x1a9: {  	[tilespmem:s16], [sflag:$0x1] =	stream.indirect.gather [spmem:s0], $0x1, s15, s31, $0xb8;
	[tilespmem:$0x1E000] =	vst v63  }
0x1aa: {  	s10 =	simm.s32 $0x4C80;
	s12 =	simm.s32 $0xAC80  }
0x1ab: {  	[tilespmem:s12], [sflag:$0x1] =	stream.indirect.gather [spmem:s0], $0x1, s10, s31, $0xb8;
	[tilespmem:$0x1E000] =	vst v63  }
0x1ac: {  	s13 =	simm.s32 $0x4D00;
	s14 =	simm.s32 $0xAD00  }
0x1ad: {  	[tilespmem:s14], [sflag:$0x1] =	stream.indirect.gather [spmem:s0], $0x1, s13, s31, $0xb8;
	[tilespmem:$0x1E000] =	vst v63  }
0x1ae: {  	s15 =	simm.s32 $0x4D80;
	s16 =	simm.s32 $0xAD80  }
0x1af: {  	[tilespmem:s16], [sflag:$0x1] =	stream.indirect.gather [spmem:s0], $0x1, s15, s31, $0xb8;
	[tilespmem:$0x1E000] =	vst v63  }
0x1b0: {  	s10 =	simm.s32 $0x4E00;
	s12 =	simm.s32 $0xAE00  }
0x1b1: {  	[tilespmem:s12], [sflag:$0x1] =	stream.indirect.gather [spmem:s0], $0x1, s10, s31, $0xb8;
	[tilespmem:$0x1E000] =	vst v63  }
0x1b2: {  	s13 =	simm.s32 $0x4E80;
	s14 =	simm.s32 $0xAE80  }
0x1b3: {  	[tilespmem:s14], [sflag:$0x1] =	stream.indirect.gather [spmem:s0], $0x1, s13, s31, $0xb8;
	[tilespmem:$0x1E000] =	vst v63  }
0x1b4: {  	s15 =	simm.s32 $0x4F00;
	s16 =	simm.s32 $0xAF00  }
0x1b5: {  	[tilespmem:s16], [sflag:$0x1] =	stream.indirect.gather [spmem:s0], $0x1, s15, s31, $0xb8;
	[tilespmem:$0x1E000] =	vst v63  }
0x1b6: {  	s10 =	simm.s32 $0x4F80;
	s12 =	simm.s32 $0xAF80  }
0x1b7: {  	[tilespmem:s12], [sflag:$0x1] =	stream.indirect.gather [spmem:s0], $0x1, s10, s31, $0xb8;
	[tilespmem:$0x1E000] =	vst v63  }
0x1b8: {  	_ =	swait.ge [sflag:s3], $0x1800  }
0x1b9: {  	[sflag:s3] =	ssyncset.done $0x0  }
0x1ba: {  	s13 =	simm.s32 $0x5000;
	s14 =	simm.s32 $0xB000;
	[sflag:s3] =	ssyncadd.s32 $0xFFFFE800  }
0x1bb: {  	[tilespmem:s14], [sflag:$0x1] =	stream.indirect.gather [spmem:s0], $0x1, s13, s31, $0xb8;
	[tilespmem:$0x1E000] =	vst v63  }
0x1bc: {  	s15 =	simm.s32 $0x5080;
	s16 =	simm.s32 $0xB080  }
0x1bd: {  	[tilespmem:s16], [sflag:$0x1] =	stream.indirect.gather [spmem:s0], $0x1, s15, s31, $0xb8;
	[tilespmem:$0x1E000] =	vst v63  }
0x1be: {  	s10 =	simm.s32 $0x5100;
	s12 =	simm.s32 $0xB100  }
0x1bf: {  	[tilespmem:s12], [sflag:$0x1] =	stream.indirect.gather [spmem:s0], $0x1, s10, s31, $0xb8;
	[tilespmem:$0x1E000] =	vst v63  }
0x1c0: {  	s13 =	simm.s32 $0x5180;
	s14 =	simm.s32 $0xB180  }
0x1c1: {  	[tilespmem:s14], [sflag:$0x1] =	stream.indirect.gather [spmem:s0], $0x1, s13, s31, $0xb8;
	[tilespmem:$0x1E000] =	vst v63  }
0x1c2: {  	s15 =	simm.s32 $0x5200;
	s16 =	simm.s32 $0xB200  }
0x1c3: {  	[tilespmem:s16], [sflag:$0x1] =	stream.indirect.gather [spmem:s0], $0x1, s15, s31, $0xb8;
	[tilespmem:$0x1E000] =	vst v63  }
0x1c4: {  	s10 =	simm.s32 $0x5280;
	s12 =	simm.s32 $0xB280  }
0x1c5: {  	[tilespmem:s12], [sflag:$0x1] =	stream.indirect.gather [spmem:s0], $0x1, s10, s31, $0xb8;
	[tilespmem:$0x1E000] =	vst v63  }
0x1c6: {  	s13 =	simm.s32 $0x5300;
	s14 =	simm.s32 $0xB300  }
0x1c7: {  	[tilespmem:s14], [sflag:$0x1] =	stream.indirect.gather [spmem:s0], $0x1, s13, s31, $0xb8;
	[tilespmem:$0x1E000] =	vst v63  }
0x1c8: {  	s15 =	simm.s32 $0x5380;
	s16 =	simm.s32 $0xB380  }
0x1c9: {  	[tilespmem:s16], [sflag:$0x1] =	stream.indirect.gather [spmem:s0], $0x1, s15, s31, $0xb8;
	[tilespmem:$0x1E000] =	vst v63  }
0x1ca: {  	s10 =	simm.s32 $0x5400;
	s12 =	simm.s32 $0xB400  }
0x1cb: {  	[tilespmem:s12], [sflag:$0x1] =	stream.indirect.gather [spmem:s0], $0x1, s10, s31, $0xb8;
	[tilespmem:$0x1E000] =	vst v63  }
0x1cc: {  	s13 =	simm.s32 $0x5480;
	s14 =	simm.s32 $0xB480  }
0x1cd: {  	[tilespmem:s14], [sflag:$0x1] =	stream.indirect.gather [spmem:s0], $0x1, s13, s31, $0xb8;
	[tilespmem:$0x1E000] =	vst v63  }
0x1ce: {  	s15 =	simm.s32 $0x5500;
	s16 =	simm.s32 $0xB500  }
0x1cf: {  	[tilespmem:s16], [sflag:$0x1] =	stream.indirect.gather [spmem:s0], $0x1, s15, s31, $0xb8;
	[tilespmem:$0x1E000] =	vst v63  }
0x1d0: {  	s10 =	simm.s32 $0x5580;
	s12 =	simm.s32 $0xB580  }
0x1d1: {  	[tilespmem:s12], [sflag:$0x1] =	stream.indirect.gather [spmem:s0], $0x1, s10, s31, $0xb8;
	[tilespmem:$0x1E000] =	vst v63  }
0x1d2: {  	s13 =	simm.s32 $0x5600;
	s14 =	simm.s32 $0xB600  }
0x1d3: {  	[tilespmem:s14], [sflag:$0x1] =	stream.indirect.gather [spmem:s0], $0x1, s13, s31, $0xb8;
	[tilespmem:$0x1E000] =	vst v63  }
0x1d4: {  	s15 =	simm.s32 $0x5680;
	s16 =	simm.s32 $0xB680  }
0x1d5: {  	[tilespmem:s16], [sflag:$0x1] =	stream.indirect.gather [spmem:s0], $0x1, s15, s31, $0xb8;
	[tilespmem:$0x1E000] =	vst v63  }
0x1d6: {  	s10 =	simm.s32 $0x5700;
	s12 =	simm.s32 $0xB700  }
0x1d7: {  	[tilespmem:s12], [sflag:$0x1] =	stream.indirect.gather [spmem:s0], $0x1, s10, s31, $0xb8;
	[tilespmem:$0x1E000] =	vst v63  }
0x1d8: {  	s13 =	simm.s32 $0x5780;
	s14 =	simm.s32 $0xB780  }
0x1d9: {  	[tilespmem:s14], [sflag:$0x1] =	stream.indirect.gather [spmem:s0], $0x1, s13, s31, $0xb8;
	[tilespmem:$0x1E000] =	vst v63  }
0x1da: {  	s15 =	simm.s32 $0x5800;
	s16 =	simm.s32 $0xB800  }
0x1db: {  	[tilespmem:s16], [sflag:$0x1] =	stream.indirect.gather [spmem:s0], $0x1, s15, s31, $0xb8;
	[tilespmem:$0x1E000] =	vst v63  }
0x1dc: {  	s10 =	simm.s32 $0x5880;
	s12 =	simm.s32 $0xB880  }
0x1dd: {  	[tilespmem:s12], [sflag:$0x1] =	stream.indirect.gather [spmem:s0], $0x1, s10, s31, $0xb8;
	[tilespmem:$0x1E000] =	vst v63  }
0x1de: {  	s13 =	simm.s32 $0x5900;
	s14 =	simm.s32 $0xB900  }
0x1df: {  	[tilespmem:s14], [sflag:$0x1] =	stream.indirect.gather [spmem:s0], $0x1, s13, s31, $0xb8;
	[tilespmem:$0x1E000] =	vst v63  }
0x1e0: {  	s15 =	simm.s32 $0x5980;
	s16 =	simm.s32 $0xB980  }
0x1e1: {  	[tilespmem:s16], [sflag:$0x1] =	stream.indirect.gather [spmem:s0], $0x1, s15, s31, $0xb8;
	[tilespmem:$0x1E000] =	vst v63  }
0x1e2: {  	s10 =	simm.s32 $0x5A00;
	s12 =	simm.s32 $0xBA00  }
0x1e3: {  	[tilespmem:s12], [sflag:$0x1] =	stream.indirect.gather [spmem:s0], $0x1, s10, s31, $0xb8;
	[tilespmem:$0x1E000] =	vst v63  }
0x1e4: {  	s13 =	simm.s32 $0x5A80;
	s14 =	simm.s32 $0xBA80  }
0x1e5: {  	[tilespmem:s14], [sflag:$0x1] =	stream.indirect.gather [spmem:s0], $0x1, s13, s31, $0xb8;
	[tilespmem:$0x1E000] =	vst v63  }
0x1e6: {  	s15 =	simm.s32 $0x5B00;
	s16 =	simm.s32 $0xBB00  }
0x1e7: {  	[tilespmem:s16], [sflag:$0x1] =	stream.indirect.gather [spmem:s0], $0x1, s15, s31, $0xb8;
	[tilespmem:$0x1E000] =	vst v63  }
0x1e8: {  	s10 =	simm.s32 $0x5B80;
	s12 =	simm.s32 $0xBB80  }
0x1e9: {  	[tilespmem:s12], [sflag:$0x1] =	stream.indirect.gather [spmem:s0], $0x1, s10, s31, $0xb8;
	[tilespmem:$0x1E000] =	vst v63  }
0x1ea: {  	s13 =	simm.s32 $0x5C00;
	s14 =	simm.s32 $0xBC00  }
0x1eb: {  	[tilespmem:s14], [sflag:$0x1] =	stream.indirect.gather [spmem:s0], $0x1, s13, s31, $0xb8;
	[tilespmem:$0x1E000] =	vst v63  }
0x1ec: {  	s15 =	simm.s32 $0x5C80;
	s16 =	simm.s32 $0xBC80  }
0x1ed: {  	[tilespmem:s16], [sflag:$0x1] =	stream.indirect.gather [spmem:s0], $0x1, s15, s31, $0xb8;
	[tilespmem:$0x1E000] =	vst v63  }
0x1ee: {  	s10 =	simm.s32 $0x5D00;
	s12 =	simm.s32 $0xBD00  }
0x1ef: {  	[tilespmem:s12], [sflag:$0x1] =	stream.indirect.gather [spmem:s0], $0x1, s10, s31, $0xb8;
	[tilespmem:$0x1E000] =	vst v63  }
0x1f0: {  	s13 =	simm.s32 $0x5D80;
	s14 =	simm.s32 $0xBD80  }
0x1f1: {  	[tilespmem:s14], [sflag:$0x1] =	stream.indirect.gather [spmem:s0], $0x1, s13, s31, $0xb8;
	[tilespmem:$0x1E000] =	vst v63  }
0x1f2: {  	s15 =	simm.s32 $0x5E00;
	s16 =	simm.s32 $0xBE00  }
0x1f3: {  	[tilespmem:s16], [sflag:$0x1] =	stream.indirect.gather [spmem:s0], $0x1, s15, s31, $0xb8;
	[tilespmem:$0x1E000] =	vst v63  }
0x1f4: {  	s10 =	simm.s32 $0x5E80;
	s12 =	simm.s32 $0xBE80  }
0x1f5: {  	[tilespmem:s12], [sflag:$0x1] =	stream.indirect.gather [spmem:s0], $0x1, s10, s31, $0xb8;
	[tilespmem:$0x1E000] =	vst v63  }
0x1f6: {  	s13 =	simm.s32 $0x5F00;
	s14 =	simm.s32 $0xBF00  }
0x1f7: {  	[tilespmem:s14], [sflag:$0x1] =	stream.indirect.gather [spmem:s0], $0x1, s13, s31, $0xb8;
	[tilespmem:$0x1E000] =	vst v63  }
0x1f8: {  	s15 =	simm.s32 $0x5F80;
	s16 =	simm.s32 $0xBF80  }
0x1f9: {  	[tilespmem:s16], [sflag:$0x1] =	stream.indirect.gather [spmem:s0], $0x1, s15, s31, $0xb8;
	[tilespmem:$0x1E000] =	vst v63  }
0x1fa: {  	s10 =	simm.s32 $0x6000;
	s12 =	simm.s32 $0xC000  }
0x1fb: {  	[tilespmem:s12], [sflag:$0x1] =	stream.indirect.gather [spmem:s0], $0x1, s10, s31, $0xb8;
	[tilespmem:$0x1E000] =	vst v63  }
0x1fc: {  	s13 =	simm.s32 $0x6080;
	s14 =	simm.s32 $0xC080  }
0x1fd: {  	[tilespmem:s14], [sflag:$0x1] =	stream.indirect.gather [spmem:s0], $0x1, s13, s31, $0xb8;
	[tilespmem:$0x1E000] =	vst v63  }
0x1fe: {  	s15 =	simm.s32 $0x6100;
	s16 =	simm.s32 $0xC100  }
0x1ff: {  	[tilespmem:s16], [sflag:$0x1] =	stream.indirect.gather [spmem:s0], $0x1, s15, s31, $0xb8;
	[tilespmem:$0x1E000] =	vst v63  }
0x200: {  	s10 =	simm.s32 $0x6180;
	s12 =	simm.s32 $0xC180  }
0x201: {  	[tilespmem:s12], [sflag:$0x1] =	stream.indirect.gather [spmem:s0], $0x1, s10, s31, $0xb8;
	[tilespmem:$0x1E000] =	vst v63  }
0x202: {  	s13 =	simm.s32 $0x6200;
	s14 =	simm.s32 $0xC200  }
0x203: {  	[tilespmem:s14], [sflag:$0x1] =	stream.indirect.gather [spmem:s0], $0x1, s13, s31, $0xb8;
	[tilespmem:$0x1E000] =	vst v63  }
0x204: {  	s15 =	simm.s32 $0x6280;
	s16 =	simm.s32 $0xC280  }
0x205: {  	[tilespmem:s16], [sflag:$0x1] =	stream.indirect.gather [spmem:s0], $0x1, s15, s31, $0xb8;
	[tilespmem:$0x1E000] =	vst v63  }
0x206: {  	s10 =	simm.s32 $0x6300;
	s12 =	simm.s32 $0xC300  }
0x207: {  	[tilespmem:s12], [sflag:$0x1] =	stream.indirect.gather [spmem:s0], $0x1, s10, s31, $0xb8;
	[tilespmem:$0x1E000] =	vst v63  }
0x208: {  	s13 =	simm.s32 $0x6380;
	s14 =	simm.s32 $0xC380  }
0x209: {  	[tilespmem:s14], [sflag:$0x1] =	stream.indirect.gather [spmem:s0], $0x1, s13, s31, $0xb8;
	[tilespmem:$0x1E000] =	vst v63  }
0x20a: {  	s15 =	simm.s32 $0x6400;
	s16 =	simm.s32 $0xC400  }
0x20b: {  	[tilespmem:s16], [sflag:$0x1] =	stream.indirect.gather [spmem:s0], $0x1, s15, s31, $0xb8;
	[tilespmem:$0x1E000] =	vst v63  }
0x20c: {  	s10 =	simm.s32 $0x6480;
	s12 =	simm.s32 $0xC480  }
0x20d: {  	[tilespmem:s12], [sflag:$0x1] =	stream.indirect.gather [spmem:s0], $0x1, s10, s31, $0xb8;
	[tilespmem:$0x1E000] =	vst v63  }
0x20e: {  	s13 =	simm.s32 $0x6500;
	s14 =	simm.s32 $0xC500  }
0x20f: {  	[tilespmem:s14], [sflag:$0x1] =	stream.indirect.gather [spmem:s0], $0x1, s13, s31, $0xb8;
	[tilespmem:$0x1E000] =	vst v63  }
0x210: {  	s15 =	simm.s32 $0x6580;
	s16 =	simm.s32 $0xC580  }
0x211: {  	[tilespmem:s16], [sflag:$0x1] =	stream.indirect.gather [spmem:s0], $0x1, s15, s31, $0xb8;
	[tilespmem:$0x1E000] =	vst v63  }
0x212: {  	s10 =	simm.s32 $0x6600;
	s12 =	simm.s32 $0xC600  }
0x213: {  	[tilespmem:s12], [sflag:$0x1] =	stream.indirect.gather [spmem:s0], $0x1, s10, s31, $0xb8;
	[tilespmem:$0x1E000] =	vst v63  }
0x214: {  	s13 =	simm.s32 $0x6680;
	s14 =	simm.s32 $0xC680  }
0x215: {  	[tilespmem:s14], [sflag:$0x1] =	stream.indirect.gather [spmem:s0], $0x1, s13, s31, $0xb8;
	[tilespmem:$0x1E000] =	vst v63  }
0x216: {  	s15 =	simm.s32 $0x6700;
	s16 =	simm.s32 $0xC700  }
0x217: {  	[tilespmem:s16], [sflag:$0x1] =	stream.indirect.gather [spmem:s0], $0x1, s15, s31, $0xb8;
	[tilespmem:$0x1E000] =	vst v63  }
0x218: {  	s12 =	simm.s32 $0x6780;
	s13 =	simm.s32 $0xC780  }
0x219: {  	[tilespmem:s13], [sflag:$0x1] =	stream.indirect.gather [spmem:s0], $0x1, s12, s31, $0xb8;
	[tilespmem:$0x1E000] =	vst v63  }
0x21a: {  	_ =	swait.ge [sflag:s3], $0x1800  }
0x21b: {  	[sflag:s3] =	ssyncset.done $0x0  }
0x21c: {  	[sflag:s3] =	ssyncadd.s32 $0xFFFFE800  }
0x21d: {  	_ =	swait.ge [sflag:s3], $0x1800  }
0x21e: {  	[sflag:s3] =	ssyncset.done $0x0  }
0x21f: {  	[sflag:s3] =	ssyncadd.s32 $0xFFFFE800  }
0x220: {  	_ =	swait.ge [sflag:s5], $0x800  }
0x221: {  	[sflag:s5] =	ssyncset.done $0x0  }
0x222: {  	[sflag:s5] =	ssyncadd.s32 $0xFFFFF800  }
0x223: {  	_ =	swait.ge [sflag:s5], $0x800  }
0x224: {  	[sflag:s5] =	ssyncset.done $0x0  }
0x225: {  	[sflag:s5] =	ssyncadd.s32 $0xFFFFF800  }
0x226: {  	_ =	swait.ge [sflag:s5], $0x800  }
0x227: {  	s14 =	simm.s32 $0x0;
	[sflag:s5] =	ssyncset.done $0x0  }
0x228: {  	s9 =	smul.u32 $0x580, s14;
	[sflag:s5] =	ssyncadd.s32 $0xFFFFF800  }
0x229: {  	_ =	swait.ge [sflag:s5], $0x800  }
0x22a: {  	s15 =	simm.s32 $0xD000;
	s9 =	sadd.s32 $0x0, s9;
	[sflag:s5] =	ssyncset.done $0x0  }
0x22b: {  	s16 =	sand.u32 $0x70, s8;
	s9 =	sand.u32 $0xFFFFFF80, s9;
	[sflag:s5] =	ssyncadd.s32 $0xFFFFF800  }
0x22c: {  	s9 =	sor.u32 s16, s9;
	v0 =	vld [tilespmem:s15+$0xFFFFF800]  }
0x22d: {  	v1 =	vld [tilespmem:s9+$0x6800]  }
0x22e: {  	v2 =	vld [tilespmem:s15+$0x0]  }
0x22f: {  	v3 =	vld [tilespmem:s9+$0x6880]  }
0x230: {  	v4 =	vld [tilespmem:s15+$0x800]  }
0x231: {  	v5 =	vld [tilespmem:s9+$0x6900]  }
0x232: {  	s13 =	sand.u32 $0x7F0, s8;
	v6 =	vld [tilespmem:s9+$0x6980];
	v0 =	vmul.f32 v1, v0  }
0x233: {  	v1 =	vld [tilespmem:s13+$0xE000]  }
0x234: {  	v2 =	vmul.f32 v3, v2;
	v0 =	vadd.f32 $0.0e+00, v0;
	_ =	sdelay $0x1  }
0x235: {  	v0 =	vadd.f32 v2, v0;
	v2 =	vmul.f32 v5, v4;
	_ =	sdelay $0x1  }
0x236: {  	v1 =	vmul.f32 v6, v1;
	v0 =	vadd.f32 v2, v0;
	_ =	sdelay $0x1  }
0x237: {  	v0 =	vadd.f32 v1, v0  }
0x238: {  	s12 =	simm.s32 $0xF000  }
0x239: {  	[tilespmem:s12+$0xFFFFF800] =	vst v0  }
0x23a: {  	v0 =	vld [tilespmem:s15+$0xFFFFF800]  }
0x23b: {  	v1 =	vld [tilespmem:s9+$0x6A00]  }
0x23c: {  	v2 =	vld [tilespmem:s9+$0x6A80]  }
0x23d: {  	v3 =	vld [tilespmem:s15+$0x0]  }
0x23e: {  	v58 =	vld [tilespmem:s9+$0x6B00]  }
0x23f: {  	v59 =	vld [tilespmem:s15+$0x800]  }
0x240: {  	v60 =	vld [tilespmem:s13+$0xE000];
	v0 =	vmul.f32 v1, v0  }
0x241: {  	v1 =	vld [tilespmem:s9+$0x6B80]  }
0x242: {  	v2 =	vmul.f32 v2, v3;
	v0 =	vadd.f32 $0.0e+00, v0;
	_ =	sdelay $0x1  }
0x243: {  	v0 =	vadd.f32 v2, v0;
	v2 =	vmul.f32 v58, v59;
	_ =	sdelay $0x1  }
0x244: {  	v1 =	vmul.f32 v1, v60;
	v0 =	vadd.f32 v2, v0;
	_ =	sdelay $0x1  }
0x245: {  	v0 =	vadd.f32 v1, v0;
	_ =	sdelay $0x1  }
0x246: {  	[tilespmem:s12+$0x0] =	vst v0  }
0x247: {  	v0 =	vld [tilespmem:s15+$0xFFFFF800]  }
0x248: {  	v1 =	vld [tilespmem:s9+$0x6C00]  }
0x249: {  	v2 =	vld [tilespmem:s15+$0x0]  }
0x24a: {  	v3 =	vld [tilespmem:s9+$0x6C80]  }
0x24b: {  	v61 =	vld [tilespmem:s15+$0x800]  }
0x24c: {  	v62 =	vld [tilespmem:s9+$0x6D00]  }
0x24d: {  	v63 =	vld [tilespmem:s9+$0x6D80];
	v0 =	vmul.f32 v1, v0  }
0x24e: {  	v1 =	vld [tilespmem:s13+$0xE000]  }
0x24f: {  	v2 =	vmul.f32 v3, v2;
	v0 =	vadd.f32 $0.0e+00, v0;
	_ =	sdelay $0x1  }
0x250: {  	v0 =	vadd.f32 v2, v0;
	v2 =	vmul.f32 v62, v61  }
0x251: {  	s10 =	simm.s32 $0xD010  }
0x252: {  	s14 =	simm.s32 $0x0;
	s15 =	simm.s32 $0x2;
	s9 =	simm.s32 $0xF010;
	v1 =	vmul.f32 v63, v1;
	v0 =	vadd.f32 v2, v0  }
.LBB2_4:
0x253: {  	s16 =	smul.u32 $0x580, s14  }
0x254: {  	s8 =	sadd.s32 $0x10, s8;
	s14 =	smov.u32 s15;
	s13 =	sadd.s32 $0x1, s15  }
0x255: {  	p0 =	sne.s32 s15, $0x7F;
	v0 =	vadd.f32 v1, v0  }
0x256: {  	s15 =	sadd.s32 s16, s8  }
0x257: {  	s16 =	sand.u32 $0x70, s8;
	s15 =	sand.u32 $0xFFFFFF80, s15;
	[tilespmem:s12+$0x800] =	vst v0;
	s12 =	smov.u32 s9  }
0x258: {  	v0 =	vld [tilespmem:s10+$0xFFFFF800];
	s15 =	sor.u32 s16, s15  }
0x259: {  	v1 =	vld [tilespmem:s15+$0x6800]  }
0x25a: {  	v2 =	vld [tilespmem:s10+$0x0]  }
0x25b: {  	v3 =	vld [tilespmem:s15+$0x6880]  }
0x25c: {  	v4 =	vld [tilespmem:s10+$0x800]  }
0x25d: {  	s16 =	sand.u32 $0x7F0, s8;
	v5 =	vld [tilespmem:s15+$0x6900]  }
0x25e: {  	v0 =	vmul.f32 v1, v0;
	v1 =	vld [tilespmem:s16+$0xE000]  }
0x25f: {  	v6 =	vld [tilespmem:s15+$0x6980]  }
0x260: {  	v0 =	vadd.f32 $0.0e+00, v0;
	v2 =	vmul.f32 v3, v2;
	_ =	sdelay $0x1  }
0x261: {  	v0 =	vadd.f32 v2, v0;
	v2 =	vmul.f32 v5, v4;
	_ =	sdelay $0x1  }
0x262: {  	v0 =	vadd.f32 v2, v0;
	v1 =	vmul.f32 v6, v1;
	_ =	sdelay $0x1  }
0x263: {  	v0 =	vadd.f32 v1, v0;
	_ =	sdelay $0x1  }
0x264: {  	[tilespmem:s9+$0xFFFFF800] =	vst v0  }
0x265: {  	v0 =	vld [tilespmem:s15+$0x6A80]  }
0x266: {  	v1 =	vld [tilespmem:s10+$0xFFFFF800]  }
0x267: {  	v2 =	vld [tilespmem:s15+$0x6A00];
	_ =	sdelay $0x1  }
0x268: {  	v3 =	vld [tilespmem:s10+$0x0]  }
0x269: {  	v4 =	vld [tilespmem:s15+$0x6B00]  }
0x26a: {  	v5 =	vld [tilespmem:s10+$0x800]  }
0x26b: {  	v1 =	vmul.f32 v2, v1;
	v2 =	vld [tilespmem:s15+$0x6B80]  }
0x26c: {  	v6 =	vld [tilespmem:s16+$0xE000]  }
0x26d: {  	v1 =	vadd.f32 $0.0e+00, v1;
	v0 =	vmul.f32 v0, v3;
	_ =	sdelay $0x1  }
0x26e: {  	v0 =	vadd.f32 v0, v1;
	v1 =	vmul.f32 v4, v5;
	_ =	sdelay $0x1  }
0x26f: {  	v0 =	vadd.f32 v1, v0;
	v1 =	vmul.f32 v2, v6;
	_ =	sdelay $0x1  }
0x270: {  	v0 =	vadd.f32 v1, v0;
	_ =	sdelay $0x1  }
0x271: {  	[tilespmem:s9+$0x0] =	vst v0  }
0x272: {  	v0 =	vld [tilespmem:s10+$0xFFFFF800]  }
0x273: {  	v1 =	vld [tilespmem:s15+$0x6C00]  }
0x274: {  	v2 =	vld [tilespmem:s10+$0x0]  }
0x275: {  	v3 =	vld [tilespmem:s15+$0x6C80]  }
0x276: {  	v4 =	vld [tilespmem:s10+$0x800]  }
0x277: {  	v5 =	vld [tilespmem:s15+$0x6D00]  }
0x278: {  	v0 =	vmul.f32 v1, v0;
	v1 =	vld [tilespmem:s16+$0xE000]  }
0x279: {  	v6 =	vld [tilespmem:s15+$0x6D80]  }
.Ltmp1:
0x27a: {  	v0 =	vadd.f32 $0.0e+00, v0;
	v2 =	vmul.f32 v3, v2;
	(pc) =	sbr.rel @p0 .LBB2_4-.Ltmp1, $4  }
0x27b: {  	_ = 	snop  }
0x27c: {  	v0 =	vadd.f32 v2, v0;
	v2 =	vmul.f32 v5, v4  }
0x27d: {  	s14 =	sshrl.u32 s14, $0x3  }
0x27e: {  	s9 =	sadd.s32 $0x10, s9;
	s10 =	sadd.s32 $0x10, s10;
	s15 =	smov.u32 s13;
	v0 =	vadd.f32 v2, v0;
	v1 =	vmul.f32 v6, v1  }
0x27f: {  	s13 =	smul.u32 $0x580, s14  }
0x280: {  	s8 =	sadd.s32 $0x10, s8;
	v0 =	vadd.f32 v1, v0  }
0x281: {  	s13 =	sadd.s32 s13, s8  }
0x282: {  	s15 =	sand.u32 $0x70, s8;
	s13 =	sand.u32 $0xFFFFFF80, s13;
	[tilespmem:s12+$0x800] =	vst v0  }
0x283: {  	v0 =	vld [tilespmem:s10+$0xFFFFF800];
	s16 =	sor.u32 s15, s13  }
0x284: {  	v45 =	vld [tilespmem:s16+$0x6800]  }
0x285: {  	v2 =	vld [tilespmem:s10+$0x0]  }
0x286: {  	v3 =	vld [tilespmem:s16+$0x6880]  }
0x287: {  	v4 =	vld [tilespmem:s10+$0x800]  }
0x288: {  	s8 =	sand.u32 $0x7F0, s8;
	v5 =	vld [tilespmem:s16+$0x6900]  }
0x289: {  	v46 =	vld [tilespmem:s8+$0xE000];
	v0 =	vmul.f32 v45, v0  }
0x28a: {  	v6 =	vld [tilespmem:s16+$0x6980]  }
0x28b: {  	v2 =	vmul.f32 v3, v2;
	v0 =	vadd.f32 $0.0e+00, v0;
	_ =	sdelay $0x1  }
0x28c: {  	v47 =	vmul.f32 v5, v4;
	v0 =	vadd.f32 v2, v0;
	_ =	sdelay $0x1  }
0x28d: {  	v1 =	vmul.f32 v6, v46;
	v0 =	vadd.f32 v47, v0;
	_ =	sdelay $0x1  }
0x28e: {  	v0 =	vadd.f32 v1, v0;
	_ =	sdelay $0x1  }
0x28f: {  	[tilespmem:s9+$0xFFFFF800] =	vst v0  }
0x290: {  	v0 =	vld [tilespmem:s10+$0xFFFFF800]  }
0x291: {  	v48 =	vld [tilespmem:s16+$0x6A00]  }
0x292: {  	v49 =	vld [tilespmem:s16+$0x6A80]  }
0x293: {  	v50 =	vld [tilespmem:s10+$0x0]  }
0x294: {  	v51 =	vld [tilespmem:s16+$0x6B00]  }
0x295: {  	v52 =	vld [tilespmem:s10+$0x800]  }
0x296: {  	v53 =	vld [tilespmem:s16+$0x6B80];
	v0 =	vmul.f32 v48, v0  }
0x297: {  	v54 =	vld [tilespmem:s8+$0xE000]  }
0x298: {  	v2 =	vmul.f32 v49, v50;
	v0 =	vadd.f32 $0.0e+00, v0;
	_ =	sdelay $0x1  }
0x299: {  	v55 =	vmul.f32 v51, v52;
	v0 =	vadd.f32 v2, v0;
	_ =	sdelay $0x1  }
0x29a: {  	v1 =	vmul.f32 v53, v54;
	v0 =	vadd.f32 v55, v0;
	_ =	sdelay $0x1  }
0x29b: {  	v0 =	vadd.f32 v1, v0;
	_ =	sdelay $0x1  }
0x29c: {  	[tilespmem:s9+$0x0] =	vst v0  }
0x29d: {  	v0 =	vld [tilespmem:s10+$0xFFFFF800]  }
0x29e: {  	v56 =	vld [tilespmem:s16+$0x6C00]  }
0x29f: {  	v57 =	vld [tilespmem:s10+$0x0]  }
0x2a0: {  	v58 =	vld [tilespmem:s16+$0x6C80]  }
0x2a1: {  	v59 =	vld [tilespmem:s10+$0x800]  }
0x2a2: {  	v60 =	vld [tilespmem:s16+$0x6D00]  }
0x2a3: {  	v61 =	vld [tilespmem:s8+$0xE000];
	v0 =	vmul.f32 v56, v0  }
0x2a4: {  	v62 =	vld [tilespmem:s16+$0x6D80]  }
0x2a5: {  	v2 =	vmul.f32 v58, v57;
	v0 =	vadd.f32 $0.0e+00, v0;
	_ =	sdelay $0x1  }
0x2a6: {  	v63 =	vmul.f32 v60, v59;
	v0 =	vadd.f32 v2, v0;
	_ =	sdelay $0x1  }
0x2a7: {  	v1 =	vmul.f32 v62, v61;
	v0 =	vadd.f32 v63, v0;
	_ =	sdelay $0x1  }
0x2a8: {  	v0 =	vadd.f32 v1, v0;
	_ =	sdelay $0x1  }
0x2a9: {  	s12 =	rddreg [dreg:$0xe];
	s13 =	simm.s32 $0xE800;
	[tilespmem:s9+$0x800] =	vst v0  }
0x2aa: {  	[hbm4b:s12+s2] =	stream.linear.scatter [tilespmem:s13], [sflag:$0x6], $0x800, $0x38;
	[tilespmem:$0x1E000] =	vst v63  }
0x2ab: {  	_ =	swait.ge [sflag:s6], $0x800  }
0x2ac: {  	[sflag:s6] =	ssyncset.done $0x0  }
0x2ad: {  	s15 =	simm.s32 $0xF000;
	s14 =	rddreg [dreg:$0xf];
	[sflag:s6] =	ssyncadd.s32 $0xFFFFF800  }
0x2ae: {  	[hbm4b:s14+s2] =	stream.linear.scatter [tilespmem:s15], [sflag:$0x6], $0x800, $0x38;
	[tilespmem:$0x1E000] =	vst v63  }
0x2af: {  	s7 =	sadd.s32 $0x1, s7;
	_ =	swait.ge [sflag:s6], $0x800  }
0x2b0: {  	p0 =	sne.s32 s7, s25;
	[sflag:s6] =	ssyncset.done $0x0  }
.Ltmp2:
0x2b1: {  	s16 =	simm.s32 $0xF800;
	[sflag:s6] =	ssyncadd.s32 $0xFFFFF800;
	(pc) =	sbr.rel @p0 .LBB2_1-.Ltmp2, $4  }
0x2b2: {  	[hbm4b:s17+s2] =	stream.linear.scatter [tilespmem:s16], [sflag:$0x6], $0x800, $0x38;
	[tilespmem:$0x1E000] =	vst v63  }
0x2b3: {  	_ =	swait.ge [sflag:s6], $0x800  }
0x2b4: {  	[sflag:s6] =	ssyncset.done $0x0  }
0x2b5: {  	[sflag:s6] =	ssyncadd.s32 $0xFFFFF800  }
0x2b6: {  	_ =	sfence.sel $0x180000  }
0x2b7: {  	[bflag:$0x0] =	sbarrier.arrive $0xFFFF  }
0x2b8: {  	_ =	strace $0x90000047  }
0x2b9: {  	s0 =	stileid.u32;
	[bflag:$0x2] =	sbarrier.arrive $0xFFFF  }
0x2ba: {  	p0 =	sne.s32 s0, $0x0;
	s0 =	rddreg [dreg:$0x3]  }
0x2bb: {  	s0 =	sadd.s32 @!p0 $0x100000, s0  }
0x2bc: {  	[sflag:s0] =	ssyncadd.tile.s32 @!p0 $0x1;
	_ =	shalt  }
.Lfunc_end2:
_tile_overlayer_lowered:
.L_overlay_start_2:
0x2bd: {  	(tag) =	ssettag $0x2  }
0x2be: {  	s0 =	rddreg [dreg:$0x0];
	s2 =	stileid.u32  }
0x2bf: {  	s1 =	rddreg [dreg:$0x1];
	p0 =	sne.s32 s2, $0x0  }
0x2c0: {  	s3 =	rddreg [dreg:$0x2];
	[bflag:$0x3] =	sbarrier.arrive $0xFFFF;
	s2 =	simm.s32 @!p0 $0x1C06  }
0x2c1: {  	[timem:s3], [sflag:s2] =	dma.local @!p0 [hbm:s0], s1  }
0x2c2: {  	s0 =	simm.s32 @!p0 $0x6  }
0x2c3: {  	_ =	swait.ge @!p0 [sflag:s0], s1  }
0x2c4: {  	s1 =	ssub.s32 @!p0 $0x0, s1;
	[sflag:s0] =	ssyncset.done @!p0 $0x0  }
0x2c5: {  	[sflag:s0] =	ssyncadd.s32 @!p0 s1  }
0x2c6: {  	[bflag:$0x3] =	sbarrier.arrive $0xFFFF  }
0x2c7: {  	_ =	shalt  }

</sc_bundles>
